<compile_context>
chip_gen: v7x
topology: tpu7x:2x2x1
jax: 0.10.2.dev20260603
libtpu: 0.0.44.dev20260713+nightly
codegen_flags: <defaults>
</compile_context>

<pallas_src>
import jax
import jax.numpy as jnp
from jax import lax
from jax.experimental import pallas as pl
from jax.experimental.pallas import tpu as pltpu
from jax.experimental.pallas import tpu_sc as plsc

VOCAB = 100000
D_MODEL = 512
BATCH = 1024
SEQ = 50

_NC = 2
_NS = 16
_NW = _NC * _NS
_ROWS = BATCH * SEQ
_RPW = _ROWS // _NW
_CH = 32
_NCHUNK = _RPW // _CH
_LANES = 16
_DCHUNKS = D_MODEL // _LANES
_NBUF = 5
_NITER = _NCHUNK // _NBUF


def _pe_table():
    pos = jnp.arange(SEQ, dtype=jnp.float32)[:, None]
    hid = jnp.arange(D_MODEL, dtype=jnp.float32)[None, :]
    angle = pos / jnp.power(10000.0, 2.0 * jnp.floor(hid / 2.0) / D_MODEL)
    even = (jnp.arange(SEQ) % 2 == 0)[:, None]
    return jnp.where(even, jnp.sin(angle), jnp.cos(angle))


def _body(x_hbm, w_hbm, pe_hbm, out_hbm,
          pe_v, idx_v, b0, b1, b2, b3, b4, mask_v,
          g0, g1, g2, g3, g4, s0, s1, s2, s3, s4):
    wid = lax.axis_index("s") * _NC + lax.axis_index("c")
    row0 = wid * _RPW

    pltpu.sync_copy(pe_hbm, pe_v)
    pltpu.sync_copy(x_hbm.at[pl.ds(row0, _RPW)], idx_v)

    bufs = (b0, b1, b2, b3, b4)
    gsem = (g0, g1, g2, g3, g4)
    ssem = (s0, s1, s2, s3, s4)

    def gather_desc(t, j):
        return pltpu.make_async_copy(
            w_hbm.at[idx_v.at[pl.ds(t * _CH, _CH)]], bufs[j], gsem[j]
        )

    def scatter_desc(t, j):
        return pltpu.make_async_copy(
            bufs[j], out_hbm.at[pl.ds(row0 + t * _CH, _CH), :], ssem[j]
        )

    def compute(t, j):
        buf = bufs[j]
        for k in range(_CH // _LANES):
            ksl = pl.ds(k * _LANES, _LANES)
            mask_v[ksl] = jnp.minimum(
                idx_v[pl.ds(t * _CH + k * _LANES, _LANES)], 1
            ).astype(jnp.float32)

        p0 = lax.rem(row0 + t * _CH, SEQ)

        def per_row(r, p):
            splat = jnp.full((_LANES,), r, dtype=jnp.int32)
            mv = plsc.load_gather(mask_v, [splat])
            for d in range(_DCHUNKS):
                sl = pl.ds(d * _LANES, _LANES)
                buf[r, sl] = buf[r, sl] * mv + pe_v[p, sl]
            pn = p + 1
            return jnp.where(pn == SEQ, 0, pn)

        lax.fori_loop(0, _CH, per_row, p0, unroll=1)

    gather_desc(0, 0).start()
    gather_desc(1, 1).start()

    def outer(i, carry):
        c0 = i * _NBUF
        for j in range(_NBUF):
            t = c0 + j
            jn = (j + 2) % _NBUF

            @pl.when(t >= 3)
            def _ws(t=t, jn=jn):
                scatter_desc(t - 3, jn).wait()

            @pl.when(t + 2 < _NCHUNK)
            def _gs(t=t, jn=jn):
                gather_desc(t + 2, jn).start()

            gather_desc(t, j).wait()
            compute(t, j)
            scatter_desc(t, j).start()
        return carry

    lax.fori_loop(0, _NITER, outer, 0, unroll=1)
    scatter_desc(_NCHUNK - 3, (_NCHUNK - 3) % _NBUF).wait()
    scatter_desc(_NCHUNK - 2, (_NCHUNK - 2) % _NBUF).wait()
    scatter_desc(_NCHUNK - 1, (_NCHUNK - 1) % _NBUF).wait()


@jax.jit
def _embed(xr, w, pe):
    mesh = plsc.VectorSubcoreMesh(core_axis_name="c", subcore_axis_name="s")
    f = pl.kernel(
        _body,
        out_type=jax.ShapeDtypeStruct((_ROWS, D_MODEL), jnp.float32),
        mesh=mesh,
        compiler_params=pltpu.CompilerParams(needs_layout_passes=False),
        scratch_types=[
            pltpu.VMEM((SEQ, D_MODEL), jnp.float32),
            pltpu.VMEM((_RPW,), jnp.int32),
            pltpu.VMEM((_CH, D_MODEL), jnp.float32),
            pltpu.VMEM((_CH, D_MODEL), jnp.float32),
            pltpu.VMEM((_CH, D_MODEL), jnp.float32),
            pltpu.VMEM((_CH, D_MODEL), jnp.float32),
            pltpu.VMEM((_CH, D_MODEL), jnp.float32),
            pltpu.VMEM((_CH,), jnp.float32),
            pltpu.SemaphoreType.DMA,
            pltpu.SemaphoreType.DMA,
            pltpu.SemaphoreType.DMA,
            pltpu.SemaphoreType.DMA,
            pltpu.SemaphoreType.DMA,
            pltpu.SemaphoreType.DMA,
            pltpu.SemaphoreType.DMA,
            pltpu.SemaphoreType.DMA,
            pltpu.SemaphoreType.DMA,
            pltpu.SemaphoreType.DMA,
        ],
    )
    return f(xr, w, pe)


def kernel(x, weight):
    pe = _pe_table()
    xr = x.astype(jnp.int32).reshape(_ROWS)
    return _embed(xr, weight, pe).reshape(BATCH, SEQ, D_MODEL)

# --- scband reference (transcript-rebuilt; emitter-appended) ---
"""Pipeline reference for scband-embedding-82901458747527 (READ-ONLY COPY).

The authoritative reference and input builder live on the scoring server;
editing this copy changes nothing except your own understanding.
"""

import jax, jax.numpy as jnp
import numpy as np

VOCAB = 100000
D_MODEL = 512
BATCH = 1024
SEQ = 50


def _positional_encodings(batch_size, sequence_length, d_model):
    # Faithful to the original (including its quirk of applying sin/cos along
    # the *sequence* axis via pe[:, 0::2] / pe[:, 1::2]).
    pos = jnp.arange(sequence_length, dtype=jnp.float32)[:, None]
    hid = jnp.arange(d_model, dtype=jnp.float32)[None, :]
    angle = pos / jnp.power(10000.0, 2.0 * jnp.floor(hid / 2.0) / d_model)
    pe = jnp.broadcast_to(angle[None, :, :], (batch_size, sequence_length, d_model))
    pe = pe.at[:, 0::2].set(jnp.sin(pe[:, 0::2]))
    pe = pe.at[:, 1::2].set(jnp.cos(pe[:, 1::2]))
    return pe


def setup_inputs(seed: int = 0) -> dict:
    key = jax.random.key(seed)
    k1, k2 = jax.random.split(key)
    x = jax.random.randint(k1, (BATCH, SEQ), 0, VOCAB, dtype=jnp.int64 if jax.config.jax_enable_x64 else jnp.int32)
    weight = jax.random.normal(k2, (VOCAB, D_MODEL), dtype=jnp.float32)
    return {"x": x, "weight": weight}


def reference(x, weight):
    # nn.Embedding with padding_idx=0: row 0 of the table is zeros
    table = weight.at[0].set(0.0)
    embedded_x = jnp.take(table, x, axis=0)
    position_x = _positional_encodings(x.shape[0], x.shape[1], D_MODEL)
    return embedded_x + position_x

if __name__ == "__main__":
    import jax
    _d = setup_inputs()
    print(jax.jit(kernel)(*tuple(_d.values())))

</pallas_src>

<mosaic_0001>
#map = affine_map<(d0, d1) -> (0)>
#map1 = affine_map<(d0, d1) -> (0, 0)>
module attributes {stable_mosaic.version = 14 : i64} {
  func.func @_body(%arg0: i32, %arg1: i32, %arg2: memref<51200xi32, #tpu.memory_space<hbm>>, %arg3: memref<100000x512xf32, #tpu.memory_space<hbm>>, %arg4: memref<50x512xf32, #tpu.memory_space<hbm>>, %arg5: memref<51200x512xf32, #tpu.memory_space<hbm>>, %arg6: memref<50x512xf32, #tpu.memory_space<vmem>>, %arg7: memref<1600xi32, #tpu.memory_space<vmem>>, %arg8: memref<32x512xf32, #tpu.memory_space<vmem>>, %arg9: memref<32x512xf32, #tpu.memory_space<vmem>>, %arg10: memref<32x512xf32, #tpu.memory_space<vmem>>, %arg11: memref<32x512xf32, #tpu.memory_space<vmem>>, %arg12: memref<32x512xf32, #tpu.memory_space<vmem>>, %arg13: memref<32xf32, #tpu.memory_space<vmem>>, %arg14: memref<!tpu.dma_semaphore, #tpu.memory_space<semaphore_mem>>, %arg15: memref<!tpu.dma_semaphore, #tpu.memory_space<semaphore_mem>>, %arg16: memref<!tpu.dma_semaphore, #tpu.memory_space<semaphore_mem>>, %arg17: memref<!tpu.dma_semaphore, #tpu.memory_space<semaphore_mem>>, %arg18: memref<!tpu.dma_semaphore, #tpu.memory_space<semaphore_mem>>, %arg19: memref<!tpu.dma_semaphore, #tpu.memory_space<semaphore_mem>>, %arg20: memref<!tpu.dma_semaphore, #tpu.memory_space<semaphore_mem>>, %arg21: memref<!tpu.dma_semaphore, #tpu.memory_space<semaphore_mem>>, %arg22: memref<!tpu.dma_semaphore, #tpu.memory_space<semaphore_mem>>, %arg23: memref<!tpu.dma_semaphore, #tpu.memory_space<semaphore_mem>>) attributes {dimension_semantics = [#tpu.dimension_semantics<core_parallel>, #tpu.dimension_semantics<subcore_parallel>], iteration_bounds = array<i64: 2, 16>, scalar_prefetch = 0 : i64, scratch_operands = 18 : i64, tpu.core_type = #tpu.core_type<sc_vector_subcore>, window_params = [{transform_indices = #map}, {transform_indices = #map1}, {transform_indices = #map1}, {transform_indices = #map1}]} {
    %mul3A = arith.constant 2 : i32
    %mul3A_0 = arith.muli %arg1, %mul3A : i32
    %add3A = arith.addi %mul3A_0, %arg0 : i32
    %mul3A_1 = arith.constant 1600 : i32
    %mul3A_2 = arith.muli %add3A, %mul3A_1 : i32
    "tpu.region"() ({
      %run_scoped3A = tpu.sem_alloc : memref<!tpu.dma_semaphore, #tpu.memory_space<semaphore_mem>>
      tpu.enqueue_dma source(%arg4 : memref<50x512xf32, #tpu.memory_space<hbm>>) target(%arg6 : memref<50x512xf32, #tpu.memory_space<vmem>>) target_semaphore(%run_scoped3A : memref<!tpu.dma_semaphore, #tpu.memory_space<semaphore_mem>>)
      tpu.wait_dma2 semaphore(%run_scoped3A : memref<!tpu.dma_semaphore, #tpu.memory_space<semaphore_mem>>) src(%arg4 : memref<50x512xf32, #tpu.memory_space<hbm>>) dst(%arg6 : memref<50x512xf32, #tpu.memory_space<vmem>>)
      tpu.yield
    }) : () -> ()
    "tpu.region"() ({
      %run_scoped3A = tpu.sem_alloc : memref<!tpu.dma_semaphore, #tpu.memory_space<semaphore_mem>>
      %dma_start3A_34 = tpu.memref_slice %arg2[%mul3A_2] : memref<51200xi32, #tpu.memory_space<hbm>> -> memref<1600xi32, #tpu.memory_space<hbm>>
      %dma_start3A_35 = tpu.memref_slice %arg2[%mul3A_2] : memref<51200xi32, #tpu.memory_space<hbm>> -> memref<1600xi32, #tpu.memory_space<hbm>>
      tpu.enqueue_dma source(%dma_start3A_35 : memref<1600xi32, #tpu.memory_space<hbm>>) target(%arg7 : memref<1600xi32, #tpu.memory_space<vmem>>) target_semaphore(%run_scoped3A : memref<!tpu.dma_semaphore, #tpu.memory_space<semaphore_mem>>)
      %dma_wait3A_36 = tpu.memref_slice %arg2[%mul3A_2] : memref<51200xi32, #tpu.memory_space<hbm>> -> memref<1600xi32, #tpu.memory_space<hbm>>
      %dma_wait3A_37 = tpu.memref_slice %arg2[%mul3A_2] : memref<51200xi32, #tpu.memory_space<hbm>> -> memref<1600xi32, #tpu.memory_space<hbm>>
      tpu.wait_dma2 semaphore(%run_scoped3A : memref<!tpu.dma_semaphore, #tpu.memory_space<semaphore_mem>>) src(%dma_wait3A_37 : memref<1600xi32, #tpu.memory_space<hbm>>) dst(%arg7 : memref<1600xi32, #tpu.memory_space<vmem>>)
      tpu.yield
    }) : () -> ()
    %dma_start3A = arith.constant 0 : i32
    %dma_start3A_3 = tpu.memref_slice %arg7[%dma_start3A] : memref<1600xi32, #tpu.memory_space<vmem>> -> memref<32xi32, #tpu.memory_space<vmem>>
    %dma_start3A_4 = arith.constant 0 : i32
    %dma_start3A_5 = arith.constant 0 : i32
    %dma_start3A_6 = tpu.memref_slice %arg3[%dma_start3A_4, %dma_start3A_5] : memref<100000x512xf32, #tpu.memory_space<hbm>> -> memref<100000x512xf32, #tpu.memory_space<hbm>>
    tpu.enqueue_indirect_dma source(%dma_start3A_6 : memref<100000x512xf32, #tpu.memory_space<hbm>>) target(%arg8 : memref<32x512xf32, #tpu.memory_space<vmem>>) offsets(%dma_start3A_3 : memref<32xi32, #tpu.memory_space<vmem>>) semaphore(%arg14 : memref<!tpu.dma_semaphore, #tpu.memory_space<semaphore_mem>>)
    %dma_start3A_7 = arith.constant 32 : i32
    %dma_start3A_8 = tpu.memref_slice %arg7[%dma_start3A_7] : memref<1600xi32, #tpu.memory_space<vmem>> -> memref<32xi32, #tpu.memory_space<vmem>>
    %dma_start3A_9 = arith.constant 0 : i32
    %dma_start3A_10 = arith.constant 0 : i32
    %dma_start3A_11 = tpu.memref_slice %arg3[%dma_start3A_9, %dma_start3A_10] : memref<100000x512xf32, #tpu.memory_space<hbm>> -> memref<100000x512xf32, #tpu.memory_space<hbm>>
    tpu.enqueue_indirect_dma source(%dma_start3A_11 : memref<100000x512xf32, #tpu.memory_space<hbm>>) target(%arg9 : memref<32x512xf32, #tpu.memory_space<vmem>>) offsets(%dma_start3A_8 : memref<32xi32, #tpu.memory_space<vmem>>) semaphore(%arg15 : memref<!tpu.dma_semaphore, #tpu.memory_space<semaphore_mem>>)
    %scan3A = arith.constant 0 : i32
    %scan3A_12 = arith.constant 0 : i32
    %scan3A_13 = arith.constant 10 : i32
    %scan3A_14 = arith.addi %scan3A_12, %scan3A_13 : i32
    %scan3A_15 = arith.constant 1 : i32
    scf.for %scan3A_34 = %scan3A_12 to %scan3A_14 step %scan3A_15  : i32 {
      %mul3A_35 = arith.constant 5 : i32
      %mul3A_36 = arith.muli %scan3A_34, %mul3A_35 : i32
      %add3A_37 = arith.constant 0 : i32
      %add3A_38 = arith.addi %mul3A_36, %add3A_37 : i32
      %ge3A = arith.constant 3 : i32
      %ge3A_39 = arith.cmpi sge, %add3A_38, %ge3A : i32
      %convert_element_type3A = arith.extui %ge3A_39 : i1 to i32
      %cond3A = arith.constant 0 : i32
      %cond3A_40 = arith.cmpi ne, %convert_element_type3A, %cond3A : i32
      scf.if %cond3A_40 {
        %sub3A = arith.constant 3 : i32
        %sub3A_339 = arith.subi %add3A_38, %sub3A : i32
        %mul3A_340 = arith.constant 32 : i32
        %mul3A_341 = arith.muli %sub3A_339, %mul3A_340 : i32
        %add3A_342 = arith.addi %mul3A_2, %mul3A_341 : i32
        %dma_wait3A_343 = arith.constant 0 : i32
        %dma_wait3A_344 = tpu.memref_slice %arg5[%add3A_342, %dma_wait3A_343] : memref<51200x512xf32, #tpu.memory_space<hbm>> -> memref<32x512xf32, #tpu.memory_space<hbm>>
        %dma_wait3A_345 = arith.constant 0 : i32
        %dma_wait3A_346 = tpu.memref_slice %arg5[%add3A_342, %dma_wait3A_345] : memref<51200x512xf32, #tpu.memory_space<hbm>> -> memref<32x512xf32, #tpu.memory_space<hbm>>
        tpu.wait_dma2 semaphore(%arg21 : memref<!tpu.dma_semaphore, #tpu.memory_space<semaphore_mem>>) src(%arg10 : memref<32x512xf32, #tpu.memory_space<vmem>>) dst(%dma_wait3A_346 : memref<32x512xf32, #tpu.memory_space<hbm>>)
      } else {
      }
      %add3A_41 = arith.constant 2 : i32
      %add3A_42 = arith.addi %add3A_38, %add3A_41 : i32
      %lt3A = arith.constant 50 : i32
      %lt3A_43 = arith.cmpi slt, %add3A_42, %lt3A : i32
      %convert_element_type3A_44 = arith.extui %lt3A_43 : i1 to i32
      %cond3A_45 = arith.constant 0 : i32
      %cond3A_46 = arith.cmpi ne, %convert_element_type3A_44, %cond3A_45 : i32
      scf.if %cond3A_46 {
        %add3A_339 = arith.constant 2 : i32
        %add3A_340 = arith.addi %add3A_38, %add3A_339 : i32
        %mul3A_341 = arith.constant 32 : i32
        %mul3A_342 = arith.muli %add3A_340, %mul3A_341 : i32
        %dma_start3A_343 = tpu.memref_slice %arg7[%mul3A_342] : memref<1600xi32, #tpu.memory_space<vmem>> -> memref<32xi32, #tpu.memory_space<vmem>>
        %dma_start3A_344 = arith.constant 0 : i32
        %dma_start3A_345 = arith.constant 0 : i32
        %dma_start3A_346 = tpu.memref_slice %arg3[%dma_start3A_344, %dma_start3A_345] : memref<100000x512xf32, #tpu.memory_space<hbm>> -> memref<100000x512xf32, #tpu.memory_space<hbm>>
        tpu.enqueue_indirect_dma source(%dma_start3A_346 : memref<100000x512xf32, #tpu.memory_space<hbm>>) target(%arg10 : memref<32x512xf32, #tpu.memory_space<vmem>>) offsets(%dma_start3A_343 : memref<32xi32, #tpu.memory_space<vmem>>) semaphore(%arg16 : memref<!tpu.dma_semaphore, #tpu.memory_space<semaphore_mem>>)
      } else {
      }
      %mul3A_47 = arith.constant 32 : i32
      %mul3A_48 = arith.muli %add3A_38, %mul3A_47 : i32
      %dma_wait3A_49 = tpu.memref_slice %arg7[%mul3A_48] : memref<1600xi32, #tpu.memory_space<vmem>> -> memref<32xi32, #tpu.memory_space<vmem>>
      %dma_wait3A_50 = arith.constant 0 : i32
      %dma_wait3A_51 = arith.constant 0 : i32
      %dma_wait3A_52 = tpu.memref_slice %arg3[%dma_wait3A_50, %dma_wait3A_51] : memref<100000x512xf32, #tpu.memory_space<hbm>> -> memref<100000x512xf32, #tpu.memory_space<hbm>>
      tpu.wait_indirect_dma semaphore(%arg14 : memref<!tpu.dma_semaphore, #tpu.memory_space<semaphore_mem>>) src(%dma_wait3A_52 : memref<100000x512xf32, #tpu.memory_space<hbm>>) dst(%arg8 : memref<32x512xf32, #tpu.memory_space<vmem>>)
      %mul3A_53 = arith.constant 32 : i32
      %mul3A_54 = arith.muli %add3A_38, %mul3A_53 : i32
      %add3A_55 = arith.constant 0 : i32
      %add3A_56 = arith.addi %mul3A_54, %add3A_55 : i32
      %get3A = arith.index_cast %add3A_56 : i32 to index
      %get3A_57 = tpu.vector_load %arg7[%get3A] {strides = array<i32>} : memref<1600xi32, #tpu.memory_space<vmem>>, vector<16xi32>,
      %min3A = arith.constant 1 : i32
      %min3A_58 = vector.broadcast %min3A : i32 to vector<16xi32>
      %min3A_59 = arith.minsi %get3A_57, %min3A_58 : vector<16xi32>
      %convert_element_type3A_60 = arith.sitofp %min3A_59 : vector<16xi32> to vector<16xf32>
      %swap3A = arith.constant 0 : index
      %swap3A_61 = tpu.vector_load %arg13[%swap3A] {strides = array<i32>} : memref<32xf32, #tpu.memory_space<vmem>>, vector<16xf32>,
      tpu.vector_store %arg13[%swap3A], %convert_element_type3A_60 {strides = array<i32>} : memref<32xf32, #tpu.memory_space<vmem>>, vector<16xf32>,
      %mul3A_62 = arith.constant 32 : i32
      %mul3A_63 = arith.muli %add3A_38, %mul3A_62 : i32
      %add3A_64 = arith.constant 16 : i32
      %add3A_65 = arith.addi %mul3A_63, %add3A_64 : i32
      %get3A_66 = arith.index_cast %add3A_65 : i32 to index
      %get3A_67 = tpu.vector_load %arg7[%get3A_66] {strides = array<i32>} : memref<1600xi32, #tpu.memory_space<vmem>>, vector<16xi32>,
      %min3A_68 = arith.constant 1 : i32
      %min3A_69 = vector.broadcast %min3A_68 : i32 to vector<16xi32>
      %min3A_70 = arith.minsi %get3A_67, %min3A_69 : vector<16xi32>
      %convert_element_type3A_71 = arith.sitofp %min3A_70 : vector<16xi32> to vector<16xf32>
      %swap3A_72 = arith.constant 16 : index
      %swap3A_73 = tpu.vector_load %arg13[%swap3A_72] {strides = array<i32>} : memref<32xf32, #tpu.memory_space<vmem>>, vector<16xf32>,
      tpu.vector_store %arg13[%swap3A_72], %convert_element_type3A_71 {strides = array<i32>} : memref<32xf32, #tpu.memory_space<vmem>>, vector<16xf32>,
      %mul3A_74 = arith.constant 32 : i32
      %mul3A_75 = arith.muli %add3A_38, %mul3A_74 : i32
      %add3A_76 = arith.addi %mul3A_2, %mul3A_75 : i32
      %rem3A = arith.constant 50 : i32
      %rem3A_77 = arith.remsi %add3A_76, %rem3A : i32
      %scan3A_78 = arith.constant 0 : i32
      %scan3A_79 = arith.constant 32 : i32
      %scan3A_80 = arith.addi %scan3A_78, %scan3A_79 : i32
      %scan3A_81 = arith.constant 1 : i32
      %scan3A_82 = scf.for %scan3A_339 = %scan3A_78 to %scan3A_80 step %scan3A_81 iter_args(%scan3A_340 = %rem3A_77) -> (i32)  : i32 {
        %broadcast_in_dim3A = vector.broadcast %scan3A_339 : i32 to vector<16xi32>
        %gather3A = tpu.vector_load_idx %arg13[%broadcast_in_dim3A] : memref<32xf32, #tpu.memory_space<vmem>>[vector<16xi32>], vector<16xf32>,
        %get3A_341 = arith.index_cast %scan3A_339 : i32 to index
        %get3A_342 = arith.constant 0 : index
        %get3A_343 = tpu.vector_load %arg8[%get3A_341, %get3A_342] {strides = array<i32>} : memref<32x512xf32, #tpu.memory_space<vmem>>, vector<16xf32>,
        %mul3A_344 = arith.mulf %get3A_343, %gather3A : vector<16xf32>
        %get3A_345 = arith.index_cast %scan3A_340 : i32 to index
        %get3A_346 = arith.constant 0 : index
        %get3A_347 = tpu.vector_load %arg6[%get3A_345, %get3A_346] {strides = array<i32>} : memref<50x512xf32, #tpu.memory_space<vmem>>, vector<16xf32>,
        %add3A_348 = arith.addf %mul3A_344, %get3A_347 : vector<16xf32>
        %swap3A_349 = arith.index_cast %scan3A_339 : i32 to index
        %swap3A_350 = arith.constant 0 : index
        %swap3A_351 = tpu.vector_load %arg8[%swap3A_349, %swap3A_350] {strides = array<i32>} : memref<32x512xf32, #tpu.memory_space<vmem>>, vector<16xf32>,
        tpu.vector_store %arg8[%swap3A_349, %swap3A_350], %add3A_348 {strides = array<i32>} : memref<32x512xf32, #tpu.memory_space<vmem>>, vector<16xf32>,
        %get3A_352 = arith.index_cast %scan3A_339 : i32 to index
        %get3A_353 = arith.constant 16 : index
        %get3A_354 = tpu.vector_load %arg8[%get3A_352, %get3A_353] {strides = array<i32>} : memref<32x512xf32, #tpu.memory_space<vmem>>, vector<16xf32>,
        %mul3A_355 = arith.mulf %get3A_354, %gather3A : vector<16xf32>
        %get3A_356 = arith.index_cast %scan3A_340 : i32 to index
        %get3A_357 = arith.constant 16 : index
        %get3A_358 = tpu.vector_load %arg6[%get3A_356, %get3A_357] {strides = array<i32>} : memref<50x512xf32, #tpu.memory_space<vmem>>, vector<16xf32>,
        %add3A_359 = arith.addf %mul3A_355, %get3A_358 : vector<16xf32>
        %swap3A_360 = arith.index_cast %scan3A_339 : i32 to index
        %swap3A_361 = arith.constant 16 : index
        %swap3A_362 = tpu.vector_load %arg8[%swap3A_360, %swap3A_361] {strides = array<i32>} : memref<32x512xf32, #tpu.memory_space<vmem>>, vector<16xf32>,
        tpu.vector_store %arg8[%swap3A_360, %swap3A_361], %add3A_359 {strides = array<i32>} : memref<32x512xf32, #tpu.memory_space<vmem>>, vector<16xf32>,
        %get3A_363 = arith.index_cast %scan3A_339 : i32 to index
        %get3A_364 = arith.constant 32 : index
        %get3A_365 = tpu.vector_load %arg8[%get3A_363, %get3A_364] {strides = array<i32>} : memref<32x512xf32, #tpu.memory_space<vmem>>, vector<16xf32>,
        %mul3A_366 = arith.mulf %get3A_365, %gather3A : vector<16xf32>
        %get3A_367 = arith.index_cast %scan3A_340 : i32 to index
        %get3A_368 = arith.constant 32 : index
        %get3A_369 = tpu.vector_load %arg6[%get3A_367, %get3A_368] {strides = array<i32>} : memref<50x512xf32, #tpu.memory_space<vmem>>, vector<16xf32>,
        %add3A_370 = arith.addf %mul3A_366, %get3A_369 : vector<16xf32>
        %swap3A_371 = arith.index_cast %scan3A_339 : i32 to index
        %swap3A_372 = arith.constant 32 : index
        %swap3A_373 = tpu.vector_load %arg8[%swap3A_371, %swap3A_372] {strides = array<i32>} : memref<32x512xf32, #tpu.memory_space<vmem>>, vector<16xf32>,
        tpu.vector_store %arg8[%swap3A_371, %swap3A_372], %add3A_370 {strides = array<i32>} : memref<32x512xf32, #tpu.memory_space<vmem>>, vector<16xf32>,
        %get3A_374 = arith.index_cast %scan3A_339 : i32 to index
        %get3A_375 = arith.constant 48 : index
        %get3A_376 = tpu.vector_load %arg8[%get3A_374, %get3A_375] {strides = array<i32>} : memref<32x512xf32, #tpu.memory_space<vmem>>, vector<16xf32>,
        %mul3A_377 = arith.mulf %get3A_376, %gather3A : vector<16xf32>
        %get3A_378 = arith.index_cast %scan3A_340 : i32 to index
        %get3A_379 = arith.constant 48 : index
        %get3A_380 = tpu.vector_load %arg6[%get3A_378, %get3A_379] {strides = array<i32>} : memref<50x512xf32, #tpu.memory_space<vmem>>, vector<16xf32>,
        %add3A_381 = arith.addf %mul3A_377, %get3A_380 : vector<16xf32>
        %swap3A_382 = arith.index_cast %scan3A_339 : i32 to index
        %swap3A_383 = arith.constant 48 : index
        %swap3A_384 = tpu.vector_load %arg8[%swap3A_382, %swap3A_383] {strides = array<i32>} : memref<32x512xf32, #tpu.memory_space<vmem>>, vector<16xf32>,
        tpu.vector_store %arg8[%swap3A_382, %swap3A_383], %add3A_381 {strides = array<i32>} : memref<32x512xf32, #tpu.memory_space<vmem>>, vector<16xf32>,
        %get3A_385 = arith.index_cast %scan3A_339 : i32 to index
        %get3A_386 = arith.constant 64 : index
        %get3A_387 = tpu.vector_load %arg8[%get3A_385, %get3A_386] {strides = array<i32>} : memref<32x512xf32, #tpu.memory_space<vmem>>, vector<16xf32>,
        %mul3A_388 = arith.mulf %get3A_387, %gather3A : vector<16xf32>
        %get3A_389 = arith.index_cast %scan3A_340 : i32 to index
        %get3A_390 = arith.constant 64 : index
        %get3A_391 = tpu.vector_load %arg6[%get3A_389, %get3A_390] {strides = array<i32>} : memref<50x512xf32, #tpu.memory_space<vmem>>, vector<16xf32>,
        %add3A_392 = arith.addf %mul3A_388, %get3A_391 : vector<16xf32>
        %swap3A_393 = arith.index_cast %scan3A_339 : i32 to index
        %swap3A_394 = arith.constant 64 : index
        %swap3A_395 = tpu.vector_load %arg8[%swap3A_393, %swap3A_394] {strides = array<i32>} : memref<32x512xf32, #tpu.memory_space<vmem>>, vector<16xf32>,
        tpu.vector_store %arg8[%swap3A_393, %swap3A_394], %add3A_392 {strides = array<i32>} : memref<32x512xf32, #tpu.memory_space<vmem>>, vector<16xf32>,
        %get3A_396 = arith.index_cast %scan3A_339 : i32 to index
        %get3A_397 = arith.constant 80 : index
        %get3A_398 = tpu.vector_load %arg8[%get3A_396, %get3A_397] {strides = array<i32>} : memref<32x512xf32, #tpu.memory_space<vmem>>, vector<16xf32>,
        %mul3A_399 = arith.mulf %get3A_398, %gather3A : vector<16xf32>
        %get3A_400 = arith.index_cast %scan3A_340 : i32 to index
        %get3A_401 = arith.constant 80 : index
        %get3A_402 = tpu.vector_load %arg6[%get3A_400, %get3A_401] {strides = array<i32>} : memref<50x512xf32, #tpu.memory_space<vmem>>, vector<16xf32>,
        %add3A_403 = arith.addf %mul3A_399, %get3A_402 : vector<16xf32>
        %swap3A_404 = arith.index_cast %scan3A_339 : i32 to index
        %swap3A_405 = arith.constant 80 : index
        %swap3A_406 = tpu.vector_load %arg8[%swap3A_404, %swap3A_405] {strides = array<i32>} : memref<32x512xf32, #tpu.memory_space<vmem>>, vector<16xf32>,
        tpu.vector_store %arg8[%swap3A_404, %swap3A_405], %add3A_403 {strides = array<i32>} : memref<32x512xf32, #tpu.memory_space<vmem>>, vector<16xf32>,
        %get3A_407 = arith.index_cast %scan3A_339 : i32 to index
        %get3A_408 = arith.constant 96 : index
        %get3A_409 = tpu.vector_load %arg8[%get3A_407, %get3A_408] {strides = array<i32>} : memref<32x512xf32, #tpu.memory_space<vmem>>, vector<16xf32>,
        %mul3A_410 = arith.mulf %get3A_409, %gather3A : vector<16xf32>
        %get3A_411 = arith.index_cast %scan3A_340 : i32 to index
        %get3A_412 = arith.constant 96 : index
        %get3A_413 = tpu.vector_load %arg6[%get3A_411, %get3A_412] {strides = array<i32>} : memref<50x512xf32, #tpu.memory_space<vmem>>, vector<16xf32>,
        %add3A_414 = arith.addf %mul3A_410, %get3A_413 : vector<16xf32>
        %swap3A_415 = arith.index_cast %scan3A_339 : i32 to index
        %swap3A_416 = arith.constant 96 : index
        %swap3A_417 = tpu.vector_load %arg8[%swap3A_415, %swap3A_416] {strides = array<i32>} : memref<32x512xf32, #tpu.memory_space<vmem>>, vector<16xf32>,
        tpu.vector_store %arg8[%swap3A_415, %swap3A_416], %add3A_414 {strides = array<i32>} : memref<32x512xf32, #tpu.memory_space<vmem>>, vector<16xf32>,
        %get3A_418 = arith.index_cast %scan3A_339 : i32 to index
        %get3A_419 = arith.constant 112 : index
        %get3A_420 = tpu.vector_load %arg8[%get3A_418, %get3A_419] {strides = array<i32>} : memref<32x512xf32, #tpu.memory_space<vmem>>, vector<16xf32>,
        %mul3A_421 = arith.mulf %get3A_420, %gather3A : vector<16xf32>
        %get3A_422 = arith.index_cast %scan3A_340 : i32 to index
        %get3A_423 = arith.constant 112 : index
        %get3A_424 = tpu.vector_load %arg6[%get3A_422, %get3A_423] {strides = array<i32>} : memref<50x512xf32, #tpu.memory_space<vmem>>, vector<16xf32>,
        %add3A_425 = arith.addf %mul3A_421, %get3A_424 : vector<16xf32>
        %swap3A_426 = arith.index_cast %scan3A_339 : i32 to index
        %swap3A_427 = arith.constant 112 : index
        %swap3A_428 = tpu.vector_load %arg8[%swap3A_426, %swap3A_427] {strides = array<i32>} : memref<32x512xf32, #tpu.memory_space<vmem>>, vector<16xf32>,
        tpu.vector_store %arg8[%swap3A_426, %swap3A_427], %add3A_425 {strides = array<i32>} : memref<32x512xf32, #tpu.memory_space<vmem>>, vector<16xf32>,
        %get3A_429 = arith.index_cast %scan3A_339 : i32 to index
        %get3A_430 = arith.constant 128 : index
        %get3A_431 = tpu.vector_load %arg8[%get3A_429, %get3A_430] {strides = array<i32>} : memref<32x512xf32, #tpu.memory_space<vmem>>, vector<16xf32>,
        %mul3A_432 = arith.mulf %get3A_431, %gather3A : vector<16xf32>
        %get3A_433 = arith.index_cast %scan3A_340 : i32 to index
        %get3A_434 = arith.constant 128 : index
        %get3A_435 = tpu.vector_load %arg6[%get3A_433, %get3A_434] {strides = array<i32>} : memref<50x512xf32, #tpu.memory_space<vmem>>, vector<16xf32>,
        %add3A_436 = arith.addf %mul3A_432, %get3A_435 : vector<16xf32>
        %swap3A_437 = arith.index_cast %scan3A_339 : i32 to index
        %swap3A_438 = arith.constant 128 : index
        %swap3A_439 = tpu.vector_load %arg8[%swap3A_437, %swap3A_438] {strides = array<i32>} : memref<32x512xf32, #tpu.memory_space<vmem>>, vector<16xf32>,
        tpu.vector_store %arg8[%swap3A_437, %swap3A_438], %add3A_436 {strides = array<i32>} : memref<32x512xf32, #tpu.memory_space<vmem>>, vector<16xf32>,
        %get3A_440 = arith.index_cast %scan3A_339 : i32 to index
        %get3A_441 = arith.constant 144 : index
        %get3A_442 = tpu.vector_load %arg8[%get3A_440, %get3A_441] {strides = array<i32>} : memref<32x512xf32, #tpu.memory_space<vmem>>, vector<16xf32>,
        %mul3A_443 = arith.mulf %get3A_442, %gather3A : vector<16xf32>
        %get3A_444 = arith.index_cast %scan3A_340 : i32 to index
        %get3A_445 = arith.constant 144 : index
        %get3A_446 = tpu.vector_load %arg6[%get3A_444, %get3A_445] {strides = array<i32>} : memref<50x512xf32, #tpu.memory_space<vmem>>, vector<16xf32>,
        %add3A_447 = arith.addf %mul3A_443, %get3A_446 : vector<16xf32>
        %swap3A_448 = arith.index_cast %scan3A_339 : i32 to index
        %swap3A_449 = arith.constant 144 : index
        %swap3A_450 = tpu.vector_load %arg8[%swap3A_448, %swap3A_449] {strides = array<i32>} : memref<32x512xf32, #tpu.memory_space<vmem>>, vector<16xf32>,
        tpu.vector_store %arg8[%swap3A_448, %swap3A_449], %add3A_447 {strides = array<i32>} : memref<32x512xf32, #tpu.memory_space<vmem>>, vector<16xf32>,
        %get3A_451 = arith.index_cast %scan3A_339 : i32 to index
        %get3A_452 = arith.constant 160 : index
        %get3A_453 = tpu.vector_load %arg8[%get3A_451, %get3A_452] {strides = array<i32>} : memref<32x512xf32, #tpu.memory_space<vmem>>, vector<16xf32>,
        %mul3A_454 = arith.mulf %get3A_453, %gather3A : vector<16xf32>
        %get3A_455 = arith.index_cast %scan3A_340 : i32 to index
        %get3A_456 = arith.constant 160 : index
        %get3A_457 = tpu.vector_load %arg6[%get3A_455, %get3A_456] {strides = array<i32>} : memref<50x512xf32, #tpu.memory_space<vmem>>, vector<16xf32>,
        %add3A_458 = arith.addf %mul3A_454, %get3A_457 : vector<16xf32>
        %swap3A_459 = arith.index_cast %scan3A_339 : i32 to index
        %swap3A_460 = arith.constant 160 : index
        %swap3A_461 = tpu.vector_load %arg8[%swap3A_459, %swap3A_460] {strides = array<i32>} : memref<32x512xf32, #tpu.memory_space<vmem>>, vector<16xf32>,
        tpu.vector_store %arg8[%swap3A_459, %swap3A_460], %add3A_458 {strides = array<i32>} : memref<32x512xf32, #tpu.memory_space<vmem>>, vector<16xf32>,
        %get3A_462 = arith.index_cast %scan3A_339 : i32 to index
        %get3A_463 = arith.constant 176 : index
        %get3A_464 = tpu.vector_load %arg8[%get3A_462, %get3A_463] {strides = array<i32>} : memref<32x512xf32, #tpu.memory_space<vmem>>, vector<16xf32>,
        %mul3A_465 = arith.mulf %get3A_464, %gather3A : vector<16xf32>
        %get3A_466 = arith.index_cast %scan3A_340 : i32 to index
        %get3A_467 = arith.constant 176 : index
        %get3A_468 = tpu.vector_load %arg6[%get3A_466, %get3A_467] {strides = array<i32>} : memref<50x512xf32, #tpu.memory_space<vmem>>, vector<16xf32>,
        %add3A_469 = arith.addf %mul3A_465, %get3A_468 : vector<16xf32>
        %swap3A_470 = arith.index_cast %scan3A_339 : i32 to index
        %swap3A_471 = arith.constant 176 : index
        %swap3A_472 = tpu.vector_load %arg8[%swap3A_470, %swap3A_471] {strides = array<i32>} : memref<32x512xf32, #tpu.memory_space<vmem>>, vector<16xf32>,
        tpu.vector_store %arg8[%swap3A_470, %swap3A_471], %add3A_469 {strides = array<i32>} : memref<32x512xf32, #tpu.memory_space<vmem>>, vector<16xf32>,
        %get3A_473 = arith.index_cast %scan3A_339 : i32 to index
        %get3A_474 = arith.constant 192 : index
        %get3A_475 = tpu.vector_load %arg8[%get3A_473, %get3A_474] {strides = array<i32>} : memref<32x512xf32, #tpu.memory_space<vmem>>, vector<16xf32>,
        %mul3A_476 = arith.mulf %get3A_475, %gather3A : vector<16xf32>
        %get3A_477 = arith.index_cast %scan3A_340 : i32 to index
        %get3A_478 = arith.constant 192 : index
        %get3A_479 = tpu.vector_load %arg6[%get3A_477, %get3A_478] {strides = array<i32>} : memref<50x512xf32, #tpu.memory_space<vmem>>, vector<16xf32>,
        %add3A_480 = arith.addf %mul3A_476, %get3A_479 : vector<16xf32>
        %swap3A_481 = arith.index_cast %scan3A_339 : i32 to index
        %swap3A_482 = arith.constant 192 : index
        %swap3A_483 = tpu.vector_load %arg8[%swap3A_481, %swap3A_482] {strides = array<i32>} : memref<32x512xf32, #tpu.memory_space<vmem>>, vector<16xf32>,
        tpu.vector_store %arg8[%swap3A_481, %swap3A_482], %add3A_480 {strides = array<i32>} : memref<32x512xf32, #tpu.memory_space<vmem>>, vector<16xf32>,
        %get3A_484 = arith.index_cast %scan3A_339 : i32 to index
        %get3A_485 = arith.constant 208 : index
        %get3A_486 = tpu.vector_load %arg8[%get3A_484, %get3A_485] {strides = array<i32>} : memref<32x512xf32, #tpu.memory_space<vmem>>, vector<16xf32>,
        %mul3A_487 = arith.mulf %get3A_486, %gather3A : vector<16xf32>
        %get3A_488 = arith.index_cast %scan3A_340 : i32 to index
        %get3A_489 = arith.constant 208 : index
        %get3A_490 = tpu.vector_load %arg6[%get3A_488, %get3A_489] {strides = array<i32>} : memref<50x512xf32, #tpu.memory_space<vmem>>, vector<16xf32>,
        %add3A_491 = arith.addf %mul3A_487, %get3A_490 : vector<16xf32>
        %swap3A_492 = arith.index_cast %scan3A_339 : i32 to index
        %swap3A_493 = arith.constant 208 : index
        %swap3A_494 = tpu.vector_load %arg8[%swap3A_492, %swap3A_493] {strides = array<i32>} : memref<32x512xf32, #tpu.memory_space<vmem>>, vector<16xf32>,
        tpu.vector_store %arg8[%swap3A_492, %swap3A_493], %add3A_491 {strides = array<i32>} : memref<32x512xf32, #tpu.memory_space<vmem>>, vector<16xf32>,
        %get3A_495 = arith.index_cast %scan3A_339 : i32 to index
        %get3A_496 = arith.constant 224 : index
        %get3A_497 = tpu.vector_load %arg8[%get3A_495, %get3A_496] {strides = array<i32>} : memref<32x512xf32, #tpu.memory_space<vmem>>, vector<16xf32>,
        %mul3A_498 = arith.mulf %get3A_497, %gather3A : vector<16xf32>
        %get3A_499 = arith.index_cast %scan3A_340 : i32 to index
        %get3A_500 = arith.constant 224 : index
        %get3A_501 = tpu.vector_load %arg6[%get3A_499, %get3A_500] {strides = array<i32>} : memref<50x512xf32, #tpu.memory_space<vmem>>, vector<16xf32>,
        %add3A_502 = arith.addf %mul3A_498, %get3A_501 : vector<16xf32>
        %swap3A_503 = arith.index_cast %scan3A_339 : i32 to index
        %swap3A_504 = arith.constant 224 : index
        %swap3A_505 = tpu.vector_load %arg8[%swap3A_503, %swap3A_504] {strides = array<i32>} : memref<32x512xf32, #tpu.memory_space<vmem>>, vector<16xf32>,
        tpu.vector_store %arg8[%swap3A_503, %swap3A_504], %add3A_502 {strides = array<i32>} : memref<32x512xf32, #tpu.memory_space<vmem>>, vector<16xf32>,
        %get3A_506 = arith.index_cast %scan3A_339 : i32 to index
        %get3A_507 = arith.constant 240 : index
        %get3A_508 = tpu.vector_load %arg8[%get3A_506, %get3A_507] {strides = array<i32>} : memref<32x512xf32, #tpu.memory_space<vmem>>, vector<16xf32>,
        %mul3A_509 = arith.mulf %get3A_508, %gather3A : vector<16xf32>
        %get3A_510 = arith.index_cast %scan3A_340 : i32 to index
        %get3A_511 = arith.constant 240 : index
        %get3A_512 = tpu.vector_load %arg6[%get3A_510, %get3A_511] {strides = array<i32>} : memref<50x512xf32, #tpu.memory_space<vmem>>, vector<16xf32>,
        %add3A_513 = arith.addf %mul3A_509, %get3A_512 : vector<16xf32>
        %swap3A_514 = arith.index_cast %scan3A_339 : i32 to index
        %swap3A_515 = arith.constant 240 : index
        %swap3A_516 = tpu.vector_load %arg8[%swap3A_514, %swap3A_515] {strides = array<i32>} : memref<32x512xf32, #tpu.memory_space<vmem>>, vector<16xf32>,
        tpu.vector_store %arg8[%swap3A_514, %swap3A_515], %add3A_513 {strides = array<i32>} : memref<32x512xf32, #tpu.memory_space<vmem>>, vector<16xf32>,
        %get3A_517 = arith.index_cast %scan3A_339 : i32 to index
        %get3A_518 = arith.constant 256 : index
        %get3A_519 = tpu.vector_load %arg8[%get3A_517, %get3A_518] {strides = array<i32>} : memref<32x512xf32, #tpu.memory_space<vmem>>, vector<16xf32>,
        %mul3A_520 = arith.mulf %get3A_519, %gather3A : vector<16xf32>
        %get3A_521 = arith.index_cast %scan3A_340 : i32 to index
        %get3A_522 = arith.constant 256 : index
        %get3A_523 = tpu.vector_load %arg6[%get3A_521, %get3A_522] {strides = array<i32>} : memref<50x512xf32, #tpu.memory_space<vmem>>, vector<16xf32>,
        %add3A_524 = arith.addf %mul3A_520, %get3A_523 : vector<16xf32>
        %swap3A_525 = arith.index_cast %scan3A_339 : i32 to index
        %swap3A_526 = arith.constant 256 : index
        %swap3A_527 = tpu.vector_load %arg8[%swap3A_525, %swap3A_526] {strides = array<i32>} : memref<32x512xf32, #tpu.memory_space<vmem>>, vector<16xf32>,
        tpu.vector_store %arg8[%swap3A_525, %swap3A_526], %add3A_524 {strides = array<i32>} : memref<32x512xf32, #tpu.memory_space<vmem>>, vector<16xf32>,
        %get3A_528 = arith.index_cast %scan3A_339 : i32 to index
        %get3A_529 = arith.constant 272 : index
        %get3A_530 = tpu.vector_load %arg8[%get3A_528, %get3A_529] {strides = array<i32>} : memref<32x512xf32, #tpu.memory_space<vmem>>, vector<16xf32>,
        %mul3A_531 = arith.mulf %get3A_530, %gather3A : vector<16xf32>
        %get3A_532 = arith.index_cast %scan3A_340 : i32 to index
        %get3A_533 = arith.constant 272 : index
        %get3A_534 = tpu.vector_load %arg6[%get3A_532, %get3A_533] {strides = array<i32>} : memref<50x512xf32, #tpu.memory_space<vmem>>, vector<16xf32>,
        %add3A_535 = arith.addf %mul3A_531, %get3A_534 : vector<16xf32>
        %swap3A_536 = arith.index_cast %scan3A_339 : i32 to index
        %swap3A_537 = arith.constant 272 : index
        %swap3A_538 = tpu.vector_load %arg8[%swap3A_536, %swap3A_537] {strides = array<i32>} : memref<32x512xf32, #tpu.memory_space<vmem>>, vector<16xf32>,
        tpu.vector_store %arg8[%swap3A_536, %swap3A_537], %add3A_535 {strides = array<i32>} : memref<32x512xf32, #tpu.memory_space<vmem>>, vector<16xf32>,
        %get3A_539 = arith.index_cast %scan3A_339 : i32 to index
        %get3A_540 = arith.constant 288 : index
        %get3A_541 = tpu.vector_load %arg8[%get3A_539, %get3A_540] {strides = array<i32>} : memref<32x512xf32, #tpu.memory_space<vmem>>, vector<16xf32>,
        %mul3A_542 = arith.mulf %get3A_541, %gather3A : vector<16xf32>
        %get3A_543 = arith.index_cast %scan3A_340 : i32 to index
        %get3A_544 = arith.constant 288 : index
        %get3A_545 = tpu.vector_load %arg6[%get3A_543, %get3A_544] {strides = array<i32>} : memref<50x512xf32, #tpu.memory_space<vmem>>, vector<16xf32>,
        %add3A_546 = arith.addf %mul3A_542, %get3A_545 : vector<16xf32>
        %swap3A_547 = arith.index_cast %scan3A_339 : i32 to index
        %swap3A_548 = arith.constant 288 : index
        %swap3A_549 = tpu.vector_load %arg8[%swap3A_547, %swap3A_548] {strides = array<i32>} : memref<32x512xf32, #tpu.memory_space<vmem>>, vector<16xf32>,
        tpu.vector_store %arg8[%swap3A_547, %swap3A_548], %add3A_546 {strides = array<i32>} : memref<32x512xf32, #tpu.memory_space<vmem>>, vector<16xf32>,
        %get3A_550 = arith.index_cast %scan3A_339 : i32 to index
        %get3A_551 = arith.constant 304 : index
        %get3A_552 = tpu.vector_load %arg8[%get3A_550, %get3A_551] {strides = array<i32>} : memref<32x512xf32, #tpu.memory_space<vmem>>, vector<16xf32>,
        %mul3A_553 = arith.mulf %get3A_552, %gather3A : vector<16xf32>
        %get3A_554 = arith.index_cast %scan3A_340 : i32 to index
        %get3A_555 = arith.constant 304 : index
        %get3A_556 = tpu.vector_load %arg6[%get3A_554, %get3A_555] {strides = array<i32>} : memref<50x512xf32, #tpu.memory_space<vmem>>, vector<16xf32>,
        %add3A_557 = arith.addf %mul3A_553, %get3A_556 : vector<16xf32>
        %swap3A_558 = arith.index_cast %scan3A_339 : i32 to index
        %swap3A_559 = arith.constant 304 : index
        %swap3A_560 = tpu.vector_load %arg8[%swap3A_558, %swap3A_559] {strides = array<i32>} : memref<32x512xf32, #tpu.memory_space<vmem>>, vector<16xf32>,
        tpu.vector_store %arg8[%swap3A_558, %swap3A_559], %add3A_557 {strides = array<i32>} : memref<32x512xf32, #tpu.memory_space<vmem>>, vector<16xf32>,
        %get3A_561 = arith.index_cast %scan3A_339 : i32 to index
        %get3A_562 = arith.constant 320 : index
        %get3A_563 = tpu.vector_load %arg8[%get3A_561, %get3A_562] {strides = array<i32>} : memref<32x512xf32, #tpu.memory_space<vmem>>, vector<16xf32>,
        %mul3A_564 = arith.mulf %get3A_563, %gather3A : vector<16xf32>
        %get3A_565 = arith.index_cast %scan3A_340 : i32 to index
        %get3A_566 = arith.constant 320 : index
        %get3A_567 = tpu.vector_load %arg6[%get3A_565, %get3A_566] {strides = array<i32>} : memref<50x512xf32, #tpu.memory_space<vmem>>, vector<16xf32>,
        %add3A_568 = arith.addf %mul3A_564, %get3A_567 : vector<16xf32>
        %swap3A_569 = arith.index_cast %scan3A_339 : i32 to index
        %swap3A_570 = arith.constant 320 : index
        %swap3A_571 = tpu.vector_load %arg8[%swap3A_569, %swap3A_570] {strides = array<i32>} : memref<32x512xf32, #tpu.memory_space<vmem>>, vector<16xf32>,
        tpu.vector_store %arg8[%swap3A_569, %swap3A_570], %add3A_568 {strides = array<i32>} : memref<32x512xf32, #tpu.memory_space<vmem>>, vector<16xf32>,
        %get3A_572 = arith.index_cast %scan3A_339 : i32 to index
        %get3A_573 = arith.constant 336 : index
        %get3A_574 = tpu.vector_load %arg8[%get3A_572, %get3A_573] {strides = array<i32>} : memref<32x512xf32, #tpu.memory_space<vmem>>, vector<16xf32>,
        %mul3A_575 = arith.mulf %get3A_574, %gather3A : vector<16xf32>
        %get3A_576 = arith.index_cast %scan3A_340 : i32 to index
        %get3A_577 = arith.constant 336 : index
        %get3A_578 = tpu.vector_load %arg6[%get3A_576, %get3A_577] {strides = array<i32>} : memref<50x512xf32, #tpu.memory_space<vmem>>, vector<16xf32>,
        %add3A_579 = arith.addf %mul3A_575, %get3A_578 : vector<16xf32>
        %swap3A_580 = arith.index_cast %scan3A_339 : i32 to index
        %swap3A_581 = arith.constant 336 : index
        %swap3A_582 = tpu.vector_load %arg8[%swap3A_580, %swap3A_581] {strides = array<i32>} : memref<32x512xf32, #tpu.memory_space<vmem>>, vector<16xf32>,
        tpu.vector_store %arg8[%swap3A_580, %swap3A_581], %add3A_579 {strides = array<i32>} : memref<32x512xf32, #tpu.memory_space<vmem>>, vector<16xf32>,
        %get3A_583 = arith.index_cast %scan3A_339 : i32 to index
        %get3A_584 = arith.constant 352 : index
        %get3A_585 = tpu.vector_load %arg8[%get3A_583, %get3A_584] {strides = array<i32>} : memref<32x512xf32, #tpu.memory_space<vmem>>, vector<16xf32>,
        %mul3A_586 = arith.mulf %get3A_585, %gather3A : vector<16xf32>
        %get3A_587 = arith.index_cast %scan3A_340 : i32 to index
        %get3A_588 = arith.constant 352 : index
        %get3A_589 = tpu.vector_load %arg6[%get3A_587, %get3A_588] {strides = array<i32>} : memref<50x512xf32, #tpu.memory_space<vmem>>, vector<16xf32>,
        %add3A_590 = arith.addf %mul3A_586, %get3A_589 : vector<16xf32>
        %swap3A_591 = arith.index_cast %scan3A_339 : i32 to index
        %swap3A_592 = arith.constant 352 : index
        %swap3A_593 = tpu.vector_load %arg8[%swap3A_591, %swap3A_592] {strides = array<i32>} : memref<32x512xf32, #tpu.memory_space<vmem>>, vector<16xf32>,
        tpu.vector_store %arg8[%swap3A_591, %swap3A_592], %add3A_590 {strides = array<i32>} : memref<32x512xf32, #tpu.memory_space<vmem>>, vector<16xf32>,
        %get3A_594 = arith.index_cast %scan3A_339 : i32 to index
        %get3A_595 = arith.constant 368 : index
        %get3A_596 = tpu.vector_load %arg8[%get3A_594, %get3A_595] {strides = array<i32>} : memref<32x512xf32, #tpu.memory_space<vmem>>, vector<16xf32>,
        %mul3A_597 = arith.mulf %get3A_596, %gather3A : vector<16xf32>
        %get3A_598 = arith.index_cast %scan3A_340 : i32 to index
        %get3A_599 = arith.constant 368 : index
        %get3A_600 = tpu.vector_load %arg6[%get3A_598, %get3A_599] {strides = array<i32>} : memref<50x512xf32, #tpu.memory_space<vmem>>, vector<16xf32>,
        %add3A_601 = arith.addf %mul3A_597, %get3A_600 : vector<16xf32>
        %swap3A_602 = arith.index_cast %scan3A_339 : i32 to index
        %swap3A_603 = arith.constant 368 : index
        %swap3A_604 = tpu.vector_load %arg8[%swap3A_602, %swap3A_603] {strides = array<i32>} : memref<32x512xf32, #tpu.memory_space<vmem>>, vector<16xf32>,
        tpu.vector_store %arg8[%swap3A_602, %swap3A_603], %add3A_601 {strides = array<i32>} : memref<32x512xf32, #tpu.memory_space<vmem>>, vector<16xf32>,
        %get3A_605 = arith.index_cast %scan3A_339 : i32 to index
        %get3A_606 = arith.constant 384 : index
        %get3A_607 = tpu.vector_load %arg8[%get3A_605, %get3A_606] {strides = array<i32>} : memref<32x512xf32, #tpu.memory_space<vmem>>, vector<16xf32>,
        %mul3A_608 = arith.mulf %get3A_607, %gather3A : vector<16xf32>
        %get3A_609 = arith.index_cast %scan3A_340 : i32 to index
        %get3A_610 = arith.constant 384 : index
        %get3A_611 = tpu.vector_load %arg6[%get3A_609, %get3A_610] {strides = array<i32>} : memref<50x512xf32, #tpu.memory_space<vmem>>, vector<16xf32>,
        %add3A_612 = arith.addf %mul3A_608, %get3A_611 : vector<16xf32>
        %swap3A_613 = arith.index_cast %scan3A_339 : i32 to index
        %swap3A_614 = arith.constant 384 : index
        %swap3A_615 = tpu.vector_load %arg8[%swap3A_613, %swap3A_614] {strides = array<i32>} : memref<32x512xf32, #tpu.memory_space<vmem>>, vector<16xf32>,
        tpu.vector_store %arg8[%swap3A_613, %swap3A_614], %add3A_612 {strides = array<i32>} : memref<32x512xf32, #tpu.memory_space<vmem>>, vector<16xf32>,
        %get3A_616 = arith.index_cast %scan3A_339 : i32 to index
        %get3A_617 = arith.constant 400 : index
        %get3A_618 = tpu.vector_load %arg8[%get3A_616, %get3A_617] {strides = array<i32>} : memref<32x512xf32, #tpu.memory_space<vmem>>, vector<16xf32>,
        %mul3A_619 = arith.mulf %get3A_618, %gather3A : vector<16xf32>
        %get3A_620 = arith.index_cast %scan3A_340 : i32 to index
        %get3A_621 = arith.constant 400 : index
        %get3A_622 = tpu.vector_load %arg6[%get3A_620, %get3A_621] {strides = array<i32>} : memref<50x512xf32, #tpu.memory_space<vmem>>, vector<16xf32>,
        %add3A_623 = arith.addf %mul3A_619, %get3A_622 : vector<16xf32>
        %swap3A_624 = arith.index_cast %scan3A_339 : i32 to index
        %swap3A_625 = arith.constant 400 : index
        %swap3A_626 = tpu.vector_load %arg8[%swap3A_624, %swap3A_625] {strides = array<i32>} : memref<32x512xf32, #tpu.memory_space<vmem>>, vector<16xf32>,
        tpu.vector_store %arg8[%swap3A_624, %swap3A_625], %add3A_623 {strides = array<i32>} : memref<32x512xf32, #tpu.memory_space<vmem>>, vector<16xf32>,
        %get3A_627 = arith.index_cast %scan3A_339 : i32 to index
        %get3A_628 = arith.constant 416 : index
        %get3A_629 = tpu.vector_load %arg8[%get3A_627, %get3A_628] {strides = array<i32>} : memref<32x512xf32, #tpu.memory_space<vmem>>, vector<16xf32>,
        %mul3A_630 = arith.mulf %get3A_629, %gather3A : vector<16xf32>
        %get3A_631 = arith.index_cast %scan3A_340 : i32 to index
        %get3A_632 = arith.constant 416 : index
        %get3A_633 = tpu.vector_load %arg6[%get3A_631, %get3A_632] {strides = array<i32>} : memref<50x512xf32, #tpu.memory_space<vmem>>, vector<16xf32>,
        %add3A_634 = arith.addf %mul3A_630, %get3A_633 : vector<16xf32>
        %swap3A_635 = arith.index_cast %scan3A_339 : i32 to index
        %swap3A_636 = arith.constant 416 : index
        %swap3A_637 = tpu.vector_load %arg8[%swap3A_635, %swap3A_636] {strides = array<i32>} : memref<32x512xf32, #tpu.memory_space<vmem>>, vector<16xf32>,
        tpu.vector_store %arg8[%swap3A_635, %swap3A_636], %add3A_634 {strides = array<i32>} : memref<32x512xf32, #tpu.memory_space<vmem>>, vector<16xf32>,
        %get3A_638 = arith.index_cast %scan3A_339 : i32 to index
        %get3A_639 = arith.constant 432 : index
        %get3A_640 = tpu.vector_load %arg8[%get3A_638, %get3A_639] {strides = array<i32>} : memref<32x512xf32, #tpu.memory_space<vmem>>, vector<16xf32>,
        %mul3A_641 = arith.mulf %get3A_640, %gather3A : vector<16xf32>
        %get3A_642 = arith.index_cast %scan3A_340 : i32 to index
        %get3A_643 = arith.constant 432 : index
        %get3A_644 = tpu.vector_load %arg6[%get3A_642, %get3A_643] {strides = array<i32>} : memref<50x512xf32, #tpu.memory_space<vmem>>, vector<16xf32>,
        %add3A_645 = arith.addf %mul3A_641, %get3A_644 : vector<16xf32>
        %swap3A_646 = arith.index_cast %scan3A_339 : i32 to index
        %swap3A_647 = arith.constant 432 : index
        %swap3A_648 = tpu.vector_load %arg8[%swap3A_646, %swap3A_647] {strides = array<i32>} : memref<32x512xf32, #tpu.memory_space<vmem>>, vector<16xf32>,
        tpu.vector_store %arg8[%swap3A_646, %swap3A_647], %add3A_645 {strides = array<i32>} : memref<32x512xf32, #tpu.memory_space<vmem>>, vector<16xf32>,
        %get3A_649 = arith.index_cast %scan3A_339 : i32 to index
        %get3A_650 = arith.constant 448 : index
        %get3A_651 = tpu.vector_load %arg8[%get3A_649, %get3A_650] {strides = array<i32>} : memref<32x512xf32, #tpu.memory_space<vmem>>, vector<16xf32>,
        %mul3A_652 = arith.mulf %get3A_651, %gather3A : vector<16xf32>
        %get3A_653 = arith.index_cast %scan3A_340 : i32 to index
        %get3A_654 = arith.constant 448 : index
        %get3A_655 = tpu.vector_load %arg6[%get3A_653, %get3A_654] {strides = array<i32>} : memref<50x512xf32, #tpu.memory_space<vmem>>, vector<16xf32>,
        %add3A_656 = arith.addf %mul3A_652, %get3A_655 : vector<16xf32>
        %swap3A_657 = arith.index_cast %scan3A_339 : i32 to index
        %swap3A_658 = arith.constant 448 : index
        %swap3A_659 = tpu.vector_load %arg8[%swap3A_657, %swap3A_658] {strides = array<i32>} : memref<32x512xf32, #tpu.memory_space<vmem>>, vector<16xf32>,
        tpu.vector_store %arg8[%swap3A_657, %swap3A_658], %add3A_656 {strides = array<i32>} : memref<32x512xf32, #tpu.memory_space<vmem>>, vector<16xf32>,
        %get3A_660 = arith.index_cast %scan3A_339 : i32 to index
        %get3A_661 = arith.constant 464 : index
        %get3A_662 = tpu.vector_load %arg8[%get3A_660, %get3A_661] {strides = array<i32>} : memref<32x512xf32, #tpu.memory_space<vmem>>, vector<16xf32>,
        %mul3A_663 = arith.mulf %get3A_662, %gather3A : vector<16xf32>
        %get3A_664 = arith.index_cast %scan3A_340 : i32 to index
        %get3A_665 = arith.constant 464 : index
        %get3A_666 = tpu.vector_load %arg6[%get3A_664, %get3A_665] {strides = array<i32>} : memref<50x512xf32, #tpu.memory_space<vmem>>, vector<16xf32>,
        %add3A_667 = arith.addf %mul3A_663, %get3A_666 : vector<16xf32>
        %swap3A_668 = arith.index_cast %scan3A_339 : i32 to index
        %swap3A_669 = arith.constant 464 : index
        %swap3A_670 = tpu.vector_load %arg8[%swap3A_668, %swap3A_669] {strides = array<i32>} : memref<32x512xf32, #tpu.memory_space<vmem>>, vector<16xf32>,
        tpu.vector_store %arg8[%swap3A_668, %swap3A_669], %add3A_667 {strides = array<i32>} : memref<32x512xf32, #tpu.memory_space<vmem>>, vector<16xf32>,
        %get3A_671 = arith.index_cast %scan3A_339 : i32 to index
        %get3A_672 = arith.constant 480 : index
        %get3A_673 = tpu.vector_load %arg8[%get3A_671, %get3A_672] {strides = array<i32>} : memref<32x512xf32, #tpu.memory_space<vmem>>, vector<16xf32>,
        %mul3A_674 = arith.mulf %get3A_673, %gather3A : vector<16xf32>
        %get3A_675 = arith.index_cast %scan3A_340 : i32 to index
        %get3A_676 = arith.constant 480 : index
        %get3A_677 = tpu.vector_load %arg6[%get3A_675, %get3A_676] {strides = array<i32>} : memref<50x512xf32, #tpu.memory_space<vmem>>, vector<16xf32>,
        %add3A_678 = arith.addf %mul3A_674, %get3A_677 : vector<16xf32>
        %swap3A_679 = arith.index_cast %scan3A_339 : i32 to index
        %swap3A_680 = arith.constant 480 : index
        %swap3A_681 = tpu.vector_load %arg8[%swap3A_679, %swap3A_680] {strides = array<i32>} : memref<32x512xf32, #tpu.memory_space<vmem>>, vector<16xf32>,
        tpu.vector_store %arg8[%swap3A_679, %swap3A_680], %add3A_678 {strides = array<i32>} : memref<32x512xf32, #tpu.memory_space<vmem>>, vector<16xf32>,
        %get3A_682 = arith.index_cast %scan3A_339 : i32 to index
        %get3A_683 = arith.constant 496 : index
        %get3A_684 = tpu.vector_load %arg8[%get3A_682, %get3A_683] {strides = array<i32>} : memref<32x512xf32, #tpu.memory_space<vmem>>, vector<16xf32>,
        %mul3A_685 = arith.mulf %get3A_684, %gather3A : vector<16xf32>
        %get3A_686 = arith.index_cast %scan3A_340 : i32 to index
        %get3A_687 = arith.constant 496 : index
        %get3A_688 = tpu.vector_load %arg6[%get3A_686, %get3A_687] {strides = array<i32>} : memref<50x512xf32, #tpu.memory_space<vmem>>, vector<16xf32>,
        %add3A_689 = arith.addf %mul3A_685, %get3A_688 : vector<16xf32>
        %swap3A_690 = arith.index_cast %scan3A_339 : i32 to index
        %swap3A_691 = arith.constant 496 : index
        %swap3A_692 = tpu.vector_load %arg8[%swap3A_690, %swap3A_691] {strides = array<i32>} : memref<32x512xf32, #tpu.memory_space<vmem>>, vector<16xf32>,
        tpu.vector_store %arg8[%swap3A_690, %swap3A_691], %add3A_689 {strides = array<i32>} : memref<32x512xf32, #tpu.memory_space<vmem>>, vector<16xf32>,
        %add3A_693 = arith.constant 1 : i32
        %add3A_694 = arith.addi %scan3A_340, %add3A_693 : i32
        %eq3A = arith.constant 50 : i32
        %eq3A_695 = arith.cmpi eq, %add3A_694, %eq3A : i32
        %jit3A = arith.constant 0 : i32
        %select_n3A = arith.select %eq3A_695, %jit3A, %add3A_694 : i32
        scf.yield %select_n3A : i32
      }
      %scan3A_83 = arith.constant 32 : i32
      %mul3A_84 = arith.constant 32 : i32
      %mul3A_85 = arith.muli %add3A_38, %mul3A_84 : i32
      %add3A_86 = arith.addi %mul3A_2, %mul3A_85 : i32
      %dma_start3A_87 = arith.constant 0 : i32
      %dma_start3A_88 = tpu.memref_slice %arg5[%add3A_86, %dma_start3A_87] : memref<51200x512xf32, #tpu.memory_space<hbm>> -> memref<32x512xf32, #tpu.memory_space<hbm>>
      %dma_start3A_89 = arith.constant 0 : i32
      %dma_start3A_90 = tpu.memref_slice %arg5[%add3A_86, %dma_start3A_89] : memref<51200x512xf32, #tpu.memory_space<hbm>> -> memref<32x512xf32, #tpu.memory_space<hbm>>
      tpu.enqueue_dma source(%arg8 : memref<32x512xf32, #tpu.memory_space<vmem>>) target(%dma_start3A_90 : memref<32x512xf32, #tpu.memory_space<hbm>>) target_semaphore(%arg19 : memref<!tpu.dma_semaphore, #tpu.memory_space<semaphore_mem>>)
      %add3A_91 = arith.constant 1 : i32
      %add3A_92 = arith.addi %mul3A_36, %add3A_91 : i32
      %ge3A_93 = arith.constant 3 : i32
      %ge3A_94 = arith.cmpi sge, %add3A_92, %ge3A_93 : i32
      %convert_element_type3A_95 = arith.extui %ge3A_94 : i1 to i32
      %cond3A_96 = arith.constant 0 : i32
      %cond3A_97 = arith.cmpi ne, %convert_element_type3A_95, %cond3A_96 : i32
      scf.if %cond3A_97 {
        %sub3A = arith.constant 3 : i32
        %sub3A_339 = arith.subi %add3A_92, %sub3A : i32
        %mul3A_340 = arith.constant 32 : i32
        %mul3A_341 = arith.muli %sub3A_339, %mul3A_340 : i32
        %add3A_342 = arith.addi %mul3A_2, %mul3A_341 : i32
        %dma_wait3A_343 = arith.constant 0 : i32
        %dma_wait3A_344 = tpu.memref_slice %arg5[%add3A_342, %dma_wait3A_343] : memref<51200x512xf32, #tpu.memory_space<hbm>> -> memref<32x512xf32, #tpu.memory_space<hbm>>
        %dma_wait3A_345 = arith.constant 0 : i32
        %dma_wait3A_346 = tpu.memref_slice %arg5[%add3A_342, %dma_wait3A_345] : memref<51200x512xf32, #tpu.memory_space<hbm>> -> memref<32x512xf32, #tpu.memory_space<hbm>>
        tpu.wait_dma2 semaphore(%arg22 : memref<!tpu.dma_semaphore, #tpu.memory_space<semaphore_mem>>) src(%arg11 : memref<32x512xf32, #tpu.memory_space<vmem>>) dst(%dma_wait3A_346 : memref<32x512xf32, #tpu.memory_space<hbm>>)
      } else {
      }
      %add3A_98 = arith.constant 2 : i32
      %add3A_99 = arith.addi %add3A_92, %add3A_98 : i32
      %lt3A_100 = arith.constant 50 : i32
      %lt3A_101 = arith.cmpi slt, %add3A_99, %lt3A_100 : i32
      %convert_element_type3A_102 = arith.extui %lt3A_101 : i1 to i32
      %cond3A_103 = arith.constant 0 : i32
      %cond3A_104 = arith.cmpi ne, %convert_element_type3A_102, %cond3A_103 : i32
      scf.if %cond3A_104 {
        %add3A_339 = arith.constant 2 : i32
        %add3A_340 = arith.addi %add3A_92, %add3A_339 : i32
        %mul3A_341 = arith.constant 32 : i32
        %mul3A_342 = arith.muli %add3A_340, %mul3A_341 : i32
        %dma_start3A_343 = tpu.memref_slice %arg7[%mul3A_342] : memref<1600xi32, #tpu.memory_space<vmem>> -> memref<32xi32, #tpu.memory_space<vmem>>
        %dma_start3A_344 = arith.constant 0 : i32
        %dma_start3A_345 = arith.constant 0 : i32
        %dma_start3A_346 = tpu.memref_slice %arg3[%dma_start3A_344, %dma_start3A_345] : memref<100000x512xf32, #tpu.memory_space<hbm>> -> memref<100000x512xf32, #tpu.memory_space<hbm>>
        tpu.enqueue_indirect_dma source(%dma_start3A_346 : memref<100000x512xf32, #tpu.memory_space<hbm>>) target(%arg11 : memref<32x512xf32, #tpu.memory_space<vmem>>) offsets(%dma_start3A_343 : memref<32xi32, #tpu.memory_space<vmem>>) semaphore(%arg17 : memref<!tpu.dma_semaphore, #tpu.memory_space<semaphore_mem>>)
      } else {
      }
      %mul3A_105 = arith.constant 32 : i32
      %mul3A_106 = arith.muli %add3A_92, %mul3A_105 : i32
      %dma_wait3A_107 = tpu.memref_slice %arg7[%mul3A_106] : memref<1600xi32, #tpu.memory_space<vmem>> -> memref<32xi32, #tpu.memory_space<vmem>>
      %dma_wait3A_108 = arith.constant 0 : i32
      %dma_wait3A_109 = arith.constant 0 : i32
      %dma_wait3A_110 = tpu.memref_slice %arg3[%dma_wait3A_108, %dma_wait3A_109] : memref<100000x512xf32, #tpu.memory_space<hbm>> -> memref<100000x512xf32, #tpu.memory_space<hbm>>
      tpu.wait_indirect_dma semaphore(%arg15 : memref<!tpu.dma_semaphore, #tpu.memory_space<semaphore_mem>>) src(%dma_wait3A_110 : memref<100000x512xf32, #tpu.memory_space<hbm>>) dst(%arg9 : memref<32x512xf32, #tpu.memory_space<vmem>>)
      %mul3A_111 = arith.constant 32 : i32
      %mul3A_112 = arith.muli %add3A_92, %mul3A_111 : i32
      %add3A_113 = arith.constant 0 : i32
      %add3A_114 = arith.addi %mul3A_112, %add3A_113 : i32
      %get3A_115 = arith.index_cast %add3A_114 : i32 to index
      %get3A_116 = tpu.vector_load %arg7[%get3A_115] {strides = array<i32>} : memref<1600xi32, #tpu.memory_space<vmem>>, vector<16xi32>,
      %min3A_117 = arith.constant 1 : i32
      %min3A_118 = vector.broadcast %min3A_117 : i32 to vector<16xi32>
      %min3A_119 = arith.minsi %get3A_116, %min3A_118 : vector<16xi32>
      %convert_element_type3A_120 = arith.sitofp %min3A_119 : vector<16xi32> to vector<16xf32>
      %swap3A_121 = arith.constant 0 : index
      %swap3A_122 = tpu.vector_load %arg13[%swap3A_121] {strides = array<i32>} : memref<32xf32, #tpu.memory_space<vmem>>, vector<16xf32>,
      tpu.vector_store %arg13[%swap3A_121], %convert_element_type3A_120 {strides = array<i32>} : memref<32xf32, #tpu.memory_space<vmem>>, vector<16xf32>,
      %mul3A_123 = arith.constant 32 : i32
      %mul3A_124 = arith.muli %add3A_92, %mul3A_123 : i32
      %add3A_125 = arith.constant 16 : i32
      %add3A_126 = arith.addi %mul3A_124, %add3A_125 : i32
      %get3A_127 = arith.index_cast %add3A_126 : i32 to index
      %get3A_128 = tpu.vector_load %arg7[%get3A_127] {strides = array<i32>} : memref<1600xi32, #tpu.memory_space<vmem>>, vector<16xi32>,
      %min3A_129 = arith.constant 1 : i32
      %min3A_130 = vector.broadcast %min3A_129 : i32 to vector<16xi32>
      %min3A_131 = arith.minsi %get3A_128, %min3A_130 : vector<16xi32>
      %convert_element_type3A_132 = arith.sitofp %min3A_131 : vector<16xi32> to vector<16xf32>
      %swap3A_133 = arith.constant 16 : index
      %swap3A_134 = tpu.vector_load %arg13[%swap3A_133] {strides = array<i32>} : memref<32xf32, #tpu.memory_space<vmem>>, vector<16xf32>,
      tpu.vector_store %arg13[%swap3A_133], %convert_element_type3A_132 {strides = array<i32>} : memref<32xf32, #tpu.memory_space<vmem>>, vector<16xf32>,
      %mul3A_135 = arith.constant 32 : i32
      %mul3A_136 = arith.muli %add3A_92, %mul3A_135 : i32
      %add3A_137 = arith.addi %mul3A_2, %mul3A_136 : i32
      %rem3A_138 = arith.constant 50 : i32
      %rem3A_139 = arith.remsi %add3A_137, %rem3A_138 : i32
      %scan3A_140 = arith.constant 0 : i32
      %scan3A_141 = arith.constant 32 : i32
      %scan3A_142 = arith.addi %scan3A_140, %scan3A_141 : i32
      %scan3A_143 = arith.constant 1 : i32
      %scan3A_144 = scf.for %scan3A_339 = %scan3A_140 to %scan3A_142 step %scan3A_143 iter_args(%scan3A_340 = %rem3A_139) -> (i32)  : i32 {
        %broadcast_in_dim3A = vector.broadcast %scan3A_339 : i32 to vector<16xi32>
        %gather3A = tpu.vector_load_idx %arg13[%broadcast_in_dim3A] : memref<32xf32, #tpu.memory_space<vmem>>[vector<16xi32>], vector<16xf32>,
        %get3A_341 = arith.index_cast %scan3A_339 : i32 to index
        %get3A_342 = arith.constant 0 : index
        %get3A_343 = tpu.vector_load %arg9[%get3A_341, %get3A_342] {strides = array<i32>} : memref<32x512xf32, #tpu.memory_space<vmem>>, vector<16xf32>,
        %mul3A_344 = arith.mulf %get3A_343, %gather3A : vector<16xf32>
        %get3A_345 = arith.index_cast %scan3A_340 : i32 to index
        %get3A_346 = arith.constant 0 : index
        %get3A_347 = tpu.vector_load %arg6[%get3A_345, %get3A_346] {strides = array<i32>} : memref<50x512xf32, #tpu.memory_space<vmem>>, vector<16xf32>,
        %add3A_348 = arith.addf %mul3A_344, %get3A_347 : vector<16xf32>
        %swap3A_349 = arith.index_cast %scan3A_339 : i32 to index
        %swap3A_350 = arith.constant 0 : index
        %swap3A_351 = tpu.vector_load %arg9[%swap3A_349, %swap3A_350] {strides = array<i32>} : memref<32x512xf32, #tpu.memory_space<vmem>>, vector<16xf32>,
        tpu.vector_store %arg9[%swap3A_349, %swap3A_350], %add3A_348 {strides = array<i32>} : memref<32x512xf32, #tpu.memory_space<vmem>>, vector<16xf32>,
        %get3A_352 = arith.index_cast %scan3A_339 : i32 to index
        %get3A_353 = arith.constant 16 : index
        %get3A_354 = tpu.vector_load %arg9[%get3A_352, %get3A_353] {strides = array<i32>} : memref<32x512xf32, #tpu.memory_space<vmem>>, vector<16xf32>,
        %mul3A_355 = arith.mulf %get3A_354, %gather3A : vector<16xf32>
        %get3A_356 = arith.index_cast %scan3A_340 : i32 to index
        %get3A_357 = arith.constant 16 : index
        %get3A_358 = tpu.vector_load %arg6[%get3A_356, %get3A_357] {strides = array<i32>} : memref<50x512xf32, #tpu.memory_space<vmem>>, vector<16xf32>,
        %add3A_359 = arith.addf %mul3A_355, %get3A_358 : vector<16xf32>
        %swap3A_360 = arith.index_cast %scan3A_339 : i32 to index
        %swap3A_361 = arith.constant 16 : index
        %swap3A_362 = tpu.vector_load %arg9[%swap3A_360, %swap3A_361] {strides = array<i32>} : memref<32x512xf32, #tpu.memory_space<vmem>>, vector<16xf32>,
        tpu.vector_store %arg9[%swap3A_360, %swap3A_361], %add3A_359 {strides = array<i32>} : memref<32x512xf32, #tpu.memory_space<vmem>>, vector<16xf32>,
        %get3A_363 = arith.index_cast %scan3A_339 : i32 to index
        %get3A_364 = arith.constant 32 : index
        %get3A_365 = tpu.vector_load %arg9[%get3A_363, %get3A_364] {strides = array<i32>} : memref<32x512xf32, #tpu.memory_space<vmem>>, vector<16xf32>,
        %mul3A_366 = arith.mulf %get3A_365, %gather3A : vector<16xf32>
        %get3A_367 = arith.index_cast %scan3A_340 : i32 to index
        %get3A_368 = arith.constant 32 : index
        %get3A_369 = tpu.vector_load %arg6[%get3A_367, %get3A_368] {strides = array<i32>} : memref<50x512xf32, #tpu.memory_space<vmem>>, vector<16xf32>,
        %add3A_370 = arith.addf %mul3A_366, %get3A_369 : vector<16xf32>
        %swap3A_371 = arith.index_cast %scan3A_339 : i32 to index
        %swap3A_372 = arith.constant 32 : index
        %swap3A_373 = tpu.vector_load %arg9[%swap3A_371, %swap3A_372] {strides = array<i32>} : memref<32x512xf32, #tpu.memory_space<vmem>>, vector<16xf32>,
        tpu.vector_store %arg9[%swap3A_371, %swap3A_372], %add3A_370 {strides = array<i32>} : memref<32x512xf32, #tpu.memory_space<vmem>>, vector<16xf32>,
        %get3A_374 = arith.index_cast %scan3A_339 : i32 to index
        %get3A_375 = arith.constant 48 : index
        %get3A_376 = tpu.vector_load %arg9[%get3A_374, %get3A_375] {strides = array<i32>} : memref<32x512xf32, #tpu.memory_space<vmem>>, vector<16xf32>,
        %mul3A_377 = arith.mulf %get3A_376, %gather3A : vector<16xf32>
        %get3A_378 = arith.index_cast %scan3A_340 : i32 to index
        %get3A_379 = arith.constant 48 : index
        %get3A_380 = tpu.vector_load %arg6[%get3A_378, %get3A_379] {strides = array<i32>} : memref<50x512xf32, #tpu.memory_space<vmem>>, vector<16xf32>,
        %add3A_381 = arith.addf %mul3A_377, %get3A_380 : vector<16xf32>
        %swap3A_382 = arith.index_cast %scan3A_339 : i32 to index
        %swap3A_383 = arith.constant 48 : index
        %swap3A_384 = tpu.vector_load %arg9[%swap3A_382, %swap3A_383] {strides = array<i32>} : memref<32x512xf32, #tpu.memory_space<vmem>>, vector<16xf32>,
        tpu.vector_store %arg9[%swap3A_382, %swap3A_383], %add3A_381 {strides = array<i32>} : memref<32x512xf32, #tpu.memory_space<vmem>>, vector<16xf32>,
        %get3A_385 = arith.index_cast %scan3A_339 : i32 to index
        %get3A_386 = arith.constant 64 : index
        %get3A_387 = tpu.vector_load %arg9[%get3A_385, %get3A_386] {strides = array<i32>} : memref<32x512xf32, #tpu.memory_space<vmem>>, vector<16xf32>,
        %mul3A_388 = arith.mulf %get3A_387, %gather3A : vector<16xf32>
        %get3A_389 = arith.index_cast %scan3A_340 : i32 to index
        %get3A_390 = arith.constant 64 : index
        %get3A_391 = tpu.vector_load %arg6[%get3A_389, %get3A_390] {strides = array<i32>} : memref<50x512xf32, #tpu.memory_space<vmem>>, vector<16xf32>,
        %add3A_392 = arith.addf %mul3A_388, %get3A_391 : vector<16xf32>
        %swap3A_393 = arith.index_cast %scan3A_339 : i32 to index
        %swap3A_394 = arith.constant 64 : index
        %swap3A_395 = tpu.vector_load %arg9[%swap3A_393, %swap3A_394] {strides = array<i32>} : memref<32x512xf32, #tpu.memory_space<vmem>>, vector<16xf32>,
        tpu.vector_store %arg9[%swap3A_393, %swap3A_394], %add3A_392 {strides = array<i32>} : memref<32x512xf32, #tpu.memory_space<vmem>>, vector<16xf32>,
        %get3A_396 = arith.index_cast %scan3A_339 : i32 to index
        %get3A_397 = arith.constant 80 : index
        %get3A_398 = tpu.vector_load %arg9[%get3A_396, %get3A_397] {strides = array<i32>} : memref<32x512xf32, #tpu.memory_space<vmem>>, vector<16xf32>,
        %mul3A_399 = arith.mulf %get3A_398, %gather3A : vector<16xf32>
        %get3A_400 = arith.index_cast %scan3A_340 : i32 to index
        %get3A_401 = arith.constant 80 : index
        %get3A_402 = tpu.vector_load %arg6[%get3A_400, %get3A_401] {strides = array<i32>} : memref<50x512xf32, #tpu.memory_space<vmem>>, vector<16xf32>,
        %add3A_403 = arith.addf %mul3A_399, %get3A_402 : vector<16xf32>
        %swap3A_404 = arith.index_cast %scan3A_339 : i32 to index
        %swap3A_405 = arith.constant 80 : index
        %swap3A_406 = tpu.vector_load %arg9[%swap3A_404, %swap3A_405] {strides = array<i32>} : memref<32x512xf32, #tpu.memory_space<vmem>>, vector<16xf32>,
        tpu.vector_store %arg9[%swap3A_404, %swap3A_405], %add3A_403 {strides = array<i32>} : memref<32x512xf32, #tpu.memory_space<vmem>>, vector<16xf32>,
        %get3A_407 = arith.index_cast %scan3A_339 : i32 to index
        %get3A_408 = arith.constant 96 : index
        %get3A_409 = tpu.vector_load %arg9[%get3A_407, %get3A_408] {strides = array<i32>} : memref<32x512xf32, #tpu.memory_space<vmem>>, vector<16xf32>,
        %mul3A_410 = arith.mulf %get3A_409, %gather3A : vector<16xf32>
        %get3A_411 = arith.index_cast %scan3A_340 : i32 to index
        %get3A_412 = arith.constant 96 : index
        %get3A_413 = tpu.vector_load %arg6[%get3A_411, %get3A_412] {strides = array<i32>} : memref<50x512xf32, #tpu.memory_space<vmem>>, vector<16xf32>,
        %add3A_414 = arith.addf %mul3A_410, %get3A_413 : vector<16xf32>
        %swap3A_415 = arith.index_cast %scan3A_339 : i32 to index
        %swap3A_416 = arith.constant 96 : index
        %swap3A_417 = tpu.vector_load %arg9[%swap3A_415, %swap3A_416] {strides = array<i32>} : memref<32x512xf32, #tpu.memory_space<vmem>>, vector<16xf32>,
        tpu.vector_store %arg9[%swap3A_415, %swap3A_416], %add3A_414 {strides = array<i32>} : memref<32x512xf32, #tpu.memory_space<vmem>>, vector<16xf32>,
        %get3A_418 = arith.index_cast %scan3A_339 : i32 to index
        %get3A_419 = arith.constant 112 : index
        %get3A_420 = tpu.vector_load %arg9[%get3A_418, %get3A_419] {strides = array<i32>} : memref<32x512xf32, #tpu.memory_space<vmem>>, vector<16xf32>,
        %mul3A_421 = arith.mulf %get3A_420, %gather3A : vector<16xf32>
        %get3A_422 = arith.index_cast %scan3A_340 : i32 to index
        %get3A_423 = arith.constant 112 : index
        %get3A_424 = tpu.vector_load %arg6[%get3A_422, %get3A_423] {strides = array<i32>} : memref<50x512xf32, #tpu.memory_space<vmem>>, vector<16xf32>,
        %add3A_425 = arith.addf %mul3A_421, %get3A_424 : vector<16xf32>
        %swap3A_426 = arith.index_cast %scan3A_339 : i32 to index
        %swap3A_427 = arith.constant 112 : index
        %swap3A_428 = tpu.vector_load %arg9[%swap3A_426, %swap3A_427] {strides = array<i32>} : memref<32x512xf32, #tpu.memory_space<vmem>>, vector<16xf32>,
        tpu.vector_store %arg9[%swap3A_426, %swap3A_427], %add3A_425 {strides = array<i32>} : memref<32x512xf32, #tpu.memory_space<vmem>>, vector<16xf32>,
        %get3A_429 = arith.index_cast %scan3A_339 : i32 to index
        %get3A_430 = arith.constant 128 : index
        %get3A_431 = tpu.vector_load %arg9[%get3A_429, %get3A_430] {strides = array<i32>} : memref<32x512xf32, #tpu.memory_space<vmem>>, vector<16xf32>,
        %mul3A_432 = arith.mulf %get3A_431, %gather3A : vector<16xf32>
        %get3A_433 = arith.index_cast %scan3A_340 : i32 to index
        %get3A_434 = arith.constant 128 : index
        %get3A_435 = tpu.vector_load %arg6[%get3A_433, %get3A_434] {strides = array<i32>} : memref<50x512xf32, #tpu.memory_space<vmem>>, vector<16xf32>,
        %add3A_436 = arith.addf %mul3A_432, %get3A_435 : vector<16xf32>
        %swap3A_437 = arith.index_cast %scan3A_339 : i32 to index
        %swap3A_438 = arith.constant 128 : index
        %swap3A_439 = tpu.vector_load %arg9[%swap3A_437, %swap3A_438] {strides = array<i32>} : memref<32x512xf32, #tpu.memory_space<vmem>>, vector<16xf32>,
        tpu.vector_store %arg9[%swap3A_437, %swap3A_438], %add3A_436 {strides = array<i32>} : memref<32x512xf32, #tpu.memory_space<vmem>>, vector<16xf32>,
        %get3A_440 = arith.index_cast %scan3A_339 : i32 to index
        %get3A_441 = arith.constant 144 : index
        %get3A_442 = tpu.vector_load %arg9[%get3A_440, %get3A_441] {strides = array<i32>} : memref<32x512xf32, #tpu.memory_space<vmem>>, vector<16xf32>,
        %mul3A_443 = arith.mulf %get3A_442, %gather3A : vector<16xf32>
        %get3A_444 = arith.index_cast %scan3A_340 : i32 to index
        %get3A_445 = arith.constant 144 : index
        %get3A_446 = tpu.vector_load %arg6[%get3A_444, %get3A_445] {strides = array<i32>} : memref<50x512xf32, #tpu.memory_space<vmem>>, vector<16xf32>,
        %add3A_447 = arith.addf %mul3A_443, %get3A_446 : vector<16xf32>
        %swap3A_448 = arith.index_cast %scan3A_339 : i32 to index
        %swap3A_449 = arith.constant 144 : index
        %swap3A_450 = tpu.vector_load %arg9[%swap3A_448, %swap3A_449] {strides = array<i32>} : memref<32x512xf32, #tpu.memory_space<vmem>>, vector<16xf32>,
        tpu.vector_store %arg9[%swap3A_448, %swap3A_449], %add3A_447 {strides = array<i32>} : memref<32x512xf32, #tpu.memory_space<vmem>>, vector<16xf32>,
        %get3A_451 = arith.index_cast %scan3A_339 : i32 to index
        %get3A_452 = arith.constant 160 : index
        %get3A_453 = tpu.vector_load %arg9[%get3A_451, %get3A_452] {strides = array<i32>} : memref<32x512xf32, #tpu.memory_space<vmem>>, vector<16xf32>,
        %mul3A_454 = arith.mulf %get3A_453, %gather3A : vector<16xf32>
        %get3A_455 = arith.index_cast %scan3A_340 : i32 to index
        %get3A_456 = arith.constant 160 : index
        %get3A_457 = tpu.vector_load %arg6[%get3A_455, %get3A_456] {strides = array<i32>} : memref<50x512xf32, #tpu.memory_space<vmem>>, vector<16xf32>,
        %add3A_458 = arith.addf %mul3A_454, %get3A_457 : vector<16xf32>
        %swap3A_459 = arith.index_cast %scan3A_339 : i32 to index
        %swap3A_460 = arith.constant 160 : index
        %swap3A_461 = tpu.vector_load %arg9[%swap3A_459, %swap3A_460] {strides = array<i32>} : memref<32x512xf32, #tpu.memory_space<vmem>>, vector<16xf32>,
        tpu.vector_store %arg9[%swap3A_459, %swap3A_460], %add3A_458 {strides = array<i32>} : memref<32x512xf32, #tpu.memory_space<vmem>>, vector<16xf32>,
        %get3A_462 = arith.index_cast %scan3A_339 : i32 to index
        %get3A_463 = arith.constant 176 : index
        %get3A_464 = tpu.vector_load %arg9[%get3A_462, %get3A_463] {strides = array<i32>} : memref<32x512xf32, #tpu.memory_space<vmem>>, vector<16xf32>,
        %mul3A_465 = arith.mulf %get3A_464, %gather3A : vector<16xf32>
        %get3A_466 = arith.index_cast %scan3A_340 : i32 to index
        %get3A_467 = arith.constant 176 : index
        %get3A_468 = tpu.vector_load %arg6[%get3A_466, %get3A_467] {strides = array<i32>} : memref<50x512xf32, #tpu.memory_space<vmem>>, vector<16xf32>,
        %add3A_469 = arith.addf %mul3A_465, %get3A_468 : vector<16xf32>
        %swap3A_470 = arith.index_cast %scan3A_339 : i32 to index
        %swap3A_471 = arith.constant 176 : index
        %swap3A_472 = tpu.vector_load %arg9[%swap3A_470, %swap3A_471] {strides = array<i32>} : memref<32x512xf32, #tpu.memory_space<vmem>>, vector<16xf32>,
        tpu.vector_store %arg9[%swap3A_470, %swap3A_471], %add3A_469 {strides = array<i32>} : memref<32x512xf32, #tpu.memory_space<vmem>>, vector<16xf32>,
        %get3A_473 = arith.index_cast %scan3A_339 : i32 to index
        %get3A_474 = arith.constant 192 : index
        %get3A_475 = tpu.vector_load %arg9[%get3A_473, %get3A_474] {strides = array<i32>} : memref<32x512xf32, #tpu.memory_space<vmem>>, vector<16xf32>,
        %mul3A_476 = arith.mulf %get3A_475, %gather3A : vector<16xf32>
        %get3A_477 = arith.index_cast %scan3A_340 : i32 to index
        %get3A_478 = arith.constant 192 : index
        %get3A_479 = tpu.vector_load %arg6[%get3A_477, %get3A_478] {strides = array<i32>} : memref<50x512xf32, #tpu.memory_space<vmem>>, vector<16xf32>,
        %add3A_480 = arith.addf %mul3A_476, %get3A_479 : vector<16xf32>
        %swap3A_481 = arith.index_cast %scan3A_339 : i32 to index
        %swap3A_482 = arith.constant 192 : index
        %swap3A_483 = tpu.vector_load %arg9[%swap3A_481, %swap3A_482] {strides = array<i32>} : memref<32x512xf32, #tpu.memory_space<vmem>>, vector<16xf32>,
        tpu.vector_store %arg9[%swap3A_481, %swap3A_482], %add3A_480 {strides = array<i32>} : memref<32x512xf32, #tpu.memory_space<vmem>>, vector<16xf32>,
        %get3A_484 = arith.index_cast %scan3A_339 : i32 to index
        %get3A_485 = arith.constant 208 : index
        %get3A_486 = tpu.vector_load %arg9[%get3A_484, %get3A_485] {strides = array<i32>} : memref<32x512xf32, #tpu.memory_space<vmem>>, vector<16xf32>,
        %mul3A_487 = arith.mulf %get3A_486, %gather3A : vector<16xf32>
        %get3A_488 = arith.index_cast %scan3A_340 : i32 to index
        %get3A_489 = arith.constant 208 : index
        %get3A_490 = tpu.vector_load %arg6[%get3A_488, %get3A_489] {strides = array<i32>} : memref<50x512xf32, #tpu.memory_space<vmem>>, vector<16xf32>,
        %add3A_491 = arith.addf %mul3A_487, %get3A_490 : vector<16xf32>
        %swap3A_492 = arith.index_cast %scan3A_339 : i32 to index
        %swap3A_493 = arith.constant 208 : index
        %swap3A_494 = tpu.vector_load %arg9[%swap3A_492, %swap3A_493] {strides = array<i32>} : memref<32x512xf32, #tpu.memory_space<vmem>>, vector<16xf32>,
        tpu.vector_store %arg9[%swap3A_492, %swap3A_493], %add3A_491 {strides = array<i32>} : memref<32x512xf32, #tpu.memory_space<vmem>>, vector<16xf32>,
        %get3A_495 = arith.index_cast %scan3A_339 : i32 to index
        %get3A_496 = arith.constant 224 : index
        %get3A_497 = tpu.vector_load %arg9[%get3A_495, %get3A_496] {strides = array<i32>} : memref<32x512xf32, #tpu.memory_space<vmem>>, vector<16xf32>,
        %mul3A_498 = arith.mulf %get3A_497, %gather3A : vector<16xf32>
        %get3A_499 = arith.index_cast %scan3A_340 : i32 to index
        %get3A_500 = arith.constant 224 : index
        %get3A_501 = tpu.vector_load %arg6[%get3A_499, %get3A_500] {strides = array<i32>} : memref<50x512xf32, #tpu.memory_space<vmem>>, vector<16xf32>,
        %add3A_502 = arith.addf %mul3A_498, %get3A_501 : vector<16xf32>
        %swap3A_503 = arith.index_cast %scan3A_339 : i32 to index
        %swap3A_504 = arith.constant 224 : index
        %swap3A_505 = tpu.vector_load %arg9[%swap3A_503, %swap3A_504] {strides = array<i32>} : memref<32x512xf32, #tpu.memory_space<vmem>>, vector<16xf32>,
        tpu.vector_store %arg9[%swap3A_503, %swap3A_504], %add3A_502 {strides = array<i32>} : memref<32x512xf32, #tpu.memory_space<vmem>>, vector<16xf32>,
        %get3A_506 = arith.index_cast %scan3A_339 : i32 to index
        %get3A_507 = arith.constant 240 : index
        %get3A_508 = tpu.vector_load %arg9[%get3A_506, %get3A_507] {strides = array<i32>} : memref<32x512xf32, #tpu.memory_space<vmem>>, vector<16xf32>,
        %mul3A_509 = arith.mulf %get3A_508, %gather3A : vector<16xf32>
        %get3A_510 = arith.index_cast %scan3A_340 : i32 to index
        %get3A_511 = arith.constant 240 : index
        %get3A_512 = tpu.vector_load %arg6[%get3A_510, %get3A_511] {strides = array<i32>} : memref<50x512xf32, #tpu.memory_space<vmem>>, vector<16xf32>,
        %add3A_513 = arith.addf %mul3A_509, %get3A_512 : vector<16xf32>
        %swap3A_514 = arith.index_cast %scan3A_339 : i32 to index
        %swap3A_515 = arith.constant 240 : index
        %swap3A_516 = tpu.vector_load %arg9[%swap3A_514, %swap3A_515] {strides = array<i32>} : memref<32x512xf32, #tpu.memory_space<vmem>>, vector<16xf32>,
        tpu.vector_store %arg9[%swap3A_514, %swap3A_515], %add3A_513 {strides = array<i32>} : memref<32x512xf32, #tpu.memory_space<vmem>>, vector<16xf32>,
        %get3A_517 = arith.index_cast %scan3A_339 : i32 to index
        %get3A_518 = arith.constant 256 : index
        %get3A_519 = tpu.vector_load %arg9[%get3A_517, %get3A_518] {strides = array<i32>} : memref<32x512xf32, #tpu.memory_space<vmem>>, vector<16xf32>,
        %mul3A_520 = arith.mulf %get3A_519, %gather3A : vector<16xf32>
        %get3A_521 = arith.index_cast %scan3A_340 : i32 to index
        %get3A_522 = arith.constant 256 : index
        %get3A_523 = tpu.vector_load %arg6[%get3A_521, %get3A_522] {strides = array<i32>} : memref<50x512xf32, #tpu.memory_space<vmem>>, vector<16xf32>,
        %add3A_524 = arith.addf %mul3A_520, %get3A_523 : vector<16xf32>
        %swap3A_525 = arith.index_cast %scan3A_339 : i32 to index
        %swap3A_526 = arith.constant 256 : index
        %swap3A_527 = tpu.vector_load %arg9[%swap3A_525, %swap3A_526] {strides = array<i32>} : memref<32x512xf32, #tpu.memory_space<vmem>>, vector<16xf32>,
        tpu.vector_store %arg9[%swap3A_525, %swap3A_526], %add3A_524 {strides = array<i32>} : memref<32x512xf32, #tpu.memory_space<vmem>>, vector<16xf32>,
        %get3A_528 = arith.index_cast %scan3A_339 : i32 to index
        %get3A_529 = arith.constant 272 : index
        %get3A_530 = tpu.vector_load %arg9[%get3A_528, %get3A_529] {strides = array<i32>} : memref<32x512xf32, #tpu.memory_space<vmem>>, vector<16xf32>,
        %mul3A_531 = arith.mulf %get3A_530, %gather3A : vector<16xf32>
        %get3A_532 = arith.index_cast %scan3A_340 : i32 to index
        %get3A_533 = arith.constant 272 : index
        %get3A_534 = tpu.vector_load %arg6[%get3A_532, %get3A_533] {strides = array<i32>} : memref<50x512xf32, #tpu.memory_space<vmem>>, vector<16xf32>,
        %add3A_535 = arith.addf %mul3A_531, %get3A_534 : vector<16xf32>
        %swap3A_536 = arith.index_cast %scan3A_339 : i32 to index
        %swap3A_537 = arith.constant 272 : index
        %swap3A_538 = tpu.vector_load %arg9[%swap3A_536, %swap3A_537] {strides = array<i32>} : memref<32x512xf32, #tpu.memory_space<vmem>>, vector<16xf32>,
        tpu.vector_store %arg9[%swap3A_536, %swap3A_537], %add3A_535 {strides = array<i32>} : memref<32x512xf32, #tpu.memory_space<vmem>>, vector<16xf32>,
        %get3A_539 = arith.index_cast %scan3A_339 : i32 to index
        %get3A_540 = arith.constant 288 : index
        %get3A_541 = tpu.vector_load %arg9[%get3A_539, %get3A_540] {strides = array<i32>} : memref<32x512xf32, #tpu.memory_space<vmem>>, vector<16xf32>,
        %mul3A_542 = arith.mulf %get3A_541, %gather3A : vector<16xf32>
        %get3A_543 = arith.index_cast %scan3A_340 : i32 to index
        %get3A_544 = arith.constant 288 : index
        %get3A_545 = tpu.vector_load %arg6[%get3A_543, %get3A_544] {strides = array<i32>} : memref<50x512xf32, #tpu.memory_space<vmem>>, vector<16xf32>,
        %add3A_546 = arith.addf %mul3A_542, %get3A_545 : vector<16xf32>
        %swap3A_547 = arith.index_cast %scan3A_339 : i32 to index
        %swap3A_548 = arith.constant 288 : index
        %swap3A_549 = tpu.vector_load %arg9[%swap3A_547, %swap3A_548] {strides = array<i32>} : memref<32x512xf32, #tpu.memory_space<vmem>>, vector<16xf32>,
        tpu.vector_store %arg9[%swap3A_547, %swap3A_548], %add3A_546 {strides = array<i32>} : memref<32x512xf32, #tpu.memory_space<vmem>>, vector<16xf32>,
        %get3A_550 = arith.index_cast %scan3A_339 : i32 to index
        %get3A_551 = arith.constant 304 : index
        %get3A_552 = tpu.vector_load %arg9[%get3A_550, %get3A_551] {strides = array<i32>} : memref<32x512xf32, #tpu.memory_space<vmem>>, vector<16xf32>,
        %mul3A_553 = arith.mulf %get3A_552, %gather3A : vector<16xf32>
        %get3A_554 = arith.index_cast %scan3A_340 : i32 to index
        %get3A_555 = arith.constant 304 : index
        %get3A_556 = tpu.vector_load %arg6[%get3A_554, %get3A_555] {strides = array<i32>} : memref<50x512xf32, #tpu.memory_space<vmem>>, vector<16xf32>,
        %add3A_557 = arith.addf %mul3A_553, %get3A_556 : vector<16xf32>
        %swap3A_558 = arith.index_cast %scan3A_339 : i32 to index
        %swap3A_559 = arith.constant 304 : index
        %swap3A_560 = tpu.vector_load %arg9[%swap3A_558, %swap3A_559] {strides = array<i32>} : memref<32x512xf32, #tpu.memory_space<vmem>>, vector<16xf32>,
        tpu.vector_store %arg9[%swap3A_558, %swap3A_559], %add3A_557 {strides = array<i32>} : memref<32x512xf32, #tpu.memory_space<vmem>>, vector<16xf32>,
        %get3A_561 = arith.index_cast %scan3A_339 : i32 to index
        %get3A_562 = arith.constant 320 : index
        %get3A_563 = tpu.vector_load %arg9[%get3A_561, %get3A_562] {strides = array<i32>} : memref<32x512xf32, #tpu.memory_space<vmem>>, vector<16xf32>,
        %mul3A_564 = arith.mulf %get3A_563, %gather3A : vector<16xf32>
        %get3A_565 = arith.index_cast %scan3A_340 : i32 to index
        %get3A_566 = arith.constant 320 : index
        %get3A_567 = tpu.vector_load %arg6[%get3A_565, %get3A_566] {strides = array<i32>} : memref<50x512xf32, #tpu.memory_space<vmem>>, vector<16xf32>,
        %add3A_568 = arith.addf %mul3A_564, %get3A_567 : vector<16xf32>
        %swap3A_569 = arith.index_cast %scan3A_339 : i32 to index
        %swap3A_570 = arith.constant 320 : index
        %swap3A_571 = tpu.vector_load %arg9[%swap3A_569, %swap3A_570] {strides = array<i32>} : memref<32x512xf32, #tpu.memory_space<vmem>>, vector<16xf32>,
        tpu.vector_store %arg9[%swap3A_569, %swap3A_570], %add3A_568 {strides = array<i32>} : memref<32x512xf32, #tpu.memory_space<vmem>>, vector<16xf32>,
        %get3A_572 = arith.index_cast %scan3A_339 : i32 to index
        %get3A_573 = arith.constant 336 : index
        %get3A_574 = tpu.vector_load %arg9[%get3A_572, %get3A_573] {strides = array<i32>} : memref<32x512xf32, #tpu.memory_space<vmem>>, vector<16xf32>,
        %mul3A_575 = arith.mulf %get3A_574, %gather3A : vector<16xf32>
        %get3A_576 = arith.index_cast %scan3A_340 : i32 to index
        %get3A_577 = arith.constant 336 : index
        %get3A_578 = tpu.vector_load %arg6[%get3A_576, %get3A_577] {strides = array<i32>} : memref<50x512xf32, #tpu.memory_space<vmem>>, vector<16xf32>,
        %add3A_579 = arith.addf %mul3A_575, %get3A_578 : vector<16xf32>
        %swap3A_580 = arith.index_cast %scan3A_339 : i32 to index
        %swap3A_581 = arith.constant 336 : index
        %swap3A_582 = tpu.vector_load %arg9[%swap3A_580, %swap3A_581] {strides = array<i32>} : memref<32x512xf32, #tpu.memory_space<vmem>>, vector<16xf32>,
        tpu.vector_store %arg9[%swap3A_580, %swap3A_581], %add3A_579 {strides = array<i32>} : memref<32x512xf32, #tpu.memory_space<vmem>>, vector<16xf32>,
        %get3A_583 = arith.index_cast %scan3A_339 : i32 to index
        %get3A_584 = arith.constant 352 : index
        %get3A_585 = tpu.vector_load %arg9[%get3A_583, %get3A_584] {strides = array<i32>} : memref<32x512xf32, #tpu.memory_space<vmem>>, vector<16xf32>,
        %mul3A_586 = arith.mulf %get3A_585, %gather3A : vector<16xf32>
        %get3A_587 = arith.index_cast %scan3A_340 : i32 to index
        %get3A_588 = arith.constant 352 : index
        %get3A_589 = tpu.vector_load %arg6[%get3A_587, %get3A_588] {strides = array<i32>} : memref<50x512xf32, #tpu.memory_space<vmem>>, vector<16xf32>,
        %add3A_590 = arith.addf %mul3A_586, %get3A_589 : vector<16xf32>
        %swap3A_591 = arith.index_cast %scan3A_339 : i32 to index
        %swap3A_592 = arith.constant 352 : index
        %swap3A_593 = tpu.vector_load %arg9[%swap3A_591, %swap3A_592] {strides = array<i32>} : memref<32x512xf32, #tpu.memory_space<vmem>>, vector<16xf32>,
        tpu.vector_store %arg9[%swap3A_591, %swap3A_592], %add3A_590 {strides = array<i32>} : memref<32x512xf32, #tpu.memory_space<vmem>>, vector<16xf32>,
        %get3A_594 = arith.index_cast %scan3A_339 : i32 to index
        %get3A_595 = arith.constant 368 : index
        %get3A_596 = tpu.vector_load %arg9[%get3A_594, %get3A_595] {strides = array<i32>} : memref<32x512xf32, #tpu.memory_space<vmem>>, vector<16xf32>,
        %mul3A_597 = arith.mulf %get3A_596, %gather3A : vector<16xf32>
        %get3A_598 = arith.index_cast %scan3A_340 : i32 to index
        %get3A_599 = arith.constant 368 : index
        %get3A_600 = tpu.vector_load %arg6[%get3A_598, %get3A_599] {strides = array<i32>} : memref<50x512xf32, #tpu.memory_space<vmem>>, vector<16xf32>,
        %add3A_601 = arith.addf %mul3A_597, %get3A_600 : vector<16xf32>
        %swap3A_602 = arith.index_cast %scan3A_339 : i32 to index
        %swap3A_603 = arith.constant 368 : index
        %swap3A_604 = tpu.vector_load %arg9[%swap3A_602, %swap3A_603] {strides = array<i32>} : memref<32x512xf32, #tpu.memory_space<vmem>>, vector<16xf32>,
        tpu.vector_store %arg9[%swap3A_602, %swap3A_603], %add3A_601 {strides = array<i32>} : memref<32x512xf32, #tpu.memory_space<vmem>>, vector<16xf32>,
        %get3A_605 = arith.index_cast %scan3A_339 : i32 to index
        %get3A_606 = arith.constant 384 : index
        %get3A_607 = tpu.vector_load %arg9[%get3A_605, %get3A_606] {strides = array<i32>} : memref<32x512xf32, #tpu.memory_space<vmem>>, vector<16xf32>,
        %mul3A_608 = arith.mulf %get3A_607, %gather3A : vector<16xf32>
        %get3A_609 = arith.index_cast %scan3A_340 : i32 to index
        %get3A_610 = arith.constant 384 : index
        %get3A_611 = tpu.vector_load %arg6[%get3A_609, %get3A_610] {strides = array<i32>} : memref<50x512xf32, #tpu.memory_space<vmem>>, vector<16xf32>,
        %add3A_612 = arith.addf %mul3A_608, %get3A_611 : vector<16xf32>
        %swap3A_613 = arith.index_cast %scan3A_339 : i32 to index
        %swap3A_614 = arith.constant 384 : index
        %swap3A_615 = tpu.vector_load %arg9[%swap3A_613, %swap3A_614] {strides = array<i32>} : memref<32x512xf32, #tpu.memory_space<vmem>>, vector<16xf32>,
        tpu.vector_store %arg9[%swap3A_613, %swap3A_614], %add3A_612 {strides = array<i32>} : memref<32x512xf32, #tpu.memory_space<vmem>>, vector<16xf32>,
        %get3A_616 = arith.index_cast %scan3A_339 : i32 to index
        %get3A_617 = arith.constant 400 : index
        %get3A_618 = tpu.vector_load %arg9[%get3A_616, %get3A_617] {strides = array<i32>} : memref<32x512xf32, #tpu.memory_space<vmem>>, vector<16xf32>,
        %mul3A_619 = arith.mulf %get3A_618, %gather3A : vector<16xf32>
        %get3A_620 = arith.index_cast %scan3A_340 : i32 to index
        %get3A_621 = arith.constant 400 : index
        %get3A_622 = tpu.vector_load %arg6[%get3A_620, %get3A_621] {strides = array<i32>} : memref<50x512xf32, #tpu.memory_space<vmem>>, vector<16xf32>,
        %add3A_623 = arith.addf %mul3A_619, %get3A_622 : vector<16xf32>
        %swap3A_624 = arith.index_cast %scan3A_339 : i32 to index
        %swap3A_625 = arith.constant 400 : index
        %swap3A_626 = tpu.vector_load %arg9[%swap3A_624, %swap3A_625] {strides = array<i32>} : memref<32x512xf32, #tpu.memory_space<vmem>>, vector<16xf32>,
        tpu.vector_store %arg9[%swap3A_624, %swap3A_625], %add3A_623 {strides = array<i32>} : memref<32x512xf32, #tpu.memory_space<vmem>>, vector<16xf32>,
        %get3A_627 = arith.index_cast %scan3A_339 : i32 to index
        %get3A_628 = arith.constant 416 : index
        %get3A_629 = tpu.vector_load %arg9[%get3A_627, %get3A_628] {strides = array<i32>} : memref<32x512xf32, #tpu.memory_space<vmem>>, vector<16xf32>,
        %mul3A_630 = arith.mulf %get3A_629, %gather3A : vector<16xf32>
        %get3A_631 = arith.index_cast %scan3A_340 : i32 to index
        %get3A_632 = arith.constant 416 : index
        %get3A_633 = tpu.vector_load %arg6[%get3A_631, %get3A_632] {strides = array<i32>} : memref<50x512xf32, #tpu.memory_space<vmem>>, vector<16xf32>,
        %add3A_634 = arith.addf %mul3A_630, %get3A_633 : vector<16xf32>
        %swap3A_635 = arith.index_cast %scan3A_339 : i32 to index
        %swap3A_636 = arith.constant 416 : index
        %swap3A_637 = tpu.vector_load %arg9[%swap3A_635, %swap3A_636] {strides = array<i32>} : memref<32x512xf32, #tpu.memory_space<vmem>>, vector<16xf32>,
        tpu.vector_store %arg9[%swap3A_635, %swap3A_636], %add3A_634 {strides = array<i32>} : memref<32x512xf32, #tpu.memory_space<vmem>>, vector<16xf32>,
        %get3A_638 = arith.index_cast %scan3A_339 : i32 to index
        %get3A_639 = arith.constant 432 : index
        %get3A_640 = tpu.vector_load %arg9[%get3A_638, %get3A_639] {strides = array<i32>} : memref<32x512xf32, #tpu.memory_space<vmem>>, vector<16xf32>,
        %mul3A_641 = arith.mulf %get3A_640, %gather3A : vector<16xf32>
        %get3A_642 = arith.index_cast %scan3A_340 : i32 to index
        %get3A_643 = arith.constant 432 : index
        %get3A_644 = tpu.vector_load %arg6[%get3A_642, %get3A_643] {strides = array<i32>} : memref<50x512xf32, #tpu.memory_space<vmem>>, vector<16xf32>,
        %add3A_645 = arith.addf %mul3A_641, %get3A_644 : vector<16xf32>
        %swap3A_646 = arith.index_cast %scan3A_339 : i32 to index
        %swap3A_647 = arith.constant 432 : index
        %swap3A_648 = tpu.vector_load %arg9[%swap3A_646, %swap3A_647] {strides = array<i32>} : memref<32x512xf32, #tpu.memory_space<vmem>>, vector<16xf32>,
        tpu.vector_store %arg9[%swap3A_646, %swap3A_647], %add3A_645 {strides = array<i32>} : memref<32x512xf32, #tpu.memory_space<vmem>>, vector<16xf32>,
        %get3A_649 = arith.index_cast %scan3A_339 : i32 to index
        %get3A_650 = arith.constant 448 : index
        %get3A_651 = tpu.vector_load %arg9[%get3A_649, %get3A_650] {strides = array<i32>} : memref<32x512xf32, #tpu.memory_space<vmem>>, vector<16xf32>,
        %mul3A_652 = arith.mulf %get3A_651, %gather3A : vector<16xf32>
        %get3A_653 = arith.index_cast %scan3A_340 : i32 to index
        %get3A_654 = arith.constant 448 : index
        %get3A_655 = tpu.vector_load %arg6[%get3A_653, %get3A_654] {strides = array<i32>} : memref<50x512xf32, #tpu.memory_space<vmem>>, vector<16xf32>,
        %add3A_656 = arith.addf %mul3A_652, %get3A_655 : vector<16xf32>
        %swap3A_657 = arith.index_cast %scan3A_339 : i32 to index
        %swap3A_658 = arith.constant 448 : index
        %swap3A_659 = tpu.vector_load %arg9[%swap3A_657, %swap3A_658] {strides = array<i32>} : memref<32x512xf32, #tpu.memory_space<vmem>>, vector<16xf32>,
        tpu.vector_store %arg9[%swap3A_657, %swap3A_658], %add3A_656 {strides = array<i32>} : memref<32x512xf32, #tpu.memory_space<vmem>>, vector<16xf32>,
        %get3A_660 = arith.index_cast %scan3A_339 : i32 to index
        %get3A_661 = arith.constant 464 : index
        %get3A_662 = tpu.vector_load %arg9[%get3A_660, %get3A_661] {strides = array<i32>} : memref<32x512xf32, #tpu.memory_space<vmem>>, vector<16xf32>,
        %mul3A_663 = arith.mulf %get3A_662, %gather3A : vector<16xf32>
        %get3A_664 = arith.index_cast %scan3A_340 : i32 to index
        %get3A_665 = arith.constant 464 : index
        %get3A_666 = tpu.vector_load %arg6[%get3A_664, %get3A_665] {strides = array<i32>} : memref<50x512xf32, #tpu.memory_space<vmem>>, vector<16xf32>,
        %add3A_667 = arith.addf %mul3A_663, %get3A_666 : vector<16xf32>
        %swap3A_668 = arith.index_cast %scan3A_339 : i32 to index
        %swap3A_669 = arith.constant 464 : index
        %swap3A_670 = tpu.vector_load %arg9[%swap3A_668, %swap3A_669] {strides = array<i32>} : memref<32x512xf32, #tpu.memory_space<vmem>>, vector<16xf32>,
        tpu.vector_store %arg9[%swap3A_668, %swap3A_669], %add3A_667 {strides = array<i32>} : memref<32x512xf32, #tpu.memory_space<vmem>>, vector<16xf32>,
        %get3A_671 = arith.index_cast %scan3A_339 : i32 to index
        %get3A_672 = arith.constant 480 : index
        %get3A_673 = tpu.vector_load %arg9[%get3A_671, %get3A_672] {strides = array<i32>} : memref<32x512xf32, #tpu.memory_space<vmem>>, vector<16xf32>,
        %mul3A_674 = arith.mulf %get3A_673, %gather3A : vector<16xf32>
        %get3A_675 = arith.index_cast %scan3A_340 : i32 to index
        %get3A_676 = arith.constant 480 : index
        %get3A_677 = tpu.vector_load %arg6[%get3A_675, %get3A_676] {strides = array<i32>} : memref<50x512xf32, #tpu.memory_space<vmem>>, vector<16xf32>,
        %add3A_678 = arith.addf %mul3A_674, %get3A_677 : vector<16xf32>
        %swap3A_679 = arith.index_cast %scan3A_339 : i32 to index
        %swap3A_680 = arith.constant 480 : index
        %swap3A_681 = tpu.vector_load %arg9[%swap3A_679, %swap3A_680] {strides = array<i32>} : memref<32x512xf32, #tpu.memory_space<vmem>>, vector<16xf32>,
        tpu.vector_store %arg9[%swap3A_679, %swap3A_680], %add3A_678 {strides = array<i32>} : memref<32x512xf32, #tpu.memory_space<vmem>>, vector<16xf32>,
        %get3A_682 = arith.index_cast %scan3A_339 : i32 to index
        %get3A_683 = arith.constant 496 : index
        %get3A_684 = tpu.vector_load %arg9[%get3A_682, %get3A_683] {strides = array<i32>} : memref<32x512xf32, #tpu.memory_space<vmem>>, vector<16xf32>,
        %mul3A_685 = arith.mulf %get3A_684, %gather3A : vector<16xf32>
        %get3A_686 = arith.index_cast %scan3A_340 : i32 to index
        %get3A_687 = arith.constant 496 : index
        %get3A_688 = tpu.vector_load %arg6[%get3A_686, %get3A_687] {strides = array<i32>} : memref<50x512xf32, #tpu.memory_space<vmem>>, vector<16xf32>,
        %add3A_689 = arith.addf %mul3A_685, %get3A_688 : vector<16xf32>
        %swap3A_690 = arith.index_cast %scan3A_339 : i32 to index
        %swap3A_691 = arith.constant 496 : index
        %swap3A_692 = tpu.vector_load %arg9[%swap3A_690, %swap3A_691] {strides = array<i32>} : memref<32x512xf32, #tpu.memory_space<vmem>>, vector<16xf32>,
        tpu.vector_store %arg9[%swap3A_690, %swap3A_691], %add3A_689 {strides = array<i32>} : memref<32x512xf32, #tpu.memory_space<vmem>>, vector<16xf32>,
        %add3A_693 = arith.constant 1 : i32
        %add3A_694 = arith.addi %scan3A_340, %add3A_693 : i32
        %eq3A = arith.constant 50 : i32
        %eq3A_695 = arith.cmpi eq, %add3A_694, %eq3A : i32
        %jit3A = arith.constant 0 : i32
        %select_n3A = arith.select %eq3A_695, %jit3A, %add3A_694 : i32
        scf.yield %select_n3A : i32
      }
      %scan3A_145 = arith.constant 32 : i32
      %mul3A_146 = arith.constant 32 : i32
      %mul3A_147 = arith.muli %add3A_92, %mul3A_146 : i32
      %add3A_148 = arith.addi %mul3A_2, %mul3A_147 : i32
      %dma_start3A_149 = arith.constant 0 : i32
      %dma_start3A_150 = tpu.memref_slice %arg5[%add3A_148, %dma_start3A_149] : memref<51200x512xf32, #tpu.memory_space<hbm>> -> memref<32x512xf32, #tpu.memory_space<hbm>>
      %dma_start3A_151 = arith.constant 0 : i32
      %dma_start3A_152 = tpu.memref_slice %arg5[%add3A_148, %dma_start3A_151] : memref<51200x512xf32, #tpu.memory_space<hbm>> -> memref<32x512xf32, #tpu.memory_space<hbm>>
      tpu.enqueue_dma source(%arg9 : memref<32x512xf32, #tpu.memory_space<vmem>>) target(%dma_start3A_152 : memref<32x512xf32, #tpu.memory_space<hbm>>) target_semaphore(%arg20 : memref<!tpu.dma_semaphore, #tpu.memory_space<semaphore_mem>>)
      %add3A_153 = arith.constant 2 : i32
      %add3A_154 = arith.addi %mul3A_36, %add3A_153 : i32
      %ge3A_155 = arith.constant 3 : i32
      %ge3A_156 = arith.cmpi sge, %add3A_154, %ge3A_155 : i32
      %convert_element_type3A_157 = arith.extui %ge3A_156 : i1 to i32
      %cond3A_158 = arith.constant 0 : i32
      %cond3A_159 = arith.cmpi ne, %convert_element_type3A_157, %cond3A_158 : i32
      scf.if %cond3A_159 {
        %sub3A = arith.constant 3 : i32
        %sub3A_339 = arith.subi %add3A_154, %sub3A : i32
        %mul3A_340 = arith.constant 32 : i32
        %mul3A_341 = arith.muli %sub3A_339, %mul3A_340 : i32
        %add3A_342 = arith.addi %mul3A_2, %mul3A_341 : i32
        %dma_wait3A_343 = arith.constant 0 : i32
        %dma_wait3A_344 = tpu.memref_slice %arg5[%add3A_342, %dma_wait3A_343] : memref<51200x512xf32, #tpu.memory_space<hbm>> -> memref<32x512xf32, #tpu.memory_space<hbm>>
        %dma_wait3A_345 = arith.constant 0 : i32
        %dma_wait3A_346 = tpu.memref_slice %arg5[%add3A_342, %dma_wait3A_345] : memref<51200x512xf32, #tpu.memory_space<hbm>> -> memref<32x512xf32, #tpu.memory_space<hbm>>
        tpu.wait_dma2 semaphore(%arg23 : memref<!tpu.dma_semaphore, #tpu.memory_space<semaphore_mem>>) src(%arg12 : memref<32x512xf32, #tpu.memory_space<vmem>>) dst(%dma_wait3A_346 : memref<32x512xf32, #tpu.memory_space<hbm>>)
      } else {
      }
      %add3A_160 = arith.constant 2 : i32
      %add3A_161 = arith.addi %add3A_154, %add3A_160 : i32
      %lt3A_162 = arith.constant 50 : i32
      %lt3A_163 = arith.cmpi slt, %add3A_161, %lt3A_162 : i32
      %convert_element_type3A_164 = arith.extui %lt3A_163 : i1 to i32
      %cond3A_165 = arith.constant 0 : i32
      %cond3A_166 = arith.cmpi ne, %convert_element_type3A_164, %cond3A_165 : i32
      scf.if %cond3A_166 {
        %add3A_339 = arith.constant 2 : i32
        %add3A_340 = arith.addi %add3A_154, %add3A_339 : i32
        %mul3A_341 = arith.constant 32 : i32
        %mul3A_342 = arith.muli %add3A_340, %mul3A_341 : i32
        %dma_start3A_343 = tpu.memref_slice %arg7[%mul3A_342] : memref<1600xi32, #tpu.memory_space<vmem>> -> memref<32xi32, #tpu.memory_space<vmem>>
        %dma_start3A_344 = arith.constant 0 : i32
        %dma_start3A_345 = arith.constant 0 : i32
        %dma_start3A_346 = tpu.memref_slice %arg3[%dma_start3A_344, %dma_start3A_345] : memref<100000x512xf32, #tpu.memory_space<hbm>> -> memref<100000x512xf32, #tpu.memory_space<hbm>>
        tpu.enqueue_indirect_dma source(%dma_start3A_346 : memref<100000x512xf32, #tpu.memory_space<hbm>>) target(%arg12 : memref<32x512xf32, #tpu.memory_space<vmem>>) offsets(%dma_start3A_343 : memref<32xi32, #tpu.memory_space<vmem>>) semaphore(%arg18 : memref<!tpu.dma_semaphore, #tpu.memory_space<semaphore_mem>>)
      } else {
      }
      %mul3A_167 = arith.constant 32 : i32
      %mul3A_168 = arith.muli %add3A_154, %mul3A_167 : i32
      %dma_wait3A_169 = tpu.memref_slice %arg7[%mul3A_168] : memref<1600xi32, #tpu.memory_space<vmem>> -> memref<32xi32, #tpu.memory_space<vmem>>
      %dma_wait3A_170 = arith.constant 0 : i32
      %dma_wait3A_171 = arith.constant 0 : i32
      %dma_wait3A_172 = tpu.memref_slice %arg3[%dma_wait3A_170, %dma_wait3A_171] : memref<100000x512xf32, #tpu.memory_space<hbm>> -> memref<100000x512xf32, #tpu.memory_space<hbm>>
      tpu.wait_indirect_dma semaphore(%arg16 : memref<!tpu.dma_semaphore, #tpu.memory_space<semaphore_mem>>) src(%dma_wait3A_172 : memref<100000x512xf32, #tpu.memory_space<hbm>>) dst(%arg10 : memref<32x512xf32, #tpu.memory_space<vmem>>)
      %mul3A_173 = arith.constant 32 : i32
      %mul3A_174 = arith.muli %add3A_154, %mul3A_173 : i32
      %add3A_175 = arith.constant 0 : i32
      %add3A_176 = arith.addi %mul3A_174, %add3A_175 : i32
      %get3A_177 = arith.index_cast %add3A_176 : i32 to index
      %get3A_178 = tpu.vector_load %arg7[%get3A_177] {strides = array<i32>} : memref<1600xi32, #tpu.memory_space<vmem>>, vector<16xi32>,
      %min3A_179 = arith.constant 1 : i32
      %min3A_180 = vector.broadcast %min3A_179 : i32 to vector<16xi32>
      %min3A_181 = arith.minsi %get3A_178, %min3A_180 : vector<16xi32>
      %convert_element_type3A_182 = arith.sitofp %min3A_181 : vector<16xi32> to vector<16xf32>
      %swap3A_183 = arith.constant 0 : index
      %swap3A_184 = tpu.vector_load %arg13[%swap3A_183] {strides = array<i32>} : memref<32xf32, #tpu.memory_space<vmem>>, vector<16xf32>,
      tpu.vector_store %arg13[%swap3A_183], %convert_element_type3A_182 {strides = array<i32>} : memref<32xf32, #tpu.memory_space<vmem>>, vector<16xf32>,
      %mul3A_185 = arith.constant 32 : i32
      %mul3A_186 = arith.muli %add3A_154, %mul3A_185 : i32
      %add3A_187 = arith.constant 16 : i32
      %add3A_188 = arith.addi %mul3A_186, %add3A_187 : i32
      %get3A_189 = arith.index_cast %add3A_188 : i32 to index
      %get3A_190 = tpu.vector_load %arg7[%get3A_189] {strides = array<i32>} : memref<1600xi32, #tpu.memory_space<vmem>>, vector<16xi32>,
      %min3A_191 = arith.constant 1 : i32
      %min3A_192 = vector.broadcast %min3A_191 : i32 to vector<16xi32>
      %min3A_193 = arith.minsi %get3A_190, %min3A_192 : vector<16xi32>
      %convert_element_type3A_194 = arith.sitofp %min3A_193 : vector<16xi32> to vector<16xf32>
      %swap3A_195 = arith.constant 16 : index
      %swap3A_196 = tpu.vector_load %arg13[%swap3A_195] {strides = array<i32>} : memref<32xf32, #tpu.memory_space<vmem>>, vector<16xf32>,
      tpu.vector_store %arg13[%swap3A_195], %convert_element_type3A_194 {strides = array<i32>} : memref<32xf32, #tpu.memory_space<vmem>>, vector<16xf32>,
      %mul3A_197 = arith.constant 32 : i32
      %mul3A_198 = arith.muli %add3A_154, %mul3A_197 : i32
      %add3A_199 = arith.addi %mul3A_2, %mul3A_198 : i32
      %rem3A_200 = arith.constant 50 : i32
      %rem3A_201 = arith.remsi %add3A_199, %rem3A_200 : i32
      %scan3A_202 = arith.constant 0 : i32
      %scan3A_203 = arith.constant 32 : i32
      %scan3A_204 = arith.addi %scan3A_202, %scan3A_203 : i32
      %scan3A_205 = arith.constant 1 : i32
      %scan3A_206 = scf.for %scan3A_339 = %scan3A_202 to %scan3A_204 step %scan3A_205 iter_args(%scan3A_340 = %rem3A_201) -> (i32)  : i32 {
        %broadcast_in_dim3A = vector.broadcast %scan3A_339 : i32 to vector<16xi32>
        %gather3A = tpu.vector_load_idx %arg13[%broadcast_in_dim3A] : memref<32xf32, #tpu.memory_space<vmem>>[vector<16xi32>], vector<16xf32>,
        %get3A_341 = arith.index_cast %scan3A_339 : i32 to index
        %get3A_342 = arith.constant 0 : index
        %get3A_343 = tpu.vector_load %arg10[%get3A_341, %get3A_342] {strides = array<i32>} : memref<32x512xf32, #tpu.memory_space<vmem>>, vector<16xf32>,
        %mul3A_344 = arith.mulf %get3A_343, %gather3A : vector<16xf32>
        %get3A_345 = arith.index_cast %scan3A_340 : i32 to index
        %get3A_346 = arith.constant 0 : index
        %get3A_347 = tpu.vector_load %arg6[%get3A_345, %get3A_346] {strides = array<i32>} : memref<50x512xf32, #tpu.memory_space<vmem>>, vector<16xf32>,
        %add3A_348 = arith.addf %mul3A_344, %get3A_347 : vector<16xf32>
        %swap3A_349 = arith.index_cast %scan3A_339 : i32 to index
        %swap3A_350 = arith.constant 0 : index
        %swap3A_351 = tpu.vector_load %arg10[%swap3A_349, %swap3A_350] {strides = array<i32>} : memref<32x512xf32, #tpu.memory_space<vmem>>, vector<16xf32>,
        tpu.vector_store %arg10[%swap3A_349, %swap3A_350], %add3A_348 {strides = array<i32>} : memref<32x512xf32, #tpu.memory_space<vmem>>, vector<16xf32>,
        %get3A_352 = arith.index_cast %scan3A_339 : i32 to index
        %get3A_353 = arith.constant 16 : index
        %get3A_354 = tpu.vector_load %arg10[%get3A_352, %get3A_353] {strides = array<i32>} : memref<32x512xf32, #tpu.memory_space<vmem>>, vector<16xf32>,
        %mul3A_355 = arith.mulf %get3A_354, %gather3A : vector<16xf32>
        %get3A_356 = arith.index_cast %scan3A_340 : i32 to index
        %get3A_357 = arith.constant 16 : index
        %get3A_358 = tpu.vector_load %arg6[%get3A_356, %get3A_357] {strides = array<i32>} : memref<50x512xf32, #tpu.memory_space<vmem>>, vector<16xf32>,
        %add3A_359 = arith.addf %mul3A_355, %get3A_358 : vector<16xf32>
        %swap3A_360 = arith.index_cast %scan3A_339 : i32 to index
        %swap3A_361 = arith.constant 16 : index
        %swap3A_362 = tpu.vector_load %arg10[%swap3A_360, %swap3A_361] {strides = array<i32>} : memref<32x512xf32, #tpu.memory_space<vmem>>, vector<16xf32>,
        tpu.vector_store %arg10[%swap3A_360, %swap3A_361], %add3A_359 {strides = array<i32>} : memref<32x512xf32, #tpu.memory_space<vmem>>, vector<16xf32>,
        %get3A_363 = arith.index_cast %scan3A_339 : i32 to index
        %get3A_364 = arith.constant 32 : index
        %get3A_365 = tpu.vector_load %arg10[%get3A_363, %get3A_364] {strides = array<i32>} : memref<32x512xf32, #tpu.memory_space<vmem>>, vector<16xf32>,
        %mul3A_366 = arith.mulf %get3A_365, %gather3A : vector<16xf32>
        %get3A_367 = arith.index_cast %scan3A_340 : i32 to index
        %get3A_368 = arith.constant 32 : index
        %get3A_369 = tpu.vector_load %arg6[%get3A_367, %get3A_368] {strides = array<i32>} : memref<50x512xf32, #tpu.memory_space<vmem>>, vector<16xf32>,
        %add3A_370 = arith.addf %mul3A_366, %get3A_369 : vector<16xf32>
        %swap3A_371 = arith.index_cast %scan3A_339 : i32 to index
        %swap3A_372 = arith.constant 32 : index
        %swap3A_373 = tpu.vector_load %arg10[%swap3A_371, %swap3A_372] {strides = array<i32>} : memref<32x512xf32, #tpu.memory_space<vmem>>, vector<16xf32>,
        tpu.vector_store %arg10[%swap3A_371, %swap3A_372], %add3A_370 {strides = array<i32>} : memref<32x512xf32, #tpu.memory_space<vmem>>, vector<16xf32>,
        %get3A_374 = arith.index_cast %scan3A_339 : i32 to index
        %get3A_375 = arith.constant 48 : index
        %get3A_376 = tpu.vector_load %arg10[%get3A_374, %get3A_375] {strides = array<i32>} : memref<32x512xf32, #tpu.memory_space<vmem>>, vector<16xf32>,
        %mul3A_377 = arith.mulf %get3A_376, %gather3A : vector<16xf32>
        %get3A_378 = arith.index_cast %scan3A_340 : i32 to index
        %get3A_379 = arith.constant 48 : index
        %get3A_380 = tpu.vector_load %arg6[%get3A_378, %get3A_379] {strides = array<i32>} : memref<50x512xf32, #tpu.memory_space<vmem>>, vector<16xf32>,
        %add3A_381 = arith.addf %mul3A_377, %get3A_380 : vector<16xf32>
        %swap3A_382 = arith.index_cast %scan3A_339 : i32 to index
        %swap3A_383 = arith.constant 48 : index
        %swap3A_384 = tpu.vector_load %arg10[%swap3A_382, %swap3A_383] {strides = array<i32>} : memref<32x512xf32, #tpu.memory_space<vmem>>, vector<16xf32>,
        tpu.vector_store %arg10[%swap3A_382, %swap3A_383], %add3A_381 {strides = array<i32>} : memref<32x512xf32, #tpu.memory_space<vmem>>, vector<16xf32>,
        %get3A_385 = arith.index_cast %scan3A_339 : i32 to index
        %get3A_386 = arith.constant 64 : index
        %get3A_387 = tpu.vector_load %arg10[%get3A_385, %get3A_386] {strides = array<i32>} : memref<32x512xf32, #tpu.memory_space<vmem>>, vector<16xf32>,
        %mul3A_388 = arith.mulf %get3A_387, %gather3A : vector<16xf32>
        %get3A_389 = arith.index_cast %scan3A_340 : i32 to index
        %get3A_390 = arith.constant 64 : index
        %get3A_391 = tpu.vector_load %arg6[%get3A_389, %get3A_390] {strides = array<i32>} : memref<50x512xf32, #tpu.memory_space<vmem>>, vector<16xf32>,
        %add3A_392 = arith.addf %mul3A_388, %get3A_391 : vector<16xf32>
        %swap3A_393 = arith.index_cast %scan3A_339 : i32 to index
        %swap3A_394 = arith.constant 64 : index
        %swap3A_395 = tpu.vector_load %arg10[%swap3A_393, %swap3A_394] {strides = array<i32>} : memref<32x512xf32, #tpu.memory_space<vmem>>, vector<16xf32>,
        tpu.vector_store %arg10[%swap3A_393, %swap3A_394], %add3A_392 {strides = array<i32>} : memref<32x512xf32, #tpu.memory_space<vmem>>, vector<16xf32>,
        %get3A_396 = arith.index_cast %scan3A_339 : i32 to index
        %get3A_397 = arith.constant 80 : index
        %get3A_398 = tpu.vector_load %arg10[%get3A_396, %get3A_397] {strides = array<i32>} : memref<32x512xf32, #tpu.memory_space<vmem>>, vector<16xf32>,
        %mul3A_399 = arith.mulf %get3A_398, %gather3A : vector<16xf32>
        %get3A_400 = arith.index_cast %scan3A_340 : i32 to index
        %get3A_401 = arith.constant 80 : index
        %get3A_402 = tpu.vector_load %arg6[%get3A_400, %get3A_401] {strides = array<i32>} : memref<50x512xf32, #tpu.memory_space<vmem>>, vector<16xf32>,
        %add3A_403 = arith.addf %mul3A_399, %get3A_402 : vector<16xf32>
        %swap3A_404 = arith.index_cast %scan3A_339 : i32 to index
        %swap3A_405 = arith.constant 80 : index
        %swap3A_406 = tpu.vector_load %arg10[%swap3A_404, %swap3A_405] {strides = array<i32>} : memref<32x512xf32, #tpu.memory_space<vmem>>, vector<16xf32>,
        tpu.vector_store %arg10[%swap3A_404, %swap3A_405], %add3A_403 {strides = array<i32>} : memref<32x512xf32, #tpu.memory_space<vmem>>, vector<16xf32>,
        %get3A_407 = arith.index_cast %scan3A_339 : i32 to index
        %get3A_408 = arith.constant 96 : index
        %get3A_409 = tpu.vector_load %arg10[%get3A_407, %get3A_408] {strides = array<i32>} : memref<32x512xf32, #tpu.memory_space<vmem>>, vector<16xf32>,
        %mul3A_410 = arith.mulf %get3A_409, %gather3A : vector<16xf32>
        %get3A_411 = arith.index_cast %scan3A_340 : i32 to index
        %get3A_412 = arith.constant 96 : index
        %get3A_413 = tpu.vector_load %arg6[%get3A_411, %get3A_412] {strides = array<i32>} : memref<50x512xf32, #tpu.memory_space<vmem>>, vector<16xf32>,
        %add3A_414 = arith.addf %mul3A_410, %get3A_413 : vector<16xf32>
        %swap3A_415 = arith.index_cast %scan3A_339 : i32 to index
        %swap3A_416 = arith.constant 96 : index
        %swap3A_417 = tpu.vector_load %arg10[%swap3A_415, %swap3A_416] {strides = array<i32>} : memref<32x512xf32, #tpu.memory_space<vmem>>, vector<16xf32>,
        tpu.vector_store %arg10[%swap3A_415, %swap3A_416], %add3A_414 {strides = array<i32>} : memref<32x512xf32, #tpu.memory_space<vmem>>, vector<16xf32>,
        %get3A_418 = arith.index_cast %scan3A_339 : i32 to index
        %get3A_419 = arith.constant 112 : index
        %get3A_420 = tpu.vector_load %arg10[%get3A_418, %get3A_419] {strides = array<i32>} : memref<32x512xf32, #tpu.memory_space<vmem>>, vector<16xf32>,
        %mul3A_421 = arith.mulf %get3A_420, %gather3A : vector<16xf32>
        %get3A_422 = arith.index_cast %scan3A_340 : i32 to index
        %get3A_423 = arith.constant 112 : index
        %get3A_424 = tpu.vector_load %arg6[%get3A_422, %get3A_423] {strides = array<i32>} : memref<50x512xf32, #tpu.memory_space<vmem>>, vector<16xf32>,
        %add3A_425 = arith.addf %mul3A_421, %get3A_424 : vector<16xf32>
        %swap3A_426 = arith.index_cast %scan3A_339 : i32 to index
        %swap3A_427 = arith.constant 112 : index
        %swap3A_428 = tpu.vector_load %arg10[%swap3A_426, %swap3A_427] {strides = array<i32>} : memref<32x512xf32, #tpu.memory_space<vmem>>, vector<16xf32>,
        tpu.vector_store %arg10[%swap3A_426, %swap3A_427], %add3A_425 {strides = array<i32>} : memref<32x512xf32, #tpu.memory_space<vmem>>, vector<16xf32>,
        %get3A_429 = arith.index_cast %scan3A_339 : i32 to index
        %get3A_430 = arith.constant 128 : index
        %get3A_431 = tpu.vector_load %arg10[%get3A_429, %get3A_430] {strides = array<i32>} : memref<32x512xf32, #tpu.memory_space<vmem>>, vector<16xf32>,
        %mul3A_432 = arith.mulf %get3A_431, %gather3A : vector<16xf32>
        %get3A_433 = arith.index_cast %scan3A_340 : i32 to index
        %get3A_434 = arith.constant 128 : index
        %get3A_435 = tpu.vector_load %arg6[%get3A_433, %get3A_434] {strides = array<i32>} : memref<50x512xf32, #tpu.memory_space<vmem>>, vector<16xf32>,
        %add3A_436 = arith.addf %mul3A_432, %get3A_435 : vector<16xf32>
        %swap3A_437 = arith.index_cast %scan3A_339 : i32 to index
        %swap3A_438 = arith.constant 128 : index
        %swap3A_439 = tpu.vector_load %arg10[%swap3A_437, %swap3A_438] {strides = array<i32>} : memref<32x512xf32, #tpu.memory_space<vmem>>, vector<16xf32>,
        tpu.vector_store %arg10[%swap3A_437, %swap3A_438], %add3A_436 {strides = array<i32>} : memref<32x512xf32, #tpu.memory_space<vmem>>, vector<16xf32>,
        %get3A_440 = arith.index_cast %scan3A_339 : i32 to index
        %get3A_441 = arith.constant 144 : index
        %get3A_442 = tpu.vector_load %arg10[%get3A_440, %get3A_441] {strides = array<i32>} : memref<32x512xf32, #tpu.memory_space<vmem>>, vector<16xf32>,
        %mul3A_443 = arith.mulf %get3A_442, %gather3A : vector<16xf32>
        %get3A_444 = arith.index_cast %scan3A_340 : i32 to index
        %get3A_445 = arith.constant 144 : index
        %get3A_446 = tpu.vector_load %arg6[%get3A_444, %get3A_445] {strides = array<i32>} : memref<50x512xf32, #tpu.memory_space<vmem>>, vector<16xf32>,
        %add3A_447 = arith.addf %mul3A_443, %get3A_446 : vector<16xf32>
        %swap3A_448 = arith.index_cast %scan3A_339 : i32 to index
        %swap3A_449 = arith.constant 144 : index
        %swap3A_450 = tpu.vector_load %arg10[%swap3A_448, %swap3A_449] {strides = array<i32>} : memref<32x512xf32, #tpu.memory_space<vmem>>, vector<16xf32>,
        tpu.vector_store %arg10[%swap3A_448, %swap3A_449], %add3A_447 {strides = array<i32>} : memref<32x512xf32, #tpu.memory_space<vmem>>, vector<16xf32>,
        %get3A_451 = arith.index_cast %scan3A_339 : i32 to index
        %get3A_452 = arith.constant 160 : index
        %get3A_453 = tpu.vector_load %arg10[%get3A_451, %get3A_452] {strides = array<i32>} : memref<32x512xf32, #tpu.memory_space<vmem>>, vector<16xf32>,
        %mul3A_454 = arith.mulf %get3A_453, %gather3A : vector<16xf32>
        %get3A_455 = arith.index_cast %scan3A_340 : i32 to index
        %get3A_456 = arith.constant 160 : index
        %get3A_457 = tpu.vector_load %arg6[%get3A_455, %get3A_456] {strides = array<i32>} : memref<50x512xf32, #tpu.memory_space<vmem>>, vector<16xf32>,
        %add3A_458 = arith.addf %mul3A_454, %get3A_457 : vector<16xf32>
        %swap3A_459 = arith.index_cast %scan3A_339 : i32 to index
        %swap3A_460 = arith.constant 160 : index
        %swap3A_461 = tpu.vector_load %arg10[%swap3A_459, %swap3A_460] {strides = array<i32>} : memref<32x512xf32, #tpu.memory_space<vmem>>, vector<16xf32>,
        tpu.vector_store %arg10[%swap3A_459, %swap3A_460], %add3A_458 {strides = array<i32>} : memref<32x512xf32, #tpu.memory_space<vmem>>, vector<16xf32>,
        %get3A_462 = arith.index_cast %scan3A_339 : i32 to index
        %get3A_463 = arith.constant 176 : index
        %get3A_464 = tpu.vector_load %arg10[%get3A_462, %get3A_463] {strides = array<i32>} : memref<32x512xf32, #tpu.memory_space<vmem>>, vector<16xf32>,
        %mul3A_465 = arith.mulf %get3A_464, %gather3A : vector<16xf32>
        %get3A_466 = arith.index_cast %scan3A_340 : i32 to index
        %get3A_467 = arith.constant 176 : index
        %get3A_468 = tpu.vector_load %arg6[%get3A_466, %get3A_467] {strides = array<i32>} : memref<50x512xf32, #tpu.memory_space<vmem>>, vector<16xf32>,
        %add3A_469 = arith.addf %mul3A_465, %get3A_468 : vector<16xf32>
        %swap3A_470 = arith.index_cast %scan3A_339 : i32 to index
        %swap3A_471 = arith.constant 176 : index
        %swap3A_472 = tpu.vector_load %arg10[%swap3A_470, %swap3A_471] {strides = array<i32>} : memref<32x512xf32, #tpu.memory_space<vmem>>, vector<16xf32>,
        tpu.vector_store %arg10[%swap3A_470, %swap3A_471], %add3A_469 {strides = array<i32>} : memref<32x512xf32, #tpu.memory_space<vmem>>, vector<16xf32>,
        %get3A_473 = arith.index_cast %scan3A_339 : i32 to index
        %get3A_474 = arith.constant 192 : index
        %get3A_475 = tpu.vector_load %arg10[%get3A_473, %get3A_474] {strides = array<i32>} : memref<32x512xf32, #tpu.memory_space<vmem>>, vector<16xf32>,
        %mul3A_476 = arith.mulf %get3A_475, %gather3A : vector<16xf32>
        %get3A_477 = arith.index_cast %scan3A_340 : i32 to index
        %get3A_478 = arith.constant 192 : index
        %get3A_479 = tpu.vector_load %arg6[%get3A_477, %get3A_478] {strides = array<i32>} : memref<50x512xf32, #tpu.memory_space<vmem>>, vector<16xf32>,
        %add3A_480 = arith.addf %mul3A_476, %get3A_479 : vector<16xf32>
        %swap3A_481 = arith.index_cast %scan3A_339 : i32 to index
        %swap3A_482 = arith.constant 192 : index
        %swap3A_483 = tpu.vector_load %arg10[%swap3A_481, %swap3A_482] {strides = array<i32>} : memref<32x512xf32, #tpu.memory_space<vmem>>, vector<16xf32>,
        tpu.vector_store %arg10[%swap3A_481, %swap3A_482], %add3A_480 {strides = array<i32>} : memref<32x512xf32, #tpu.memory_space<vmem>>, vector<16xf32>,
        %get3A_484 = arith.index_cast %scan3A_339 : i32 to index
        %get3A_485 = arith.constant 208 : index
        %get3A_486 = tpu.vector_load %arg10[%get3A_484, %get3A_485] {strides = array<i32>} : memref<32x512xf32, #tpu.memory_space<vmem>>, vector<16xf32>,
        %mul3A_487 = arith.mulf %get3A_486, %gather3A : vector<16xf32>
        %get3A_488 = arith.index_cast %scan3A_340 : i32 to index
        %get3A_489 = arith.constant 208 : index
        %get3A_490 = tpu.vector_load %arg6[%get3A_488, %get3A_489] {strides = array<i32>} : memref<50x512xf32, #tpu.memory_space<vmem>>, vector<16xf32>,
        %add3A_491 = arith.addf %mul3A_487, %get3A_490 : vector<16xf32>
        %swap3A_492 = arith.index_cast %scan3A_339 : i32 to index
        %swap3A_493 = arith.constant 208 : index
        %swap3A_494 = tpu.vector_load %arg10[%swap3A_492, %swap3A_493] {strides = array<i32>} : memref<32x512xf32, #tpu.memory_space<vmem>>, vector<16xf32>,
        tpu.vector_store %arg10[%swap3A_492, %swap3A_493], %add3A_491 {strides = array<i32>} : memref<32x512xf32, #tpu.memory_space<vmem>>, vector<16xf32>,
        %get3A_495 = arith.index_cast %scan3A_339 : i32 to index
        %get3A_496 = arith.constant 224 : index
        %get3A_497 = tpu.vector_load %arg10[%get3A_495, %get3A_496] {strides = array<i32>} : memref<32x512xf32, #tpu.memory_space<vmem>>, vector<16xf32>,
        %mul3A_498 = arith.mulf %get3A_497, %gather3A : vector<16xf32>
        %get3A_499 = arith.index_cast %scan3A_340 : i32 to index
        %get3A_500 = arith.constant 224 : index
        %get3A_501 = tpu.vector_load %arg6[%get3A_499, %get3A_500] {strides = array<i32>} : memref<50x512xf32, #tpu.memory_space<vmem>>, vector<16xf32>,
        %add3A_502 = arith.addf %mul3A_498, %get3A_501 : vector<16xf32>
        %swap3A_503 = arith.index_cast %scan3A_339 : i32 to index
        %swap3A_504 = arith.constant 224 : index
        %swap3A_505 = tpu.vector_load %arg10[%swap3A_503, %swap3A_504] {strides = array<i32>} : memref<32x512xf32, #tpu.memory_space<vmem>>, vector<16xf32>,
        tpu.vector_store %arg10[%swap3A_503, %swap3A_504], %add3A_502 {strides = array<i32>} : memref<32x512xf32, #tpu.memory_space<vmem>>, vector<16xf32>,
        %get3A_506 = arith.index_cast %scan3A_339 : i32 to index
        %get3A_507 = arith.constant 240 : index
        %get3A_508 = tpu.vector_load %arg10[%get3A_506, %get3A_507] {strides = array<i32>} : memref<32x512xf32, #tpu.memory_space<vmem>>, vector<16xf32>,
        %mul3A_509 = arith.mulf %get3A_508, %gather3A : vector<16xf32>
        %get3A_510 = arith.index_cast %scan3A_340 : i32 to index
        %get3A_511 = arith.constant 240 : index
        %get3A_512 = tpu.vector_load %arg6[%get3A_510, %get3A_511] {strides = array<i32>} : memref<50x512xf32, #tpu.memory_space<vmem>>, vector<16xf32>,
        %add3A_513 = arith.addf %mul3A_509, %get3A_512 : vector<16xf32>
        %swap3A_514 = arith.index_cast %scan3A_339 : i32 to index
        %swap3A_515 = arith.constant 240 : index
        %swap3A_516 = tpu.vector_load %arg10[%swap3A_514, %swap3A_515] {strides = array<i32>} : memref<32x512xf32, #tpu.memory_space<vmem>>, vector<16xf32>,
        tpu.vector_store %arg10[%swap3A_514, %swap3A_515], %add3A_513 {strides = array<i32>} : memref<32x512xf32, #tpu.memory_space<vmem>>, vector<16xf32>,
        %get3A_517 = arith.index_cast %scan3A_339 : i32 to index
        %get3A_518 = arith.constant 256 : index
        %get3A_519 = tpu.vector_load %arg10[%get3A_517, %get3A_518] {strides = array<i32>} : memref<32x512xf32, #tpu.memory_space<vmem>>, vector<16xf32>,
        %mul3A_520 = arith.mulf %get3A_519, %gather3A : vector<16xf32>
        %get3A_521 = arith.index_cast %scan3A_340 : i32 to index
        %get3A_522 = arith.constant 256 : index
        %get3A_523 = tpu.vector_load %arg6[%get3A_521, %get3A_522] {strides = array<i32>} : memref<50x512xf32, #tpu.memory_space<vmem>>, vector<16xf32>,
        %add3A_524 = arith.addf %mul3A_520, %get3A_523 : vector<16xf32>
        %swap3A_525 = arith.index_cast %scan3A_339 : i32 to index
        %swap3A_526 = arith.constant 256 : index
        %swap3A_527 = tpu.vector_load %arg10[%swap3A_525, %swap3A_526] {strides = array<i32>} : memref<32x512xf32, #tpu.memory_space<vmem>>, vector<16xf32>,
        tpu.vector_store %arg10[%swap3A_525, %swap3A_526], %add3A_524 {strides = array<i32>} : memref<32x512xf32, #tpu.memory_space<vmem>>, vector<16xf32>,
        %get3A_528 = arith.index_cast %scan3A_339 : i32 to index
        %get3A_529 = arith.constant 272 : index
        %get3A_530 = tpu.vector_load %arg10[%get3A_528, %get3A_529] {strides = array<i32>} : memref<32x512xf32, #tpu.memory_space<vmem>>, vector<16xf32>,
        %mul3A_531 = arith.mulf %get3A_530, %gather3A : vector<16xf32>
        %get3A_532 = arith.index_cast %scan3A_340 : i32 to index
        %get3A_533 = arith.constant 272 : index
        %get3A_534 = tpu.vector_load %arg6[%get3A_532, %get3A_533] {strides = array<i32>} : memref<50x512xf32, #tpu.memory_space<vmem>>, vector<16xf32>,
        %add3A_535 = arith.addf %mul3A_531, %get3A_534 : vector<16xf32>
        %swap3A_536 = arith.index_cast %scan3A_339 : i32 to index
        %swap3A_537 = arith.constant 272 : index
        %swap3A_538 = tpu.vector_load %arg10[%swap3A_536, %swap3A_537] {strides = array<i32>} : memref<32x512xf32, #tpu.memory_space<vmem>>, vector<16xf32>,
        tpu.vector_store %arg10[%swap3A_536, %swap3A_537], %add3A_535 {strides = array<i32>} : memref<32x512xf32, #tpu.memory_space<vmem>>, vector<16xf32>,
        %get3A_539 = arith.index_cast %scan3A_339 : i32 to index
        %get3A_540 = arith.constant 288 : index
        %get3A_541 = tpu.vector_load %arg10[%get3A_539, %get3A_540] {strides = array<i32>} : memref<32x512xf32, #tpu.memory_space<vmem>>, vector<16xf32>,
        %mul3A_542 = arith.mulf %get3A_541, %gather3A : vector<16xf32>
        %get3A_543 = arith.index_cast %scan3A_340 : i32 to index
        %get3A_544 = arith.constant 288 : index
        %get3A_545 = tpu.vector_load %arg6[%get3A_543, %get3A_544] {strides = array<i32>} : memref<50x512xf32, #tpu.memory_space<vmem>>, vector<16xf32>,
        %add3A_546 = arith.addf %mul3A_542, %get3A_545 : vector<16xf32>
        %swap3A_547 = arith.index_cast %scan3A_339 : i32 to index
        %swap3A_548 = arith.constant 288 : index
        %swap3A_549 = tpu.vector_load %arg10[%swap3A_547, %swap3A_548] {strides = array<i32>} : memref<32x512xf32, #tpu.memory_space<vmem>>, vector<16xf32>,
        tpu.vector_store %arg10[%swap3A_547, %swap3A_548], %add3A_546 {strides = array<i32>} : memref<32x512xf32, #tpu.memory_space<vmem>>, vector<16xf32>,
        %get3A_550 = arith.index_cast %scan3A_339 : i32 to index
        %get3A_551 = arith.constant 304 : index
        %get3A_552 = tpu.vector_load %arg10[%get3A_550, %get3A_551] {strides = array<i32>} : memref<32x512xf32, #tpu.memory_space<vmem>>, vector<16xf32>,
        %mul3A_553 = arith.mulf %get3A_552, %gather3A : vector<16xf32>
        %get3A_554 = arith.index_cast %scan3A_340 : i32 to index
        %get3A_555 = arith.constant 304 : index
        %get3A_556 = tpu.vector_load %arg6[%get3A_554, %get3A_555] {strides = array<i32>} : memref<50x512xf32, #tpu.memory_space<vmem>>, vector<16xf32>,
        %add3A_557 = arith.addf %mul3A_553, %get3A_556 : vector<16xf32>
        %swap3A_558 = arith.index_cast %scan3A_339 : i32 to index
        %swap3A_559 = arith.constant 304 : index
        %swap3A_560 = tpu.vector_load %arg10[%swap3A_558, %swap3A_559] {strides = array<i32>} : memref<32x512xf32, #tpu.memory_space<vmem>>, vector<16xf32>,
        tpu.vector_store %arg10[%swap3A_558, %swap3A_559], %add3A_557 {strides = array<i32>} : memref<32x512xf32, #tpu.memory_space<vmem>>, vector<16xf32>,
        %get3A_561 = arith.index_cast %scan3A_339 : i32 to index
        %get3A_562 = arith.constant 320 : index
        %get3A_563 = tpu.vector_load %arg10[%get3A_561, %get3A_562] {strides = array<i32>} : memref<32x512xf32, #tpu.memory_space<vmem>>, vector<16xf32>,
        %mul3A_564 = arith.mulf %get3A_563, %gather3A : vector<16xf32>
        %get3A_565 = arith.index_cast %scan3A_340 : i32 to index
        %get3A_566 = arith.constant 320 : index
        %get3A_567 = tpu.vector_load %arg6[%get3A_565, %get3A_566] {strides = array<i32>} : memref<50x512xf32, #tpu.memory_space<vmem>>, vector<16xf32>,
        %add3A_568 = arith.addf %mul3A_564, %get3A_567 : vector<16xf32>
        %swap3A_569 = arith.index_cast %scan3A_339 : i32 to index
        %swap3A_570 = arith.constant 320 : index
        %swap3A_571 = tpu.vector_load %arg10[%swap3A_569, %swap3A_570] {strides = array<i32>} : memref<32x512xf32, #tpu.memory_space<vmem>>, vector<16xf32>,
        tpu.vector_store %arg10[%swap3A_569, %swap3A_570], %add3A_568 {strides = array<i32>} : memref<32x512xf32, #tpu.memory_space<vmem>>, vector<16xf32>,
        %get3A_572 = arith.index_cast %scan3A_339 : i32 to index
        %get3A_573 = arith.constant 336 : index
        %get3A_574 = tpu.vector_load %arg10[%get3A_572, %get3A_573] {strides = array<i32>} : memref<32x512xf32, #tpu.memory_space<vmem>>, vector<16xf32>,
        %mul3A_575 = arith.mulf %get3A_574, %gather3A : vector<16xf32>
        %get3A_576 = arith.index_cast %scan3A_340 : i32 to index
        %get3A_577 = arith.constant 336 : index
        %get3A_578 = tpu.vector_load %arg6[%get3A_576, %get3A_577] {strides = array<i32>} : memref<50x512xf32, #tpu.memory_space<vmem>>, vector<16xf32>,
        %add3A_579 = arith.addf %mul3A_575, %get3A_578 : vector<16xf32>
        %swap3A_580 = arith.index_cast %scan3A_339 : i32 to index
        %swap3A_581 = arith.constant 336 : index
        %swap3A_582 = tpu.vector_load %arg10[%swap3A_580, %swap3A_581] {strides = array<i32>} : memref<32x512xf32, #tpu.memory_space<vmem>>, vector<16xf32>,
        tpu.vector_store %arg10[%swap3A_580, %swap3A_581], %add3A_579 {strides = array<i32>} : memref<32x512xf32, #tpu.memory_space<vmem>>, vector<16xf32>,
        %get3A_583 = arith.index_cast %scan3A_339 : i32 to index
        %get3A_584 = arith.constant 352 : index
        %get3A_585 = tpu.vector_load %arg10[%get3A_583, %get3A_584] {strides = array<i32>} : memref<32x512xf32, #tpu.memory_space<vmem>>, vector<16xf32>,
        %mul3A_586 = arith.mulf %get3A_585, %gather3A : vector<16xf32>
        %get3A_587 = arith.index_cast %scan3A_340 : i32 to index
        %get3A_588 = arith.constant 352 : index
        %get3A_589 = tpu.vector_load %arg6[%get3A_587, %get3A_588] {strides = array<i32>} : memref<50x512xf32, #tpu.memory_space<vmem>>, vector<16xf32>,
        %add3A_590 = arith.addf %mul3A_586, %get3A_589 : vector<16xf32>
        %swap3A_591 = arith.index_cast %scan3A_339 : i32 to index
        %swap3A_592 = arith.constant 352 : index
        %swap3A_593 = tpu.vector_load %arg10[%swap3A_591, %swap3A_592] {strides = array<i32>} : memref<32x512xf32, #tpu.memory_space<vmem>>, vector<16xf32>,
        tpu.vector_store %arg10[%swap3A_591, %swap3A_592], %add3A_590 {strides = array<i32>} : memref<32x512xf32, #tpu.memory_space<vmem>>, vector<16xf32>,
        %get3A_594 = arith.index_cast %scan3A_339 : i32 to index
        %get3A_595 = arith.constant 368 : index
        %get3A_596 = tpu.vector_load %arg10[%get3A_594, %get3A_595] {strides = array<i32>} : memref<32x512xf32, #tpu.memory_space<vmem>>, vector<16xf32>,
        %mul3A_597 = arith.mulf %get3A_596, %gather3A : vector<16xf32>
        %get3A_598 = arith.index_cast %scan3A_340 : i32 to index
        %get3A_599 = arith.constant 368 : index
        %get3A_600 = tpu.vector_load %arg6[%get3A_598, %get3A_599] {strides = array<i32>} : memref<50x512xf32, #tpu.memory_space<vmem>>, vector<16xf32>,
        %add3A_601 = arith.addf %mul3A_597, %get3A_600 : vector<16xf32>
        %swap3A_602 = arith.index_cast %scan3A_339 : i32 to index
        %swap3A_603 = arith.constant 368 : index
        %swap3A_604 = tpu.vector_load %arg10[%swap3A_602, %swap3A_603] {strides = array<i32>} : memref<32x512xf32, #tpu.memory_space<vmem>>, vector<16xf32>,
        tpu.vector_store %arg10[%swap3A_602, %swap3A_603], %add3A_601 {strides = array<i32>} : memref<32x512xf32, #tpu.memory_space<vmem>>, vector<16xf32>,
        %get3A_605 = arith.index_cast %scan3A_339 : i32 to index
        %get3A_606 = arith.constant 384 : index
        %get3A_607 = tpu.vector_load %arg10[%get3A_605, %get3A_606] {strides = array<i32>} : memref<32x512xf32, #tpu.memory_space<vmem>>, vector<16xf32>,
        %mul3A_608 = arith.mulf %get3A_607, %gather3A : vector<16xf32>
        %get3A_609 = arith.index_cast %scan3A_340 : i32 to index
        %get3A_610 = arith.constant 384 : index
        %get3A_611 = tpu.vector_load %arg6[%get3A_609, %get3A_610] {strides = array<i32>} : memref<50x512xf32, #tpu.memory_space<vmem>>, vector<16xf32>,
        %add3A_612 = arith.addf %mul3A_608, %get3A_611 : vector<16xf32>
        %swap3A_613 = arith.index_cast %scan3A_339 : i32 to index
        %swap3A_614 = arith.constant 384 : index
        %swap3A_615 = tpu.vector_load %arg10[%swap3A_613, %swap3A_614] {strides = array<i32>} : memref<32x512xf32, #tpu.memory_space<vmem>>, vector<16xf32>,
        tpu.vector_store %arg10[%swap3A_613, %swap3A_614], %add3A_612 {strides = array<i32>} : memref<32x512xf32, #tpu.memory_space<vmem>>, vector<16xf32>,
        %get3A_616 = arith.index_cast %scan3A_339 : i32 to index
        %get3A_617 = arith.constant 400 : index
        %get3A_618 = tpu.vector_load %arg10[%get3A_616, %get3A_617] {strides = array<i32>} : memref<32x512xf32, #tpu.memory_space<vmem>>, vector<16xf32>,
        %mul3A_619 = arith.mulf %get3A_618, %gather3A : vector<16xf32>
        %get3A_620 = arith.index_cast %scan3A_340 : i32 to index
        %get3A_621 = arith.constant 400 : index
        %get3A_622 = tpu.vector_load %arg6[%get3A_620, %get3A_621] {strides = array<i32>} : memref<50x512xf32, #tpu.memory_space<vmem>>, vector<16xf32>,
        %add3A_623 = arith.addf %mul3A_619, %get3A_622 : vector<16xf32>
        %swap3A_624 = arith.index_cast %scan3A_339 : i32 to index
        %swap3A_625 = arith.constant 400 : index
        %swap3A_626 = tpu.vector_load %arg10[%swap3A_624, %swap3A_625] {strides = array<i32>} : memref<32x512xf32, #tpu.memory_space<vmem>>, vector<16xf32>,
        tpu.vector_store %arg10[%swap3A_624, %swap3A_625], %add3A_623 {strides = array<i32>} : memref<32x512xf32, #tpu.memory_space<vmem>>, vector<16xf32>,
        %get3A_627 = arith.index_cast %scan3A_339 : i32 to index
        %get3A_628 = arith.constant 416 : index
        %get3A_629 = tpu.vector_load %arg10[%get3A_627, %get3A_628] {strides = array<i32>} : memref<32x512xf32, #tpu.memory_space<vmem>>, vector<16xf32>,
        %mul3A_630 = arith.mulf %get3A_629, %gather3A : vector<16xf32>
        %get3A_631 = arith.index_cast %scan3A_340 : i32 to index
        %get3A_632 = arith.constant 416 : index
        %get3A_633 = tpu.vector_load %arg6[%get3A_631, %get3A_632] {strides = array<i32>} : memref<50x512xf32, #tpu.memory_space<vmem>>, vector<16xf32>,
        %add3A_634 = arith.addf %mul3A_630, %get3A_633 : vector<16xf32>
        %swap3A_635 = arith.index_cast %scan3A_339 : i32 to index
        %swap3A_636 = arith.constant 416 : index
        %swap3A_637 = tpu.vector_load %arg10[%swap3A_635, %swap3A_636] {strides = array<i32>} : memref<32x512xf32, #tpu.memory_space<vmem>>, vector<16xf32>,
        tpu.vector_store %arg10[%swap3A_635, %swap3A_636], %add3A_634 {strides = array<i32>} : memref<32x512xf32, #tpu.memory_space<vmem>>, vector<16xf32>,
        %get3A_638 = arith.index_cast %scan3A_339 : i32 to index
        %get3A_639 = arith.constant 432 : index
        %get3A_640 = tpu.vector_load %arg10[%get3A_638, %get3A_639] {strides = array<i32>} : memref<32x512xf32, #tpu.memory_space<vmem>>, vector<16xf32>,
        %mul3A_641 = arith.mulf %get3A_640, %gather3A : vector<16xf32>
        %get3A_642 = arith.index_cast %scan3A_340 : i32 to index
        %get3A_643 = arith.constant 432 : index
        %get3A_644 = tpu.vector_load %arg6[%get3A_642, %get3A_643] {strides = array<i32>} : memref<50x512xf32, #tpu.memory_space<vmem>>, vector<16xf32>,
        %add3A_645 = arith.addf %mul3A_641, %get3A_644 : vector<16xf32>
        %swap3A_646 = arith.index_cast %scan3A_339 : i32 to index
        %swap3A_647 = arith.constant 432 : index
        %swap3A_648 = tpu.vector_load %arg10[%swap3A_646, %swap3A_647] {strides = array<i32>} : memref<32x512xf32, #tpu.memory_space<vmem>>, vector<16xf32>,
        tpu.vector_store %arg10[%swap3A_646, %swap3A_647], %add3A_645 {strides = array<i32>} : memref<32x512xf32, #tpu.memory_space<vmem>>, vector<16xf32>,
        %get3A_649 = arith.index_cast %scan3A_339 : i32 to index
        %get3A_650 = arith.constant 448 : index
        %get3A_651 = tpu.vector_load %arg10[%get3A_649, %get3A_650] {strides = array<i32>} : memref<32x512xf32, #tpu.memory_space<vmem>>, vector<16xf32>,
        %mul3A_652 = arith.mulf %get3A_651, %gather3A : vector<16xf32>
        %get3A_653 = arith.index_cast %scan3A_340 : i32 to index
        %get3A_654 = arith.constant 448 : index
        %get3A_655 = tpu.vector_load %arg6[%get3A_653, %get3A_654] {strides = array<i32>} : memref<50x512xf32, #tpu.memory_space<vmem>>, vector<16xf32>,
        %add3A_656 = arith.addf %mul3A_652, %get3A_655 : vector<16xf32>
        %swap3A_657 = arith.index_cast %scan3A_339 : i32 to index
        %swap3A_658 = arith.constant 448 : index
        %swap3A_659 = tpu.vector_load %arg10[%swap3A_657, %swap3A_658] {strides = array<i32>} : memref<32x512xf32, #tpu.memory_space<vmem>>, vector<16xf32>,
        tpu.vector_store %arg10[%swap3A_657, %swap3A_658], %add3A_656 {strides = array<i32>} : memref<32x512xf32, #tpu.memory_space<vmem>>, vector<16xf32>,
        %get3A_660 = arith.index_cast %scan3A_339 : i32 to index
        %get3A_661 = arith.constant 464 : index
        %get3A_662 = tpu.vector_load %arg10[%get3A_660, %get3A_661] {strides = array<i32>} : memref<32x512xf32, #tpu.memory_space<vmem>>, vector<16xf32>,
        %mul3A_663 = arith.mulf %get3A_662, %gather3A : vector<16xf32>
        %get3A_664 = arith.index_cast %scan3A_340 : i32 to index
        %get3A_665 = arith.constant 464 : index
        %get3A_666 = tpu.vector_load %arg6[%get3A_664, %get3A_665] {strides = array<i32>} : memref<50x512xf32, #tpu.memory_space<vmem>>, vector<16xf32>,
        %add3A_667 = arith.addf %mul3A_663, %get3A_666 : vector<16xf32>
        %swap3A_668 = arith.index_cast %scan3A_339 : i32 to index
        %swap3A_669 = arith.constant 464 : index
        %swap3A_670 = tpu.vector_load %arg10[%swap3A_668, %swap3A_669] {strides = array<i32>} : memref<32x512xf32, #tpu.memory_space<vmem>>, vector<16xf32>,
        tpu.vector_store %arg10[%swap3A_668, %swap3A_669], %add3A_667 {strides = array<i32>} : memref<32x512xf32, #tpu.memory_space<vmem>>, vector<16xf32>,
        %get3A_671 = arith.index_cast %scan3A_339 : i32 to index
        %get3A_672 = arith.constant 480 : index
        %get3A_673 = tpu.vector_load %arg10[%get3A_671, %get3A_672] {strides = array<i32>} : memref<32x512xf32, #tpu.memory_space<vmem>>, vector<16xf32>,
        %mul3A_674 = arith.mulf %get3A_673, %gather3A : vector<16xf32>
        %get3A_675 = arith.index_cast %scan3A_340 : i32 to index
        %get3A_676 = arith.constant 480 : index
        %get3A_677 = tpu.vector_load %arg6[%get3A_675, %get3A_676] {strides = array<i32>} : memref<50x512xf32, #tpu.memory_space<vmem>>, vector<16xf32>,
        %add3A_678 = arith.addf %mul3A_674, %get3A_677 : vector<16xf32>
        %swap3A_679 = arith.index_cast %scan3A_339 : i32 to index
        %swap3A_680 = arith.constant 480 : index
        %swap3A_681 = tpu.vector_load %arg10[%swap3A_679, %swap3A_680] {strides = array<i32>} : memref<32x512xf32, #tpu.memory_space<vmem>>, vector<16xf32>,
        tpu.vector_store %arg10[%swap3A_679, %swap3A_680], %add3A_678 {strides = array<i32>} : memref<32x512xf32, #tpu.memory_space<vmem>>, vector<16xf32>,
        %get3A_682 = arith.index_cast %scan3A_339 : i32 to index
        %get3A_683 = arith.constant 496 : index
        %get3A_684 = tpu.vector_load %arg10[%get3A_682, %get3A_683] {strides = array<i32>} : memref<32x512xf32, #tpu.memory_space<vmem>>, vector<16xf32>,
        %mul3A_685 = arith.mulf %get3A_684, %gather3A : vector<16xf32>
        %get3A_686 = arith.index_cast %scan3A_340 : i32 to index
        %get3A_687 = arith.constant 496 : index
        %get3A_688 = tpu.vector_load %arg6[%get3A_686, %get3A_687] {strides = array<i32>} : memref<50x512xf32, #tpu.memory_space<vmem>>, vector<16xf32>,
        %add3A_689 = arith.addf %mul3A_685, %get3A_688 : vector<16xf32>
        %swap3A_690 = arith.index_cast %scan3A_339 : i32 to index
        %swap3A_691 = arith.constant 496 : index
        %swap3A_692 = tpu.vector_load %arg10[%swap3A_690, %swap3A_691] {strides = array<i32>} : memref<32x512xf32, #tpu.memory_space<vmem>>, vector<16xf32>,
        tpu.vector_store %arg10[%swap3A_690, %swap3A_691], %add3A_689 {strides = array<i32>} : memref<32x512xf32, #tpu.memory_space<vmem>>, vector<16xf32>,
        %add3A_693 = arith.constant 1 : i32
        %add3A_694 = arith.addi %scan3A_340, %add3A_693 : i32
        %eq3A = arith.constant 50 : i32
        %eq3A_695 = arith.cmpi eq, %add3A_694, %eq3A : i32
        %jit3A = arith.constant 0 : i32
        %select_n3A = arith.select %eq3A_695, %jit3A, %add3A_694 : i32
        scf.yield %select_n3A : i32
      }
      %scan3A_207 = arith.constant 32 : i32
      %mul3A_208 = arith.constant 32 : i32
      %mul3A_209 = arith.muli %add3A_154, %mul3A_208 : i32
      %add3A_210 = arith.addi %mul3A_2, %mul3A_209 : i32
      %dma_start3A_211 = arith.constant 0 : i32
      %dma_start3A_212 = tpu.memref_slice %arg5[%add3A_210, %dma_start3A_211] : memref<51200x512xf32, #tpu.memory_space<hbm>> -> memref<32x512xf32, #tpu.memory_space<hbm>>
      %dma_start3A_213 = arith.constant 0 : i32
      %dma_start3A_214 = tpu.memref_slice %arg5[%add3A_210, %dma_start3A_213] : memref<51200x512xf32, #tpu.memory_space<hbm>> -> memref<32x512xf32, #tpu.memory_space<hbm>>
      tpu.enqueue_dma source(%arg10 : memref<32x512xf32, #tpu.memory_space<vmem>>) target(%dma_start3A_214 : memref<32x512xf32, #tpu.memory_space<hbm>>) target_semaphore(%arg21 : memref<!tpu.dma_semaphore, #tpu.memory_space<semaphore_mem>>)
      %add3A_215 = arith.constant 3 : i32
      %add3A_216 = arith.addi %mul3A_36, %add3A_215 : i32
      %ge3A_217 = arith.constant 3 : i32
      %ge3A_218 = arith.cmpi sge, %add3A_216, %ge3A_217 : i32
      %convert_element_type3A_219 = arith.extui %ge3A_218 : i1 to i32
      %cond3A_220 = arith.constant 0 : i32
      %cond3A_221 = arith.cmpi ne, %convert_element_type3A_219, %cond3A_220 : i32
      scf.if %cond3A_221 {
        %sub3A = arith.constant 3 : i32
        %sub3A_339 = arith.subi %add3A_216, %sub3A : i32
        %mul3A_340 = arith.constant 32 : i32
        %mul3A_341 = arith.muli %sub3A_339, %mul3A_340 : i32
        %add3A_342 = arith.addi %mul3A_2, %mul3A_341 : i32
        %dma_wait3A_343 = arith.constant 0 : i32
        %dma_wait3A_344 = tpu.memref_slice %arg5[%add3A_342, %dma_wait3A_343] : memref<51200x512xf32, #tpu.memory_space<hbm>> -> memref<32x512xf32, #tpu.memory_space<hbm>>
        %dma_wait3A_345 = arith.constant 0 : i32
        %dma_wait3A_346 = tpu.memref_slice %arg5[%add3A_342, %dma_wait3A_345] : memref<51200x512xf32, #tpu.memory_space<hbm>> -> memref<32x512xf32, #tpu.memory_space<hbm>>
        tpu.wait_dma2 semaphore(%arg19 : memref<!tpu.dma_semaphore, #tpu.memory_space<semaphore_mem>>) src(%arg8 : memref<32x512xf32, #tpu.memory_space<vmem>>) dst(%dma_wait3A_346 : memref<32x512xf32, #tpu.memory_space<hbm>>)
      } else {
      }
      %add3A_222 = arith.constant 2 : i32
      %add3A_223 = arith.addi %add3A_216, %add3A_222 : i32
      %lt3A_224 = arith.constant 50 : i32
      %lt3A_225 = arith.cmpi slt, %add3A_223, %lt3A_224 : i32
      %convert_element_type3A_226 = arith.extui %lt3A_225 : i1 to i32
      %cond3A_227 = arith.constant 0 : i32
      %cond3A_228 = arith.cmpi ne, %convert_element_type3A_226, %cond3A_227 : i32
      scf.if %cond3A_228 {
        %add3A_339 = arith.constant 2 : i32
        %add3A_340 = arith.addi %add3A_216, %add3A_339 : i32
        %mul3A_341 = arith.constant 32 : i32
        %mul3A_342 = arith.muli %add3A_340, %mul3A_341 : i32
        %dma_start3A_343 = tpu.memref_slice %arg7[%mul3A_342] : memref<1600xi32, #tpu.memory_space<vmem>> -> memref<32xi32, #tpu.memory_space<vmem>>
        %dma_start3A_344 = arith.constant 0 : i32
        %dma_start3A_345 = arith.constant 0 : i32
        %dma_start3A_346 = tpu.memref_slice %arg3[%dma_start3A_344, %dma_start3A_345] : memref<100000x512xf32, #tpu.memory_space<hbm>> -> memref<100000x512xf32, #tpu.memory_space<hbm>>
        tpu.enqueue_indirect_dma source(%dma_start3A_346 : memref<100000x512xf32, #tpu.memory_space<hbm>>) target(%arg8 : memref<32x512xf32, #tpu.memory_space<vmem>>) offsets(%dma_start3A_343 : memref<32xi32, #tpu.memory_space<vmem>>) semaphore(%arg14 : memref<!tpu.dma_semaphore, #tpu.memory_space<semaphore_mem>>)
      } else {
      }
      %mul3A_229 = arith.constant 32 : i32
      %mul3A_230 = arith.muli %add3A_216, %mul3A_229 : i32
      %dma_wait3A_231 = tpu.memref_slice %arg7[%mul3A_230] : memref<1600xi32, #tpu.memory_space<vmem>> -> memref<32xi32, #tpu.memory_space<vmem>>
      %dma_wait3A_232 = arith.constant 0 : i32
      %dma_wait3A_233 = arith.constant 0 : i32
      %dma_wait3A_234 = tpu.memref_slice %arg3[%dma_wait3A_232, %dma_wait3A_233] : memref<100000x512xf32, #tpu.memory_space<hbm>> -> memref<100000x512xf32, #tpu.memory_space<hbm>>
      tpu.wait_indirect_dma semaphore(%arg17 : memref<!tpu.dma_semaphore, #tpu.memory_space<semaphore_mem>>) src(%dma_wait3A_234 : memref<100000x512xf32, #tpu.memory_space<hbm>>) dst(%arg11 : memref<32x512xf32, #tpu.memory_space<vmem>>)
      %mul3A_235 = arith.constant 32 : i32
      %mul3A_236 = arith.muli %add3A_216, %mul3A_235 : i32
      %add3A_237 = arith.constant 0 : i32
      %add3A_238 = arith.addi %mul3A_236, %add3A_237 : i32
      %get3A_239 = arith.index_cast %add3A_238 : i32 to index
      %get3A_240 = tpu.vector_load %arg7[%get3A_239] {strides = array<i32>} : memref<1600xi32, #tpu.memory_space<vmem>>, vector<16xi32>,
      %min3A_241 = arith.constant 1 : i32
      %min3A_242 = vector.broadcast %min3A_241 : i32 to vector<16xi32>
      %min3A_243 = arith.minsi %get3A_240, %min3A_242 : vector<16xi32>
      %convert_element_type3A_244 = arith.sitofp %min3A_243 : vector<16xi32> to vector<16xf32>
      %swap3A_245 = arith.constant 0 : index
      %swap3A_246 = tpu.vector_load %arg13[%swap3A_245] {strides = array<i32>} : memref<32xf32, #tpu.memory_space<vmem>>, vector<16xf32>,
      tpu.vector_store %arg13[%swap3A_245], %convert_element_type3A_244 {strides = array<i32>} : memref<32xf32, #tpu.memory_space<vmem>>, vector<16xf32>,
      %mul3A_247 = arith.constant 32 : i32
      %mul3A_248 = arith.muli %add3A_216, %mul3A_247 : i32
      %add3A_249 = arith.constant 16 : i32
      %add3A_250 = arith.addi %mul3A_248, %add3A_249 : i32
      %get3A_251 = arith.index_cast %add3A_250 : i32 to index
      %get3A_252 = tpu.vector_load %arg7[%get3A_251] {strides = array<i32>} : memref<1600xi32, #tpu.memory_space<vmem>>, vector<16xi32>,
      %min3A_253 = arith.constant 1 : i32
      %min3A_254 = vector.broadcast %min3A_253 : i32 to vector<16xi32>
      %min3A_255 = arith.minsi %get3A_252, %min3A_254 : vector<16xi32>
      %convert_element_type3A_256 = arith.sitofp %min3A_255 : vector<16xi32> to vector<16xf32>
      %swap3A_257 = arith.constant 16 : index
      %swap3A_258 = tpu.vector_load %arg13[%swap3A_257] {strides = array<i32>} : memref<32xf32, #tpu.memory_space<vmem>>, vector<16xf32>,
      tpu.vector_store %arg13[%swap3A_257], %convert_element_type3A_256 {strides = array<i32>} : memref<32xf32, #tpu.memory_space<vmem>>, vector<16xf32>,
      %mul3A_259 = arith.constant 32 : i32
      %mul3A_260 = arith.muli %add3A_216, %mul3A_259 : i32
      %add3A_261 = arith.addi %mul3A_2, %mul3A_260 : i32
      %rem3A_262 = arith.constant 50 : i32
      %rem3A_263 = arith.remsi %add3A_261, %rem3A_262 : i32
      %scan3A_264 = arith.constant 0 : i32
      %scan3A_265 = arith.constant 32 : i32
      %scan3A_266 = arith.addi %scan3A_264, %scan3A_265 : i32
      %scan3A_267 = arith.constant 1 : i32
      %scan3A_268 = scf.for %scan3A_339 = %scan3A_264 to %scan3A_266 step %scan3A_267 iter_args(%scan3A_340 = %rem3A_263) -> (i32)  : i32 {
        %broadcast_in_dim3A = vector.broadcast %scan3A_339 : i32 to vector<16xi32>
        %gather3A = tpu.vector_load_idx %arg13[%broadcast_in_dim3A] : memref<32xf32, #tpu.memory_space<vmem>>[vector<16xi32>], vector<16xf32>,
        %get3A_341 = arith.index_cast %scan3A_339 : i32 to index
        %get3A_342 = arith.constant 0 : index
        %get3A_343 = tpu.vector_load %arg11[%get3A_341, %get3A_342] {strides = array<i32>} : memref<32x512xf32, #tpu.memory_space<vmem>>, vector<16xf32>,
        %mul3A_344 = arith.mulf %get3A_343, %gather3A : vector<16xf32>
        %get3A_345 = arith.index_cast %scan3A_340 : i32 to index
        %get3A_346 = arith.constant 0 : index
        %get3A_347 = tpu.vector_load %arg6[%get3A_345, %get3A_346] {strides = array<i32>} : memref<50x512xf32, #tpu.memory_space<vmem>>, vector<16xf32>,
        %add3A_348 = arith.addf %mul3A_344, %get3A_347 : vector<16xf32>
        %swap3A_349 = arith.index_cast %scan3A_339 : i32 to index
        %swap3A_350 = arith.constant 0 : index
        %swap3A_351 = tpu.vector_load %arg11[%swap3A_349, %swap3A_350] {strides = array<i32>} : memref<32x512xf32, #tpu.memory_space<vmem>>, vector<16xf32>,
        tpu.vector_store %arg11[%swap3A_349, %swap3A_350], %add3A_348 {strides = array<i32>} : memref<32x512xf32, #tpu.memory_space<vmem>>, vector<16xf32>,
        %get3A_352 = arith.index_cast %scan3A_339 : i32 to index
        %get3A_353 = arith.constant 16 : index
        %get3A_354 = tpu.vector_load %arg11[%get3A_352, %get3A_353] {strides = array<i32>} : memref<32x512xf32, #tpu.memory_space<vmem>>, vector<16xf32>,
        %mul3A_355 = arith.mulf %get3A_354, %gather3A : vector<16xf32>
        %get3A_356 = arith.index_cast %scan3A_340 : i32 to index
        %get3A_357 = arith.constant 16 : index
        %get3A_358 = tpu.vector_load %arg6[%get3A_356, %get3A_357] {strides = array<i32>} : memref<50x512xf32, #tpu.memory_space<vmem>>, vector<16xf32>,
        %add3A_359 = arith.addf %mul3A_355, %get3A_358 : vector<16xf32>
        %swap3A_360 = arith.index_cast %scan3A_339 : i32 to index
        %swap3A_361 = arith.constant 16 : index
        %swap3A_362 = tpu.vector_load %arg11[%swap3A_360, %swap3A_361] {strides = array<i32>} : memref<32x512xf32, #tpu.memory_space<vmem>>, vector<16xf32>,
        tpu.vector_store %arg11[%swap3A_360, %swap3A_361], %add3A_359 {strides = array<i32>} : memref<32x512xf32, #tpu.memory_space<vmem>>, vector<16xf32>,
        %get3A_363 = arith.index_cast %scan3A_339 : i32 to index
        %get3A_364 = arith.constant 32 : index
        %get3A_365 = tpu.vector_load %arg11[%get3A_363, %get3A_364] {strides = array<i32>} : memref<32x512xf32, #tpu.memory_space<vmem>>, vector<16xf32>,
        %mul3A_366 = arith.mulf %get3A_365, %gather3A : vector<16xf32>
        %get3A_367 = arith.index_cast %scan3A_340 : i32 to index
        %get3A_368 = arith.constant 32 : index
        %get3A_369 = tpu.vector_load %arg6[%get3A_367, %get3A_368] {strides = array<i32>} : memref<50x512xf32, #tpu.memory_space<vmem>>, vector<16xf32>,
        %add3A_370 = arith.addf %mul3A_366, %get3A_369 : vector<16xf32>
        %swap3A_371 = arith.index_cast %scan3A_339 : i32 to index
        %swap3A_372 = arith.constant 32 : index
        %swap3A_373 = tpu.vector_load %arg11[%swap3A_371, %swap3A_372] {strides = array<i32>} : memref<32x512xf32, #tpu.memory_space<vmem>>, vector<16xf32>,
        tpu.vector_store %arg11[%swap3A_371, %swap3A_372], %add3A_370 {strides = array<i32>} : memref<32x512xf32, #tpu.memory_space<vmem>>, vector<16xf32>,
        %get3A_374 = arith.index_cast %scan3A_339 : i32 to index
        %get3A_375 = arith.constant 48 : index
        %get3A_376 = tpu.vector_load %arg11[%get3A_374, %get3A_375] {strides = array<i32>} : memref<32x512xf32, #tpu.memory_space<vmem>>, vector<16xf32>,
        %mul3A_377 = arith.mulf %get3A_376, %gather3A : vector<16xf32>
        %get3A_378 = arith.index_cast %scan3A_340 : i32 to index
        %get3A_379 = arith.constant 48 : index
        %get3A_380 = tpu.vector_load %arg6[%get3A_378, %get3A_379] {strides = array<i32>} : memref<50x512xf32, #tpu.memory_space<vmem>>, vector<16xf32>,
        %add3A_381 = arith.addf %mul3A_377, %get3A_380 : vector<16xf32>
        %swap3A_382 = arith.index_cast %scan3A_339 : i32 to index
        %swap3A_383 = arith.constant 48 : index
        %swap3A_384 = tpu.vector_load %arg11[%swap3A_382, %swap3A_383] {strides = array<i32>} : memref<32x512xf32, #tpu.memory_space<vmem>>, vector<16xf32>,
        tpu.vector_store %arg11[%swap3A_382, %swap3A_383], %add3A_381 {strides = array<i32>} : memref<32x512xf32, #tpu.memory_space<vmem>>, vector<16xf32>,
        %get3A_385 = arith.index_cast %scan3A_339 : i32 to index
        %get3A_386 = arith.constant 64 : index
        %get3A_387 = tpu.vector_load %arg11[%get3A_385, %get3A_386] {strides = array<i32>} : memref<32x512xf32, #tpu.memory_space<vmem>>, vector<16xf32>,
        %mul3A_388 = arith.mulf %get3A_387, %gather3A : vector<16xf32>
        %get3A_389 = arith.index_cast %scan3A_340 : i32 to index
        %get3A_390 = arith.constant 64 : index
        %get3A_391 = tpu.vector_load %arg6[%get3A_389, %get3A_390] {strides = array<i32>} : memref<50x512xf32, #tpu.memory_space<vmem>>, vector<16xf32>,
        %add3A_392 = arith.addf %mul3A_388, %get3A_391 : vector<16xf32>
        %swap3A_393 = arith.index_cast %scan3A_339 : i32 to index
        %swap3A_394 = arith.constant 64 : index
        %swap3A_395 = tpu.vector_load %arg11[%swap3A_393, %swap3A_394] {strides = array<i32>} : memref<32x512xf32, #tpu.memory_space<vmem>>, vector<16xf32>,
        tpu.vector_store %arg11[%swap3A_393, %swap3A_394], %add3A_392 {strides = array<i32>} : memref<32x512xf32, #tpu.memory_space<vmem>>, vector<16xf32>,
        %get3A_396 = arith.index_cast %scan3A_339 : i32 to index
        %get3A_397 = arith.constant 80 : index
        %get3A_398 = tpu.vector_load %arg11[%get3A_396, %get3A_397] {strides = array<i32>} : memref<32x512xf32, #tpu.memory_space<vmem>>, vector<16xf32>,
        %mul3A_399 = arith.mulf %get3A_398, %gather3A : vector<16xf32>
        %get3A_400 = arith.index_cast %scan3A_340 : i32 to index
        %get3A_401 = arith.constant 80 : index
        %get3A_402 = tpu.vector_load %arg6[%get3A_400, %get3A_401] {strides = array<i32>} : memref<50x512xf32, #tpu.memory_space<vmem>>, vector<16xf32>,
        %add3A_403 = arith.addf %mul3A_399, %get3A_402 : vector<16xf32>
        %swap3A_404 = arith.index_cast %scan3A_339 : i32 to index
        %swap3A_405 = arith.constant 80 : index
        %swap3A_406 = tpu.vector_load %arg11[%swap3A_404, %swap3A_405] {strides = array<i32>} : memref<32x512xf32, #tpu.memory_space<vmem>>, vector<16xf32>,
        tpu.vector_store %arg11[%swap3A_404, %swap3A_405], %add3A_403 {strides = array<i32>} : memref<32x512xf32, #tpu.memory_space<vmem>>, vector<16xf32>,
        %get3A_407 = arith.index_cast %scan3A_339 : i32 to index
        %get3A_408 = arith.constant 96 : index
        %get3A_409 = tpu.vector_load %arg11[%get3A_407, %get3A_408] {strides = array<i32>} : memref<32x512xf32, #tpu.memory_space<vmem>>, vector<16xf32>,
        %mul3A_410 = arith.mulf %get3A_409, %gather3A : vector<16xf32>
        %get3A_411 = arith.index_cast %scan3A_340 : i32 to index
        %get3A_412 = arith.constant 96 : index
        %get3A_413 = tpu.vector_load %arg6[%get3A_411, %get3A_412] {strides = array<i32>} : memref<50x512xf32, #tpu.memory_space<vmem>>, vector<16xf32>,
        %add3A_414 = arith.addf %mul3A_410, %get3A_413 : vector<16xf32>
        %swap3A_415 = arith.index_cast %scan3A_339 : i32 to index
        %swap3A_416 = arith.constant 96 : index
        %swap3A_417 = tpu.vector_load %arg11[%swap3A_415, %swap3A_416] {strides = array<i32>} : memref<32x512xf32, #tpu.memory_space<vmem>>, vector<16xf32>,
        tpu.vector_store %arg11[%swap3A_415, %swap3A_416], %add3A_414 {strides = array<i32>} : memref<32x512xf32, #tpu.memory_space<vmem>>, vector<16xf32>,
        %get3A_418 = arith.index_cast %scan3A_339 : i32 to index
        %get3A_419 = arith.constant 112 : index
        %get3A_420 = tpu.vector_load %arg11[%get3A_418, %get3A_419] {strides = array<i32>} : memref<32x512xf32, #tpu.memory_space<vmem>>, vector<16xf32>,
        %mul3A_421 = arith.mulf %get3A_420, %gather3A : vector<16xf32>
        %get3A_422 = arith.index_cast %scan3A_340 : i32 to index
        %get3A_423 = arith.constant 112 : index
        %get3A_424 = tpu.vector_load %arg6[%get3A_422, %get3A_423] {strides = array<i32>} : memref<50x512xf32, #tpu.memory_space<vmem>>, vector<16xf32>,
        %add3A_425 = arith.addf %mul3A_421, %get3A_424 : vector<16xf32>
        %swap3A_426 = arith.index_cast %scan3A_339 : i32 to index
        %swap3A_427 = arith.constant 112 : index
        %swap3A_428 = tpu.vector_load %arg11[%swap3A_426, %swap3A_427] {strides = array<i32>} : memref<32x512xf32, #tpu.memory_space<vmem>>, vector<16xf32>,
        tpu.vector_store %arg11[%swap3A_426, %swap3A_427], %add3A_425 {strides = array<i32>} : memref<32x512xf32, #tpu.memory_space<vmem>>, vector<16xf32>,
        %get3A_429 = arith.index_cast %scan3A_339 : i32 to index
        %get3A_430 = arith.constant 128 : index
        %get3A_431 = tpu.vector_load %arg11[%get3A_429, %get3A_430] {strides = array<i32>} : memref<32x512xf32, #tpu.memory_space<vmem>>, vector<16xf32>,
        %mul3A_432 = arith.mulf %get3A_431, %gather3A : vector<16xf32>
        %get3A_433 = arith.index_cast %scan3A_340 : i32 to index
        %get3A_434 = arith.constant 128 : index
        %get3A_435 = tpu.vector_load %arg6[%get3A_433, %get3A_434] {strides = array<i32>} : memref<50x512xf32, #tpu.memory_space<vmem>>, vector<16xf32>,
        %add3A_436 = arith.addf %mul3A_432, %get3A_435 : vector<16xf32>
        %swap3A_437 = arith.index_cast %scan3A_339 : i32 to index
        %swap3A_438 = arith.constant 128 : index
        %swap3A_439 = tpu.vector_load %arg11[%swap3A_437, %swap3A_438] {strides = array<i32>} : memref<32x512xf32, #tpu.memory_space<vmem>>, vector<16xf32>,
        tpu.vector_store %arg11[%swap3A_437, %swap3A_438], %add3A_436 {strides = array<i32>} : memref<32x512xf32, #tpu.memory_space<vmem>>, vector<16xf32>,
        %get3A_440 = arith.index_cast %scan3A_339 : i32 to index
        %get3A_441 = arith.constant 144 : index
        %get3A_442 = tpu.vector_load %arg11[%get3A_440, %get3A_441] {strides = array<i32>} : memref<32x512xf32, #tpu.memory_space<vmem>>, vector<16xf32>,
        %mul3A_443 = arith.mulf %get3A_442, %gather3A : vector<16xf32>
        %get3A_444 = arith.index_cast %scan3A_340 : i32 to index
        %get3A_445 = arith.constant 144 : index
        %get3A_446 = tpu.vector_load %arg6[%get3A_444, %get3A_445] {strides = array<i32>} : memref<50x512xf32, #tpu.memory_space<vmem>>, vector<16xf32>,
        %add3A_447 = arith.addf %mul3A_443, %get3A_446 : vector<16xf32>
        %swap3A_448 = arith.index_cast %scan3A_339 : i32 to index
        %swap3A_449 = arith.constant 144 : index
        %swap3A_450 = tpu.vector_load %arg11[%swap3A_448, %swap3A_449] {strides = array<i32>} : memref<32x512xf32, #tpu.memory_space<vmem>>, vector<16xf32>,
        tpu.vector_store %arg11[%swap3A_448, %swap3A_449], %add3A_447 {strides = array<i32>} : memref<32x512xf32, #tpu.memory_space<vmem>>, vector<16xf32>,
        %get3A_451 = arith.index_cast %scan3A_339 : i32 to index
        %get3A_452 = arith.constant 160 : index
        %get3A_453 = tpu.vector_load %arg11[%get3A_451, %get3A_452] {strides = array<i32>} : memref<32x512xf32, #tpu.memory_space<vmem>>, vector<16xf32>,
        %mul3A_454 = arith.mulf %get3A_453, %gather3A : vector<16xf32>
        %get3A_455 = arith.index_cast %scan3A_340 : i32 to index
        %get3A_456 = arith.constant 160 : index
        %get3A_457 = tpu.vector_load %arg6[%get3A_455, %get3A_456] {strides = array<i32>} : memref<50x512xf32, #tpu.memory_space<vmem>>, vector<16xf32>,
        %add3A_458 = arith.addf %mul3A_454, %get3A_457 : vector<16xf32>
        %swap3A_459 = arith.index_cast %scan3A_339 : i32 to index
        %swap3A_460 = arith.constant 160 : index
        %swap3A_461 = tpu.vector_load %arg11[%swap3A_459, %swap3A_460] {strides = array<i32>} : memref<32x512xf32, #tpu.memory_space<vmem>>, vector<16xf32>,
        tpu.vector_store %arg11[%swap3A_459, %swap3A_460], %add3A_458 {strides = array<i32>} : memref<32x512xf32, #tpu.memory_space<vmem>>, vector<16xf32>,
        %get3A_462 = arith.index_cast %scan3A_339 : i32 to index
        %get3A_463 = arith.constant 176 : index
        %get3A_464 = tpu.vector_load %arg11[%get3A_462, %get3A_463] {strides = array<i32>} : memref<32x512xf32, #tpu.memory_space<vmem>>, vector<16xf32>,
        %mul3A_465 = arith.mulf %get3A_464, %gather3A : vector<16xf32>
        %get3A_466 = arith.index_cast %scan3A_340 : i32 to index
        %get3A_467 = arith.constant 176 : index
        %get3A_468 = tpu.vector_load %arg6[%get3A_466, %get3A_467] {strides = array<i32>} : memref<50x512xf32, #tpu.memory_space<vmem>>, vector<16xf32>,
        %add3A_469 = arith.addf %mul3A_465, %get3A_468 : vector<16xf32>
        %swap3A_470 = arith.index_cast %scan3A_339 : i32 to index
        %swap3A_471 = arith.constant 176 : index
        %swap3A_472 = tpu.vector_load %arg11[%swap3A_470, %swap3A_471] {strides = array<i32>} : memref<32x512xf32, #tpu.memory_space<vmem>>, vector<16xf32>,
        tpu.vector_store %arg11[%swap3A_470, %swap3A_471], %add3A_469 {strides = array<i32>} : memref<32x512xf32, #tpu.memory_space<vmem>>, vector<16xf32>,
        %get3A_473 = arith.index_cast %scan3A_339 : i32 to index
        %get3A_474 = arith.constant 192 : index
        %get3A_475 = tpu.vector_load %arg11[%get3A_473, %get3A_474] {strides = array<i32>} : memref<32x512xf32, #tpu.memory_space<vmem>>, vector<16xf32>,
        %mul3A_476 = arith.mulf %get3A_475, %gather3A : vector<16xf32>
        %get3A_477 = arith.index_cast %scan3A_340 : i32 to index
        %get3A_478 = arith.constant 192 : index
        %get3A_479 = tpu.vector_load %arg6[%get3A_477, %get3A_478] {strides = array<i32>} : memref<50x512xf32, #tpu.memory_space<vmem>>, vector<16xf32>,
        %add3A_480 = arith.addf %mul3A_476, %get3A_479 : vector<16xf32>
        %swap3A_481 = arith.index_cast %scan3A_339 : i32 to index
        %swap3A_482 = arith.constant 192 : index
        %swap3A_483 = tpu.vector_load %arg11[%swap3A_481, %swap3A_482] {strides = array<i32>} : memref<32x512xf32, #tpu.memory_space<vmem>>, vector<16xf32>,
        tpu.vector_store %arg11[%swap3A_481, %swap3A_482], %add3A_480 {strides = array<i32>} : memref<32x512xf32, #tpu.memory_space<vmem>>, vector<16xf32>,
        %get3A_484 = arith.index_cast %scan3A_339 : i32 to index
        %get3A_485 = arith.constant 208 : index
        %get3A_486 = tpu.vector_load %arg11[%get3A_484, %get3A_485] {strides = array<i32>} : memref<32x512xf32, #tpu.memory_space<vmem>>, vector<16xf32>,
        %mul3A_487 = arith.mulf %get3A_486, %gather3A : vector<16xf32>
        %get3A_488 = arith.index_cast %scan3A_340 : i32 to index
        %get3A_489 = arith.constant 208 : index
        %get3A_490 = tpu.vector_load %arg6[%get3A_488, %get3A_489] {strides = array<i32>} : memref<50x512xf32, #tpu.memory_space<vmem>>, vector<16xf32>,
        %add3A_491 = arith.addf %mul3A_487, %get3A_490 : vector<16xf32>
        %swap3A_492 = arith.index_cast %scan3A_339 : i32 to index
        %swap3A_493 = arith.constant 208 : index
        %swap3A_494 = tpu.vector_load %arg11[%swap3A_492, %swap3A_493] {strides = array<i32>} : memref<32x512xf32, #tpu.memory_space<vmem>>, vector<16xf32>,
        tpu.vector_store %arg11[%swap3A_492, %swap3A_493], %add3A_491 {strides = array<i32>} : memref<32x512xf32, #tpu.memory_space<vmem>>, vector<16xf32>,
        %get3A_495 = arith.index_cast %scan3A_339 : i32 to index
        %get3A_496 = arith.constant 224 : index
        %get3A_497 = tpu.vector_load %arg11[%get3A_495, %get3A_496] {strides = array<i32>} : memref<32x512xf32, #tpu.memory_space<vmem>>, vector<16xf32>,
        %mul3A_498 = arith.mulf %get3A_497, %gather3A : vector<16xf32>
        %get3A_499 = arith.index_cast %scan3A_340 : i32 to index
        %get3A_500 = arith.constant 224 : index
        %get3A_501 = tpu.vector_load %arg6[%get3A_499, %get3A_500] {strides = array<i32>} : memref<50x512xf32, #tpu.memory_space<vmem>>, vector<16xf32>,
        %add3A_502 = arith.addf %mul3A_498, %get3A_501 : vector<16xf32>
        %swap3A_503 = arith.index_cast %scan3A_339 : i32 to index
        %swap3A_504 = arith.constant 224 : index
        %swap3A_505 = tpu.vector_load %arg11[%swap3A_503, %swap3A_504] {strides = array<i32>} : memref<32x512xf32, #tpu.memory_space<vmem>>, vector<16xf32>,
        tpu.vector_store %arg11[%swap3A_503, %swap3A_504], %add3A_502 {strides = array<i32>} : memref<32x512xf32, #tpu.memory_space<vmem>>, vector<16xf32>,
        %get3A_506 = arith.index_cast %scan3A_339 : i32 to index
        %get3A_507 = arith.constant 240 : index
        %get3A_508 = tpu.vector_load %arg11[%get3A_506, %get3A_507] {strides = array<i32>} : memref<32x512xf32, #tpu.memory_space<vmem>>, vector<16xf32>,
        %mul3A_509 = arith.mulf %get3A_508, %gather3A : vector<16xf32>
        %get3A_510 = arith.index_cast %scan3A_340 : i32 to index
        %get3A_511 = arith.constant 240 : index
        %get3A_512 = tpu.vector_load %arg6[%get3A_510, %get3A_511] {strides = array<i32>} : memref<50x512xf32, #tpu.memory_space<vmem>>, vector<16xf32>,
        %add3A_513 = arith.addf %mul3A_509, %get3A_512 : vector<16xf32>
        %swap3A_514 = arith.index_cast %scan3A_339 : i32 to index
        %swap3A_515 = arith.constant 240 : index
        %swap3A_516 = tpu.vector_load %arg11[%swap3A_514, %swap3A_515] {strides = array<i32>} : memref<32x512xf32, #tpu.memory_space<vmem>>, vector<16xf32>,
        tpu.vector_store %arg11[%swap3A_514, %swap3A_515], %add3A_513 {strides = array<i32>} : memref<32x512xf32, #tpu.memory_space<vmem>>, vector<16xf32>,
        %get3A_517 = arith.index_cast %scan3A_339 : i32 to index
        %get3A_518 = arith.constant 256 : index
        %get3A_519 = tpu.vector_load %arg11[%get3A_517, %get3A_518] {strides = array<i32>} : memref<32x512xf32, #tpu.memory_space<vmem>>, vector<16xf32>,
        %mul3A_520 = arith.mulf %get3A_519, %gather3A : vector<16xf32>
        %get3A_521 = arith.index_cast %scan3A_340 : i32 to index
        %get3A_522 = arith.constant 256 : index
        %get3A_523 = tpu.vector_load %arg6[%get3A_521, %get3A_522] {strides = array<i32>} : memref<50x512xf32, #tpu.memory_space<vmem>>, vector<16xf32>,
        %add3A_524 = arith.addf %mul3A_520, %get3A_523 : vector<16xf32>
        %swap3A_525 = arith.index_cast %scan3A_339 : i32 to index
        %swap3A_526 = arith.constant 256 : index
        %swap3A_527 = tpu.vector_load %arg11[%swap3A_525, %swap3A_526] {strides = array<i32>} : memref<32x512xf32, #tpu.memory_space<vmem>>, vector<16xf32>,
        tpu.vector_store %arg11[%swap3A_525, %swap3A_526], %add3A_524 {strides = array<i32>} : memref<32x512xf32, #tpu.memory_space<vmem>>, vector<16xf32>,
        %get3A_528 = arith.index_cast %scan3A_339 : i32 to index
        %get3A_529 = arith.constant 272 : index
        %get3A_530 = tpu.vector_load %arg11[%get3A_528, %get3A_529] {strides = array<i32>} : memref<32x512xf32, #tpu.memory_space<vmem>>, vector<16xf32>,
        %mul3A_531 = arith.mulf %get3A_530, %gather3A : vector<16xf32>
        %get3A_532 = arith.index_cast %scan3A_340 : i32 to index
        %get3A_533 = arith.constant 272 : index
        %get3A_534 = tpu.vector_load %arg6[%get3A_532, %get3A_533] {strides = array<i32>} : memref<50x512xf32, #tpu.memory_space<vmem>>, vector<16xf32>,
        %add3A_535 = arith.addf %mul3A_531, %get3A_534 : vector<16xf32>
        %swap3A_536 = arith.index_cast %scan3A_339 : i32 to index
        %swap3A_537 = arith.constant 272 : index
        %swap3A_538 = tpu.vector_load %arg11[%swap3A_536, %swap3A_537] {strides = array<i32>} : memref<32x512xf32, #tpu.memory_space<vmem>>, vector<16xf32>,
        tpu.vector_store %arg11[%swap3A_536, %swap3A_537], %add3A_535 {strides = array<i32>} : memref<32x512xf32, #tpu.memory_space<vmem>>, vector<16xf32>,
        %get3A_539 = arith.index_cast %scan3A_339 : i32 to index
        %get3A_540 = arith.constant 288 : index
        %get3A_541 = tpu.vector_load %arg11[%get3A_539, %get3A_540] {strides = array<i32>} : memref<32x512xf32, #tpu.memory_space<vmem>>, vector<16xf32>,
        %mul3A_542 = arith.mulf %get3A_541, %gather3A : vector<16xf32>
        %get3A_543 = arith.index_cast %scan3A_340 : i32 to index
        %get3A_544 = arith.constant 288 : index
        %get3A_545 = tpu.vector_load %arg6[%get3A_543, %get3A_544] {strides = array<i32>} : memref<50x512xf32, #tpu.memory_space<vmem>>, vector<16xf32>,
        %add3A_546 = arith.addf %mul3A_542, %get3A_545 : vector<16xf32>
        %swap3A_547 = arith.index_cast %scan3A_339 : i32 to index
        %swap3A_548 = arith.constant 288 : index
        %swap3A_549 = tpu.vector_load %arg11[%swap3A_547, %swap3A_548] {strides = array<i32>} : memref<32x512xf32, #tpu.memory_space<vmem>>, vector<16xf32>,
        tpu.vector_store %arg11[%swap3A_547, %swap3A_548], %add3A_546 {strides = array<i32>} : memref<32x512xf32, #tpu.memory_space<vmem>>, vector<16xf32>,
        %get3A_550 = arith.index_cast %scan3A_339 : i32 to index
        %get3A_551 = arith.constant 304 : index
        %get3A_552 = tpu.vector_load %arg11[%get3A_550, %get3A_551] {strides = array<i32>} : memref<32x512xf32, #tpu.memory_space<vmem>>, vector<16xf32>,
        %mul3A_553 = arith.mulf %get3A_552, %gather3A : vector<16xf32>
        %get3A_554 = arith.index_cast %scan3A_340 : i32 to index
        %get3A_555 = arith.constant 304 : index
        %get3A_556 = tpu.vector_load %arg6[%get3A_554, %get3A_555] {strides = array<i32>} : memref<50x512xf32, #tpu.memory_space<vmem>>, vector<16xf32>,
        %add3A_557 = arith.addf %mul3A_553, %get3A_556 : vector<16xf32>
        %swap3A_558 = arith.index_cast %scan3A_339 : i32 to index
        %swap3A_559 = arith.constant 304 : index
        %swap3A_560 = tpu.vector_load %arg11[%swap3A_558, %swap3A_559] {strides = array<i32>} : memref<32x512xf32, #tpu.memory_space<vmem>>, vector<16xf32>,
        tpu.vector_store %arg11[%swap3A_558, %swap3A_559], %add3A_557 {strides = array<i32>} : memref<32x512xf32, #tpu.memory_space<vmem>>, vector<16xf32>,
        %get3A_561 = arith.index_cast %scan3A_339 : i32 to index
        %get3A_562 = arith.constant 320 : index
        %get3A_563 = tpu.vector_load %arg11[%get3A_561, %get3A_562] {strides = array<i32>} : memref<32x512xf32, #tpu.memory_space<vmem>>, vector<16xf32>,
        %mul3A_564 = arith.mulf %get3A_563, %gather3A : vector<16xf32>
        %get3A_565 = arith.index_cast %scan3A_340 : i32 to index
        %get3A_566 = arith.constant 320 : index
        %get3A_567 = tpu.vector_load %arg6[%get3A_565, %get3A_566] {strides = array<i32>} : memref<50x512xf32, #tpu.memory_space<vmem>>, vector<16xf32>,
        %add3A_568 = arith.addf %mul3A_564, %get3A_567 : vector<16xf32>
        %swap3A_569 = arith.index_cast %scan3A_339 : i32 to index
        %swap3A_570 = arith.constant 320 : index
        %swap3A_571 = tpu.vector_load %arg11[%swap3A_569, %swap3A_570] {strides = array<i32>} : memref<32x512xf32, #tpu.memory_space<vmem>>, vector<16xf32>,
        tpu.vector_store %arg11[%swap3A_569, %swap3A_570], %add3A_568 {strides = array<i32>} : memref<32x512xf32, #tpu.memory_space<vmem>>, vector<16xf32>,
        %get3A_572 = arith.index_cast %scan3A_339 : i32 to index
        %get3A_573 = arith.constant 336 : index
        %get3A_574 = tpu.vector_load %arg11[%get3A_572, %get3A_573] {strides = array<i32>} : memref<32x512xf32, #tpu.memory_space<vmem>>, vector<16xf32>,
        %mul3A_575 = arith.mulf %get3A_574, %gather3A : vector<16xf32>
        %get3A_576 = arith.index_cast %scan3A_340 : i32 to index
        %get3A_577 = arith.constant 336 : index
        %get3A_578 = tpu.vector_load %arg6[%get3A_576, %get3A_577] {strides = array<i32>} : memref<50x512xf32, #tpu.memory_space<vmem>>, vector<16xf32>,
        %add3A_579 = arith.addf %mul3A_575, %get3A_578 : vector<16xf32>
        %swap3A_580 = arith.index_cast %scan3A_339 : i32 to index
        %swap3A_581 = arith.constant 336 : index
        %swap3A_582 = tpu.vector_load %arg11[%swap3A_580, %swap3A_581] {strides = array<i32>} : memref<32x512xf32, #tpu.memory_space<vmem>>, vector<16xf32>,
        tpu.vector_store %arg11[%swap3A_580, %swap3A_581], %add3A_579 {strides = array<i32>} : memref<32x512xf32, #tpu.memory_space<vmem>>, vector<16xf32>,
        %get3A_583 = arith.index_cast %scan3A_339 : i32 to index
        %get3A_584 = arith.constant 352 : index
        %get3A_585 = tpu.vector_load %arg11[%get3A_583, %get3A_584] {strides = array<i32>} : memref<32x512xf32, #tpu.memory_space<vmem>>, vector<16xf32>,
        %mul3A_586 = arith.mulf %get3A_585, %gather3A : vector<16xf32>
        %get3A_587 = arith.index_cast %scan3A_340 : i32 to index
        %get3A_588 = arith.constant 352 : index
        %get3A_589 = tpu.vector_load %arg6[%get3A_587, %get3A_588] {strides = array<i32>} : memref<50x512xf32, #tpu.memory_space<vmem>>, vector<16xf32>,
        %add3A_590 = arith.addf %mul3A_586, %get3A_589 : vector<16xf32>
        %swap3A_591 = arith.index_cast %scan3A_339 : i32 to index
        %swap3A_592 = arith.constant 352 : index
        %swap3A_593 = tpu.vector_load %arg11[%swap3A_591, %swap3A_592] {strides = array<i32>} : memref<32x512xf32, #tpu.memory_space<vmem>>, vector<16xf32>,
        tpu.vector_store %arg11[%swap3A_591, %swap3A_592], %add3A_590 {strides = array<i32>} : memref<32x512xf32, #tpu.memory_space<vmem>>, vector<16xf32>,
        %get3A_594 = arith.index_cast %scan3A_339 : i32 to index
        %get3A_595 = arith.constant 368 : index
        %get3A_596 = tpu.vector_load %arg11[%get3A_594, %get3A_595] {strides = array<i32>} : memref<32x512xf32, #tpu.memory_space<vmem>>, vector<16xf32>,
        %mul3A_597 = arith.mulf %get3A_596, %gather3A : vector<16xf32>
        %get3A_598 = arith.index_cast %scan3A_340 : i32 to index
        %get3A_599 = arith.constant 368 : index
        %get3A_600 = tpu.vector_load %arg6[%get3A_598, %get3A_599] {strides = array<i32>} : memref<50x512xf32, #tpu.memory_space<vmem>>, vector<16xf32>,
        %add3A_601 = arith.addf %mul3A_597, %get3A_600 : vector<16xf32>
        %swap3A_602 = arith.index_cast %scan3A_339 : i32 to index
        %swap3A_603 = arith.constant 368 : index
        %swap3A_604 = tpu.vector_load %arg11[%swap3A_602, %swap3A_603] {strides = array<i32>} : memref<32x512xf32, #tpu.memory_space<vmem>>, vector<16xf32>,
        tpu.vector_store %arg11[%swap3A_602, %swap3A_603], %add3A_601 {strides = array<i32>} : memref<32x512xf32, #tpu.memory_space<vmem>>, vector<16xf32>,
        %get3A_605 = arith.index_cast %scan3A_339 : i32 to index
        %get3A_606 = arith.constant 384 : index
        %get3A_607 = tpu.vector_load %arg11[%get3A_605, %get3A_606] {strides = array<i32>} : memref<32x512xf32, #tpu.memory_space<vmem>>, vector<16xf32>,
        %mul3A_608 = arith.mulf %get3A_607, %gather3A : vector<16xf32>
        %get3A_609 = arith.index_cast %scan3A_340 : i32 to index
        %get3A_610 = arith.constant 384 : index
        %get3A_611 = tpu.vector_load %arg6[%get3A_609, %get3A_610] {strides = array<i32>} : memref<50x512xf32, #tpu.memory_space<vmem>>, vector<16xf32>,
        %add3A_612 = arith.addf %mul3A_608, %get3A_611 : vector<16xf32>
        %swap3A_613 = arith.index_cast %scan3A_339 : i32 to index
        %swap3A_614 = arith.constant 384 : index
        %swap3A_615 = tpu.vector_load %arg11[%swap3A_613, %swap3A_614] {strides = array<i32>} : memref<32x512xf32, #tpu.memory_space<vmem>>, vector<16xf32>,
        tpu.vector_store %arg11[%swap3A_613, %swap3A_614], %add3A_612 {strides = array<i32>} : memref<32x512xf32, #tpu.memory_space<vmem>>, vector<16xf32>,
        %get3A_616 = arith.index_cast %scan3A_339 : i32 to index
        %get3A_617 = arith.constant 400 : index
        %get3A_618 = tpu.vector_load %arg11[%get3A_616, %get3A_617] {strides = array<i32>} : memref<32x512xf32, #tpu.memory_space<vmem>>, vector<16xf32>,
        %mul3A_619 = arith.mulf %get3A_618, %gather3A : vector<16xf32>
        %get3A_620 = arith.index_cast %scan3A_340 : i32 to index
        %get3A_621 = arith.constant 400 : index
        %get3A_622 = tpu.vector_load %arg6[%get3A_620, %get3A_621] {strides = array<i32>} : memref<50x512xf32, #tpu.memory_space<vmem>>, vector<16xf32>,
        %add3A_623 = arith.addf %mul3A_619, %get3A_622 : vector<16xf32>
        %swap3A_624 = arith.index_cast %scan3A_339 : i32 to index
        %swap3A_625 = arith.constant 400 : index
        %swap3A_626 = tpu.vector_load %arg11[%swap3A_624, %swap3A_625] {strides = array<i32>} : memref<32x512xf32, #tpu.memory_space<vmem>>, vector<16xf32>,
        tpu.vector_store %arg11[%swap3A_624, %swap3A_625], %add3A_623 {strides = array<i32>} : memref<32x512xf32, #tpu.memory_space<vmem>>, vector<16xf32>,
        %get3A_627 = arith.index_cast %scan3A_339 : i32 to index
        %get3A_628 = arith.constant 416 : index
        %get3A_629 = tpu.vector_load %arg11[%get3A_627, %get3A_628] {strides = array<i32>} : memref<32x512xf32, #tpu.memory_space<vmem>>, vector<16xf32>,
        %mul3A_630 = arith.mulf %get3A_629, %gather3A : vector<16xf32>
        %get3A_631 = arith.index_cast %scan3A_340 : i32 to index
        %get3A_632 = arith.constant 416 : index
        %get3A_633 = tpu.vector_load %arg6[%get3A_631, %get3A_632] {strides = array<i32>} : memref<50x512xf32, #tpu.memory_space<vmem>>, vector<16xf32>,
        %add3A_634 = arith.addf %mul3A_630, %get3A_633 : vector<16xf32>
        %swap3A_635 = arith.index_cast %scan3A_339 : i32 to index
        %swap3A_636 = arith.constant 416 : index
        %swap3A_637 = tpu.vector_load %arg11[%swap3A_635, %swap3A_636] {strides = array<i32>} : memref<32x512xf32, #tpu.memory_space<vmem>>, vector<16xf32>,
        tpu.vector_store %arg11[%swap3A_635, %swap3A_636], %add3A_634 {strides = array<i32>} : memref<32x512xf32, #tpu.memory_space<vmem>>, vector<16xf32>,
        %get3A_638 = arith.index_cast %scan3A_339 : i32 to index
        %get3A_639 = arith.constant 432 : index
        %get3A_640 = tpu.vector_load %arg11[%get3A_638, %get3A_639] {strides = array<i32>} : memref<32x512xf32, #tpu.memory_space<vmem>>, vector<16xf32>,
        %mul3A_641 = arith.mulf %get3A_640, %gather3A : vector<16xf32>
        %get3A_642 = arith.index_cast %scan3A_340 : i32 to index
        %get3A_643 = arith.constant 432 : index
        %get3A_644 = tpu.vector_load %arg6[%get3A_642, %get3A_643] {strides = array<i32>} : memref<50x512xf32, #tpu.memory_space<vmem>>, vector<16xf32>,
        %add3A_645 = arith.addf %mul3A_641, %get3A_644 : vector<16xf32>
        %swap3A_646 = arith.index_cast %scan3A_339 : i32 to index
        %swap3A_647 = arith.constant 432 : index
        %swap3A_648 = tpu.vector_load %arg11[%swap3A_646, %swap3A_647] {strides = array<i32>} : memref<32x512xf32, #tpu.memory_space<vmem>>, vector<16xf32>,
        tpu.vector_store %arg11[%swap3A_646, %swap3A_647], %add3A_645 {strides = array<i32>} : memref<32x512xf32, #tpu.memory_space<vmem>>, vector<16xf32>,
        %get3A_649 = arith.index_cast %scan3A_339 : i32 to index
        %get3A_650 = arith.constant 448 : index
        %get3A_651 = tpu.vector_load %arg11[%get3A_649, %get3A_650] {strides = array<i32>} : memref<32x512xf32, #tpu.memory_space<vmem>>, vector<16xf32>,
        %mul3A_652 = arith.mulf %get3A_651, %gather3A : vector<16xf32>
        %get3A_653 = arith.index_cast %scan3A_340 : i32 to index
        %get3A_654 = arith.constant 448 : index
        %get3A_655 = tpu.vector_load %arg6[%get3A_653, %get3A_654] {strides = array<i32>} : memref<50x512xf32, #tpu.memory_space<vmem>>, vector<16xf32>,
        %add3A_656 = arith.addf %mul3A_652, %get3A_655 : vector<16xf32>
        %swap3A_657 = arith.index_cast %scan3A_339 : i32 to index
        %swap3A_658 = arith.constant 448 : index
        %swap3A_659 = tpu.vector_load %arg11[%swap3A_657, %swap3A_658] {strides = array<i32>} : memref<32x512xf32, #tpu.memory_space<vmem>>, vector<16xf32>,
        tpu.vector_store %arg11[%swap3A_657, %swap3A_658], %add3A_656 {strides = array<i32>} : memref<32x512xf32, #tpu.memory_space<vmem>>, vector<16xf32>,
        %get3A_660 = arith.index_cast %scan3A_339 : i32 to index
        %get3A_661 = arith.constant 464 : index
        %get3A_662 = tpu.vector_load %arg11[%get3A_660, %get3A_661] {strides = array<i32>} : memref<32x512xf32, #tpu.memory_space<vmem>>, vector<16xf32>,
        %mul3A_663 = arith.mulf %get3A_662, %gather3A : vector<16xf32>
        %get3A_664 = arith.index_cast %scan3A_340 : i32 to index
        %get3A_665 = arith.constant 464 : index
        %get3A_666 = tpu.vector_load %arg6[%get3A_664, %get3A_665] {strides = array<i32>} : memref<50x512xf32, #tpu.memory_space<vmem>>, vector<16xf32>,
        %add3A_667 = arith.addf %mul3A_663, %get3A_666 : vector<16xf32>
        %swap3A_668 = arith.index_cast %scan3A_339 : i32 to index
        %swap3A_669 = arith.constant 464 : index
        %swap3A_670 = tpu.vector_load %arg11[%swap3A_668, %swap3A_669] {strides = array<i32>} : memref<32x512xf32, #tpu.memory_space<vmem>>, vector<16xf32>,
        tpu.vector_store %arg11[%swap3A_668, %swap3A_669], %add3A_667 {strides = array<i32>} : memref<32x512xf32, #tpu.memory_space<vmem>>, vector<16xf32>,
        %get3A_671 = arith.index_cast %scan3A_339 : i32 to index
        %get3A_672 = arith.constant 480 : index
        %get3A_673 = tpu.vector_load %arg11[%get3A_671, %get3A_672] {strides = array<i32>} : memref<32x512xf32, #tpu.memory_space<vmem>>, vector<16xf32>,
        %mul3A_674 = arith.mulf %get3A_673, %gather3A : vector<16xf32>
        %get3A_675 = arith.index_cast %scan3A_340 : i32 to index
        %get3A_676 = arith.constant 480 : index
        %get3A_677 = tpu.vector_load %arg6[%get3A_675, %get3A_676] {strides = array<i32>} : memref<50x512xf32, #tpu.memory_space<vmem>>, vector<16xf32>,
        %add3A_678 = arith.addf %mul3A_674, %get3A_677 : vector<16xf32>
        %swap3A_679 = arith.index_cast %scan3A_339 : i32 to index
        %swap3A_680 = arith.constant 480 : index
        %swap3A_681 = tpu.vector_load %arg11[%swap3A_679, %swap3A_680] {strides = array<i32>} : memref<32x512xf32, #tpu.memory_space<vmem>>, vector<16xf32>,
        tpu.vector_store %arg11[%swap3A_679, %swap3A_680], %add3A_678 {strides = array<i32>} : memref<32x512xf32, #tpu.memory_space<vmem>>, vector<16xf32>,
        %get3A_682 = arith.index_cast %scan3A_339 : i32 to index
        %get3A_683 = arith.constant 496 : index
        %get3A_684 = tpu.vector_load %arg11[%get3A_682, %get3A_683] {strides = array<i32>} : memref<32x512xf32, #tpu.memory_space<vmem>>, vector<16xf32>,
        %mul3A_685 = arith.mulf %get3A_684, %gather3A : vector<16xf32>
        %get3A_686 = arith.index_cast %scan3A_340 : i32 to index
        %get3A_687 = arith.constant 496 : index
        %get3A_688 = tpu.vector_load %arg6[%get3A_686, %get3A_687] {strides = array<i32>} : memref<50x512xf32, #tpu.memory_space<vmem>>, vector<16xf32>,
        %add3A_689 = arith.addf %mul3A_685, %get3A_688 : vector<16xf32>
        %swap3A_690 = arith.index_cast %scan3A_339 : i32 to index
        %swap3A_691 = arith.constant 496 : index
        %swap3A_692 = tpu.vector_load %arg11[%swap3A_690, %swap3A_691] {strides = array<i32>} : memref<32x512xf32, #tpu.memory_space<vmem>>, vector<16xf32>,
        tpu.vector_store %arg11[%swap3A_690, %swap3A_691], %add3A_689 {strides = array<i32>} : memref<32x512xf32, #tpu.memory_space<vmem>>, vector<16xf32>,
        %add3A_693 = arith.constant 1 : i32
        %add3A_694 = arith.addi %scan3A_340, %add3A_693 : i32
        %eq3A = arith.constant 50 : i32
        %eq3A_695 = arith.cmpi eq, %add3A_694, %eq3A : i32
        %jit3A = arith.constant 0 : i32
        %select_n3A = arith.select %eq3A_695, %jit3A, %add3A_694 : i32
        scf.yield %select_n3A : i32
      }
      %scan3A_269 = arith.constant 32 : i32
      %mul3A_270 = arith.constant 32 : i32
      %mul3A_271 = arith.muli %add3A_216, %mul3A_270 : i32
      %add3A_272 = arith.addi %mul3A_2, %mul3A_271 : i32
      %dma_start3A_273 = arith.constant 0 : i32
      %dma_start3A_274 = tpu.memref_slice %arg5[%add3A_272, %dma_start3A_273] : memref<51200x512xf32, #tpu.memory_space<hbm>> -> memref<32x512xf32, #tpu.memory_space<hbm>>
      %dma_start3A_275 = arith.constant 0 : i32
      %dma_start3A_276 = tpu.memref_slice %arg5[%add3A_272, %dma_start3A_275] : memref<51200x512xf32, #tpu.memory_space<hbm>> -> memref<32x512xf32, #tpu.memory_space<hbm>>
      tpu.enqueue_dma source(%arg11 : memref<32x512xf32, #tpu.memory_space<vmem>>) target(%dma_start3A_276 : memref<32x512xf32, #tpu.memory_space<hbm>>) target_semaphore(%arg22 : memref<!tpu.dma_semaphore, #tpu.memory_space<semaphore_mem>>)
      %add3A_277 = arith.constant 4 : i32
      %add3A_278 = arith.addi %mul3A_36, %add3A_277 : i32
      %ge3A_279 = arith.constant 3 : i32
      %ge3A_280 = arith.cmpi sge, %add3A_278, %ge3A_279 : i32
      %convert_element_type3A_281 = arith.extui %ge3A_280 : i1 to i32
      %cond3A_282 = arith.constant 0 : i32
      %cond3A_283 = arith.cmpi ne, %convert_element_type3A_281, %cond3A_282 : i32
      scf.if %cond3A_283 {
        %sub3A = arith.constant 3 : i32
        %sub3A_339 = arith.subi %add3A_278, %sub3A : i32
        %mul3A_340 = arith.constant 32 : i32
        %mul3A_341 = arith.muli %sub3A_339, %mul3A_340 : i32
        %add3A_342 = arith.addi %mul3A_2, %mul3A_341 : i32
        %dma_wait3A_343 = arith.constant 0 : i32
        %dma_wait3A_344 = tpu.memref_slice %arg5[%add3A_342, %dma_wait3A_343] : memref<51200x512xf32, #tpu.memory_space<hbm>> -> memref<32x512xf32, #tpu.memory_space<hbm>>
        %dma_wait3A_345 = arith.constant 0 : i32
        %dma_wait3A_346 = tpu.memref_slice %arg5[%add3A_342, %dma_wait3A_345] : memref<51200x512xf32, #tpu.memory_space<hbm>> -> memref<32x512xf32, #tpu.memory_space<hbm>>
        tpu.wait_dma2 semaphore(%arg20 : memref<!tpu.dma_semaphore, #tpu.memory_space<semaphore_mem>>) src(%arg9 : memref<32x512xf32, #tpu.memory_space<vmem>>) dst(%dma_wait3A_346 : memref<32x512xf32, #tpu.memory_space<hbm>>)
      } else {
      }
      %add3A_284 = arith.constant 2 : i32
      %add3A_285 = arith.addi %add3A_278, %add3A_284 : i32
      %lt3A_286 = arith.constant 50 : i32
      %lt3A_287 = arith.cmpi slt, %add3A_285, %lt3A_286 : i32
      %convert_element_type3A_288 = arith.extui %lt3A_287 : i1 to i32
      %cond3A_289 = arith.constant 0 : i32
      %cond3A_290 = arith.cmpi ne, %convert_element_type3A_288, %cond3A_289 : i32
      scf.if %cond3A_290 {
        %add3A_339 = arith.constant 2 : i32
        %add3A_340 = arith.addi %add3A_278, %add3A_339 : i32
        %mul3A_341 = arith.constant 32 : i32
        %mul3A_342 = arith.muli %add3A_340, %mul3A_341 : i32
        %dma_start3A_343 = tpu.memref_slice %arg7[%mul3A_342] : memref<1600xi32, #tpu.memory_space<vmem>> -> memref<32xi32, #tpu.memory_space<vmem>>
        %dma_start3A_344 = arith.constant 0 : i32
        %dma_start3A_345 = arith.constant 0 : i32
        %dma_start3A_346 = tpu.memref_slice %arg3[%dma_start3A_344, %dma_start3A_345] : memref<100000x512xf32, #tpu.memory_space<hbm>> -> memref<100000x512xf32, #tpu.memory_space<hbm>>
        tpu.enqueue_indirect_dma source(%dma_start3A_346 : memref<100000x512xf32, #tpu.memory_space<hbm>>) target(%arg9 : memref<32x512xf32, #tpu.memory_space<vmem>>) offsets(%dma_start3A_343 : memref<32xi32, #tpu.memory_space<vmem>>) semaphore(%arg15 : memref<!tpu.dma_semaphore, #tpu.memory_space<semaphore_mem>>)
      } else {
      }
      %mul3A_291 = arith.constant 32 : i32
      %mul3A_292 = arith.muli %add3A_278, %mul3A_291 : i32
      %dma_wait3A_293 = tpu.memref_slice %arg7[%mul3A_292] : memref<1600xi32, #tpu.memory_space<vmem>> -> memref<32xi32, #tpu.memory_space<vmem>>
      %dma_wait3A_294 = arith.constant 0 : i32
      %dma_wait3A_295 = arith.constant 0 : i32
      %dma_wait3A_296 = tpu.memref_slice %arg3[%dma_wait3A_294, %dma_wait3A_295] : memref<100000x512xf32, #tpu.memory_space<hbm>> -> memref<100000x512xf32, #tpu.memory_space<hbm>>
      tpu.wait_indirect_dma semaphore(%arg18 : memref<!tpu.dma_semaphore, #tpu.memory_space<semaphore_mem>>) src(%dma_wait3A_296 : memref<100000x512xf32, #tpu.memory_space<hbm>>) dst(%arg12 : memref<32x512xf32, #tpu.memory_space<vmem>>)
      %mul3A_297 = arith.constant 32 : i32
      %mul3A_298 = arith.muli %add3A_278, %mul3A_297 : i32
      %add3A_299 = arith.constant 0 : i32
      %add3A_300 = arith.addi %mul3A_298, %add3A_299 : i32
      %get3A_301 = arith.index_cast %add3A_300 : i32 to index
      %get3A_302 = tpu.vector_load %arg7[%get3A_301] {strides = array<i32>} : memref<1600xi32, #tpu.memory_space<vmem>>, vector<16xi32>,
      %min3A_303 = arith.constant 1 : i32
      %min3A_304 = vector.broadcast %min3A_303 : i32 to vector<16xi32>
      %min3A_305 = arith.minsi %get3A_302, %min3A_304 : vector<16xi32>
      %convert_element_type3A_306 = arith.sitofp %min3A_305 : vector<16xi32> to vector<16xf32>
      %swap3A_307 = arith.constant 0 : index
      %swap3A_308 = tpu.vector_load %arg13[%swap3A_307] {strides = array<i32>} : memref<32xf32, #tpu.memory_space<vmem>>, vector<16xf32>,
      tpu.vector_store %arg13[%swap3A_307], %convert_element_type3A_306 {strides = array<i32>} : memref<32xf32, #tpu.memory_space<vmem>>, vector<16xf32>,
      %mul3A_309 = arith.constant 32 : i32
      %mul3A_310 = arith.muli %add3A_278, %mul3A_309 : i32
      %add3A_311 = arith.constant 16 : i32
      %add3A_312 = arith.addi %mul3A_310, %add3A_311 : i32
      %get3A_313 = arith.index_cast %add3A_312 : i32 to index
      %get3A_314 = tpu.vector_load %arg7[%get3A_313] {strides = array<i32>} : memref<1600xi32, #tpu.memory_space<vmem>>, vector<16xi32>,
      %min3A_315 = arith.constant 1 : i32
      %min3A_316 = vector.broadcast %min3A_315 : i32 to vector<16xi32>
      %min3A_317 = arith.minsi %get3A_314, %min3A_316 : vector<16xi32>
      %convert_element_type3A_318 = arith.sitofp %min3A_317 : vector<16xi32> to vector<16xf32>
      %swap3A_319 = arith.constant 16 : index
      %swap3A_320 = tpu.vector_load %arg13[%swap3A_319] {strides = array<i32>} : memref<32xf32, #tpu.memory_space<vmem>>, vector<16xf32>,
      tpu.vector_store %arg13[%swap3A_319], %convert_element_type3A_318 {strides = array<i32>} : memref<32xf32, #tpu.memory_space<vmem>>, vector<16xf32>,
      %mul3A_321 = arith.constant 32 : i32
      %mul3A_322 = arith.muli %add3A_278, %mul3A_321 : i32
      %add3A_323 = arith.addi %mul3A_2, %mul3A_322 : i32
      %rem3A_324 = arith.constant 50 : i32
      %rem3A_325 = arith.remsi %add3A_323, %rem3A_324 : i32
      %scan3A_326 = arith.constant 0 : i32
      %scan3A_327 = arith.constant 32 : i32
      %scan3A_328 = arith.addi %scan3A_326, %scan3A_327 : i32
      %scan3A_329 = arith.constant 1 : i32
      %scan3A_330 = scf.for %scan3A_339 = %scan3A_326 to %scan3A_328 step %scan3A_329 iter_args(%scan3A_340 = %rem3A_325) -> (i32)  : i32 {
        %broadcast_in_dim3A = vector.broadcast %scan3A_339 : i32 to vector<16xi32>
        %gather3A = tpu.vector_load_idx %arg13[%broadcast_in_dim3A] : memref<32xf32, #tpu.memory_space<vmem>>[vector<16xi32>], vector<16xf32>,
        %get3A_341 = arith.index_cast %scan3A_339 : i32 to index
        %get3A_342 = arith.constant 0 : index
        %get3A_343 = tpu.vector_load %arg12[%get3A_341, %get3A_342] {strides = array<i32>} : memref<32x512xf32, #tpu.memory_space<vmem>>, vector<16xf32>,
        %mul3A_344 = arith.mulf %get3A_343, %gather3A : vector<16xf32>
        %get3A_345 = arith.index_cast %scan3A_340 : i32 to index
        %get3A_346 = arith.constant 0 : index
        %get3A_347 = tpu.vector_load %arg6[%get3A_345, %get3A_346] {strides = array<i32>} : memref<50x512xf32, #tpu.memory_space<vmem>>, vector<16xf32>,
        %add3A_348 = arith.addf %mul3A_344, %get3A_347 : vector<16xf32>
        %swap3A_349 = arith.index_cast %scan3A_339 : i32 to index
        %swap3A_350 = arith.constant 0 : index
        %swap3A_351 = tpu.vector_load %arg12[%swap3A_349, %swap3A_350] {strides = array<i32>} : memref<32x512xf32, #tpu.memory_space<vmem>>, vector<16xf32>,
        tpu.vector_store %arg12[%swap3A_349, %swap3A_350], %add3A_348 {strides = array<i32>} : memref<32x512xf32, #tpu.memory_space<vmem>>, vector<16xf32>,
        %get3A_352 = arith.index_cast %scan3A_339 : i32 to index
        %get3A_353 = arith.constant 16 : index
        %get3A_354 = tpu.vector_load %arg12[%get3A_352, %get3A_353] {strides = array<i32>} : memref<32x512xf32, #tpu.memory_space<vmem>>, vector<16xf32>,
        %mul3A_355 = arith.mulf %get3A_354, %gather3A : vector<16xf32>
        %get3A_356 = arith.index_cast %scan3A_340 : i32 to index
        %get3A_357 = arith.constant 16 : index
        %get3A_358 = tpu.vector_load %arg6[%get3A_356, %get3A_357] {strides = array<i32>} : memref<50x512xf32, #tpu.memory_space<vmem>>, vector<16xf32>,
        %add3A_359 = arith.addf %mul3A_355, %get3A_358 : vector<16xf32>
        %swap3A_360 = arith.index_cast %scan3A_339 : i32 to index
        %swap3A_361 = arith.constant 16 : index
        %swap3A_362 = tpu.vector_load %arg12[%swap3A_360, %swap3A_361] {strides = array<i32>} : memref<32x512xf32, #tpu.memory_space<vmem>>, vector<16xf32>,
        tpu.vector_store %arg12[%swap3A_360, %swap3A_361], %add3A_359 {strides = array<i32>} : memref<32x512xf32, #tpu.memory_space<vmem>>, vector<16xf32>,
        %get3A_363 = arith.index_cast %scan3A_339 : i32 to index
        %get3A_364 = arith.constant 32 : index
        %get3A_365 = tpu.vector_load %arg12[%get3A_363, %get3A_364] {strides = array<i32>} : memref<32x512xf32, #tpu.memory_space<vmem>>, vector<16xf32>,
        %mul3A_366 = arith.mulf %get3A_365, %gather3A : vector<16xf32>
        %get3A_367 = arith.index_cast %scan3A_340 : i32 to index
        %get3A_368 = arith.constant 32 : index
        %get3A_369 = tpu.vector_load %arg6[%get3A_367, %get3A_368] {strides = array<i32>} : memref<50x512xf32, #tpu.memory_space<vmem>>, vector<16xf32>,
        %add3A_370 = arith.addf %mul3A_366, %get3A_369 : vector<16xf32>
        %swap3A_371 = arith.index_cast %scan3A_339 : i32 to index
        %swap3A_372 = arith.constant 32 : index
        %swap3A_373 = tpu.vector_load %arg12[%swap3A_371, %swap3A_372] {strides = array<i32>} : memref<32x512xf32, #tpu.memory_space<vmem>>, vector<16xf32>,
        tpu.vector_store %arg12[%swap3A_371, %swap3A_372], %add3A_370 {strides = array<i32>} : memref<32x512xf32, #tpu.memory_space<vmem>>, vector<16xf32>,
        %get3A_374 = arith.index_cast %scan3A_339 : i32 to index
        %get3A_375 = arith.constant 48 : index
        %get3A_376 = tpu.vector_load %arg12[%get3A_374, %get3A_375] {strides = array<i32>} : memref<32x512xf32, #tpu.memory_space<vmem>>, vector<16xf32>,
        %mul3A_377 = arith.mulf %get3A_376, %gather3A : vector<16xf32>
        %get3A_378 = arith.index_cast %scan3A_340 : i32 to index
        %get3A_379 = arith.constant 48 : index
        %get3A_380 = tpu.vector_load %arg6[%get3A_378, %get3A_379] {strides = array<i32>} : memref<50x512xf32, #tpu.memory_space<vmem>>, vector<16xf32>,
        %add3A_381 = arith.addf %mul3A_377, %get3A_380 : vector<16xf32>
        %swap3A_382 = arith.index_cast %scan3A_339 : i32 to index
        %swap3A_383 = arith.constant 48 : index
        %swap3A_384 = tpu.vector_load %arg12[%swap3A_382, %swap3A_383] {strides = array<i32>} : memref<32x512xf32, #tpu.memory_space<vmem>>, vector<16xf32>,
        tpu.vector_store %arg12[%swap3A_382, %swap3A_383], %add3A_381 {strides = array<i32>} : memref<32x512xf32, #tpu.memory_space<vmem>>, vector<16xf32>,
        %get3A_385 = arith.index_cast %scan3A_339 : i32 to index
        %get3A_386 = arith.constant 64 : index
        %get3A_387 = tpu.vector_load %arg12[%get3A_385, %get3A_386] {strides = array<i32>} : memref<32x512xf32, #tpu.memory_space<vmem>>, vector<16xf32>,
        %mul3A_388 = arith.mulf %get3A_387, %gather3A : vector<16xf32>
        %get3A_389 = arith.index_cast %scan3A_340 : i32 to index
        %get3A_390 = arith.constant 64 : index
        %get3A_391 = tpu.vector_load %arg6[%get3A_389, %get3A_390] {strides = array<i32>} : memref<50x512xf32, #tpu.memory_space<vmem>>, vector<16xf32>,
        %add3A_392 = arith.addf %mul3A_388, %get3A_391 : vector<16xf32>
        %swap3A_393 = arith.index_cast %scan3A_339 : i32 to index
        %swap3A_394 = arith.constant 64 : index
        %swap3A_395 = tpu.vector_load %arg12[%swap3A_393, %swap3A_394] {strides = array<i32>} : memref<32x512xf32, #tpu.memory_space<vmem>>, vector<16xf32>,
        tpu.vector_store %arg12[%swap3A_393, %swap3A_394], %add3A_392 {strides = array<i32>} : memref<32x512xf32, #tpu.memory_space<vmem>>, vector<16xf32>,
        %get3A_396 = arith.index_cast %scan3A_339 : i32 to index
        %get3A_397 = arith.constant 80 : index
        %get3A_398 = tpu.vector_load %arg12[%get3A_396, %get3A_397] {strides = array<i32>} : memref<32x512xf32, #tpu.memory_space<vmem>>, vector<16xf32>,
        %mul3A_399 = arith.mulf %get3A_398, %gather3A : vector<16xf32>
        %get3A_400 = arith.index_cast %scan3A_340 : i32 to index
        %get3A_401 = arith.constant 80 : index
        %get3A_402 = tpu.vector_load %arg6[%get3A_400, %get3A_401] {strides = array<i32>} : memref<50x512xf32, #tpu.memory_space<vmem>>, vector<16xf32>,
        %add3A_403 = arith.addf %mul3A_399, %get3A_402 : vector<16xf32>
        %swap3A_404 = arith.index_cast %scan3A_339 : i32 to index
        %swap3A_405 = arith.constant 80 : index
        %swap3A_406 = tpu.vector_load %arg12[%swap3A_404, %swap3A_405] {strides = array<i32>} : memref<32x512xf32, #tpu.memory_space<vmem>>, vector<16xf32>,
        tpu.vector_store %arg12[%swap3A_404, %swap3A_405], %add3A_403 {strides = array<i32>} : memref<32x512xf32, #tpu.memory_space<vmem>>, vector<16xf32>,
        %get3A_407 = arith.index_cast %scan3A_339 : i32 to index
        %get3A_408 = arith.constant 96 : index
        %get3A_409 = tpu.vector_load %arg12[%get3A_407, %get3A_408] {strides = array<i32>} : memref<32x512xf32, #tpu.memory_space<vmem>>, vector<16xf32>,
        %mul3A_410 = arith.mulf %get3A_409, %gather3A : vector<16xf32>
        %get3A_411 = arith.index_cast %scan3A_340 : i32 to index
        %get3A_412 = arith.constant 96 : index
        %get3A_413 = tpu.vector_load %arg6[%get3A_411, %get3A_412] {strides = array<i32>} : memref<50x512xf32, #tpu.memory_space<vmem>>, vector<16xf32>,
        %add3A_414 = arith.addf %mul3A_410, %get3A_413 : vector<16xf32>
        %swap3A_415 = arith.index_cast %scan3A_339 : i32 to index
        %swap3A_416 = arith.constant 96 : index
        %swap3A_417 = tpu.vector_load %arg12[%swap3A_415, %swap3A_416] {strides = array<i32>} : memref<32x512xf32, #tpu.memory_space<vmem>>, vector<16xf32>,
        tpu.vector_store %arg12[%swap3A_415, %swap3A_416], %add3A_414 {strides = array<i32>} : memref<32x512xf32, #tpu.memory_space<vmem>>, vector<16xf32>,
        %get3A_418 = arith.index_cast %scan3A_339 : i32 to index
        %get3A_419 = arith.constant 112 : index
        %get3A_420 = tpu.vector_load %arg12[%get3A_418, %get3A_419] {strides = array<i32>} : memref<32x512xf32, #tpu.memory_space<vmem>>, vector<16xf32>,
        %mul3A_421 = arith.mulf %get3A_420, %gather3A : vector<16xf32>
        %get3A_422 = arith.index_cast %scan3A_340 : i32 to index
        %get3A_423 = arith.constant 112 : index
        %get3A_424 = tpu.vector_load %arg6[%get3A_422, %get3A_423] {strides = array<i32>} : memref<50x512xf32, #tpu.memory_space<vmem>>, vector<16xf32>,
        %add3A_425 = arith.addf %mul3A_421, %get3A_424 : vector<16xf32>
        %swap3A_426 = arith.index_cast %scan3A_339 : i32 to index
        %swap3A_427 = arith.constant 112 : index
        %swap3A_428 = tpu.vector_load %arg12[%swap3A_426, %swap3A_427] {strides = array<i32>} : memref<32x512xf32, #tpu.memory_space<vmem>>, vector<16xf32>,
        tpu.vector_store %arg12[%swap3A_426, %swap3A_427], %add3A_425 {strides = array<i32>} : memref<32x512xf32, #tpu.memory_space<vmem>>, vector<16xf32>,
        %get3A_429 = arith.index_cast %scan3A_339 : i32 to index
        %get3A_430 = arith.constant 128 : index
        %get3A_431 = tpu.vector_load %arg12[%get3A_429, %get3A_430] {strides = array<i32>} : memref<32x512xf32, #tpu.memory_space<vmem>>, vector<16xf32>,
        %mul3A_432 = arith.mulf %get3A_431, %gather3A : vector<16xf32>
        %get3A_433 = arith.index_cast %scan3A_340 : i32 to index
        %get3A_434 = arith.constant 128 : index
        %get3A_435 = tpu.vector_load %arg6[%get3A_433, %get3A_434] {strides = array<i32>} : memref<50x512xf32, #tpu.memory_space<vmem>>, vector<16xf32>,
        %add3A_436 = arith.addf %mul3A_432, %get3A_435 : vector<16xf32>
        %swap3A_437 = arith.index_cast %scan3A_339 : i32 to index
        %swap3A_438 = arith.constant 128 : index
        %swap3A_439 = tpu.vector_load %arg12[%swap3A_437, %swap3A_438] {strides = array<i32>} : memref<32x512xf32, #tpu.memory_space<vmem>>, vector<16xf32>,
        tpu.vector_store %arg12[%swap3A_437, %swap3A_438], %add3A_436 {strides = array<i32>} : memref<32x512xf32, #tpu.memory_space<vmem>>, vector<16xf32>,
        %get3A_440 = arith.index_cast %scan3A_339 : i32 to index
        %get3A_441 = arith.constant 144 : index
        %get3A_442 = tpu.vector_load %arg12[%get3A_440, %get3A_441] {strides = array<i32>} : memref<32x512xf32, #tpu.memory_space<vmem>>, vector<16xf32>,
        %mul3A_443 = arith.mulf %get3A_442, %gather3A : vector<16xf32>
        %get3A_444 = arith.index_cast %scan3A_340 : i32 to index
        %get3A_445 = arith.constant 144 : index
        %get3A_446 = tpu.vector_load %arg6[%get3A_444, %get3A_445] {strides = array<i32>} : memref<50x512xf32, #tpu.memory_space<vmem>>, vector<16xf32>,
        %add3A_447 = arith.addf %mul3A_443, %get3A_446 : vector<16xf32>
        %swap3A_448 = arith.index_cast %scan3A_339 : i32 to index
        %swap3A_449 = arith.constant 144 : index
        %swap3A_450 = tpu.vector_load %arg12[%swap3A_448, %swap3A_449] {strides = array<i32>} : memref<32x512xf32, #tpu.memory_space<vmem>>, vector<16xf32>,
        tpu.vector_store %arg12[%swap3A_448, %swap3A_449], %add3A_447 {strides = array<i32>} : memref<32x512xf32, #tpu.memory_space<vmem>>, vector<16xf32>,
        %get3A_451 = arith.index_cast %scan3A_339 : i32 to index
        %get3A_452 = arith.constant 160 : index
        %get3A_453 = tpu.vector_load %arg12[%get3A_451, %get3A_452] {strides = array<i32>} : memref<32x512xf32, #tpu.memory_space<vmem>>, vector<16xf32>,
        %mul3A_454 = arith.mulf %get3A_453, %gather3A : vector<16xf32>
        %get3A_455 = arith.index_cast %scan3A_340 : i32 to index
        %get3A_456 = arith.constant 160 : index
        %get3A_457 = tpu.vector_load %arg6[%get3A_455, %get3A_456] {strides = array<i32>} : memref<50x512xf32, #tpu.memory_space<vmem>>, vector<16xf32>,
        %add3A_458 = arith.addf %mul3A_454, %get3A_457 : vector<16xf32>
        %swap3A_459 = arith.index_cast %scan3A_339 : i32 to index
        %swap3A_460 = arith.constant 160 : index
        %swap3A_461 = tpu.vector_load %arg12[%swap3A_459, %swap3A_460] {strides = array<i32>} : memref<32x512xf32, #tpu.memory_space<vmem>>, vector<16xf32>,
        tpu.vector_store %arg12[%swap3A_459, %swap3A_460], %add3A_458 {strides = array<i32>} : memref<32x512xf32, #tpu.memory_space<vmem>>, vector<16xf32>,
        %get3A_462 = arith.index_cast %scan3A_339 : i32 to index
        %get3A_463 = arith.constant 176 : index
        %get3A_464 = tpu.vector_load %arg12[%get3A_462, %get3A_463] {strides = array<i32>} : memref<32x512xf32, #tpu.memory_space<vmem>>, vector<16xf32>,
        %mul3A_465 = arith.mulf %get3A_464, %gather3A : vector<16xf32>
        %get3A_466 = arith.index_cast %scan3A_340 : i32 to index
        %get3A_467 = arith.constant 176 : index
        %get3A_468 = tpu.vector_load %arg6[%get3A_466, %get3A_467] {strides = array<i32>} : memref<50x512xf32, #tpu.memory_space<vmem>>, vector<16xf32>,
        %add3A_469 = arith.addf %mul3A_465, %get3A_468 : vector<16xf32>
        %swap3A_470 = arith.index_cast %scan3A_339 : i32 to index
        %swap3A_471 = arith.constant 176 : index
        %swap3A_472 = tpu.vector_load %arg12[%swap3A_470, %swap3A_471] {strides = array<i32>} : memref<32x512xf32, #tpu.memory_space<vmem>>, vector<16xf32>,
        tpu.vector_store %arg12[%swap3A_470, %swap3A_471], %add3A_469 {strides = array<i32>} : memref<32x512xf32, #tpu.memory_space<vmem>>, vector<16xf32>,
        %get3A_473 = arith.index_cast %scan3A_339 : i32 to index
        %get3A_474 = arith.constant 192 : index
        %get3A_475 = tpu.vector_load %arg12[%get3A_473, %get3A_474] {strides = array<i32>} : memref<32x512xf32, #tpu.memory_space<vmem>>, vector<16xf32>,
        %mul3A_476 = arith.mulf %get3A_475, %gather3A : vector<16xf32>
        %get3A_477 = arith.index_cast %scan3A_340 : i32 to index
        %get3A_478 = arith.constant 192 : index
        %get3A_479 = tpu.vector_load %arg6[%get3A_477, %get3A_478] {strides = array<i32>} : memref<50x512xf32, #tpu.memory_space<vmem>>, vector<16xf32>,
        %add3A_480 = arith.addf %mul3A_476, %get3A_479 : vector<16xf32>
        %swap3A_481 = arith.index_cast %scan3A_339 : i32 to index
        %swap3A_482 = arith.constant 192 : index
        %swap3A_483 = tpu.vector_load %arg12[%swap3A_481, %swap3A_482] {strides = array<i32>} : memref<32x512xf32, #tpu.memory_space<vmem>>, vector<16xf32>,
        tpu.vector_store %arg12[%swap3A_481, %swap3A_482], %add3A_480 {strides = array<i32>} : memref<32x512xf32, #tpu.memory_space<vmem>>, vector<16xf32>,
        %get3A_484 = arith.index_cast %scan3A_339 : i32 to index
        %get3A_485 = arith.constant 208 : index
        %get3A_486 = tpu.vector_load %arg12[%get3A_484, %get3A_485] {strides = array<i32>} : memref<32x512xf32, #tpu.memory_space<vmem>>, vector<16xf32>,
        %mul3A_487 = arith.mulf %get3A_486, %gather3A : vector<16xf32>
        %get3A_488 = arith.index_cast %scan3A_340 : i32 to index
        %get3A_489 = arith.constant 208 : index
        %get3A_490 = tpu.vector_load %arg6[%get3A_488, %get3A_489] {strides = array<i32>} : memref<50x512xf32, #tpu.memory_space<vmem>>, vector<16xf32>,
        %add3A_491 = arith.addf %mul3A_487, %get3A_490 : vector<16xf32>
        %swap3A_492 = arith.index_cast %scan3A_339 : i32 to index
        %swap3A_493 = arith.constant 208 : index
        %swap3A_494 = tpu.vector_load %arg12[%swap3A_492, %swap3A_493] {strides = array<i32>} : memref<32x512xf32, #tpu.memory_space<vmem>>, vector<16xf32>,
        tpu.vector_store %arg12[%swap3A_492, %swap3A_493], %add3A_491 {strides = array<i32>} : memref<32x512xf32, #tpu.memory_space<vmem>>, vector<16xf32>,
        %get3A_495 = arith.index_cast %scan3A_339 : i32 to index
        %get3A_496 = arith.constant 224 : index
        %get3A_497 = tpu.vector_load %arg12[%get3A_495, %get3A_496] {strides = array<i32>} : memref<32x512xf32, #tpu.memory_space<vmem>>, vector<16xf32>,
        %mul3A_498 = arith.mulf %get3A_497, %gather3A : vector<16xf32>
        %get3A_499 = arith.index_cast %scan3A_340 : i32 to index
        %get3A_500 = arith.constant 224 : index
        %get3A_501 = tpu.vector_load %arg6[%get3A_499, %get3A_500] {strides = array<i32>} : memref<50x512xf32, #tpu.memory_space<vmem>>, vector<16xf32>,
        %add3A_502 = arith.addf %mul3A_498, %get3A_501 : vector<16xf32>
        %swap3A_503 = arith.index_cast %scan3A_339 : i32 to index
        %swap3A_504 = arith.constant 224 : index
        %swap3A_505 = tpu.vector_load %arg12[%swap3A_503, %swap3A_504] {strides = array<i32>} : memref<32x512xf32, #tpu.memory_space<vmem>>, vector<16xf32>,
        tpu.vector_store %arg12[%swap3A_503, %swap3A_504], %add3A_502 {strides = array<i32>} : memref<32x512xf32, #tpu.memory_space<vmem>>, vector<16xf32>,
        %get3A_506 = arith.index_cast %scan3A_339 : i32 to index
        %get3A_507 = arith.constant 240 : index
        %get3A_508 = tpu.vector_load %arg12[%get3A_506, %get3A_507] {strides = array<i32>} : memref<32x512xf32, #tpu.memory_space<vmem>>, vector<16xf32>,
        %mul3A_509 = arith.mulf %get3A_508, %gather3A : vector<16xf32>
        %get3A_510 = arith.index_cast %scan3A_340 : i32 to index
        %get3A_511 = arith.constant 240 : index
        %get3A_512 = tpu.vector_load %arg6[%get3A_510, %get3A_511] {strides = array<i32>} : memref<50x512xf32, #tpu.memory_space<vmem>>, vector<16xf32>,
        %add3A_513 = arith.addf %mul3A_509, %get3A_512 : vector<16xf32>
        %swap3A_514 = arith.index_cast %scan3A_339 : i32 to index
        %swap3A_515 = arith.constant 240 : index
        %swap3A_516 = tpu.vector_load %arg12[%swap3A_514, %swap3A_515] {strides = array<i32>} : memref<32x512xf32, #tpu.memory_space<vmem>>, vector<16xf32>,
        tpu.vector_store %arg12[%swap3A_514, %swap3A_515], %add3A_513 {strides = array<i32>} : memref<32x512xf32, #tpu.memory_space<vmem>>, vector<16xf32>,
        %get3A_517 = arith.index_cast %scan3A_339 : i32 to index
        %get3A_518 = arith.constant 256 : index
        %get3A_519 = tpu.vector_load %arg12[%get3A_517, %get3A_518] {strides = array<i32>} : memref<32x512xf32, #tpu.memory_space<vmem>>, vector<16xf32>,
        %mul3A_520 = arith.mulf %get3A_519, %gather3A : vector<16xf32>
        %get3A_521 = arith.index_cast %scan3A_340 : i32 to index
        %get3A_522 = arith.constant 256 : index
        %get3A_523 = tpu.vector_load %arg6[%get3A_521, %get3A_522] {strides = array<i32>} : memref<50x512xf32, #tpu.memory_space<vmem>>, vector<16xf32>,
        %add3A_524 = arith.addf %mul3A_520, %get3A_523 : vector<16xf32>
        %swap3A_525 = arith.index_cast %scan3A_339 : i32 to index
        %swap3A_526 = arith.constant 256 : index
        %swap3A_527 = tpu.vector_load %arg12[%swap3A_525, %swap3A_526] {strides = array<i32>} : memref<32x512xf32, #tpu.memory_space<vmem>>, vector<16xf32>,
        tpu.vector_store %arg12[%swap3A_525, %swap3A_526], %add3A_524 {strides = array<i32>} : memref<32x512xf32, #tpu.memory_space<vmem>>, vector<16xf32>,
        %get3A_528 = arith.index_cast %scan3A_339 : i32 to index
        %get3A_529 = arith.constant 272 : index
        %get3A_530 = tpu.vector_load %arg12[%get3A_528, %get3A_529] {strides = array<i32>} : memref<32x512xf32, #tpu.memory_space<vmem>>, vector<16xf32>,
        %mul3A_531 = arith.mulf %get3A_530, %gather3A : vector<16xf32>
        %get3A_532 = arith.index_cast %scan3A_340 : i32 to index
        %get3A_533 = arith.constant 272 : index
        %get3A_534 = tpu.vector_load %arg6[%get3A_532, %get3A_533] {strides = array<i32>} : memref<50x512xf32, #tpu.memory_space<vmem>>, vector<16xf32>,
        %add3A_535 = arith.addf %mul3A_531, %get3A_534 : vector<16xf32>
        %swap3A_536 = arith.index_cast %scan3A_339 : i32 to index
        %swap3A_537 = arith.constant 272 : index
        %swap3A_538 = tpu.vector_load %arg12[%swap3A_536, %swap3A_537] {strides = array<i32>} : memref<32x512xf32, #tpu.memory_space<vmem>>, vector<16xf32>,
        tpu.vector_store %arg12[%swap3A_536, %swap3A_537], %add3A_535 {strides = array<i32>} : memref<32x512xf32, #tpu.memory_space<vmem>>, vector<16xf32>,
        %get3A_539 = arith.index_cast %scan3A_339 : i32 to index
        %get3A_540 = arith.constant 288 : index
        %get3A_541 = tpu.vector_load %arg12[%get3A_539, %get3A_540] {strides = array<i32>} : memref<32x512xf32, #tpu.memory_space<vmem>>, vector<16xf32>,
        %mul3A_542 = arith.mulf %get3A_541, %gather3A : vector<16xf32>
        %get3A_543 = arith.index_cast %scan3A_340 : i32 to index
        %get3A_544 = arith.constant 288 : index
        %get3A_545 = tpu.vector_load %arg6[%get3A_543, %get3A_544] {strides = array<i32>} : memref<50x512xf32, #tpu.memory_space<vmem>>, vector<16xf32>,
        %add3A_546 = arith.addf %mul3A_542, %get3A_545 : vector<16xf32>
        %swap3A_547 = arith.index_cast %scan3A_339 : i32 to index
        %swap3A_548 = arith.constant 288 : index
        %swap3A_549 = tpu.vector_load %arg12[%swap3A_547, %swap3A_548] {strides = array<i32>} : memref<32x512xf32, #tpu.memory_space<vmem>>, vector<16xf32>,
        tpu.vector_store %arg12[%swap3A_547, %swap3A_548], %add3A_546 {strides = array<i32>} : memref<32x512xf32, #tpu.memory_space<vmem>>, vector<16xf32>,
        %get3A_550 = arith.index_cast %scan3A_339 : i32 to index
        %get3A_551 = arith.constant 304 : index
        %get3A_552 = tpu.vector_load %arg12[%get3A_550, %get3A_551] {strides = array<i32>} : memref<32x512xf32, #tpu.memory_space<vmem>>, vector<16xf32>,
        %mul3A_553 = arith.mulf %get3A_552, %gather3A : vector<16xf32>
        %get3A_554 = arith.index_cast %scan3A_340 : i32 to index
        %get3A_555 = arith.constant 304 : index
        %get3A_556 = tpu.vector_load %arg6[%get3A_554, %get3A_555] {strides = array<i32>} : memref<50x512xf32, #tpu.memory_space<vmem>>, vector<16xf32>,
        %add3A_557 = arith.addf %mul3A_553, %get3A_556 : vector<16xf32>
        %swap3A_558 = arith.index_cast %scan3A_339 : i32 to index
        %swap3A_559 = arith.constant 304 : index
        %swap3A_560 = tpu.vector_load %arg12[%swap3A_558, %swap3A_559] {strides = array<i32>} : memref<32x512xf32, #tpu.memory_space<vmem>>, vector<16xf32>,
        tpu.vector_store %arg12[%swap3A_558, %swap3A_559], %add3A_557 {strides = array<i32>} : memref<32x512xf32, #tpu.memory_space<vmem>>, vector<16xf32>,
        %get3A_561 = arith.index_cast %scan3A_339 : i32 to index
        %get3A_562 = arith.constant 320 : index
        %get3A_563 = tpu.vector_load %arg12[%get3A_561, %get3A_562] {strides = array<i32>} : memref<32x512xf32, #tpu.memory_space<vmem>>, vector<16xf32>,
        %mul3A_564 = arith.mulf %get3A_563, %gather3A : vector<16xf32>
        %get3A_565 = arith.index_cast %scan3A_340 : i32 to index
        %get3A_566 = arith.constant 320 : index
        %get3A_567 = tpu.vector_load %arg6[%get3A_565, %get3A_566] {strides = array<i32>} : memref<50x512xf32, #tpu.memory_space<vmem>>, vector<16xf32>,
        %add3A_568 = arith.addf %mul3A_564, %get3A_567 : vector<16xf32>
        %swap3A_569 = arith.index_cast %scan3A_339 : i32 to index
        %swap3A_570 = arith.constant 320 : index
        %swap3A_571 = tpu.vector_load %arg12[%swap3A_569, %swap3A_570] {strides = array<i32>} : memref<32x512xf32, #tpu.memory_space<vmem>>, vector<16xf32>,
        tpu.vector_store %arg12[%swap3A_569, %swap3A_570], %add3A_568 {strides = array<i32>} : memref<32x512xf32, #tpu.memory_space<vmem>>, vector<16xf32>,
        %get3A_572 = arith.index_cast %scan3A_339 : i32 to index
        %get3A_573 = arith.constant 336 : index
        %get3A_574 = tpu.vector_load %arg12[%get3A_572, %get3A_573] {strides = array<i32>} : memref<32x512xf32, #tpu.memory_space<vmem>>, vector<16xf32>,
        %mul3A_575 = arith.mulf %get3A_574, %gather3A : vector<16xf32>
        %get3A_576 = arith.index_cast %scan3A_340 : i32 to index
        %get3A_577 = arith.constant 336 : index
        %get3A_578 = tpu.vector_load %arg6[%get3A_576, %get3A_577] {strides = array<i32>} : memref<50x512xf32, #tpu.memory_space<vmem>>, vector<16xf32>,
        %add3A_579 = arith.addf %mul3A_575, %get3A_578 : vector<16xf32>
        %swap3A_580 = arith.index_cast %scan3A_339 : i32 to index
        %swap3A_581 = arith.constant 336 : index
        %swap3A_582 = tpu.vector_load %arg12[%swap3A_580, %swap3A_581] {strides = array<i32>} : memref<32x512xf32, #tpu.memory_space<vmem>>, vector<16xf32>,
        tpu.vector_store %arg12[%swap3A_580, %swap3A_581], %add3A_579 {strides = array<i32>} : memref<32x512xf32, #tpu.memory_space<vmem>>, vector<16xf32>,
        %get3A_583 = arith.index_cast %scan3A_339 : i32 to index
        %get3A_584 = arith.constant 352 : index
        %get3A_585 = tpu.vector_load %arg12[%get3A_583, %get3A_584] {strides = array<i32>} : memref<32x512xf32, #tpu.memory_space<vmem>>, vector<16xf32>,
        %mul3A_586 = arith.mulf %get3A_585, %gather3A : vector<16xf32>
        %get3A_587 = arith.index_cast %scan3A_340 : i32 to index
        %get3A_588 = arith.constant 352 : index
        %get3A_589 = tpu.vector_load %arg6[%get3A_587, %get3A_588] {strides = array<i32>} : memref<50x512xf32, #tpu.memory_space<vmem>>, vector<16xf32>,
        %add3A_590 = arith.addf %mul3A_586, %get3A_589 : vector<16xf32>
        %swap3A_591 = arith.index_cast %scan3A_339 : i32 to index
        %swap3A_592 = arith.constant 352 : index
        %swap3A_593 = tpu.vector_load %arg12[%swap3A_591, %swap3A_592] {strides = array<i32>} : memref<32x512xf32, #tpu.memory_space<vmem>>, vector<16xf32>,
        tpu.vector_store %arg12[%swap3A_591, %swap3A_592], %add3A_590 {strides = array<i32>} : memref<32x512xf32, #tpu.memory_space<vmem>>, vector<16xf32>,
        %get3A_594 = arith.index_cast %scan3A_339 : i32 to index
        %get3A_595 = arith.constant 368 : index
        %get3A_596 = tpu.vector_load %arg12[%get3A_594, %get3A_595] {strides = array<i32>} : memref<32x512xf32, #tpu.memory_space<vmem>>, vector<16xf32>,
        %mul3A_597 = arith.mulf %get3A_596, %gather3A : vector<16xf32>
        %get3A_598 = arith.index_cast %scan3A_340 : i32 to index
        %get3A_599 = arith.constant 368 : index
        %get3A_600 = tpu.vector_load %arg6[%get3A_598, %get3A_599] {strides = array<i32>} : memref<50x512xf32, #tpu.memory_space<vmem>>, vector<16xf32>,
        %add3A_601 = arith.addf %mul3A_597, %get3A_600 : vector<16xf32>
        %swap3A_602 = arith.index_cast %scan3A_339 : i32 to index
        %swap3A_603 = arith.constant 368 : index
        %swap3A_604 = tpu.vector_load %arg12[%swap3A_602, %swap3A_603] {strides = array<i32>} : memref<32x512xf32, #tpu.memory_space<vmem>>, vector<16xf32>,
        tpu.vector_store %arg12[%swap3A_602, %swap3A_603], %add3A_601 {strides = array<i32>} : memref<32x512xf32, #tpu.memory_space<vmem>>, vector<16xf32>,
        %get3A_605 = arith.index_cast %scan3A_339 : i32 to index
        %get3A_606 = arith.constant 384 : index
        %get3A_607 = tpu.vector_load %arg12[%get3A_605, %get3A_606] {strides = array<i32>} : memref<32x512xf32, #tpu.memory_space<vmem>>, vector<16xf32>,
        %mul3A_608 = arith.mulf %get3A_607, %gather3A : vector<16xf32>
        %get3A_609 = arith.index_cast %scan3A_340 : i32 to index
        %get3A_610 = arith.constant 384 : index
        %get3A_611 = tpu.vector_load %arg6[%get3A_609, %get3A_610] {strides = array<i32>} : memref<50x512xf32, #tpu.memory_space<vmem>>, vector<16xf32>,
        %add3A_612 = arith.addf %mul3A_608, %get3A_611 : vector<16xf32>
        %swap3A_613 = arith.index_cast %scan3A_339 : i32 to index
        %swap3A_614 = arith.constant 384 : index
        %swap3A_615 = tpu.vector_load %arg12[%swap3A_613, %swap3A_614] {strides = array<i32>} : memref<32x512xf32, #tpu.memory_space<vmem>>, vector<16xf32>,
        tpu.vector_store %arg12[%swap3A_613, %swap3A_614], %add3A_612 {strides = array<i32>} : memref<32x512xf32, #tpu.memory_space<vmem>>, vector<16xf32>,
        %get3A_616 = arith.index_cast %scan3A_339 : i32 to index
        %get3A_617 = arith.constant 400 : index
        %get3A_618 = tpu.vector_load %arg12[%get3A_616, %get3A_617] {strides = array<i32>} : memref<32x512xf32, #tpu.memory_space<vmem>>, vector<16xf32>,
        %mul3A_619 = arith.mulf %get3A_618, %gather3A : vector<16xf32>
        %get3A_620 = arith.index_cast %scan3A_340 : i32 to index
        %get3A_621 = arith.constant 400 : index
        %get3A_622 = tpu.vector_load %arg6[%get3A_620, %get3A_621] {strides = array<i32>} : memref<50x512xf32, #tpu.memory_space<vmem>>, vector<16xf32>,
        %add3A_623 = arith.addf %mul3A_619, %get3A_622 : vector<16xf32>
        %swap3A_624 = arith.index_cast %scan3A_339 : i32 to index
        %swap3A_625 = arith.constant 400 : index
        %swap3A_626 = tpu.vector_load %arg12[%swap3A_624, %swap3A_625] {strides = array<i32>} : memref<32x512xf32, #tpu.memory_space<vmem>>, vector<16xf32>,
        tpu.vector_store %arg12[%swap3A_624, %swap3A_625], %add3A_623 {strides = array<i32>} : memref<32x512xf32, #tpu.memory_space<vmem>>, vector<16xf32>,
        %get3A_627 = arith.index_cast %scan3A_339 : i32 to index
        %get3A_628 = arith.constant 416 : index
        %get3A_629 = tpu.vector_load %arg12[%get3A_627, %get3A_628] {strides = array<i32>} : memref<32x512xf32, #tpu.memory_space<vmem>>, vector<16xf32>,
        %mul3A_630 = arith.mulf %get3A_629, %gather3A : vector<16xf32>
        %get3A_631 = arith.index_cast %scan3A_340 : i32 to index
        %get3A_632 = arith.constant 416 : index
        %get3A_633 = tpu.vector_load %arg6[%get3A_631, %get3A_632] {strides = array<i32>} : memref<50x512xf32, #tpu.memory_space<vmem>>, vector<16xf32>,
        %add3A_634 = arith.addf %mul3A_630, %get3A_633 : vector<16xf32>
        %swap3A_635 = arith.index_cast %scan3A_339 : i32 to index
        %swap3A_636 = arith.constant 416 : index
        %swap3A_637 = tpu.vector_load %arg12[%swap3A_635, %swap3A_636] {strides = array<i32>} : memref<32x512xf32, #tpu.memory_space<vmem>>, vector<16xf32>,
        tpu.vector_store %arg12[%swap3A_635, %swap3A_636], %add3A_634 {strides = array<i32>} : memref<32x512xf32, #tpu.memory_space<vmem>>, vector<16xf32>,
        %get3A_638 = arith.index_cast %scan3A_339 : i32 to index
        %get3A_639 = arith.constant 432 : index
        %get3A_640 = tpu.vector_load %arg12[%get3A_638, %get3A_639] {strides = array<i32>} : memref<32x512xf32, #tpu.memory_space<vmem>>, vector<16xf32>,
        %mul3A_641 = arith.mulf %get3A_640, %gather3A : vector<16xf32>
        %get3A_642 = arith.index_cast %scan3A_340 : i32 to index
        %get3A_643 = arith.constant 432 : index
        %get3A_644 = tpu.vector_load %arg6[%get3A_642, %get3A_643] {strides = array<i32>} : memref<50x512xf32, #tpu.memory_space<vmem>>, vector<16xf32>,
        %add3A_645 = arith.addf %mul3A_641, %get3A_644 : vector<16xf32>
        %swap3A_646 = arith.index_cast %scan3A_339 : i32 to index
        %swap3A_647 = arith.constant 432 : index
        %swap3A_648 = tpu.vector_load %arg12[%swap3A_646, %swap3A_647] {strides = array<i32>} : memref<32x512xf32, #tpu.memory_space<vmem>>, vector<16xf32>,
        tpu.vector_store %arg12[%swap3A_646, %swap3A_647], %add3A_645 {strides = array<i32>} : memref<32x512xf32, #tpu.memory_space<vmem>>, vector<16xf32>,
        %get3A_649 = arith.index_cast %scan3A_339 : i32 to index
        %get3A_650 = arith.constant 448 : index
        %get3A_651 = tpu.vector_load %arg12[%get3A_649, %get3A_650] {strides = array<i32>} : memref<32x512xf32, #tpu.memory_space<vmem>>, vector<16xf32>,
        %mul3A_652 = arith.mulf %get3A_651, %gather3A : vector<16xf32>
        %get3A_653 = arith.index_cast %scan3A_340 : i32 to index
        %get3A_654 = arith.constant 448 : index
        %get3A_655 = tpu.vector_load %arg6[%get3A_653, %get3A_654] {strides = array<i32>} : memref<50x512xf32, #tpu.memory_space<vmem>>, vector<16xf32>,
        %add3A_656 = arith.addf %mul3A_652, %get3A_655 : vector<16xf32>
        %swap3A_657 = arith.index_cast %scan3A_339 : i32 to index
        %swap3A_658 = arith.constant 448 : index
        %swap3A_659 = tpu.vector_load %arg12[%swap3A_657, %swap3A_658] {strides = array<i32>} : memref<32x512xf32, #tpu.memory_space<vmem>>, vector<16xf32>,
        tpu.vector_store %arg12[%swap3A_657, %swap3A_658], %add3A_656 {strides = array<i32>} : memref<32x512xf32, #tpu.memory_space<vmem>>, vector<16xf32>,
        %get3A_660 = arith.index_cast %scan3A_339 : i32 to index
        %get3A_661 = arith.constant 464 : index
        %get3A_662 = tpu.vector_load %arg12[%get3A_660, %get3A_661] {strides = array<i32>} : memref<32x512xf32, #tpu.memory_space<vmem>>, vector<16xf32>,
        %mul3A_663 = arith.mulf %get3A_662, %gather3A : vector<16xf32>
        %get3A_664 = arith.index_cast %scan3A_340 : i32 to index
        %get3A_665 = arith.constant 464 : index
        %get3A_666 = tpu.vector_load %arg6[%get3A_664, %get3A_665] {strides = array<i32>} : memref<50x512xf32, #tpu.memory_space<vmem>>, vector<16xf32>,
        %add3A_667 = arith.addf %mul3A_663, %get3A_666 : vector<16xf32>
        %swap3A_668 = arith.index_cast %scan3A_339 : i32 to index
        %swap3A_669 = arith.constant 464 : index
        %swap3A_670 = tpu.vector_load %arg12[%swap3A_668, %swap3A_669] {strides = array<i32>} : memref<32x512xf32, #tpu.memory_space<vmem>>, vector<16xf32>,
        tpu.vector_store %arg12[%swap3A_668, %swap3A_669], %add3A_667 {strides = array<i32>} : memref<32x512xf32, #tpu.memory_space<vmem>>, vector<16xf32>,
        %get3A_671 = arith.index_cast %scan3A_339 : i32 to index
        %get3A_672 = arith.constant 480 : index
        %get3A_673 = tpu.vector_load %arg12[%get3A_671, %get3A_672] {strides = array<i32>} : memref<32x512xf32, #tpu.memory_space<vmem>>, vector<16xf32>,
        %mul3A_674 = arith.mulf %get3A_673, %gather3A : vector<16xf32>
        %get3A_675 = arith.index_cast %scan3A_340 : i32 to index
        %get3A_676 = arith.constant 480 : index
        %get3A_677 = tpu.vector_load %arg6[%get3A_675, %get3A_676] {strides = array<i32>} : memref<50x512xf32, #tpu.memory_space<vmem>>, vector<16xf32>,
        %add3A_678 = arith.addf %mul3A_674, %get3A_677 : vector<16xf32>
        %swap3A_679 = arith.index_cast %scan3A_339 : i32 to index
        %swap3A_680 = arith.constant 480 : index
        %swap3A_681 = tpu.vector_load %arg12[%swap3A_679, %swap3A_680] {strides = array<i32>} : memref<32x512xf32, #tpu.memory_space<vmem>>, vector<16xf32>,
        tpu.vector_store %arg12[%swap3A_679, %swap3A_680], %add3A_678 {strides = array<i32>} : memref<32x512xf32, #tpu.memory_space<vmem>>, vector<16xf32>,
        %get3A_682 = arith.index_cast %scan3A_339 : i32 to index
        %get3A_683 = arith.constant 496 : index
        %get3A_684 = tpu.vector_load %arg12[%get3A_682, %get3A_683] {strides = array<i32>} : memref<32x512xf32, #tpu.memory_space<vmem>>, vector<16xf32>,
        %mul3A_685 = arith.mulf %get3A_684, %gather3A : vector<16xf32>
        %get3A_686 = arith.index_cast %scan3A_340 : i32 to index
        %get3A_687 = arith.constant 496 : index
        %get3A_688 = tpu.vector_load %arg6[%get3A_686, %get3A_687] {strides = array<i32>} : memref<50x512xf32, #tpu.memory_space<vmem>>, vector<16xf32>,
        %add3A_689 = arith.addf %mul3A_685, %get3A_688 : vector<16xf32>
        %swap3A_690 = arith.index_cast %scan3A_339 : i32 to index
        %swap3A_691 = arith.constant 496 : index
        %swap3A_692 = tpu.vector_load %arg12[%swap3A_690, %swap3A_691] {strides = array<i32>} : memref<32x512xf32, #tpu.memory_space<vmem>>, vector<16xf32>,
        tpu.vector_store %arg12[%swap3A_690, %swap3A_691], %add3A_689 {strides = array<i32>} : memref<32x512xf32, #tpu.memory_space<vmem>>, vector<16xf32>,
        %add3A_693 = arith.constant 1 : i32
        %add3A_694 = arith.addi %scan3A_340, %add3A_693 : i32
        %eq3A = arith.constant 50 : i32
        %eq3A_695 = arith.cmpi eq, %add3A_694, %eq3A : i32
        %jit3A = arith.constant 0 : i32
        %select_n3A = arith.select %eq3A_695, %jit3A, %add3A_694 : i32
        scf.yield %select_n3A : i32
      }
      %scan3A_331 = arith.constant 32 : i32
      %mul3A_332 = arith.constant 32 : i32
      %mul3A_333 = arith.muli %add3A_278, %mul3A_332 : i32
      %add3A_334 = arith.addi %mul3A_2, %mul3A_333 : i32
      %dma_start3A_335 = arith.constant 0 : i32
      %dma_start3A_336 = tpu.memref_slice %arg5[%add3A_334, %dma_start3A_335] : memref<51200x512xf32, #tpu.memory_space<hbm>> -> memref<32x512xf32, #tpu.memory_space<hbm>>
      %dma_start3A_337 = arith.constant 0 : i32
      %dma_start3A_338 = tpu.memref_slice %arg5[%add3A_334, %dma_start3A_337] : memref<51200x512xf32, #tpu.memory_space<hbm>> -> memref<32x512xf32, #tpu.memory_space<hbm>>
      tpu.enqueue_dma source(%arg12 : memref<32x512xf32, #tpu.memory_space<vmem>>) target(%dma_start3A_338 : memref<32x512xf32, #tpu.memory_space<hbm>>) target_semaphore(%arg23 : memref<!tpu.dma_semaphore, #tpu.memory_space<semaphore_mem>>)
    }
    %scan3A_16 = arith.constant 10 : i32
    %add3A_17 = arith.constant 1504 : i32
    %add3A_18 = arith.addi %mul3A_2, %add3A_17 : i32
    %dma_wait3A = arith.constant 0 : i32
    %dma_wait3A_19 = tpu.memref_slice %arg5[%add3A_18, %dma_wait3A] : memref<51200x512xf32, #tpu.memory_space<hbm>> -> memref<32x512xf32, #tpu.memory_space<hbm>>
    %dma_wait3A_20 = arith.constant 0 : i32
    %dma_wait3A_21 = tpu.memref_slice %arg5[%add3A_18, %dma_wait3A_20] : memref<51200x512xf32, #tpu.memory_space<hbm>> -> memref<32x512xf32, #tpu.memory_space<hbm>>
    tpu.wait_dma2 semaphore(%arg21 : memref<!tpu.dma_semaphore, #tpu.memory_space<semaphore_mem>>) src(%arg10 : memref<32x512xf32, #tpu.memory_space<vmem>>) dst(%dma_wait3A_21 : memref<32x512xf32, #tpu.memory_space<hbm>>)
    %add3A_22 = arith.constant 1536 : i32
    %add3A_23 = arith.addi %mul3A_2, %add3A_22 : i32
    %dma_wait3A_24 = arith.constant 0 : i32
    %dma_wait3A_25 = tpu.memref_slice %arg5[%add3A_23, %dma_wait3A_24] : memref<51200x512xf32, #tpu.memory_space<hbm>> -> memref<32x512xf32, #tpu.memory_space<hbm>>
    %dma_wait3A_26 = arith.constant 0 : i32
    %dma_wait3A_27 = tpu.memref_slice %arg5[%add3A_23, %dma_wait3A_26] : memref<51200x512xf32, #tpu.memory_space<hbm>> -> memref<32x512xf32, #tpu.memory_space<hbm>>
    tpu.wait_dma2 semaphore(%arg22 : memref<!tpu.dma_semaphore, #tpu.memory_space<semaphore_mem>>) src(%arg11 : memref<32x512xf32, #tpu.memory_space<vmem>>) dst(%dma_wait3A_27 : memref<32x512xf32, #tpu.memory_space<hbm>>)
    %add3A_28 = arith.constant 1568 : i32
    %add3A_29 = arith.addi %mul3A_2, %add3A_28 : i32
    %dma_wait3A_30 = arith.constant 0 : i32
    %dma_wait3A_31 = tpu.memref_slice %arg5[%add3A_29, %dma_wait3A_30] : memref<51200x512xf32, #tpu.memory_space<hbm>> -> memref<32x512xf32, #tpu.memory_space<hbm>>
    %dma_wait3A_32 = arith.constant 0 : i32
    %dma_wait3A_33 = tpu.memref_slice %arg5[%add3A_29, %dma_wait3A_32] : memref<51200x512xf32, #tpu.memory_space<hbm>> -> memref<32x512xf32, #tpu.memory_space<hbm>>
    tpu.wait_dma2 semaphore(%arg23 : memref<!tpu.dma_semaphore, #tpu.memory_space<semaphore_mem>>) src(%arg12 : memref<32x512xf32, #tpu.memory_space<vmem>>) dst(%dma_wait3A_33 : memref<32x512xf32, #tpu.memory_space<hbm>>)
    return
  }
}

</mosaic_0001>

<sc_bundles>
// kernel: _embed.3.cloned.1.call-start
scs
__scs_entry_jumppad:
0x0: {  	(pc) =	sbr.rel $0x88, $3  }
0x1: {  	(tag) =	ssettag $0x0;
	lr =	simm.s32 $0x1  }
0x2: {  	[smem:$0x3F9E] =	sst lr;
	_ =	strace $0xD0000000  }
0x3: {  	_ = 	snop  }
0x4: {  	_ = 	snop  }
0x5: {  	_ = 	snop  }
0x6: {  	_ = 	snop  }
0x7: {  	_ = 	snop  }
__scs_overlays_trampoline_lowered:
0x8: {  	[smem:$0x3FAD] =	sst s0  }
0x9: {  	[smem:$0x3FAE] =	sst s1  }
0xa: {  	[smem:$0x3FAF] =	sst s2  }
0xb: {  	[smem:$0x3FB0] =	sst s3  }
0xc: {  	[smem:$0x3FB1] =	sst s4  }
0xd: {  	[smem:$0x3FB2] =	sst s5  }
0xe: {  	[smem:$0x3FB3] =	sst s6  }
0xf: {  	[smem:$0x3FB4] =	sst s7  }
0x10: {  	[smem:$0x3FB5] =	sst s8  }
0x11: {  	[smem:$0x3FB6] =	sst s9;
	s0 =	simm.s32 @!p0 $0x0  }
0x12: {  	s1 =	sld [smem:$0x3F9C];
	s0 =	simm.s32 @p0 $0x1  }
0x13: {  	[smem:$0x3FB7] =	sst s0;
	s0 =	simm.s32 @!p1 $0x0  }
0x14: {  	s2 =	sld [smem:$0x3F9B];
	s0 =	simm.s32 @p1 $0x1  }
0x15: {  	[smem:$0x3FB8] =	sst s0;
	s0 =	simm.s32 @!p2 $0x0  }
0x16: {  	s3 =	sld [smem:$0x3FDB];
	s0 =	simm.s32 @p2 $0x1  }
0x17: {  	s4 =	simm.s32 $0x1BF5;
	[smem:$0x3FBA] =	sst s0  }
0x18: {  	s0 =	sld [smem:$0x3F9D];
	_ =	swait.ge [sflag:s4], $0x0  }
0x19: {  	s7 =	sld [smem:$0x3F9E]  }
0x1a: {  	s8 =	sadd.s32 $0xFFFFE003, lr  }
0x1b: {  	s9 =	sadd.s32 $0xFFFFFEF7, lr;
	s5 =	simm.s32 $0xFFFFFFFF;
	p2 =	slt.u32 s8, $0xFFFFF086  }
0x1c: {  	p1 =	slt.u32 s9, $0xF7A;
	s5 =	simm.s32 @!p2 $0x0  }
0x1d: {  	s5 =	simm.s32 @p1 $0x1;
	p0 =	seq.s32 s7, s2  }
0x1e: {  	s7 =	smul.u32 @!p0 $0xF7A, s2;
	p2 =	seq.s32 @!p0 s5, $0x0  }
0x1f: {  	s9 =	smul.u32 $0xF7A, s1;
	s8 =	simm.s32 @!p0 $0x1BF5;
	p2 =	por !p2, p0  }
0x20: {  	[sflag:s8] =	ssyncset.s32 @!p0 $0xFFFFF086;
	s6 =	sadd.s32 @!p0 s3, s7;
	s7 =	simm.s32 @!p0 $0x108  }
0x21: {  	s3 =	sadd.s32 s3, s9;
	s6 =	sadd.s32 @!p0 $0x88, s6;
	s7 =	simm.s32 @p2 $0x1082  }
0x22: {  	[simem:s7], [sflag:s8] =	dma.local @!p0 [hbm:s6], $0xF7A  }
0x23: {  	s9 =	sor.u32 $0xD0000000, s2;
	s6 =	simm.s32 $0x108;
	_ =	swait.ge @!p0 [sflag:s8], $0x0  }
0x24: {  	s3 =	sadd.s32 $0x88, s3;
	s6 =	simm.s32 @!p1 $0x1082;
	[sflag:s4] =	ssyncset.s32 $0xFFFFF086  }
0x25: {  	[simem:s6], [sflag:s4] =	dma.local [hbm:s3], $0xF7A  }
0x26: {  	[smem:$0x3F9E] =	sst s1;
	(tag) =	ssettag s2;
	_ =	strace s9  }
0x27: {  	s1 =	sld [smem:$0x3FAE]  }
0x28: {  	s2 =	sld [smem:$0x3FAF]  }
0x29: {  	s4 =	sld [smem:$0x3FB1]  }
0x2a: {  	p0 =	seq.s32 s5, $0x0;
	s5 =	sld [smem:$0x3FB2]  }
0x2b: {  	s6 =	sld [smem:$0x3FB3]  }
0x2c: {  	s7 =	sld [smem:$0x3FB4]  }
0x2d: {  	s3 =	simm.s32 $0x108;
	s8 =	sld [smem:$0x3FB5]  }
0x2e: {  	s3 =	simm.s32 @!p0 $0x1082;
	s9 =	sld [smem:$0x3FB6]  }
0x2f: {  	lr =	sadd.s32 s0, s3;
	s0 =	sld [smem:$0x3FAD]  }
0x30: {  	s3 =	sld [smem:$0x3FB0]  }
0x31: {  	[smem:$0x3FB9] =	sst s10  }
0x32: {  	s10 =	sld [smem:$0x3FB7];
	_ =	sdelay $0x3  }
0x33: {  	p0 =	seq.s32 s10, $0x1;
	s10 =	sld [smem:$0x3FB9];
	_ =	sdelay $0x3  }
0x34: {  	[smem:$0x3FB9] =	sst s10  }
0x35: {  	s10 =	sld [smem:$0x3FB8];
	_ =	sdelay $0x3  }
0x36: {  	p1 =	seq.s32 s10, $0x1;
	s10 =	sld [smem:$0x3FB9];
	_ =	sdelay $0x3  }
0x37: {  	[smem:$0x3FB9] =	sst s10  }
0x38: {  	s10 =	sld [smem:$0x3FBA]  }
0x39: {  	_ = 	snop;
	(pc) =	sbr.ind lr, $3  }
0x3a: {  	_ = 	snop  }
0x3b: {  	_ = 	snop  }
0x3c: {  	p2 =	seq.s32 s10, $0x1;
	s10 =	sld [smem:$0x3FB9]  }
0x3d: {  	_ =	shalt  }
0x3e: {  	_ =	shalt  }
0x3f: {  	_ =	shalt  }
0x40: {  	_ =	shalt  }
0x41: {  	_ =	shalt  }
0x42: {  	_ =	shalt  }
0x43: {  	_ =	shalt  }
0x44: {  	_ =	shalt  }
0x45: {  	_ =	shalt  }
0x46: {  	_ =	shalt  }
0x47: {  	_ =	shalt  }
0x48: {  	_ =	shalt  }
0x49: {  	_ =	shalt  }
0x4a: {  	_ =	shalt  }
0x4b: {  	_ =	shalt  }
0x4c: {  	_ =	shalt  }
0x4d: {  	_ =	shalt  }
0x4e: {  	_ =	shalt  }
0x4f: {  	_ =	shalt  }
0x50: {  	_ =	shalt  }
0x51: {  	_ =	shalt  }
0x52: {  	_ =	shalt  }
0x53: {  	_ =	shalt  }
0x54: {  	_ =	shalt  }
0x55: {  	_ =	shalt  }
0x56: {  	_ =	shalt  }
0x57: {  	_ =	shalt  }
0x58: {  	_ =	shalt  }
0x59: {  	_ =	shalt  }
0x5a: {  	_ =	shalt  }
0x5b: {  	_ =	shalt  }
0x5c: {  	_ =	shalt  }
0x5d: {  	_ =	shalt  }
0x5e: {  	_ =	shalt  }
0x5f: {  	_ =	shalt  }
0x60: {  	_ =	shalt  }
0x61: {  	_ =	shalt  }
0x62: {  	_ =	shalt  }
0x63: {  	_ =	shalt  }
0x64: {  	_ =	shalt  }
0x65: {  	_ =	shalt  }
0x66: {  	_ =	shalt  }
0x67: {  	_ =	shalt  }
0x68: {  	_ =	shalt  }
0x69: {  	_ =	shalt  }
0x6a: {  	_ =	shalt  }
0x6b: {  	_ =	shalt  }
0x6c: {  	_ =	shalt  }
0x6d: {  	_ =	shalt  }
0x6e: {  	_ =	shalt  }
0x6f: {  	_ =	shalt  }
0x70: {  	_ =	shalt  }
0x71: {  	_ =	shalt  }
0x72: {  	_ =	shalt  }
0x73: {  	_ =	shalt  }
0x74: {  	_ =	shalt  }
0x75: {  	_ =	shalt  }
0x76: {  	_ =	shalt  }
0x77: {  	_ =	shalt  }
0x78: {  	_ =	shalt  }
0x79: {  	_ =	shalt  }
0x7a: {  	_ =	shalt  }
0x7b: {  	_ =	shalt  }
0x7c: {  	_ =	shalt  }
0x7d: {  	_ =	shalt  }
0x7e: {  	_ =	shalt  }
0x7f: {  	_ =	shalt  }
0x80: {  	_ =	shalt  }
0x81: {  	_ =	shalt  }
0x82: {  	_ =	shalt  }
0x83: {  	_ =	shalt  }
0x84: {  	_ =	shalt  }
0x85: {  	_ =	shalt  }
0x86: {  	_ =	shalt  }
0x87: {  	_ =	shalt  }
.Lfunc_end0:
.L_simem_size_0:
called_computation_lowered:
.L_overlay_start_0:
0x88: {  	s2 =	sld [smem:$0x3FD9]  }
0x89: {  	s3 =	sld [smem:$0x3FFE];
	_ =	sdelay $0x1  }
0x8a: {  	s1 =	srdreg.scid  }
0x8b: {  	s0 =	sand.u32 $0x1, s1  }
0x8c: {  	s18 =	sshll.u32 s0, $0xA;
	s2 =	sadd.s32 s3, s2  }
0x8d: {  	s2 =	sadd.s32 s2, s18  }
0x8e: {  	[smem:$0x3FC5] =	sst s2  }
0x8f: {  	_ = 	snop  }
0x90: {  	s2 =	sld [smem:$0x3FC9]  }
0x91: {  	s19 =	sld [smem:$0x3FC8]  }
0x92: {  	s4 =	sld [smem:$0x3FC7]  }
0x93: {  	s5 =	sld [smem:$0x3FD0];
	(tm) =	ssettm $0x1  }
0x94: {  	s6 =	sld [smem:$0x3FFB];
	_ =	sdelay $0x3  }
0x95: {  	_ =	strace s6  }
0x96: {  	s6 =	sld [smem:$0x3FFC];
	_ =	sdelay $0x3  }
0x97: {  	_ =	strace s6  }
0x98: {  	s6 =	sld [smem:$0x3FFD];
	_ =	sdelay $0x3  }
0x99: {  	_ =	strace s6  }
0x9a: {  	_ =	strace $0x8FFFFFFF  }
0x9b: {  	s20 =	sld [smem:$0x3FDB];
	_ =	sdelay $0x1  }
0x9c: {  	s7 =	simm.s32 $_scs_section_size  }
0x9d: {  	s8 =	simm.s32 $_size__tile_overlayer_lowered;
	s9 =	simm.s32 $_tile_overlayer_lowered  }
0x9e: {  	s23 =	simm.s32 $0x1BFF;
	s22 =	sshll.u32 s9, $0x1;
	s6 =	sadd.s32 s7, s20  }
0x9f: {  	s10 =	simm.s32 $0x0;
	s21 =	sshll.u32 s8, $0x1;
	s8 =	sadd.s32 s22, s6  }
0xa0: {  	[timem:s10], [sflag:s23] =	dma.local [hbm:s8], s21  }
0xa1: {  	_ =	swait.ge [sflag:s23], s21  }
0xa2: {  	s7 =	ssub.s32 $0x0, s21;
	[sflag:s23] =	ssyncset.done $0x0  }
0xa3: {  	[sflag:s23] =	ssyncadd.s32 s7;
	_ =	sdelay $0x1  }
0xa4: {  	s24 =	simm.s32 $0x1B8B  }
0xa5: {  	_ =	swait.ge [sflag:s24], $0x1  }
0xa6: {  	[sflag:s24] =	ssyncset.done $0x0  }
0xa7: {  	s25 =	simm.s32 $0x1B8E;
	[sflag:s24] =	ssyncadd.s32 $0xFFFFFFFF  }
0xa8: {  	s26 =	simm.s32 $execute0_lowered;
	[smem:$0x3FD2] =	sst s25  }
0xa9: {  	s7 =	sshll.u32 s26, $0x1;
	_ =	strace $0x80000046;
	[dreg:$0x1] =	wrdreg $0xFFFFFFFF  }
0xaa: {  	s28 =	simm.s32 $_size_execute0_lowered;
	s6 =	sadd.s32 s6, s7;
	[dreg:$0x0] =	wrdreg $0x0  }
0xab: {  	s7 =	sshll.u32 s28, $0x1;
	[dreg:$0x2] =	wrdreg s6  }
0xac: {  	[dreg:$0x3] =	wrdreg s7  }
0xad: {  	[dreg:$0x4] =	wrdreg $0xC0  }
0xae: {  	_ =	task [dreg:s10], $0x5FFFF  }
0xaf: {  	[dreg:$0x1] =	wrdreg $0xFFFFFFFF  }
0xb0: {  	[dreg:$0x0] =	wrdreg $0x60  }
0xb1: {  	[dreg:$0x2] =	wrdreg s2  }
0xb2: {  	[dreg:$0x3] =	wrdreg s19  }
0xb3: {  	[dreg:$0x4] =	wrdreg s4  }
0xb4: {  	[dreg:$0x5] =	wrdreg s5  }
0xb5: {  	[dreg:$0x6] =	wrdreg $0x9  }
0xb6: {  	_ =	task.clear_ibuf [dreg:s10], $0x7FFFF;
	_ =	strace $0x90000046  }
0xb7: {  	s29 =	simm.s32 $0x9;
	_ =	strace $0x80000048  }
0xb8: {  	_ =	swait.ge [sflag:s29], $0x1  }
0xb9: {  	[sflag:s29] =	ssyncadd.s32 $0xFFFFFFFF  }
0xba: {  	_ =	strace $0x90000048  }
0xbb: {  	_ =	sfence  }
0xbc: {  	s30 =	sld [smem:$0x0];
	_ =	sdelay $0x2  }
0xbd: {  	s31 =	sshll.u32 s1, $0xD;
	s1 =	sshrl.u32 s1, $0x2  }
0xbe: {  	s3 =	sand.u32 $0x4000, s31;
	s1 =	sadd.s32 s1, s30  }
0xbf: {  	s0 =	sor.u32 s3, s0;
	s1 =	sshll.u32 s1, $0x11  }
0xc0: {  	s0 =	sor.u32 s1, s0  }
0xc1: {  	s0 =	sadd.s32 $0x8F2B, s0  }
0xc2: {  	[sflag:s0] =	ssyncadd.remote.s32 $0x1  }
0xc3: {  	_ =	sfence.sel $0xFFFF  }
0xc4: {  	[dreg:$0x0] =	wrdreg $0xFFFFFFFF;
	(pc) =	sbr.abs _section_cstart, $3  }
0xc5: {  	[dreg:$0x1] =	wrdreg $0xFFFFFFFF  }
0xc6: {  	_ =	task.clear_ibuf [dreg:s10], $0x2FFFF;
	_ =	strace $0x9FFFFFFF  }
0xc7: {  	(tm) =	ssettm $0x7FFFFFFF  }
tec
execute0_lowered:
.L_overlay_start_1:
0x0: {  	(tag) =	ssettag $0x1  }
0x1: {  	s0 =	rddreg [dreg:$0x0]  }
0x2: {  	s1 =	rddreg [dreg:$0x1];
	s2 =	srdreg.scid  }
0x3: {  	s3 =	stileid.u32;
	s4 =	rddreg [dreg:$0x3];
	s5 =	simm.s32 $0x0  }
0x4: {  	s29 =	simm.s32 $0xF680;
	s14 =	simm.s32 $0x1;
	s15 =	simm.s32 $0x1B680  }
0x5: {  	s16 =	simm.s32 $0x13680;
	s25 =	simm.s32 $0x2;
	s26 =	simm.s32 $0x17680  }
0x6: {  	s11 =	simm.s32 $0x4;
	s2 =	sand.u32 $0x1, s2;
	s3 =	sshll.u32 s3, $0x1  }
0x7: {  	s13 =	simm.s32 $0x7;
	s3 =	sor.u32 s2, s3;
	s2 =	ssub.s32 $0x2, s2  }
0x8: {  	s17 =	simm.s32 $0x5;
	s6 =	smul.u32 $0x640, s3;
	s28 =	sshrl.u32 s2, $0x1  }
0x9: {  	s9 =	simm.s32 $0x0;
	[smem:$0x7FF] =	sst s5;
	s2 =	ssub.s32 s2, s28  }
0xa: {  	v2 =	vlaneseq.u32;
	s8 =	sadd.s32 $0x100, s1;
	s30 =	sshrl.u32 s6, $0x3;
	s31 =	smax.u32 s2, $0x1  }
0xb: {  	vm0 =	vmmov $0xffff;
	v1 =	vshrl.u32 v2, $0x3;
	_ =	strace $0x80000047;
	s0 =	sadd.s32 s0, s30;
	[dreg:$0x6] =	wrdreg s31  }
0xc: {  	v0 =	vand.u32 $0x7, v2;
	v2 =	vor.u32 $0x8, v2;
	v1 =	vmul.u32 $0x8, v1;
	s3 =	simm.s32 $0x6;
	[dreg:$0x5] =	wrdreg s0;
	s0 =	simm.s32 $0x3  }
.LBB2_1:
0xd: {  	[dreg:$0x7] =	wrdreg s9  }
0xe: {  	s2 =	rddreg [dreg:$0x2];
	s7 =	simm.s32 $0xB  }
0xf: {  	[tilespmem:s5], [sflag:$0xB] =	stream.linear.gather [hbm4b:s2+s5], $0x7000, $0x38;
	[tilespmem:$0x1B700] =	vst v63  }
0x10: {  	_ =	swait.ge [sflag:s7], $0x7000  }
0x11: {  	[sflag:s7] =	ssyncset.done $0x0  }
0x12: {  	s28 =	simm.s32 $0x7000;
	s24 =	rddreg [dreg:$0x5];
	[sflag:s7] =	ssyncadd.s32 $0xFFFF9000  }
0x13: {  	[tilespmem:s28], [sflag:$0xB] =	stream.linear.gather [hbm4b:s24+s5], $0x640, $0x38;
	[tilespmem:$0x1B700] =	vst v63  }
0x14: {  	_ =	swait.ge [sflag:s7], $0x640  }
0x15: {  	[sflag:s7] =	ssyncset.done $0x0  }
0x16: {  	[sflag:s7] =	ssyncadd.s32 $0xFFFFF9C0  }
0x17: {  	v3 =	vld [tilespmem:$0x7000];
	_ =	sdelay $0x4  }
0x18: {  	v4 =	vshll.u32 v3, $0x2  }
0x19: {  	v3 =	vand.u32 $0x7, v3;
	v4 =	vand.u32 $0xFFFFFFE0, v4  }
0x1a: {  	v3 =	vor.u32 v3, v4  }
0x1b: {  	v4 =	vperm.xlane v3, v0;
	_ =	sdelay $0x1  }
0x1c: {  	v4 =	vadd.s32 v1, v4;
	_ =	sdelay $0x1  }
0x1d: {  	v3 =	vperm.xlane v3, v2;
	_ =	sdelay $0x1  }
0x1e: {  	s30 =	simm.s32 $0x7680;
	v3 =	vadd.s32 v1, v3  }
0x1f: {  	[tilespmem:s30], [sflag:$0x1] =	stream.indirect_vreg.gather [hbm4b:s1+s5], $0x80, v4, vm0, $0xb8;
	[tilespmem:$0x1B700] =	vst v63  }
0x20: {  	s31 =	simm.s32 $0x7E80  }
0x21: {  	[tilespmem:s31], [sflag:$0x1] =	stream.indirect_vreg.gather [hbm4b:s8+s5], $0x80, v4, vm0, $0xb8;
	[tilespmem:$0x1B700] =	vst v63  }
0x22: {  	s7 =	simm.s32 $0x8680  }
0x23: {  	[tilespmem:s7], [sflag:$0x1] =	stream.indirect_vreg.gather [hbm4b:s1+s5], $0x80, v3, vm0, $0xb8;
	[tilespmem:$0x1B700] =	vst v63  }
0x24: {  	s9 =	simm.s32 $0x8E80  }
0x25: {  	[tilespmem:s9], [sflag:$0x1] =	stream.indirect_vreg.gather [hbm4b:s8+s5], $0x80, v3, vm0, $0xb8;
	[tilespmem:$0x1B700] =	vst v63  }
0x26: {  	v3 =	vld [tilespmem:$0x7010];
	_ =	sdelay $0x4  }
0x27: {  	v61 =	vshll.u32 v3, $0x2  }
0x28: {  	v3 =	vand.u32 $0x7, v3;
	v4 =	vand.u32 $0xFFFFFFE0, v61  }
0x29: {  	v3 =	vor.u32 v3, v4  }
0x2a: {  	v4 =	vperm.xlane v3, v0;
	_ =	sdelay $0x1  }
0x2b: {  	v4 =	vadd.s32 v1, v4;
	_ =	sdelay $0x1  }
0x2c: {  	v3 =	vperm.xlane v3, v2;
	_ =	sdelay $0x1  }
0x2d: {  	s10 =	simm.s32 $0x9680;
	v3 =	vadd.s32 v1, v3  }
0x2e: {  	[tilespmem:s10], [sflag:$0x1] =	stream.indirect_vreg.gather [hbm4b:s1+s5], $0x80, v4, vm0, $0xb8;
	[tilespmem:$0x1B700] =	vst v63  }
0x2f: {  	s12 =	simm.s32 $0x9E80  }
0x30: {  	[tilespmem:s12], [sflag:$0x1] =	stream.indirect_vreg.gather [hbm4b:s8+s5], $0x80, v4, vm0, $0xb8;
	[tilespmem:$0x1B700] =	vst v63  }
0x31: {  	s18 =	simm.s32 $0xA680  }
0x32: {  	[tilespmem:s18], [sflag:$0x1] =	stream.indirect_vreg.gather [hbm4b:s1+s5], $0x80, v3, vm0, $0xb8;
	[tilespmem:$0x1B700] =	vst v63  }
0x33: {  	s19 =	simm.s32 $0xAE80  }
0x34: {  	[tilespmem:s19], [sflag:$0x1] =	stream.indirect_vreg.gather [hbm4b:s8+s5], $0x80, v3, vm0, $0xb8;
	[tilespmem:$0x1B700] =	vst v63  }
0x35: {  	v3 =	vld [tilespmem:$0x7020];
	_ =	sdelay $0x4  }
0x36: {  	v62 =	vshll.u32 v3, $0x2  }
0x37: {  	v3 =	vand.u32 $0x7, v3;
	v4 =	vand.u32 $0xFFFFFFE0, v62  }
0x38: {  	v3 =	vor.u32 v3, v4  }
0x39: {  	v4 =	vperm.xlane v3, v0;
	_ =	sdelay $0x1  }
0x3a: {  	v4 =	vadd.s32 v1, v4;
	_ =	sdelay $0x1  }
0x3b: {  	v3 =	vperm.xlane v3, v2;
	_ =	sdelay $0x1  }
0x3c: {  	s20 =	simm.s32 $0xB680;
	v3 =	vadd.s32 v1, v3  }
0x3d: {  	[tilespmem:s20], [sflag:$0x2] =	stream.indirect_vreg.gather [hbm4b:s1+s5], $0x80, v4, vm0, $0xb8;
	[tilespmem:$0x1B700] =	vst v63  }
0x3e: {  	s21 =	simm.s32 $0xBE80  }
0x3f: {  	[tilespmem:s21], [sflag:$0x2] =	stream.indirect_vreg.gather [hbm4b:s8+s5], $0x80, v4, vm0, $0xb8;
	[tilespmem:$0x1B700] =	vst v63  }
0x40: {  	s22 =	simm.s32 $0xC680  }
0x41: {  	[tilespmem:s22], [sflag:$0x2] =	stream.indirect_vreg.gather [hbm4b:s1+s5], $0x80, v3, vm0, $0xb8;
	[tilespmem:$0x1B700] =	vst v63  }
0x42: {  	s23 =	simm.s32 $0xCE80  }
0x43: {  	[tilespmem:s23], [sflag:$0x2] =	stream.indirect_vreg.gather [hbm4b:s8+s5], $0x80, v3, vm0, $0xb8;
	[tilespmem:$0x1B700] =	vst v63  }
0x44: {  	v3 =	vld [tilespmem:$0x7030];
	_ =	sdelay $0x4  }
0x45: {  	v63 =	vshll.u32 v3, $0x2  }
0x46: {  	v3 =	vand.u32 $0x7, v3;
	v4 =	vand.u32 $0xFFFFFFE0, v63  }
0x47: {  	v3 =	vor.u32 v3, v4  }
0x48: {  	v4 =	vperm.xlane v3, v0;
	_ =	sdelay $0x1  }
0x49: {  	v4 =	vadd.s32 v1, v4;
	_ =	sdelay $0x1  }
0x4a: {  	v3 =	vperm.xlane v3, v2;
	_ =	sdelay $0x1  }
0x4b: {  	s24 =	simm.s32 $0xD680;
	v3 =	vadd.s32 v1, v3  }
0x4c: {  	[tilespmem:s24], [sflag:$0x2] =	stream.indirect_vreg.gather [hbm4b:s1+s5], $0x80, v4, vm0, $0xb8;
	[tilespmem:$0x1B700] =	vst v63  }
0x4d: {  	s28 =	simm.s32 $0xDE80  }
0x4e: {  	[tilespmem:s28], [sflag:$0x2] =	stream.indirect_vreg.gather [hbm4b:s8+s5], $0x80, v4, vm0, $0xb8;
	[tilespmem:$0x1B700] =	vst v63  }
0x4f: {  	s30 =	simm.s32 $0xE680  }
0x50: {  	[tilespmem:s30], [sflag:$0x2] =	stream.indirect_vreg.gather [hbm4b:s1+s5], $0x80, v3, vm0, $0xb8;
	[tilespmem:$0x1B700] =	vst v63  }
0x51: {  	s31 =	simm.s32 $0xEE80;
	s18 =	simm.s32 $0x0  }
0x52: {  	[tilespmem:s31], [sflag:$0x2] =	stream.indirect_vreg.gather [hbm4b:s8+s5], $0x80, v3, vm0, $0xb8;
	[tilespmem:$0x1B700] =	vst v63  }
.LBB2_2:
0x53: {  	s19 =	smul.u32 $0x5, s18;
	p0 =	seq.s32 s18, $0x0  }
0x54: {  	s2 =	simm.s32 @!p0 $0x8  }
0x55: {  	_ =	swait.ge @!p0 [sflag:s2], $0x4000;
	s7 =	sadd.s32 $0x2, s19  }
0x56: {  	[sflag:s2] =	ssyncset.done @!p0 $0x0;
	s22 =	sshll.u32 s7, $0x5  }
0x57: {  	[sflag:s2] =	ssyncadd.s32 @!p0 $0xFFFFC000;
	s12 =	sand.u32 $0x3FFFFFE0, s22  }
0x58: {  	v3 =	vld [tilespmem:s12+$0x7000];
	_ =	sdelay $0x4  }
0x59: {  	v4 =	vshll.u32 v3, $0x2  }
0x5a: {  	v3 =	vand.u32 $0x7, v3;
	v4 =	vand.u32 $0xFFFFFFE0, v4  }
0x5b: {  	v3 =	vor.u32 v3, v4  }
0x5c: {  	v4 =	vperm.xlane v3, v0;
	_ =	sdelay $0x1  }
0x5d: {  	v4 =	vadd.s32 v1, v4;
	_ =	sdelay $0x1  }
0x5e: {  	v3 =	vperm.xlane v3, v2;
	_ =	sdelay $0x1  }
0x5f: {  	s20 =	simm.s32 $0x0;
	v3 =	vadd.s32 v1, v3  }
0x60: {  	[tilespmem:s29], [sflag:$0x3] =	stream.indirect_vreg.gather [hbm4b:s1+s20], $0x80, v4, vm0, $0xb8;
	[tilespmem:$0x1B700] =	vst v63  }
0x61: {  	s9 =	simm.s32 $0xFE80  }
0x62: {  	[tilespmem:s9], [sflag:$0x3] =	stream.indirect_vreg.gather [hbm4b:s8+s20], $0x80, v4, vm0, $0xb8;
	[tilespmem:$0x1B700] =	vst v63  }
0x63: {  	s21 =	simm.s32 $0x10680  }
0x64: {  	[tilespmem:s21], [sflag:$0x3] =	stream.indirect_vreg.gather [hbm4b:s1+s20], $0x80, v3, vm0, $0xb8;
	[tilespmem:$0x1B700] =	vst v63  }
0x65: {  	s23 =	simm.s32 $0x10E80  }
0x66: {  	[tilespmem:s23], [sflag:$0x3] =	stream.indirect_vreg.gather [hbm4b:s8+s20], $0x80, v3, vm0, $0xb8;
	[tilespmem:$0x1B700] =	vst v63  }
0x67: {  	v3 =	vld [tilespmem:s12+$0x7010];
	_ =	sdelay $0x4  }
0x68: {  	v4 =	vshll.u32 v3, $0x2  }
0x69: {  	v3 =	vand.u32 $0x7, v3;
	v4 =	vand.u32 $0xFFFFFFE0, v4  }
0x6a: {  	v3 =	vor.u32 v3, v4  }
0x6b: {  	v4 =	vperm.xlane v3, v0;
	_ =	sdelay $0x1  }
0x6c: {  	v4 =	vadd.s32 v1, v4;
	_ =	sdelay $0x1  }
0x6d: {  	v3 =	vperm.xlane v3, v2;
	_ =	sdelay $0x1  }
0x6e: {  	s24 =	simm.s32 $0x11680;
	v3 =	vadd.s32 v1, v3  }
0x6f: {  	[tilespmem:s24], [sflag:$0x3] =	stream.indirect_vreg.gather [hbm4b:s1+s20], $0x80, v4, vm0, $0xb8;
	[tilespmem:$0x1B700] =	vst v63  }
0x70: {  	s29 =	simm.s32 $0x11E80  }
0x71: {  	[tilespmem:s29], [sflag:$0x3] =	stream.indirect_vreg.gather [hbm4b:s8+s20], $0x80, v4, vm0, $0xb8;
	[tilespmem:$0x1B700] =	vst v63  }
0x72: {  	s31 =	simm.s32 $0x12680  }
0x73: {  	[tilespmem:s31], [sflag:$0x3] =	stream.indirect_vreg.gather [hbm4b:s1+s20], $0x80, v3, vm0, $0xb8;
	[tilespmem:$0x1B700] =	vst v63  }
0x74: {  	s9 =	simm.s32 $0x12E80  }
0x75: {  	[tilespmem:s9], [sflag:$0x3] =	stream.indirect_vreg.gather [hbm4b:s8+s20], $0x80, v3, vm0, $0xb8;
	[tilespmem:$0x1B700] =	vst v63  }
0x76: {  	_ =	swait.ge [sflag:s14], $0x4000  }
0x77: {  	s23 =	smul.u32 $0xA0, s18;
	[sflag:s14] =	ssyncset.done $0x0  }
0x78: {  	[sflag:s14] =	ssyncadd.s32 $0xFFFFC000  }
0x79: {  	v3 =	vld [tilespmem:s23+$0x7000];
	_ =	sdelay $0x4  }
0x7a: {  	vm1 =	vlt.s32 v3, $0x1  }
0x7b: {  	v3 =	vnsel vm1, $0x1, v3  }
0x7c: {  	v3 =	vcvt.s32.f32 v3;
	_ =	sdelay $0x1  }
0x7d: {  	[tilespmem:$0x1B680] =	vst v3  }
0x7e: {  	v3 =	vld [tilespmem:s23+$0x7010];
	_ =	sdelay $0x2  }
0x7f: {  	s24 =	sadd.s32 s6, s23  }
0x80: {  	s10 =	smulhi.u32 $0x51EB851F, s24  }
0x81: {  	v4 =	vmov s20;
	vm1 =	vlt.s32 v3, $0x1  }
0x82: {  	s2 =	sshrl.u32 s10, $0x4;
	v3 =	vnsel vm1, $0x1, v3  }
0x83: {  	s2 =	smul.u32 $0x32, s2;
	v3 =	vcvt.s32.f32 v3;
	_ =	sdelay $0x1  }
0x84: {  	s7 =	sand.u32 $0x3000, s20;
	s12 =	sand.u32 $0x380, s20;
	s2 =	ssub.s32 s24, s2;
	[tilespmem:$0x1B690] =	vst v3  }
0x85: {  	s21 =	sor.u32 s12, s7;
	s20 =	sshll.u32 s2, $0x9;
	s29 =	sshll.u32 s2, $0x7;
	v3 =	vld.idx.msk [tilespmem:v4+s15+$0x0], $0xffff  }
0x86: {  	s7 =	sand.u32 $0xFFFFF000, s20;
	s9 =	sand.u32 $0x380, s29;
	v4 =	vld [tilespmem:s21+$0x7680]  }
0x87: {  	s7 =	sor.u32 s9, s7  }
0x88: {  	v5 =	vld [tilespmem:s7+$0x0];
	_ =	sdelay $0x2  }
0x89: {  	v4 =	vmul.f32 v4, v3;
	_ =	sdelay $0x1  }
0x8a: {  	v4 =	vadd.f32 v5, v4  }
0x8b: {  	v5 =	vld [tilespmem:s21+$0x7690]  }
0x8c: {  	[tilespmem:s21+$0x7680] =	vst v4  }
0x8d: {  	v4 =	vld [tilespmem:s7+$0x10];
	_ =	sdelay $0x2  }
0x8e: {  	v5 =	vmul.f32 v5, v3;
	_ =	sdelay $0x1  }
0x8f: {  	v4 =	vadd.f32 v4, v5  }
0x90: {  	v5 =	vld [tilespmem:s21+$0x76A0]  }
0x91: {  	[tilespmem:s21+$0x7690] =	vst v4  }
0x92: {  	v4 =	vld [tilespmem:s7+$0x20];
	_ =	sdelay $0x2  }
0x93: {  	v5 =	vmul.f32 v5, v3;
	_ =	sdelay $0x1  }
0x94: {  	v4 =	vadd.f32 v4, v5  }
0x95: {  	v5 =	vld [tilespmem:s21+$0x76B0]  }
0x96: {  	[tilespmem:s21+$0x76A0] =	vst v4  }
0x97: {  	v4 =	vld [tilespmem:s7+$0x30];
	_ =	sdelay $0x2  }
0x98: {  	v5 =	vmul.f32 v5, v3;
	_ =	sdelay $0x1  }
0x99: {  	v4 =	vadd.f32 v4, v5  }
0x9a: {  	v5 =	vld [tilespmem:s21+$0x76C0]  }
0x9b: {  	[tilespmem:s21+$0x76B0] =	vst v4  }
0x9c: {  	v4 =	vld [tilespmem:s7+$0x40];
	_ =	sdelay $0x2  }
0x9d: {  	v5 =	vmul.f32 v5, v3;
	_ =	sdelay $0x1  }
0x9e: {  	v4 =	vadd.f32 v4, v5  }
0x9f: {  	v5 =	vld [tilespmem:s21+$0x76D0]  }
0xa0: {  	[tilespmem:s21+$0x76C0] =	vst v4  }
0xa1: {  	v4 =	vld [tilespmem:s7+$0x50];
	_ =	sdelay $0x2  }
0xa2: {  	v5 =	vmul.f32 v5, v3;
	_ =	sdelay $0x1  }
0xa3: {  	v4 =	vadd.f32 v4, v5  }
0xa4: {  	v5 =	vld [tilespmem:s21+$0x76E0]  }
0xa5: {  	[tilespmem:s21+$0x76D0] =	vst v4  }
0xa6: {  	v4 =	vld [tilespmem:s7+$0x60];
	_ =	sdelay $0x2  }
0xa7: {  	v5 =	vmul.f32 v5, v3;
	_ =	sdelay $0x1  }
0xa8: {  	v4 =	vadd.f32 v4, v5  }
0xa9: {  	v5 =	vld [tilespmem:s21+$0x76F0]  }
0xaa: {  	[tilespmem:s21+$0x76E0] =	vst v4  }
0xab: {  	v4 =	vld [tilespmem:s7+$0x70];
	_ =	sdelay $0x2  }
0xac: {  	v5 =	vmul.f32 v5, v3;
	_ =	sdelay $0x1  }
0xad: {  	v4 =	vadd.f32 v4, v5  }
0xae: {  	v5 =	vld [tilespmem:s21+$0x7A80]  }
0xaf: {  	[tilespmem:s21+$0x76F0] =	vst v4  }
0xb0: {  	v4 =	vld [tilespmem:s7+$0x400];
	_ =	sdelay $0x2  }
0xb1: {  	v5 =	vmul.f32 v5, v3;
	_ =	sdelay $0x1  }
0xb2: {  	v4 =	vadd.f32 v4, v5  }
0xb3: {  	v5 =	vld [tilespmem:s21+$0x7A90]  }
0xb4: {  	[tilespmem:s21+$0x7A80] =	vst v4  }
0xb5: {  	v4 =	vld [tilespmem:s7+$0x410];
	_ =	sdelay $0x2  }
0xb6: {  	v5 =	vmul.f32 v5, v3;
	_ =	sdelay $0x1  }
0xb7: {  	v4 =	vadd.f32 v4, v5  }
0xb8: {  	v5 =	vld [tilespmem:s21+$0x7AA0]  }
0xb9: {  	[tilespmem:s21+$0x7A90] =	vst v4  }
0xba: {  	v4 =	vld [tilespmem:s7+$0x420];
	_ =	sdelay $0x2  }
0xbb: {  	v5 =	vmul.f32 v5, v3;
	_ =	sdelay $0x1  }
0xbc: {  	v4 =	vadd.f32 v4, v5  }
0xbd: {  	v5 =	vld [tilespmem:s21+$0x7AB0]  }
0xbe: {  	[tilespmem:s21+$0x7AA0] =	vst v4  }
0xbf: {  	v4 =	vld [tilespmem:s7+$0x430];
	_ =	sdelay $0x2  }
0xc0: {  	v5 =	vmul.f32 v5, v3;
	_ =	sdelay $0x1  }
0xc1: {  	v4 =	vadd.f32 v4, v5  }
0xc2: {  	v5 =	vld [tilespmem:s21+$0x7AC0]  }
0xc3: {  	[tilespmem:s21+$0x7AB0] =	vst v4  }
0xc4: {  	v4 =	vld [tilespmem:s7+$0x440];
	_ =	sdelay $0x2  }
0xc5: {  	v5 =	vmul.f32 v5, v3;
	_ =	sdelay $0x1  }
0xc6: {  	v4 =	vadd.f32 v4, v5  }
0xc7: {  	v5 =	vld [tilespmem:s21+$0x7AD0]  }
0xc8: {  	[tilespmem:s21+$0x7AC0] =	vst v4  }
0xc9: {  	v4 =	vld [tilespmem:s7+$0x450];
	_ =	sdelay $0x2  }
0xca: {  	v5 =	vmul.f32 v5, v3;
	_ =	sdelay $0x1  }
0xcb: {  	v4 =	vadd.f32 v4, v5  }
0xcc: {  	v5 =	vld [tilespmem:s21+$0x7AE0]  }
0xcd: {  	[tilespmem:s21+$0x7AD0] =	vst v4  }
0xce: {  	v4 =	vld [tilespmem:s7+$0x460];
	_ =	sdelay $0x2  }
0xcf: {  	v5 =	vmul.f32 v5, v3;
	_ =	sdelay $0x1  }
0xd0: {  	v4 =	vadd.f32 v4, v5  }
0xd1: {  	v5 =	vld [tilespmem:s21+$0x7AF0]  }
0xd2: {  	[tilespmem:s21+$0x7AE0] =	vst v4  }
0xd3: {  	v4 =	vld [tilespmem:s7+$0x470];
	_ =	sdelay $0x2  }
0xd4: {  	v5 =	vmul.f32 v5, v3;
	_ =	sdelay $0x1  }
0xd5: {  	v4 =	vadd.f32 v4, v5  }
0xd6: {  	v5 =	vld [tilespmem:s21+$0x7E80]  }
0xd7: {  	[tilespmem:s21+$0x7AF0] =	vst v4  }
0xd8: {  	v4 =	vld [tilespmem:s7+$0x800];
	_ =	sdelay $0x2  }
0xd9: {  	v5 =	vmul.f32 v5, v3;
	_ =	sdelay $0x1  }
0xda: {  	v4 =	vadd.f32 v4, v5  }
0xdb: {  	v5 =	vld [tilespmem:s21+$0x7E90]  }
0xdc: {  	[tilespmem:s21+$0x7E80] =	vst v4  }
0xdd: {  	v4 =	vld [tilespmem:s7+$0x810];
	_ =	sdelay $0x2  }
0xde: {  	v5 =	vmul.f32 v5, v3;
	_ =	sdelay $0x1  }
0xdf: {  	v4 =	vadd.f32 v4, v5  }
0xe0: {  	v5 =	vld [tilespmem:s21+$0x7EA0]  }
0xe1: {  	[tilespmem:s21+$0x7E90] =	vst v4  }
0xe2: {  	v4 =	vld [tilespmem:s7+$0x820];
	_ =	sdelay $0x2  }
0xe3: {  	v5 =	vmul.f32 v5, v3;
	_ =	sdelay $0x1  }
0xe4: {  	v4 =	vadd.f32 v4, v5  }
0xe5: {  	v5 =	vld [tilespmem:s21+$0x7EB0]  }
0xe6: {  	[tilespmem:s21+$0x7EA0] =	vst v4  }
0xe7: {  	v4 =	vld [tilespmem:s7+$0x830];
	_ =	sdelay $0x2  }
0xe8: {  	v5 =	vmul.f32 v5, v3;
	_ =	sdelay $0x1  }
0xe9: {  	v4 =	vadd.f32 v4, v5  }
0xea: {  	v5 =	vld [tilespmem:s21+$0x7EC0]  }
0xeb: {  	[tilespmem:s21+$0x7EB0] =	vst v4  }
0xec: {  	v4 =	vld [tilespmem:s7+$0x840];
	_ =	sdelay $0x2  }
0xed: {  	v5 =	vmul.f32 v5, v3;
	_ =	sdelay $0x1  }
0xee: {  	v4 =	vadd.f32 v4, v5  }
0xef: {  	v5 =	vld [tilespmem:s21+$0x7ED0]  }
0xf0: {  	[tilespmem:s21+$0x7EC0] =	vst v4  }
0xf1: {  	v4 =	vld [tilespmem:s7+$0x850];
	_ =	sdelay $0x2  }
0xf2: {  	v5 =	vmul.f32 v5, v3;
	_ =	sdelay $0x1  }
0xf3: {  	v4 =	vadd.f32 v4, v5  }
0xf4: {  	v5 =	vld [tilespmem:s21+$0x7EE0]  }
0xf5: {  	[tilespmem:s21+$0x7ED0] =	vst v4  }
0xf6: {  	v4 =	vld [tilespmem:s7+$0x860];
	_ =	sdelay $0x2  }
0xf7: {  	v5 =	vmul.f32 v5, v3;
	_ =	sdelay $0x1  }
0xf8: {  	v4 =	vadd.f32 v4, v5  }
0xf9: {  	v5 =	vld [tilespmem:s21+$0x7EF0]  }
0xfa: {  	[tilespmem:s21+$0x7EE0] =	vst v4  }
0xfb: {  	v4 =	vld [tilespmem:s7+$0x870];
	_ =	sdelay $0x2  }
0xfc: {  	v5 =	vmul.f32 v5, v3;
	_ =	sdelay $0x1  }
0xfd: {  	v4 =	vadd.f32 v4, v5  }
0xfe: {  	v5 =	vld [tilespmem:s21+$0x8280]  }
0xff: {  	[tilespmem:s21+$0x7EF0] =	vst v4  }
0x100: {  	v4 =	vld [tilespmem:s7+$0xC00];
	_ =	sdelay $0x2  }
0x101: {  	v5 =	vmul.f32 v5, v3;
	_ =	sdelay $0x1  }
0x102: {  	v4 =	vadd.f32 v4, v5  }
0x103: {  	v5 =	vld [tilespmem:s21+$0x8290]  }
0x104: {  	[tilespmem:s21+$0x8280] =	vst v4  }
0x105: {  	v4 =	vld [tilespmem:s7+$0xC10];
	_ =	sdelay $0x2  }
0x106: {  	v5 =	vmul.f32 v5, v3;
	_ =	sdelay $0x1  }
0x107: {  	v4 =	vadd.f32 v4, v5  }
0x108: {  	v5 =	vld [tilespmem:s21+$0x82A0]  }
0x109: {  	[tilespmem:s21+$0x8290] =	vst v4  }
0x10a: {  	v4 =	vld [tilespmem:s7+$0xC20];
	_ =	sdelay $0x2  }
0x10b: {  	v5 =	vmul.f32 v5, v3;
	_ =	sdelay $0x1  }
0x10c: {  	v4 =	vadd.f32 v4, v5  }
0x10d: {  	v5 =	vld [tilespmem:s21+$0x82B0]  }
0x10e: {  	[tilespmem:s21+$0x82A0] =	vst v4  }
0x10f: {  	v4 =	vld [tilespmem:s7+$0xC30];
	_ =	sdelay $0x2  }
0x110: {  	v5 =	vmul.f32 v5, v3;
	_ =	sdelay $0x1  }
0x111: {  	v4 =	vadd.f32 v4, v5  }
0x112: {  	v5 =	vld [tilespmem:s21+$0x82C0]  }
0x113: {  	[tilespmem:s21+$0x82B0] =	vst v4  }
0x114: {  	v4 =	vld [tilespmem:s7+$0xC40];
	_ =	sdelay $0x2  }
0x115: {  	v5 =	vmul.f32 v5, v3;
	_ =	sdelay $0x1  }
0x116: {  	v4 =	vadd.f32 v4, v5  }
0x117: {  	v5 =	vld [tilespmem:s21+$0x82D0]  }
0x118: {  	[tilespmem:s21+$0x82C0] =	vst v4  }
0x119: {  	v4 =	vld [tilespmem:s7+$0xC50];
	_ =	sdelay $0x2  }
0x11a: {  	v5 =	vmul.f32 v5, v3;
	_ =	sdelay $0x1  }
0x11b: {  	v4 =	vadd.f32 v4, v5  }
0x11c: {  	v5 =	vld [tilespmem:s21+$0x82E0]  }
0x11d: {  	[tilespmem:s21+$0x82D0] =	vst v4  }
0x11e: {  	v4 =	vld [tilespmem:s7+$0xC60];
	_ =	sdelay $0x2  }
0x11f: {  	v5 =	vmul.f32 v5, v3;
	_ =	sdelay $0x1  }
0x120: {  	v4 =	vadd.f32 v4, v5  }
0x121: {  	v5 =	vld [tilespmem:s21+$0x82F0]  }
0x122: {  	[tilespmem:s21+$0x82E0] =	vst v4  }
0x123: {  	v6 =	vld [tilespmem:s7+$0xC70];
	_ =	sdelay $0x1  }
0x124: {  	s10 =	simm.s32 $0x1  }
0x125: {  	s28 =	simm.s32 $0x200;
	s30 =	simm.s32 $0x400;
	s12 =	simm.s32 $0x2;
	v4 =	vmov s10;
	v3 =	vmul.f32 v5, v3  }
0x126: {  	s31 =	simm.s32 $0x80;
	s7 =	sand.u32 $0x3000, s28;
	s28 =	sadd.s32 $0x1, s2  }
0x127: {  	s9 =	sand.u32 $0x380, s31;
	s10 =	simm.s32 $0x100;
	p2 =	seq.s32 s28, $0x32;
	v3 =	vadd.f32 v6, v3  }
.LBB2_3:
0x128: {  	s20 =	sand.u32 $0x380, s10  }
0x129: {  	[tilespmem:s21+$0x82F0] =	vst v3;
	s28 =	simm.s32 @p2 $0x0;
	s2 =	smov.u32 s12;
	s31 =	sadd.s32 $0x1, s12  }
0x12a: {  	s21 =	sor.u32 s9, s7;
	v3 =	vld.idx.msk [tilespmem:v4+s15+$0x0], $0xffff;
	s9 =	sshll.u32 s28, $0x9;
	s29 =	sshll.u32 s28, $0x7  }
0x12b: {  	s7 =	sand.u32 $0x3000, s30;
	v4 =	vld [tilespmem:s21+$0x7680];
	s9 =	sand.u32 $0xFFFFF000, s9;
	s29 =	sand.u32 $0x380, s29  }
0x12c: {  	p1 =	sne.s32 s12, $0x1F;
	s12 =	sor.u32 s29, s9;
	s9 =	smov.u32 s20  }
0x12d: {  	v5 =	vld [tilespmem:s12+$0x0];
	_ =	sdelay $0x2  }
0x12e: {  	v4 =	vmul.f32 v4, v3;
	_ =	sdelay $0x1  }
0x12f: {  	v4 =	vadd.f32 v5, v4  }
0x130: {  	v5 =	vld [tilespmem:s21+$0x7690]  }
0x131: {  	[tilespmem:s21+$0x7680] =	vst v4  }
0x132: {  	v4 =	vld [tilespmem:s12+$0x10];
	_ =	sdelay $0x2  }
0x133: {  	v5 =	vmul.f32 v5, v3;
	_ =	sdelay $0x1  }
0x134: {  	v4 =	vadd.f32 v4, v5  }
0x135: {  	v5 =	vld [tilespmem:s21+$0x76A0]  }
0x136: {  	[tilespmem:s21+$0x7690] =	vst v4  }
0x137: {  	v4 =	vld [tilespmem:s12+$0x20];
	_ =	sdelay $0x2  }
0x138: {  	v5 =	vmul.f32 v5, v3;
	_ =	sdelay $0x1  }
0x139: {  	v4 =	vadd.f32 v4, v5  }
0x13a: {  	v5 =	vld [tilespmem:s21+$0x76B0]  }
0x13b: {  	[tilespmem:s21+$0x76A0] =	vst v4  }
0x13c: {  	v4 =	vld [tilespmem:s12+$0x30];
	_ =	sdelay $0x2  }
0x13d: {  	v5 =	vmul.f32 v5, v3;
	_ =	sdelay $0x1  }
0x13e: {  	v4 =	vadd.f32 v4, v5  }
0x13f: {  	v5 =	vld [tilespmem:s21+$0x76C0]  }
0x140: {  	[tilespmem:s21+$0x76B0] =	vst v4  }
0x141: {  	v4 =	vld [tilespmem:s12+$0x40];
	_ =	sdelay $0x2  }
0x142: {  	v5 =	vmul.f32 v5, v3;
	_ =	sdelay $0x1  }
0x143: {  	v4 =	vadd.f32 v4, v5  }
0x144: {  	v5 =	vld [tilespmem:s21+$0x76D0]  }
0x145: {  	[tilespmem:s21+$0x76C0] =	vst v4  }
0x146: {  	v4 =	vld [tilespmem:s12+$0x50];
	_ =	sdelay $0x2  }
0x147: {  	v5 =	vmul.f32 v5, v3;
	_ =	sdelay $0x1  }
0x148: {  	v4 =	vadd.f32 v4, v5  }
0x149: {  	v5 =	vld [tilespmem:s21+$0x76E0]  }
0x14a: {  	[tilespmem:s21+$0x76D0] =	vst v4  }
0x14b: {  	v4 =	vld [tilespmem:s12+$0x60];
	_ =	sdelay $0x2  }
0x14c: {  	v5 =	vmul.f32 v5, v3;
	_ =	sdelay $0x1  }
0x14d: {  	v4 =	vadd.f32 v4, v5  }
0x14e: {  	v5 =	vld [tilespmem:s21+$0x76F0]  }
0x14f: {  	[tilespmem:s21+$0x76E0] =	vst v4  }
0x150: {  	v4 =	vld [tilespmem:s12+$0x70];
	_ =	sdelay $0x2  }
0x151: {  	v5 =	vmul.f32 v5, v3;
	_ =	sdelay $0x1  }
0x152: {  	v4 =	vadd.f32 v4, v5  }
0x153: {  	v5 =	vld [tilespmem:s21+$0x7A80]  }
0x154: {  	[tilespmem:s21+$0x76F0] =	vst v4  }
0x155: {  	v4 =	vld [tilespmem:s12+$0x400];
	_ =	sdelay $0x2  }
0x156: {  	v5 =	vmul.f32 v5, v3;
	_ =	sdelay $0x1  }
0x157: {  	v4 =	vadd.f32 v4, v5  }
0x158: {  	v5 =	vld [tilespmem:s21+$0x7A90]  }
0x159: {  	[tilespmem:s21+$0x7A80] =	vst v4  }
0x15a: {  	v4 =	vld [tilespmem:s12+$0x410];
	_ =	sdelay $0x2  }
0x15b: {  	v5 =	vmul.f32 v5, v3;
	_ =	sdelay $0x1  }
0x15c: {  	v4 =	vadd.f32 v4, v5  }
0x15d: {  	v5 =	vld [tilespmem:s21+$0x7AA0]  }
0x15e: {  	[tilespmem:s21+$0x7A90] =	vst v4  }
0x15f: {  	v4 =	vld [tilespmem:s12+$0x420];
	_ =	sdelay $0x2  }
0x160: {  	v5 =	vmul.f32 v5, v3;
	_ =	sdelay $0x1  }
0x161: {  	v4 =	vadd.f32 v4, v5  }
0x162: {  	v5 =	vld [tilespmem:s21+$0x7AB0]  }
0x163: {  	[tilespmem:s21+$0x7AA0] =	vst v4  }
0x164: {  	v4 =	vld [tilespmem:s12+$0x430];
	_ =	sdelay $0x2  }
0x165: {  	v5 =	vmul.f32 v5, v3;
	_ =	sdelay $0x1  }
0x166: {  	v4 =	vadd.f32 v4, v5  }
0x167: {  	v5 =	vld [tilespmem:s21+$0x7AC0]  }
0x168: {  	[tilespmem:s21+$0x7AB0] =	vst v4  }
0x169: {  	v4 =	vld [tilespmem:s12+$0x440];
	_ =	sdelay $0x2  }
0x16a: {  	v5 =	vmul.f32 v5, v3;
	_ =	sdelay $0x1  }
0x16b: {  	v4 =	vadd.f32 v4, v5  }
0x16c: {  	v5 =	vld [tilespmem:s21+$0x7AD0]  }
0x16d: {  	[tilespmem:s21+$0x7AC0] =	vst v4  }
0x16e: {  	v4 =	vld [tilespmem:s12+$0x450];
	_ =	sdelay $0x2  }
0x16f: {  	v5 =	vmul.f32 v5, v3;
	_ =	sdelay $0x1  }
0x170: {  	v4 =	vadd.f32 v4, v5  }
0x171: {  	v5 =	vld [tilespmem:s21+$0x7AE0]  }
0x172: {  	[tilespmem:s21+$0x7AD0] =	vst v4  }
0x173: {  	v4 =	vld [tilespmem:s12+$0x460];
	_ =	sdelay $0x2  }
0x174: {  	v5 =	vmul.f32 v5, v3;
	_ =	sdelay $0x1  }
0x175: {  	v4 =	vadd.f32 v4, v5  }
0x176: {  	v5 =	vld [tilespmem:s21+$0x7AF0]  }
0x177: {  	[tilespmem:s21+$0x7AE0] =	vst v4  }
0x178: {  	v4 =	vld [tilespmem:s12+$0x470];
	_ =	sdelay $0x2  }
0x179: {  	v5 =	vmul.f32 v5, v3;
	_ =	sdelay $0x1  }
0x17a: {  	v4 =	vadd.f32 v4, v5  }
0x17b: {  	v5 =	vld [tilespmem:s21+$0x7E80]  }
0x17c: {  	[tilespmem:s21+$0x7AF0] =	vst v4  }
0x17d: {  	v4 =	vld [tilespmem:s12+$0x800];
	_ =	sdelay $0x2  }
0x17e: {  	v5 =	vmul.f32 v5, v3;
	_ =	sdelay $0x1  }
0x17f: {  	v4 =	vadd.f32 v4, v5  }
0x180: {  	v5 =	vld [tilespmem:s21+$0x7E90]  }
0x181: {  	[tilespmem:s21+$0x7E80] =	vst v4  }
0x182: {  	v4 =	vld [tilespmem:s12+$0x810];
	_ =	sdelay $0x2  }
0x183: {  	v5 =	vmul.f32 v5, v3;
	_ =	sdelay $0x1  }
0x184: {  	v4 =	vadd.f32 v4, v5  }
0x185: {  	v5 =	vld [tilespmem:s21+$0x7EA0]  }
0x186: {  	[tilespmem:s21+$0x7E90] =	vst v4  }
0x187: {  	v4 =	vld [tilespmem:s12+$0x820];
	_ =	sdelay $0x2  }
0x188: {  	v5 =	vmul.f32 v5, v3;
	_ =	sdelay $0x1  }
0x189: {  	v4 =	vadd.f32 v4, v5  }
0x18a: {  	v5 =	vld [tilespmem:s21+$0x7EB0]  }
0x18b: {  	[tilespmem:s21+$0x7EA0] =	vst v4  }
0x18c: {  	v4 =	vld [tilespmem:s12+$0x830];
	_ =	sdelay $0x2  }
0x18d: {  	v5 =	vmul.f32 v5, v3;
	_ =	sdelay $0x1  }
0x18e: {  	v4 =	vadd.f32 v4, v5  }
0x18f: {  	v5 =	vld [tilespmem:s21+$0x7EC0]  }
0x190: {  	[tilespmem:s21+$0x7EB0] =	vst v4  }
0x191: {  	v4 =	vld [tilespmem:s12+$0x840];
	_ =	sdelay $0x2  }
0x192: {  	v5 =	vmul.f32 v5, v3;
	_ =	sdelay $0x1  }
0x193: {  	v4 =	vadd.f32 v4, v5  }
0x194: {  	v5 =	vld [tilespmem:s21+$0x7ED0]  }
0x195: {  	[tilespmem:s21+$0x7EC0] =	vst v4  }
0x196: {  	v4 =	vld [tilespmem:s12+$0x850];
	_ =	sdelay $0x2  }
0x197: {  	v5 =	vmul.f32 v5, v3;
	_ =	sdelay $0x1  }
0x198: {  	v4 =	vadd.f32 v4, v5  }
0x199: {  	v5 =	vld [tilespmem:s21+$0x7EE0]  }
0x19a: {  	[tilespmem:s21+$0x7ED0] =	vst v4  }
0x19b: {  	v4 =	vld [tilespmem:s12+$0x860];
	_ =	sdelay $0x2  }
0x19c: {  	v5 =	vmul.f32 v5, v3;
	_ =	sdelay $0x1  }
0x19d: {  	v4 =	vadd.f32 v4, v5  }
0x19e: {  	v5 =	vld [tilespmem:s21+$0x7EF0]  }
0x19f: {  	[tilespmem:s21+$0x7EE0] =	vst v4  }
0x1a0: {  	v4 =	vld [tilespmem:s12+$0x870];
	_ =	sdelay $0x2  }
0x1a1: {  	v5 =	vmul.f32 v5, v3;
	_ =	sdelay $0x1  }
0x1a2: {  	v4 =	vadd.f32 v4, v5  }
0x1a3: {  	v5 =	vld [tilespmem:s21+$0x8280]  }
0x1a4: {  	[tilespmem:s21+$0x7EF0] =	vst v4  }
0x1a5: {  	v4 =	vld [tilespmem:s12+$0xC00];
	_ =	sdelay $0x2  }
0x1a6: {  	v5 =	vmul.f32 v5, v3;
	_ =	sdelay $0x1  }
0x1a7: {  	v4 =	vadd.f32 v4, v5  }
0x1a8: {  	v5 =	vld [tilespmem:s21+$0x8290]  }
0x1a9: {  	[tilespmem:s21+$0x8280] =	vst v4  }
0x1aa: {  	v4 =	vld [tilespmem:s12+$0xC10];
	_ =	sdelay $0x2  }
0x1ab: {  	v5 =	vmul.f32 v5, v3;
	_ =	sdelay $0x1  }
0x1ac: {  	v4 =	vadd.f32 v4, v5  }
0x1ad: {  	v5 =	vld [tilespmem:s21+$0x82A0]  }
0x1ae: {  	[tilespmem:s21+$0x8290] =	vst v4  }
0x1af: {  	v4 =	vld [tilespmem:s12+$0xC20];
	_ =	sdelay $0x2  }
0x1b0: {  	v5 =	vmul.f32 v5, v3;
	_ =	sdelay $0x1  }
0x1b1: {  	v4 =	vadd.f32 v4, v5  }
0x1b2: {  	v5 =	vld [tilespmem:s21+$0x82B0]  }
0x1b3: {  	[tilespmem:s21+$0x82A0] =	vst v4  }
0x1b4: {  	v4 =	vld [tilespmem:s12+$0xC30];
	_ =	sdelay $0x2  }
0x1b5: {  	v5 =	vmul.f32 v5, v3;
	_ =	sdelay $0x1  }
0x1b6: {  	v4 =	vadd.f32 v4, v5  }
0x1b7: {  	v5 =	vld [tilespmem:s21+$0x82C0]  }
0x1b8: {  	[tilespmem:s21+$0x82B0] =	vst v4  }
0x1b9: {  	v4 =	vld [tilespmem:s12+$0xC40];
	_ =	sdelay $0x2  }
0x1ba: {  	v5 =	vmul.f32 v5, v3;
	_ =	sdelay $0x1  }
0x1bb: {  	v4 =	vadd.f32 v4, v5  }
0x1bc: {  	v5 =	vld [tilespmem:s21+$0x82D0]  }
0x1bd: {  	[tilespmem:s21+$0x82C0] =	vst v4  }
0x1be: {  	v4 =	vld [tilespmem:s12+$0xC50];
	_ =	sdelay $0x2  }
0x1bf: {  	v5 =	vmul.f32 v5, v3;
	_ =	sdelay $0x1  }
0x1c0: {  	v4 =	vadd.f32 v4, v5  }
0x1c1: {  	v5 =	vld [tilespmem:s21+$0x82E0]  }
0x1c2: {  	[tilespmem:s21+$0x82D0] =	vst v4  }
0x1c3: {  	v4 =	vld [tilespmem:s12+$0xC60];
	_ =	sdelay $0x2  }
0x1c4: {  	v5 =	vmul.f32 v5, v3;
	_ =	sdelay $0x1  }
0x1c5: {  	v4 =	vadd.f32 v4, v5  }
0x1c6: {  	v5 =	vld [tilespmem:s21+$0x82F0]  }
0x1c7: {  	[tilespmem:s21+$0x82E0] =	vst v4  }
0x1c8: {  	v6 =	vld [tilespmem:s12+$0xC70];
	_ =	sdelay $0x1  }
.Ltmp0:
0x1c9: {  	(pc) =	sbr.rel @p1 .LBB2_3-.Ltmp0, $3  }
0x1ca: {  	v4 =	vmov s2;
	v3 =	vmul.f32 v5, v3;
	_ =	sdelay $0x1  }
0x1cb: {  	s10 =	sadd.s32 $0x80, s10;
	s28 =	sadd.s32 $0x1, s28;
	v3 =	vadd.f32 v6, v3  }
0x1cc: {  	s30 =	sadd.s32 $0x200, s30;
	p2 =	seq.s32 s28, $0x32;
	s12 =	smov.u32 s31  }
0x1cd: {  	_ =	sdelay $0x2  }
0x1ce: {  	[tilespmem:s21+$0x82F0] =	vst v3;
	s28 =	simm.s32 @p2 $0x0  }
0x1cf: {  	s2 =	sor.u32 s9, s7;
	v3 =	vld.idx.msk [tilespmem:v4+s15+$0x0], $0xffff;
	s29 =	sshll.u32 s28, $0x9;
	s31 =	sshll.u32 s28, $0x7  }
0x1d0: {  	v4 =	vld [tilespmem:s2+$0x7680];
	s7 =	sand.u32 $0xFFFFF000, s29;
	s9 =	sand.u32 $0x380, s31  }
0x1d1: {  	s7 =	sor.u32 s9, s7  }
0x1d2: {  	v5 =	vld [tilespmem:s7+$0x0];
	_ =	sdelay $0x2  }
0x1d3: {  	v4 =	vmul.f32 v4, v3;
	_ =	sdelay $0x1  }
0x1d4: {  	v4 =	vadd.f32 v5, v4  }
0x1d5: {  	v5 =	vld [tilespmem:s2+$0x7690]  }
0x1d6: {  	[tilespmem:s2+$0x7680] =	vst v4  }
0x1d7: {  	v4 =	vld [tilespmem:s7+$0x10];
	_ =	sdelay $0x2  }
0x1d8: {  	v5 =	vmul.f32 v5, v3;
	_ =	sdelay $0x1  }
0x1d9: {  	v4 =	vadd.f32 v4, v5  }
0x1da: {  	v5 =	vld [tilespmem:s2+$0x76A0]  }
0x1db: {  	[tilespmem:s2+$0x7690] =	vst v4  }
0x1dc: {  	v4 =	vld [tilespmem:s7+$0x20];
	_ =	sdelay $0x2  }
0x1dd: {  	v5 =	vmul.f32 v5, v3;
	_ =	sdelay $0x1  }
0x1de: {  	v4 =	vadd.f32 v4, v5  }
0x1df: {  	v5 =	vld [tilespmem:s2+$0x76B0]  }
0x1e0: {  	[tilespmem:s2+$0x76A0] =	vst v4  }
0x1e1: {  	v4 =	vld [tilespmem:s7+$0x30];
	_ =	sdelay $0x2  }
0x1e2: {  	v5 =	vmul.f32 v5, v3;
	_ =	sdelay $0x1  }
0x1e3: {  	v4 =	vadd.f32 v4, v5  }
0x1e4: {  	v5 =	vld [tilespmem:s2+$0x76C0]  }
0x1e5: {  	[tilespmem:s2+$0x76B0] =	vst v4  }
0x1e6: {  	v4 =	vld [tilespmem:s7+$0x40];
	_ =	sdelay $0x2  }
0x1e7: {  	v5 =	vmul.f32 v5, v3;
	_ =	sdelay $0x1  }
0x1e8: {  	v4 =	vadd.f32 v4, v5  }
0x1e9: {  	v5 =	vld [tilespmem:s2+$0x76D0]  }
0x1ea: {  	[tilespmem:s2+$0x76C0] =	vst v4  }
0x1eb: {  	v4 =	vld [tilespmem:s7+$0x50];
	_ =	sdelay $0x2  }
0x1ec: {  	v5 =	vmul.f32 v5, v3;
	_ =	sdelay $0x1  }
0x1ed: {  	v4 =	vadd.f32 v4, v5  }
0x1ee: {  	v5 =	vld [tilespmem:s2+$0x76E0]  }
0x1ef: {  	[tilespmem:s2+$0x76D0] =	vst v4  }
0x1f0: {  	v4 =	vld [tilespmem:s7+$0x60];
	_ =	sdelay $0x2  }
0x1f1: {  	v5 =	vmul.f32 v5, v3;
	_ =	sdelay $0x1  }
0x1f2: {  	v4 =	vadd.f32 v4, v5  }
0x1f3: {  	v5 =	vld [tilespmem:s2+$0x76F0]  }
0x1f4: {  	[tilespmem:s2+$0x76E0] =	vst v4  }
0x1f5: {  	v4 =	vld [tilespmem:s7+$0x70];
	_ =	sdelay $0x2  }
0x1f6: {  	v5 =	vmul.f32 v5, v3;
	_ =	sdelay $0x1  }
0x1f7: {  	v4 =	vadd.f32 v4, v5  }
0x1f8: {  	v5 =	vld [tilespmem:s2+$0x7A80]  }
0x1f9: {  	[tilespmem:s2+$0x76F0] =	vst v4  }
0x1fa: {  	v4 =	vld [tilespmem:s7+$0x400];
	_ =	sdelay $0x2  }
0x1fb: {  	v5 =	vmul.f32 v5, v3;
	_ =	sdelay $0x1  }
0x1fc: {  	v4 =	vadd.f32 v4, v5  }
0x1fd: {  	v5 =	vld [tilespmem:s2+$0x7A90]  }
0x1fe: {  	[tilespmem:s2+$0x7A80] =	vst v4  }
0x1ff: {  	v4 =	vld [tilespmem:s7+$0x410];
	_ =	sdelay $0x2  }
0x200: {  	v5 =	vmul.f32 v5, v3;
	_ =	sdelay $0x1  }
0x201: {  	v4 =	vadd.f32 v4, v5  }
0x202: {  	v5 =	vld [tilespmem:s2+$0x7AA0]  }
0x203: {  	[tilespmem:s2+$0x7A90] =	vst v4  }
0x204: {  	v4 =	vld [tilespmem:s7+$0x420];
	_ =	sdelay $0x2  }
0x205: {  	v5 =	vmul.f32 v5, v3;
	_ =	sdelay $0x1  }
0x206: {  	v4 =	vadd.f32 v4, v5  }
0x207: {  	v5 =	vld [tilespmem:s2+$0x7AB0]  }
0x208: {  	[tilespmem:s2+$0x7AA0] =	vst v4  }
0x209: {  	v4 =	vld [tilespmem:s7+$0x430];
	_ =	sdelay $0x2  }
0x20a: {  	v5 =	vmul.f32 v5, v3;
	_ =	sdelay $0x1  }
0x20b: {  	v4 =	vadd.f32 v4, v5  }
0x20c: {  	v5 =	vld [tilespmem:s2+$0x7AC0]  }
0x20d: {  	[tilespmem:s2+$0x7AB0] =	vst v4  }
0x20e: {  	v4 =	vld [tilespmem:s7+$0x440];
	_ =	sdelay $0x2  }
0x20f: {  	v5 =	vmul.f32 v5, v3;
	_ =	sdelay $0x1  }
0x210: {  	v4 =	vadd.f32 v4, v5  }
0x211: {  	v5 =	vld [tilespmem:s2+$0x7AD0]  }
0x212: {  	[tilespmem:s2+$0x7AC0] =	vst v4  }
0x213: {  	v4 =	vld [tilespmem:s7+$0x450];
	_ =	sdelay $0x2  }
0x214: {  	v5 =	vmul.f32 v5, v3;
	_ =	sdelay $0x1  }
0x215: {  	v4 =	vadd.f32 v4, v5  }
0x216: {  	v5 =	vld [tilespmem:s2+$0x7AE0]  }
0x217: {  	[tilespmem:s2+$0x7AD0] =	vst v4  }
0x218: {  	v4 =	vld [tilespmem:s7+$0x460];
	_ =	sdelay $0x2  }
0x219: {  	v5 =	vmul.f32 v5, v3;
	_ =	sdelay $0x1  }
0x21a: {  	v4 =	vadd.f32 v4, v5  }
0x21b: {  	v5 =	vld [tilespmem:s2+$0x7AF0]  }
0x21c: {  	[tilespmem:s2+$0x7AE0] =	vst v4  }
0x21d: {  	v4 =	vld [tilespmem:s7+$0x470];
	_ =	sdelay $0x2  }
0x21e: {  	v5 =	vmul.f32 v5, v3;
	_ =	sdelay $0x1  }
0x21f: {  	v4 =	vadd.f32 v4, v5  }
0x220: {  	v5 =	vld [tilespmem:s2+$0x7E80]  }
0x221: {  	[tilespmem:s2+$0x7AF0] =	vst v4  }
0x222: {  	v4 =	vld [tilespmem:s7+$0x800];
	_ =	sdelay $0x2  }
0x223: {  	v5 =	vmul.f32 v5, v3;
	_ =	sdelay $0x1  }
0x224: {  	v4 =	vadd.f32 v4, v5  }
0x225: {  	v5 =	vld [tilespmem:s2+$0x7E90]  }
0x226: {  	[tilespmem:s2+$0x7E80] =	vst v4  }
0x227: {  	v4 =	vld [tilespmem:s7+$0x810];
	_ =	sdelay $0x2  }
0x228: {  	v5 =	vmul.f32 v5, v3;
	_ =	sdelay $0x1  }
0x229: {  	v4 =	vadd.f32 v4, v5  }
0x22a: {  	v5 =	vld [tilespmem:s2+$0x7EA0]  }
0x22b: {  	[tilespmem:s2+$0x7E90] =	vst v4  }
0x22c: {  	v4 =	vld [tilespmem:s7+$0x820];
	_ =	sdelay $0x2  }
0x22d: {  	v5 =	vmul.f32 v5, v3;
	_ =	sdelay $0x1  }
0x22e: {  	v4 =	vadd.f32 v4, v5  }
0x22f: {  	v5 =	vld [tilespmem:s2+$0x7EB0]  }
0x230: {  	[tilespmem:s2+$0x7EA0] =	vst v4  }
0x231: {  	v4 =	vld [tilespmem:s7+$0x830];
	_ =	sdelay $0x2  }
0x232: {  	v5 =	vmul.f32 v5, v3;
	_ =	sdelay $0x1  }
0x233: {  	v4 =	vadd.f32 v4, v5  }
0x234: {  	v5 =	vld [tilespmem:s2+$0x7EC0]  }
0x235: {  	[tilespmem:s2+$0x7EB0] =	vst v4  }
0x236: {  	v4 =	vld [tilespmem:s7+$0x840];
	_ =	sdelay $0x2  }
0x237: {  	v5 =	vmul.f32 v5, v3;
	_ =	sdelay $0x1  }
0x238: {  	v4 =	vadd.f32 v4, v5  }
0x239: {  	v5 =	vld [tilespmem:s2+$0x7ED0]  }
0x23a: {  	[tilespmem:s2+$0x7EC0] =	vst v4  }
0x23b: {  	v4 =	vld [tilespmem:s7+$0x850];
	_ =	sdelay $0x2  }
0x23c: {  	v5 =	vmul.f32 v5, v3;
	_ =	sdelay $0x1  }
0x23d: {  	v4 =	vadd.f32 v4, v5  }
0x23e: {  	v5 =	vld [tilespmem:s2+$0x7EE0]  }
0x23f: {  	[tilespmem:s2+$0x7ED0] =	vst v4  }
0x240: {  	v4 =	vld [tilespmem:s7+$0x860];
	_ =	sdelay $0x2  }
0x241: {  	v5 =	vmul.f32 v5, v3;
	_ =	sdelay $0x1  }
0x242: {  	v4 =	vadd.f32 v4, v5  }
0x243: {  	v5 =	vld [tilespmem:s2+$0x7EF0]  }
0x244: {  	[tilespmem:s2+$0x7EE0] =	vst v4  }
0x245: {  	v4 =	vld [tilespmem:s7+$0x870];
	_ =	sdelay $0x2  }
0x246: {  	v5 =	vmul.f32 v5, v3;
	_ =	sdelay $0x1  }
0x247: {  	v4 =	vadd.f32 v4, v5  }
0x248: {  	v5 =	vld [tilespmem:s2+$0x8280]  }
0x249: {  	[tilespmem:s2+$0x7EF0] =	vst v4  }
0x24a: {  	v4 =	vld [tilespmem:s7+$0xC00];
	_ =	sdelay $0x2  }
0x24b: {  	v5 =	vmul.f32 v5, v3;
	_ =	sdelay $0x1  }
0x24c: {  	v4 =	vadd.f32 v4, v5  }
0x24d: {  	v5 =	vld [tilespmem:s2+$0x8290]  }
0x24e: {  	[tilespmem:s2+$0x8280] =	vst v4  }
0x24f: {  	v4 =	vld [tilespmem:s7+$0xC10];
	_ =	sdelay $0x2  }
0x250: {  	v5 =	vmul.f32 v5, v3;
	_ =	sdelay $0x1  }
0x251: {  	v4 =	vadd.f32 v4, v5  }
0x252: {  	v5 =	vld [tilespmem:s2+$0x82A0]  }
0x253: {  	[tilespmem:s2+$0x8290] =	vst v4  }
0x254: {  	v4 =	vld [tilespmem:s7+$0xC20];
	_ =	sdelay $0x2  }
0x255: {  	v5 =	vmul.f32 v5, v3;
	_ =	sdelay $0x1  }
0x256: {  	v4 =	vadd.f32 v4, v5  }
0x257: {  	v5 =	vld [tilespmem:s2+$0x82B0]  }
0x258: {  	[tilespmem:s2+$0x82A0] =	vst v4  }
0x259: {  	v4 =	vld [tilespmem:s7+$0xC30];
	_ =	sdelay $0x2  }
0x25a: {  	v5 =	vmul.f32 v5, v3;
	_ =	sdelay $0x1  }
0x25b: {  	v4 =	vadd.f32 v4, v5  }
0x25c: {  	v5 =	vld [tilespmem:s2+$0x82C0]  }
0x25d: {  	[tilespmem:s2+$0x82B0] =	vst v4  }
0x25e: {  	v4 =	vld [tilespmem:s7+$0xC40];
	_ =	sdelay $0x2  }
0x25f: {  	v5 =	vmul.f32 v5, v3;
	_ =	sdelay $0x1  }
0x260: {  	v4 =	vadd.f32 v4, v5  }
0x261: {  	v5 =	vld [tilespmem:s2+$0x82D0]  }
0x262: {  	[tilespmem:s2+$0x82C0] =	vst v4  }
0x263: {  	v4 =	vld [tilespmem:s7+$0xC50];
	_ =	sdelay $0x2  }
0x264: {  	v5 =	vmul.f32 v5, v3;
	_ =	sdelay $0x1  }
0x265: {  	v4 =	vadd.f32 v4, v5  }
0x266: {  	v5 =	vld [tilespmem:s2+$0x82E0]  }
0x267: {  	[tilespmem:s2+$0x82D0] =	vst v4  }
0x268: {  	v4 =	vld [tilespmem:s7+$0xC60];
	_ =	sdelay $0x2  }
0x269: {  	v5 =	vmul.f32 v5, v3;
	_ =	sdelay $0x1  }
0x26a: {  	v4 =	vadd.f32 v4, v5  }
0x26b: {  	v5 =	vld [tilespmem:s2+$0x82F0]  }
0x26c: {  	[tilespmem:s2+$0x82E0] =	vst v4  }
0x26d: {  	v4 =	vld [tilespmem:s7+$0xC70];
	_ =	sdelay $0x2  }
0x26e: {  	v3 =	vmul.f32 v5, v3;
	_ =	sdelay $0x1  }
0x26f: {  	v3 =	vadd.f32 v4, v3  }
0x270: {  	s10 =	sshll.u32 s24, $0x6  }
0x271: {  	s20 =	simm.s32 $0x7680;
	s12 =	sadd.s32 s4, s10;
	[tilespmem:s2+$0x82F0] =	vst v3;
	s2 =	simm.s32 @!p0 $0x9  }
0x272: {  	[hbm4b:s12+s5] =	stream.linear.scatter [tilespmem:s20], [sflag:$0x6], $0x4000, $0x38;
	[tilespmem:$0x1B700] =	vst v63  }
0x273: {  	s21 =	sadd.s32 $0x3, s19;
	_ =	swait.ge @!p0 [sflag:s2], $0x4000  }
0x274: {  	s21 =	sshll.u32 s21, $0x5;
	[sflag:s2] =	ssyncset.done @!p0 $0x0  }
0x275: {  	s29 =	sand.u32 $0x3FFFFFE0, s21;
	[sflag:s2] =	ssyncadd.s32 @!p0 $0xFFFFC000  }
0x276: {  	v3 =	vld [tilespmem:s29+$0x7000];
	_ =	sdelay $0x4  }
0x277: {  	v4 =	vshll.u32 v3, $0x2  }
0x278: {  	v3 =	vand.u32 $0x7, v3;
	v4 =	vand.u32 $0xFFFFFFE0, v4  }
0x279: {  	v3 =	vor.u32 v3, v4  }
0x27a: {  	v4 =	vperm.xlane v3, v0;
	_ =	sdelay $0x1  }
0x27b: {  	v4 =	vadd.s32 v1, v4;
	_ =	sdelay $0x1  }
0x27c: {  	v3 =	vperm.xlane v3, v2;
	_ =	sdelay $0x1  }
0x27d: {  	s7 =	simm.s32 $0x0;
	v3 =	vadd.s32 v1, v3  }
0x27e: {  	[tilespmem:s16], [sflag:$0x4] =	stream.indirect_vreg.gather [hbm4b:s1+s7], $0x80, v4, vm0, $0xb8;
	[tilespmem:$0x1B700] =	vst v63  }
0x27f: {  	s31 =	simm.s32 $0x13E80  }
0x280: {  	[tilespmem:s31], [sflag:$0x4] =	stream.indirect_vreg.gather [hbm4b:s8+s7], $0x80, v4, vm0, $0xb8;
	[tilespmem:$0x1B700] =	vst v63  }
0x281: {  	s10 =	simm.s32 $0x14680  }
0x282: {  	[tilespmem:s10], [sflag:$0x4] =	stream.indirect_vreg.gather [hbm4b:s1+s7], $0x80, v3, vm0, $0xb8;
	[tilespmem:$0x1B700] =	vst v63  }
0x283: {  	s12 =	simm.s32 $0x14E80  }
0x284: {  	[tilespmem:s12], [sflag:$0x4] =	stream.indirect_vreg.gather [hbm4b:s8+s7], $0x80, v3, vm0, $0xb8;
	[tilespmem:$0x1B700] =	vst v63  }
0x285: {  	v3 =	vld [tilespmem:s29+$0x7010];
	_ =	sdelay $0x4  }
0x286: {  	v4 =	vshll.u32 v3, $0x2  }
0x287: {  	v3 =	vand.u32 $0x7, v3;
	v4 =	vand.u32 $0xFFFFFFE0, v4  }
0x288: {  	v3 =	vor.u32 v3, v4  }
0x289: {  	v4 =	vperm.xlane v3, v0;
	_ =	sdelay $0x1  }
0x28a: {  	v4 =	vadd.s32 v1, v4;
	_ =	sdelay $0x1  }
0x28b: {  	v3 =	vperm.xlane v3, v2;
	_ =	sdelay $0x1  }
0x28c: {  	s20 =	simm.s32 $0x15680;
	v3 =	vadd.s32 v1, v3  }
0x28d: {  	[tilespmem:s20], [sflag:$0x4] =	stream.indirect_vreg.gather [hbm4b:s1+s7], $0x80, v4, vm0, $0xb8;
	[tilespmem:$0x1B700] =	vst v63  }
0x28e: {  	s29 =	simm.s32 $0x15E80  }
0x28f: {  	[tilespmem:s29], [sflag:$0x4] =	stream.indirect_vreg.gather [hbm4b:s8+s7], $0x80, v4, vm0, $0xb8;
	[tilespmem:$0x1B700] =	vst v63  }
0x290: {  	s31 =	simm.s32 $0x16680  }
0x291: {  	[tilespmem:s31], [sflag:$0x4] =	stream.indirect_vreg.gather [hbm4b:s1+s7], $0x80, v3, vm0, $0xb8;
	[tilespmem:$0x1B700] =	vst v63  }
0x292: {  	s9 =	simm.s32 $0x16E80  }
0x293: {  	[tilespmem:s9], [sflag:$0x4] =	stream.indirect_vreg.gather [hbm4b:s8+s7], $0x80, v3, vm0, $0xb8;
	[tilespmem:$0x1B700] =	vst v63  }
0x294: {  	_ =	swait.ge [sflag:s25], $0x4000  }
0x295: {  	[sflag:s25] =	ssyncset.done $0x0  }
0x296: {  	[sflag:s25] =	ssyncadd.s32 $0xFFFFC000  }
0x297: {  	v3 =	vld [tilespmem:s23+$0x7020];
	_ =	sdelay $0x4  }
0x298: {  	vm1 =	vlt.s32 v3, $0x1  }
0x299: {  	v3 =	vnsel vm1, $0x1, v3  }
0x29a: {  	v3 =	vcvt.s32.f32 v3;
	_ =	sdelay $0x1  }
0x29b: {  	[tilespmem:$0x1B680] =	vst v3  }
0x29c: {  	v3 =	vld [tilespmem:s23+$0x7030];
	_ =	sdelay $0x2  }
0x29d: {  	s23 =	sadd.s32 $0x20, s24  }
0x29e: {  	s10 =	smulhi.u32 $0x51EB851F, s23  }
0x29f: {  	v4 =	vmov s7;
	vm1 =	vlt.s32 v3, $0x1  }
0x2a0: {  	s2 =	sshrl.u32 s10, $0x4;
	v3 =	vnsel vm1, $0x1, v3  }
0x2a1: {  	s2 =	smul.u32 $0x32, s2;
	v3 =	vcvt.s32.f32 v3;
	_ =	sdelay $0x1  }
0x2a2: {  	s12 =	sand.u32 $0x380, s7;
	s7 =	sand.u32 $0x3000, s7;
	s2 =	ssub.s32 s23, s2;
	[tilespmem:$0x1B690] =	vst v3  }
0x2a3: {  	s24 =	sor.u32 s12, s7;
	s20 =	sshll.u32 s2, $0x9;
	s29 =	sshll.u32 s2, $0x7;
	v3 =	vld.idx.msk [tilespmem:v4+s15+$0x0], $0xffff  }
0x2a4: {  	s7 =	sand.u32 $0xFFFFF000, s20;
	s9 =	sand.u32 $0x380, s29;
	v4 =	vld [tilespmem:s24+$0xB680]  }
0x2a5: {  	s7 =	sor.u32 s9, s7  }
0x2a6: {  	v5 =	vld [tilespmem:s7+$0x0];
	_ =	sdelay $0x2  }
0x2a7: {  	v4 =	vmul.f32 v4, v3;
	_ =	sdelay $0x1  }
0x2a8: {  	v4 =	vadd.f32 v5, v4  }
0x2a9: {  	v5 =	vld [tilespmem:s24+$0xB690]  }
0x2aa: {  	[tilespmem:s24+$0xB680] =	vst v4  }
0x2ab: {  	v4 =	vld [tilespmem:s7+$0x10];
	_ =	sdelay $0x2  }
0x2ac: {  	v5 =	vmul.f32 v5, v3;
	_ =	sdelay $0x1  }
0x2ad: {  	v4 =	vadd.f32 v4, v5  }
0x2ae: {  	v5 =	vld [tilespmem:s24+$0xB6A0]  }
0x2af: {  	[tilespmem:s24+$0xB690] =	vst v4  }
0x2b0: {  	v4 =	vld [tilespmem:s7+$0x20];
	_ =	sdelay $0x2  }
0x2b1: {  	v5 =	vmul.f32 v5, v3;
	_ =	sdelay $0x1  }
0x2b2: {  	v4 =	vadd.f32 v4, v5  }
0x2b3: {  	v5 =	vld [tilespmem:s24+$0xB6B0]  }
0x2b4: {  	[tilespmem:s24+$0xB6A0] =	vst v4  }
0x2b5: {  	v4 =	vld [tilespmem:s7+$0x30];
	_ =	sdelay $0x2  }
0x2b6: {  	v5 =	vmul.f32 v5, v3;
	_ =	sdelay $0x1  }
0x2b7: {  	v4 =	vadd.f32 v4, v5  }
0x2b8: {  	v5 =	vld [tilespmem:s24+$0xB6C0]  }
0x2b9: {  	[tilespmem:s24+$0xB6B0] =	vst v4  }
0x2ba: {  	v4 =	vld [tilespmem:s7+$0x40];
	_ =	sdelay $0x2  }
0x2bb: {  	v5 =	vmul.f32 v5, v3;
	_ =	sdelay $0x1  }
0x2bc: {  	v4 =	vadd.f32 v4, v5  }
0x2bd: {  	v5 =	vld [tilespmem:s24+$0xB6D0]  }
0x2be: {  	[tilespmem:s24+$0xB6C0] =	vst v4  }
0x2bf: {  	v4 =	vld [tilespmem:s7+$0x50];
	_ =	sdelay $0x2  }
0x2c0: {  	v5 =	vmul.f32 v5, v3;
	_ =	sdelay $0x1  }
0x2c1: {  	v4 =	vadd.f32 v4, v5  }
0x2c2: {  	v5 =	vld [tilespmem:s24+$0xB6E0]  }
0x2c3: {  	[tilespmem:s24+$0xB6D0] =	vst v4  }
0x2c4: {  	v4 =	vld [tilespmem:s7+$0x60];
	_ =	sdelay $0x2  }
0x2c5: {  	v5 =	vmul.f32 v5, v3;
	_ =	sdelay $0x1  }
0x2c6: {  	v4 =	vadd.f32 v4, v5  }
0x2c7: {  	v5 =	vld [tilespmem:s24+$0xB6F0]  }
0x2c8: {  	[tilespmem:s24+$0xB6E0] =	vst v4  }
0x2c9: {  	v4 =	vld [tilespmem:s7+$0x70];
	_ =	sdelay $0x2  }
0x2ca: {  	v5 =	vmul.f32 v5, v3;
	_ =	sdelay $0x1  }
0x2cb: {  	v4 =	vadd.f32 v4, v5  }
0x2cc: {  	v5 =	vld [tilespmem:s24+$0xBA80]  }
0x2cd: {  	[tilespmem:s24+$0xB6F0] =	vst v4  }
0x2ce: {  	v4 =	vld [tilespmem:s7+$0x400];
	_ =	sdelay $0x2  }
0x2cf: {  	v5 =	vmul.f32 v5, v3;
	_ =	sdelay $0x1  }
0x2d0: {  	v4 =	vadd.f32 v4, v5  }
0x2d1: {  	v5 =	vld [tilespmem:s24+$0xBA90]  }
0x2d2: {  	[tilespmem:s24+$0xBA80] =	vst v4  }
0x2d3: {  	v4 =	vld [tilespmem:s7+$0x410];
	_ =	sdelay $0x2  }
0x2d4: {  	v5 =	vmul.f32 v5, v3;
	_ =	sdelay $0x1  }
0x2d5: {  	v4 =	vadd.f32 v4, v5  }
0x2d6: {  	v5 =	vld [tilespmem:s24+$0xBAA0]  }
0x2d7: {  	[tilespmem:s24+$0xBA90] =	vst v4  }
0x2d8: {  	v4 =	vld [tilespmem:s7+$0x420];
	_ =	sdelay $0x2  }
0x2d9: {  	v5 =	vmul.f32 v5, v3;
	_ =	sdelay $0x1  }
0x2da: {  	v4 =	vadd.f32 v4, v5  }
0x2db: {  	v5 =	vld [tilespmem:s24+$0xBAB0]  }
0x2dc: {  	[tilespmem:s24+$0xBAA0] =	vst v4  }
0x2dd: {  	v4 =	vld [tilespmem:s7+$0x430];
	_ =	sdelay $0x2  }
0x2de: {  	v5 =	vmul.f32 v5, v3;
	_ =	sdelay $0x1  }
0x2df: {  	v4 =	vadd.f32 v4, v5  }
0x2e0: {  	v5 =	vld [tilespmem:s24+$0xBAC0]  }
0x2e1: {  	[tilespmem:s24+$0xBAB0] =	vst v4  }
0x2e2: {  	v4 =	vld [tilespmem:s7+$0x440];
	_ =	sdelay $0x2  }
0x2e3: {  	v5 =	vmul.f32 v5, v3;
	_ =	sdelay $0x1  }
0x2e4: {  	v4 =	vadd.f32 v4, v5  }
0x2e5: {  	v5 =	vld [tilespmem:s24+$0xBAD0]  }
0x2e6: {  	[tilespmem:s24+$0xBAC0] =	vst v4  }
0x2e7: {  	v4 =	vld [tilespmem:s7+$0x450];
	_ =	sdelay $0x2  }
0x2e8: {  	v5 =	vmul.f32 v5, v3;
	_ =	sdelay $0x1  }
0x2e9: {  	v4 =	vadd.f32 v4, v5  }
0x2ea: {  	v5 =	vld [tilespmem:s24+$0xBAE0]  }
0x2eb: {  	[tilespmem:s24+$0xBAD0] =	vst v4  }
0x2ec: {  	v4 =	vld [tilespmem:s7+$0x460];
	_ =	sdelay $0x2  }
0x2ed: {  	v5 =	vmul.f32 v5, v3;
	_ =	sdelay $0x1  }
0x2ee: {  	v4 =	vadd.f32 v4, v5  }
0x2ef: {  	v5 =	vld [tilespmem:s24+$0xBAF0]  }
0x2f0: {  	[tilespmem:s24+$0xBAE0] =	vst v4  }
0x2f1: {  	v4 =	vld [tilespmem:s7+$0x470];
	_ =	sdelay $0x2  }
0x2f2: {  	v5 =	vmul.f32 v5, v3;
	_ =	sdelay $0x1  }
0x2f3: {  	v4 =	vadd.f32 v4, v5  }
0x2f4: {  	v5 =	vld [tilespmem:s24+$0xBE80]  }
0x2f5: {  	[tilespmem:s24+$0xBAF0] =	vst v4  }
0x2f6: {  	v4 =	vld [tilespmem:s7+$0x800];
	_ =	sdelay $0x2  }
0x2f7: {  	v5 =	vmul.f32 v5, v3;
	_ =	sdelay $0x1  }
0x2f8: {  	v4 =	vadd.f32 v4, v5  }
0x2f9: {  	v5 =	vld [tilespmem:s24+$0xBE90]  }
0x2fa: {  	[tilespmem:s24+$0xBE80] =	vst v4  }
0x2fb: {  	v4 =	vld [tilespmem:s7+$0x810];
	_ =	sdelay $0x2  }
0x2fc: {  	v5 =	vmul.f32 v5, v3;
	_ =	sdelay $0x1  }
0x2fd: {  	v4 =	vadd.f32 v4, v5  }
0x2fe: {  	v5 =	vld [tilespmem:s24+$0xBEA0]  }
0x2ff: {  	[tilespmem:s24+$0xBE90] =	vst v4  }
0x300: {  	v4 =	vld [tilespmem:s7+$0x820];
	_ =	sdelay $0x2  }
0x301: {  	v5 =	vmul.f32 v5, v3;
	_ =	sdelay $0x1  }
0x302: {  	v4 =	vadd.f32 v4, v5  }
0x303: {  	v5 =	vld [tilespmem:s24+$0xBEB0]  }
0x304: {  	[tilespmem:s24+$0xBEA0] =	vst v4  }
0x305: {  	v4 =	vld [tilespmem:s7+$0x830];
	_ =	sdelay $0x2  }
0x306: {  	v5 =	vmul.f32 v5, v3;
	_ =	sdelay $0x1  }
0x307: {  	v4 =	vadd.f32 v4, v5  }
0x308: {  	v5 =	vld [tilespmem:s24+$0xBEC0]  }
0x309: {  	[tilespmem:s24+$0xBEB0] =	vst v4  }
0x30a: {  	v4 =	vld [tilespmem:s7+$0x840];
	_ =	sdelay $0x2  }
0x30b: {  	v5 =	vmul.f32 v5, v3;
	_ =	sdelay $0x1  }
0x30c: {  	v4 =	vadd.f32 v4, v5  }
0x30d: {  	v5 =	vld [tilespmem:s24+$0xBED0]  }
0x30e: {  	[tilespmem:s24+$0xBEC0] =	vst v4  }
0x30f: {  	v4 =	vld [tilespmem:s7+$0x850];
	_ =	sdelay $0x2  }
0x310: {  	v5 =	vmul.f32 v5, v3;
	_ =	sdelay $0x1  }
0x311: {  	v4 =	vadd.f32 v4, v5  }
0x312: {  	v5 =	vld [tilespmem:s24+$0xBEE0]  }
0x313: {  	[tilespmem:s24+$0xBED0] =	vst v4  }
0x314: {  	v4 =	vld [tilespmem:s7+$0x860];
	_ =	sdelay $0x2  }
0x315: {  	v5 =	vmul.f32 v5, v3;
	_ =	sdelay $0x1  }
0x316: {  	v4 =	vadd.f32 v4, v5  }
0x317: {  	v5 =	vld [tilespmem:s24+$0xBEF0]  }
0x318: {  	[tilespmem:s24+$0xBEE0] =	vst v4  }
0x319: {  	v4 =	vld [tilespmem:s7+$0x870];
	_ =	sdelay $0x2  }
0x31a: {  	v5 =	vmul.f32 v5, v3;
	_ =	sdelay $0x1  }
0x31b: {  	v4 =	vadd.f32 v4, v5  }
0x31c: {  	v5 =	vld [tilespmem:s24+$0xC280]  }
0x31d: {  	[tilespmem:s24+$0xBEF0] =	vst v4  }
0x31e: {  	v4 =	vld [tilespmem:s7+$0xC00];
	_ =	sdelay $0x2  }
0x31f: {  	v5 =	vmul.f32 v5, v3;
	_ =	sdelay $0x1  }
0x320: {  	v4 =	vadd.f32 v4, v5  }
0x321: {  	v5 =	vld [tilespmem:s24+$0xC290]  }
0x322: {  	[tilespmem:s24+$0xC280] =	vst v4  }
0x323: {  	v4 =	vld [tilespmem:s7+$0xC10];
	_ =	sdelay $0x2  }
0x324: {  	v5 =	vmul.f32 v5, v3;
	_ =	sdelay $0x1  }
0x325: {  	v4 =	vadd.f32 v4, v5  }
0x326: {  	v5 =	vld [tilespmem:s24+$0xC2A0]  }
0x327: {  	[tilespmem:s24+$0xC290] =	vst v4  }
0x328: {  	v4 =	vld [tilespmem:s7+$0xC20];
	_ =	sdelay $0x2  }
0x329: {  	v5 =	vmul.f32 v5, v3;
	_ =	sdelay $0x1  }
0x32a: {  	v4 =	vadd.f32 v4, v5  }
0x32b: {  	v5 =	vld [tilespmem:s24+$0xC2B0]  }
0x32c: {  	[tilespmem:s24+$0xC2A0] =	vst v4  }
0x32d: {  	v4 =	vld [tilespmem:s7+$0xC30];
	_ =	sdelay $0x2  }
0x32e: {  	v5 =	vmul.f32 v5, v3;
	_ =	sdelay $0x1  }
0x32f: {  	v4 =	vadd.f32 v4, v5  }
0x330: {  	v5 =	vld [tilespmem:s24+$0xC2C0]  }
0x331: {  	[tilespmem:s24+$0xC2B0] =	vst v4  }
0x332: {  	v4 =	vld [tilespmem:s7+$0xC40];
	_ =	sdelay $0x2  }
0x333: {  	v5 =	vmul.f32 v5, v3;
	_ =	sdelay $0x1  }
0x334: {  	v4 =	vadd.f32 v4, v5  }
0x335: {  	v5 =	vld [tilespmem:s24+$0xC2D0]  }
0x336: {  	[tilespmem:s24+$0xC2C0] =	vst v4  }
0x337: {  	v4 =	vld [tilespmem:s7+$0xC50];
	_ =	sdelay $0x2  }
0x338: {  	v5 =	vmul.f32 v5, v3;
	_ =	sdelay $0x1  }
0x339: {  	v4 =	vadd.f32 v4, v5  }
0x33a: {  	v5 =	vld [tilespmem:s24+$0xC2E0]  }
0x33b: {  	[tilespmem:s24+$0xC2D0] =	vst v4  }
0x33c: {  	v4 =	vld [tilespmem:s7+$0xC60];
	_ =	sdelay $0x2  }
0x33d: {  	v5 =	vmul.f32 v5, v3;
	_ =	sdelay $0x1  }
0x33e: {  	v4 =	vadd.f32 v4, v5  }
0x33f: {  	v5 =	vld [tilespmem:s24+$0xC2F0]  }
0x340: {  	[tilespmem:s24+$0xC2E0] =	vst v4  }
0x341: {  	v6 =	vld [tilespmem:s7+$0xC70];
	_ =	sdelay $0x1  }
0x342: {  	s10 =	simm.s32 $0x1  }
0x343: {  	s30 =	simm.s32 $0x400;
	s31 =	simm.s32 $0x80;
	s28 =	sadd.s32 $0x1, s2;
	v4 =	vmov s10;
	v3 =	vmul.f32 v5, v3  }
0x344: {  	s12 =	simm.s32 $0x2;
	s20 =	simm.s32 $0x200;
	p2 =	seq.s32 s28, $0x32  }
0x345: {  	s9 =	sand.u32 $0x380, s31;
	s10 =	simm.s32 $0x100;
	s7 =	sand.u32 $0x3000, s20;
	v3 =	vadd.f32 v6, v3  }
.LBB2_5:
0x346: {  	s20 =	sand.u32 $0x380, s10  }
0x347: {  	[tilespmem:s24+$0xC2F0] =	vst v3;
	s28 =	simm.s32 @p2 $0x0;
	s2 =	smov.u32 s12;
	s31 =	sadd.s32 $0x1, s12  }
0x348: {  	s24 =	sor.u32 s9, s7;
	v3 =	vld.idx.msk [tilespmem:v4+s15+$0x0], $0xffff;
	s9 =	sshll.u32 s28, $0x9;
	s29 =	sshll.u32 s28, $0x7  }
0x349: {  	s7 =	sand.u32 $0x3000, s30;
	v4 =	vld [tilespmem:s24+$0xB680];
	s9 =	sand.u32 $0xFFFFF000, s9;
	s29 =	sand.u32 $0x380, s29  }
0x34a: {  	p1 =	sne.s32 s12, $0x1F;
	s12 =	sor.u32 s29, s9;
	s9 =	smov.u32 s20  }
0x34b: {  	v5 =	vld [tilespmem:s12+$0x0];
	_ =	sdelay $0x2  }
0x34c: {  	v4 =	vmul.f32 v4, v3;
	_ =	sdelay $0x1  }
0x34d: {  	v4 =	vadd.f32 v5, v4  }
0x34e: {  	v5 =	vld [tilespmem:s24+$0xB690]  }
0x34f: {  	[tilespmem:s24+$0xB680] =	vst v4  }
0x350: {  	v4 =	vld [tilespmem:s12+$0x10];
	_ =	sdelay $0x2  }
0x351: {  	v5 =	vmul.f32 v5, v3;
	_ =	sdelay $0x1  }
0x352: {  	v4 =	vadd.f32 v4, v5  }
0x353: {  	v5 =	vld [tilespmem:s24+$0xB6A0]  }
0x354: {  	[tilespmem:s24+$0xB690] =	vst v4  }
0x355: {  	v4 =	vld [tilespmem:s12+$0x20];
	_ =	sdelay $0x2  }
0x356: {  	v5 =	vmul.f32 v5, v3;
	_ =	sdelay $0x1  }
0x357: {  	v4 =	vadd.f32 v4, v5  }
0x358: {  	v5 =	vld [tilespmem:s24+$0xB6B0]  }
0x359: {  	[tilespmem:s24+$0xB6A0] =	vst v4  }
0x35a: {  	v4 =	vld [tilespmem:s12+$0x30];
	_ =	sdelay $0x2  }
0x35b: {  	v5 =	vmul.f32 v5, v3;
	_ =	sdelay $0x1  }
0x35c: {  	v4 =	vadd.f32 v4, v5  }
0x35d: {  	v5 =	vld [tilespmem:s24+$0xB6C0]  }
0x35e: {  	[tilespmem:s24+$0xB6B0] =	vst v4  }
0x35f: {  	v4 =	vld [tilespmem:s12+$0x40];
	_ =	sdelay $0x2  }
0x360: {  	v5 =	vmul.f32 v5, v3;
	_ =	sdelay $0x1  }
0x361: {  	v4 =	vadd.f32 v4, v5  }
0x362: {  	v5 =	vld [tilespmem:s24+$0xB6D0]  }
0x363: {  	[tilespmem:s24+$0xB6C0] =	vst v4  }
0x364: {  	v4 =	vld [tilespmem:s12+$0x50];
	_ =	sdelay $0x2  }
0x365: {  	v5 =	vmul.f32 v5, v3;
	_ =	sdelay $0x1  }
0x366: {  	v4 =	vadd.f32 v4, v5  }
0x367: {  	v5 =	vld [tilespmem:s24+$0xB6E0]  }
0x368: {  	[tilespmem:s24+$0xB6D0] =	vst v4  }
0x369: {  	v4 =	vld [tilespmem:s12+$0x60];
	_ =	sdelay $0x2  }
0x36a: {  	v5 =	vmul.f32 v5, v3;
	_ =	sdelay $0x1  }
0x36b: {  	v4 =	vadd.f32 v4, v5  }
0x36c: {  	v5 =	vld [tilespmem:s24+$0xB6F0]  }
0x36d: {  	[tilespmem:s24+$0xB6E0] =	vst v4  }
0x36e: {  	v4 =	vld [tilespmem:s12+$0x70];
	_ =	sdelay $0x2  }
0x36f: {  	v5 =	vmul.f32 v5, v3;
	_ =	sdelay $0x1  }
0x370: {  	v4 =	vadd.f32 v4, v5  }
0x371: {  	v5 =	vld [tilespmem:s24+$0xBA80]  }
0x372: {  	[tilespmem:s24+$0xB6F0] =	vst v4  }
0x373: {  	v4 =	vld [tilespmem:s12+$0x400];
	_ =	sdelay $0x2  }
0x374: {  	v5 =	vmul.f32 v5, v3;
	_ =	sdelay $0x1  }
0x375: {  	v4 =	vadd.f32 v4, v5  }
0x376: {  	v5 =	vld [tilespmem:s24+$0xBA90]  }
0x377: {  	[tilespmem:s24+$0xBA80] =	vst v4  }
0x378: {  	v4 =	vld [tilespmem:s12+$0x410];
	_ =	sdelay $0x2  }
0x379: {  	v5 =	vmul.f32 v5, v3;
	_ =	sdelay $0x1  }
0x37a: {  	v4 =	vadd.f32 v4, v5  }
0x37b: {  	v5 =	vld [tilespmem:s24+$0xBAA0]  }
0x37c: {  	[tilespmem:s24+$0xBA90] =	vst v4  }
0x37d: {  	v4 =	vld [tilespmem:s12+$0x420];
	_ =	sdelay $0x2  }
0x37e: {  	v5 =	vmul.f32 v5, v3;
	_ =	sdelay $0x1  }
0x37f: {  	v4 =	vadd.f32 v4, v5  }
0x380: {  	v5 =	vld [tilespmem:s24+$0xBAB0]  }
0x381: {  	[tilespmem:s24+$0xBAA0] =	vst v4  }
0x382: {  	v4 =	vld [tilespmem:s12+$0x430];
	_ =	sdelay $0x2  }
0x383: {  	v5 =	vmul.f32 v5, v3;
	_ =	sdelay $0x1  }
0x384: {  	v4 =	vadd.f32 v4, v5  }
0x385: {  	v5 =	vld [tilespmem:s24+$0xBAC0]  }
0x386: {  	[tilespmem:s24+$0xBAB0] =	vst v4  }
0x387: {  	v4 =	vld [tilespmem:s12+$0x440];
	_ =	sdelay $0x2  }
0x388: {  	v5 =	vmul.f32 v5, v3;
	_ =	sdelay $0x1  }
0x389: {  	v4 =	vadd.f32 v4, v5  }
0x38a: {  	v5 =	vld [tilespmem:s24+$0xBAD0]  }
0x38b: {  	[tilespmem:s24+$0xBAC0] =	vst v4  }
0x38c: {  	v4 =	vld [tilespmem:s12+$0x450];
	_ =	sdelay $0x2  }
0x38d: {  	v5 =	vmul.f32 v5, v3;
	_ =	sdelay $0x1  }
0x38e: {  	v4 =	vadd.f32 v4, v5  }
0x38f: {  	v5 =	vld [tilespmem:s24+$0xBAE0]  }
0x390: {  	[tilespmem:s24+$0xBAD0] =	vst v4  }
0x391: {  	v4 =	vld [tilespmem:s12+$0x460];
	_ =	sdelay $0x2  }
0x392: {  	v5 =	vmul.f32 v5, v3;
	_ =	sdelay $0x1  }
0x393: {  	v4 =	vadd.f32 v4, v5  }
0x394: {  	v5 =	vld [tilespmem:s24+$0xBAF0]  }
0x395: {  	[tilespmem:s24+$0xBAE0] =	vst v4  }
0x396: {  	v4 =	vld [tilespmem:s12+$0x470];
	_ =	sdelay $0x2  }
0x397: {  	v5 =	vmul.f32 v5, v3;
	_ =	sdelay $0x1  }
0x398: {  	v4 =	vadd.f32 v4, v5  }
0x399: {  	v5 =	vld [tilespmem:s24+$0xBE80]  }
0x39a: {  	[tilespmem:s24+$0xBAF0] =	vst v4  }
0x39b: {  	v4 =	vld [tilespmem:s12+$0x800];
	_ =	sdelay $0x2  }
0x39c: {  	v5 =	vmul.f32 v5, v3;
	_ =	sdelay $0x1  }
0x39d: {  	v4 =	vadd.f32 v4, v5  }
0x39e: {  	v5 =	vld [tilespmem:s24+$0xBE90]  }
0x39f: {  	[tilespmem:s24+$0xBE80] =	vst v4  }
0x3a0: {  	v4 =	vld [tilespmem:s12+$0x810];
	_ =	sdelay $0x2  }
0x3a1: {  	v5 =	vmul.f32 v5, v3;
	_ =	sdelay $0x1  }
0x3a2: {  	v4 =	vadd.f32 v4, v5  }
0x3a3: {  	v5 =	vld [tilespmem:s24+$0xBEA0]  }
0x3a4: {  	[tilespmem:s24+$0xBE90] =	vst v4  }
0x3a5: {  	v4 =	vld [tilespmem:s12+$0x820];
	_ =	sdelay $0x2  }
0x3a6: {  	v5 =	vmul.f32 v5, v3;
	_ =	sdelay $0x1  }
0x3a7: {  	v4 =	vadd.f32 v4, v5  }
0x3a8: {  	v5 =	vld [tilespmem:s24+$0xBEB0]  }
0x3a9: {  	[tilespmem:s24+$0xBEA0] =	vst v4  }
0x3aa: {  	v4 =	vld [tilespmem:s12+$0x830];
	_ =	sdelay $0x2  }
0x3ab: {  	v5 =	vmul.f32 v5, v3;
	_ =	sdelay $0x1  }
0x3ac: {  	v4 =	vadd.f32 v4, v5  }
0x3ad: {  	v5 =	vld [tilespmem:s24+$0xBEC0]  }
0x3ae: {  	[tilespmem:s24+$0xBEB0] =	vst v4  }
0x3af: {  	v4 =	vld [tilespmem:s12+$0x840];
	_ =	sdelay $0x2  }
0x3b0: {  	v5 =	vmul.f32 v5, v3;
	_ =	sdelay $0x1  }
0x3b1: {  	v4 =	vadd.f32 v4, v5  }
0x3b2: {  	v5 =	vld [tilespmem:s24+$0xBED0]  }
0x3b3: {  	[tilespmem:s24+$0xBEC0] =	vst v4  }
0x3b4: {  	v4 =	vld [tilespmem:s12+$0x850];
	_ =	sdelay $0x2  }
0x3b5: {  	v5 =	vmul.f32 v5, v3;
	_ =	sdelay $0x1  }
0x3b6: {  	v4 =	vadd.f32 v4, v5  }
0x3b7: {  	v5 =	vld [tilespmem:s24+$0xBEE0]  }
0x3b8: {  	[tilespmem:s24+$0xBED0] =	vst v4  }
0x3b9: {  	v4 =	vld [tilespmem:s12+$0x860];
	_ =	sdelay $0x2  }
0x3ba: {  	v5 =	vmul.f32 v5, v3;
	_ =	sdelay $0x1  }
0x3bb: {  	v4 =	vadd.f32 v4, v5  }
0x3bc: {  	v5 =	vld [tilespmem:s24+$0xBEF0]  }
0x3bd: {  	[tilespmem:s24+$0xBEE0] =	vst v4  }
0x3be: {  	v4 =	vld [tilespmem:s12+$0x870];
	_ =	sdelay $0x2  }
0x3bf: {  	v5 =	vmul.f32 v5, v3;
	_ =	sdelay $0x1  }
0x3c0: {  	v4 =	vadd.f32 v4, v5  }
0x3c1: {  	v5 =	vld [tilespmem:s24+$0xC280]  }
0x3c2: {  	[tilespmem:s24+$0xBEF0] =	vst v4  }
0x3c3: {  	v4 =	vld [tilespmem:s12+$0xC00];
	_ =	sdelay $0x2  }
0x3c4: {  	v5 =	vmul.f32 v5, v3;
	_ =	sdelay $0x1  }
0x3c5: {  	v4 =	vadd.f32 v4, v5  }
0x3c6: {  	v5 =	vld [tilespmem:s24+$0xC290]  }
0x3c7: {  	[tilespmem:s24+$0xC280] =	vst v4  }
0x3c8: {  	v4 =	vld [tilespmem:s12+$0xC10];
	_ =	sdelay $0x2  }
0x3c9: {  	v5 =	vmul.f32 v5, v3;
	_ =	sdelay $0x1  }
0x3ca: {  	v4 =	vadd.f32 v4, v5  }
0x3cb: {  	v5 =	vld [tilespmem:s24+$0xC2A0]  }
0x3cc: {  	[tilespmem:s24+$0xC290] =	vst v4  }
0x3cd: {  	v4 =	vld [tilespmem:s12+$0xC20];
	_ =	sdelay $0x2  }
0x3ce: {  	v5 =	vmul.f32 v5, v3;
	_ =	sdelay $0x1  }
0x3cf: {  	v4 =	vadd.f32 v4, v5  }
0x3d0: {  	v5 =	vld [tilespmem:s24+$0xC2B0]  }
0x3d1: {  	[tilespmem:s24+$0xC2A0] =	vst v4  }
0x3d2: {  	v4 =	vld [tilespmem:s12+$0xC30];
	_ =	sdelay $0x2  }
0x3d3: {  	v5 =	vmul.f32 v5, v3;
	_ =	sdelay $0x1  }
0x3d4: {  	v4 =	vadd.f32 v4, v5  }
0x3d5: {  	v5 =	vld [tilespmem:s24+$0xC2C0]  }
0x3d6: {  	[tilespmem:s24+$0xC2B0] =	vst v4  }
0x3d7: {  	v4 =	vld [tilespmem:s12+$0xC40];
	_ =	sdelay $0x2  }
0x3d8: {  	v5 =	vmul.f32 v5, v3;
	_ =	sdelay $0x1  }
0x3d9: {  	v4 =	vadd.f32 v4, v5  }
0x3da: {  	v5 =	vld [tilespmem:s24+$0xC2D0]  }
0x3db: {  	[tilespmem:s24+$0xC2C0] =	vst v4  }
0x3dc: {  	v4 =	vld [tilespmem:s12+$0xC50];
	_ =	sdelay $0x2  }
0x3dd: {  	v5 =	vmul.f32 v5, v3;
	_ =	sdelay $0x1  }
0x3de: {  	v4 =	vadd.f32 v4, v5  }
0x3df: {  	v5 =	vld [tilespmem:s24+$0xC2E0]  }
0x3e0: {  	[tilespmem:s24+$0xC2D0] =	vst v4  }
0x3e1: {  	v4 =	vld [tilespmem:s12+$0xC60];
	_ =	sdelay $0x2  }
0x3e2: {  	v5 =	vmul.f32 v5, v3;
	_ =	sdelay $0x1  }
0x3e3: {  	v4 =	vadd.f32 v4, v5  }
0x3e4: {  	v5 =	vld [tilespmem:s24+$0xC2F0]  }
0x3e5: {  	[tilespmem:s24+$0xC2E0] =	vst v4  }
0x3e6: {  	v6 =	vld [tilespmem:s12+$0xC70];
	_ =	sdelay $0x1  }
.Ltmp1:
0x3e7: {  	(pc) =	sbr.rel @p1 .LBB2_5-.Ltmp1, $3  }
0x3e8: {  	v4 =	vmov s2;
	v3 =	vmul.f32 v5, v3;
	_ =	sdelay $0x1  }
0x3e9: {  	s10 =	sadd.s32 $0x80, s10;
	s28 =	sadd.s32 $0x1, s28;
	v3 =	vadd.f32 v6, v3  }
0x3ea: {  	s30 =	sadd.s32 $0x200, s30;
	p2 =	seq.s32 s28, $0x32;
	s12 =	smov.u32 s31  }
0x3eb: {  	_ =	sdelay $0x2  }
0x3ec: {  	[tilespmem:s24+$0xC2F0] =	vst v3;
	s28 =	simm.s32 @p2 $0x0  }
0x3ed: {  	s2 =	sor.u32 s9, s7;
	v3 =	vld.idx.msk [tilespmem:v4+s15+$0x0], $0xffff;
	s29 =	sshll.u32 s28, $0x9;
	s31 =	sshll.u32 s28, $0x7  }
0x3ee: {  	v4 =	vld [tilespmem:s2+$0xB680];
	s7 =	sand.u32 $0xFFFFF000, s29;
	s9 =	sand.u32 $0x380, s31  }
0x3ef: {  	s7 =	sor.u32 s9, s7  }
0x3f0: {  	v5 =	vld [tilespmem:s7+$0x0];
	_ =	sdelay $0x2  }
0x3f1: {  	v4 =	vmul.f32 v4, v3;
	_ =	sdelay $0x1  }
0x3f2: {  	v4 =	vadd.f32 v5, v4  }
0x3f3: {  	v5 =	vld [tilespmem:s2+$0xB690]  }
0x3f4: {  	[tilespmem:s2+$0xB680] =	vst v4  }
0x3f5: {  	v4 =	vld [tilespmem:s7+$0x10];
	_ =	sdelay $0x2  }
0x3f6: {  	v5 =	vmul.f32 v5, v3;
	_ =	sdelay $0x1  }
0x3f7: {  	v4 =	vadd.f32 v4, v5  }
0x3f8: {  	v5 =	vld [tilespmem:s2+$0xB6A0]  }
0x3f9: {  	[tilespmem:s2+$0xB690] =	vst v4  }
0x3fa: {  	v4 =	vld [tilespmem:s7+$0x20];
	_ =	sdelay $0x2  }
0x3fb: {  	v5 =	vmul.f32 v5, v3;
	_ =	sdelay $0x1  }
0x3fc: {  	v4 =	vadd.f32 v4, v5  }
0x3fd: {  	v5 =	vld [tilespmem:s2+$0xB6B0]  }
0x3fe: {  	[tilespmem:s2+$0xB6A0] =	vst v4  }
0x3ff: {  	v4 =	vld [tilespmem:s7+$0x30];
	_ =	sdelay $0x2  }
0x400: {  	v5 =	vmul.f32 v5, v3;
	_ =	sdelay $0x1  }
0x401: {  	v4 =	vadd.f32 v4, v5  }
0x402: {  	v5 =	vld [tilespmem:s2+$0xB6C0]  }
0x403: {  	[tilespmem:s2+$0xB6B0] =	vst v4  }
0x404: {  	v4 =	vld [tilespmem:s7+$0x40];
	_ =	sdelay $0x2  }
0x405: {  	v5 =	vmul.f32 v5, v3;
	_ =	sdelay $0x1  }
0x406: {  	v4 =	vadd.f32 v4, v5  }
0x407: {  	v5 =	vld [tilespmem:s2+$0xB6D0]  }
0x408: {  	[tilespmem:s2+$0xB6C0] =	vst v4  }
0x409: {  	v4 =	vld [tilespmem:s7+$0x50];
	_ =	sdelay $0x2  }
0x40a: {  	v5 =	vmul.f32 v5, v3;
	_ =	sdelay $0x1  }
0x40b: {  	v4 =	vadd.f32 v4, v5  }
0x40c: {  	v5 =	vld [tilespmem:s2+$0xB6E0]  }
0x40d: {  	[tilespmem:s2+$0xB6D0] =	vst v4  }
0x40e: {  	v4 =	vld [tilespmem:s7+$0x60];
	_ =	sdelay $0x2  }
0x40f: {  	v5 =	vmul.f32 v5, v3;
	_ =	sdelay $0x1  }
0x410: {  	v4 =	vadd.f32 v4, v5  }
0x411: {  	v5 =	vld [tilespmem:s2+$0xB6F0]  }
0x412: {  	[tilespmem:s2+$0xB6E0] =	vst v4  }
0x413: {  	v4 =	vld [tilespmem:s7+$0x70];
	_ =	sdelay $0x2  }
0x414: {  	v5 =	vmul.f32 v5, v3;
	_ =	sdelay $0x1  }
0x415: {  	v4 =	vadd.f32 v4, v5  }
0x416: {  	v5 =	vld [tilespmem:s2+$0xBA80]  }
0x417: {  	[tilespmem:s2+$0xB6F0] =	vst v4  }
0x418: {  	v4 =	vld [tilespmem:s7+$0x400];
	_ =	sdelay $0x2  }
0x419: {  	v5 =	vmul.f32 v5, v3;
	_ =	sdelay $0x1  }
0x41a: {  	v4 =	vadd.f32 v4, v5  }
0x41b: {  	v5 =	vld [tilespmem:s2+$0xBA90]  }
0x41c: {  	[tilespmem:s2+$0xBA80] =	vst v4  }
0x41d: {  	v4 =	vld [tilespmem:s7+$0x410];
	_ =	sdelay $0x2  }
0x41e: {  	v5 =	vmul.f32 v5, v3;
	_ =	sdelay $0x1  }
0x41f: {  	v4 =	vadd.f32 v4, v5  }
0x420: {  	v5 =	vld [tilespmem:s2+$0xBAA0]  }
0x421: {  	[tilespmem:s2+$0xBA90] =	vst v4  }
0x422: {  	v4 =	vld [tilespmem:s7+$0x420];
	_ =	sdelay $0x2  }
0x423: {  	v5 =	vmul.f32 v5, v3;
	_ =	sdelay $0x1  }
0x424: {  	v4 =	vadd.f32 v4, v5  }
0x425: {  	v5 =	vld [tilespmem:s2+$0xBAB0]  }
0x426: {  	[tilespmem:s2+$0xBAA0] =	vst v4  }
0x427: {  	v4 =	vld [tilespmem:s7+$0x430];
	_ =	sdelay $0x2  }
0x428: {  	v5 =	vmul.f32 v5, v3;
	_ =	sdelay $0x1  }
0x429: {  	v4 =	vadd.f32 v4, v5  }
0x42a: {  	v5 =	vld [tilespmem:s2+$0xBAC0]  }
0x42b: {  	[tilespmem:s2+$0xBAB0] =	vst v4  }
0x42c: {  	v4 =	vld [tilespmem:s7+$0x440];
	_ =	sdelay $0x2  }
0x42d: {  	v5 =	vmul.f32 v5, v3;
	_ =	sdelay $0x1  }
0x42e: {  	v4 =	vadd.f32 v4, v5  }
0x42f: {  	v5 =	vld [tilespmem:s2+$0xBAD0]  }
0x430: {  	[tilespmem:s2+$0xBAC0] =	vst v4  }
0x431: {  	v4 =	vld [tilespmem:s7+$0x450];
	_ =	sdelay $0x2  }
0x432: {  	v5 =	vmul.f32 v5, v3;
	_ =	sdelay $0x1  }
0x433: {  	v4 =	vadd.f32 v4, v5  }
0x434: {  	v5 =	vld [tilespmem:s2+$0xBAE0]  }
0x435: {  	[tilespmem:s2+$0xBAD0] =	vst v4  }
0x436: {  	v4 =	vld [tilespmem:s7+$0x460];
	_ =	sdelay $0x2  }
0x437: {  	v5 =	vmul.f32 v5, v3;
	_ =	sdelay $0x1  }
0x438: {  	v4 =	vadd.f32 v4, v5  }
0x439: {  	v5 =	vld [tilespmem:s2+$0xBAF0]  }
0x43a: {  	[tilespmem:s2+$0xBAE0] =	vst v4  }
0x43b: {  	v4 =	vld [tilespmem:s7+$0x470];
	_ =	sdelay $0x2  }
0x43c: {  	v5 =	vmul.f32 v5, v3;
	_ =	sdelay $0x1  }
0x43d: {  	v4 =	vadd.f32 v4, v5  }
0x43e: {  	v5 =	vld [tilespmem:s2+$0xBE80]  }
0x43f: {  	[tilespmem:s2+$0xBAF0] =	vst v4  }
0x440: {  	v4 =	vld [tilespmem:s7+$0x800];
	_ =	sdelay $0x2  }
0x441: {  	v5 =	vmul.f32 v5, v3;
	_ =	sdelay $0x1  }
0x442: {  	v4 =	vadd.f32 v4, v5  }
0x443: {  	v5 =	vld [tilespmem:s2+$0xBE90]  }
0x444: {  	[tilespmem:s2+$0xBE80] =	vst v4  }
0x445: {  	v4 =	vld [tilespmem:s7+$0x810];
	_ =	sdelay $0x2  }
0x446: {  	v5 =	vmul.f32 v5, v3;
	_ =	sdelay $0x1  }
0x447: {  	v4 =	vadd.f32 v4, v5  }
0x448: {  	v5 =	vld [tilespmem:s2+$0xBEA0]  }
0x449: {  	[tilespmem:s2+$0xBE90] =	vst v4  }
0x44a: {  	v4 =	vld [tilespmem:s7+$0x820];
	_ =	sdelay $0x2  }
0x44b: {  	v5 =	vmul.f32 v5, v3;
	_ =	sdelay $0x1  }
0x44c: {  	v4 =	vadd.f32 v4, v5  }
0x44d: {  	v5 =	vld [tilespmem:s2+$0xBEB0]  }
0x44e: {  	[tilespmem:s2+$0xBEA0] =	vst v4  }
0x44f: {  	v4 =	vld [tilespmem:s7+$0x830];
	_ =	sdelay $0x2  }
0x450: {  	v5 =	vmul.f32 v5, v3;
	_ =	sdelay $0x1  }
0x451: {  	v4 =	vadd.f32 v4, v5  }
0x452: {  	v5 =	vld [tilespmem:s2+$0xBEC0]  }
0x453: {  	[tilespmem:s2+$0xBEB0] =	vst v4  }
0x454: {  	v4 =	vld [tilespmem:s7+$0x840];
	_ =	sdelay $0x2  }
0x455: {  	v5 =	vmul.f32 v5, v3;
	_ =	sdelay $0x1  }
0x456: {  	v4 =	vadd.f32 v4, v5  }
0x457: {  	v5 =	vld [tilespmem:s2+$0xBED0]  }
0x458: {  	[tilespmem:s2+$0xBEC0] =	vst v4  }
0x459: {  	v4 =	vld [tilespmem:s7+$0x850];
	_ =	sdelay $0x2  }
0x45a: {  	v5 =	vmul.f32 v5, v3;
	_ =	sdelay $0x1  }
0x45b: {  	v4 =	vadd.f32 v4, v5  }
0x45c: {  	v5 =	vld [tilespmem:s2+$0xBEE0]  }
0x45d: {  	[tilespmem:s2+$0xBED0] =	vst v4  }
0x45e: {  	v4 =	vld [tilespmem:s7+$0x860];
	_ =	sdelay $0x2  }
0x45f: {  	v5 =	vmul.f32 v5, v3;
	_ =	sdelay $0x1  }
0x460: {  	v4 =	vadd.f32 v4, v5  }
0x461: {  	v5 =	vld [tilespmem:s2+$0xBEF0]  }
0x462: {  	[tilespmem:s2+$0xBEE0] =	vst v4  }
0x463: {  	v4 =	vld [tilespmem:s7+$0x870];
	_ =	sdelay $0x2  }
0x464: {  	v5 =	vmul.f32 v5, v3;
	_ =	sdelay $0x1  }
0x465: {  	v4 =	vadd.f32 v4, v5  }
0x466: {  	v5 =	vld [tilespmem:s2+$0xC280]  }
0x467: {  	[tilespmem:s2+$0xBEF0] =	vst v4  }
0x468: {  	v4 =	vld [tilespmem:s7+$0xC00];
	_ =	sdelay $0x2  }
0x469: {  	v5 =	vmul.f32 v5, v3;
	_ =	sdelay $0x1  }
0x46a: {  	v4 =	vadd.f32 v4, v5  }
0x46b: {  	v5 =	vld [tilespmem:s2+$0xC290]  }
0x46c: {  	[tilespmem:s2+$0xC280] =	vst v4  }
0x46d: {  	v4 =	vld [tilespmem:s7+$0xC10];
	_ =	sdelay $0x2  }
0x46e: {  	v5 =	vmul.f32 v5, v3;
	_ =	sdelay $0x1  }
0x46f: {  	v4 =	vadd.f32 v4, v5  }
0x470: {  	v5 =	vld [tilespmem:s2+$0xC2A0]  }
0x471: {  	[tilespmem:s2+$0xC290] =	vst v4  }
0x472: {  	v4 =	vld [tilespmem:s7+$0xC20];
	_ =	sdelay $0x2  }
0x473: {  	v5 =	vmul.f32 v5, v3;
	_ =	sdelay $0x1  }
0x474: {  	v4 =	vadd.f32 v4, v5  }
0x475: {  	v5 =	vld [tilespmem:s2+$0xC2B0]  }
0x476: {  	[tilespmem:s2+$0xC2A0] =	vst v4  }
0x477: {  	v4 =	vld [tilespmem:s7+$0xC30];
	_ =	sdelay $0x2  }
0x478: {  	v5 =	vmul.f32 v5, v3;
	_ =	sdelay $0x1  }
0x479: {  	v4 =	vadd.f32 v4, v5  }
0x47a: {  	v5 =	vld [tilespmem:s2+$0xC2C0]  }
0x47b: {  	[tilespmem:s2+$0xC2B0] =	vst v4  }
0x47c: {  	v4 =	vld [tilespmem:s7+$0xC40];
	_ =	sdelay $0x2  }
0x47d: {  	v5 =	vmul.f32 v5, v3;
	_ =	sdelay $0x1  }
0x47e: {  	v4 =	vadd.f32 v4, v5  }
0x47f: {  	v5 =	vld [tilespmem:s2+$0xC2D0]  }
0x480: {  	[tilespmem:s2+$0xC2C0] =	vst v4  }
0x481: {  	v4 =	vld [tilespmem:s7+$0xC50];
	_ =	sdelay $0x2  }
0x482: {  	v5 =	vmul.f32 v5, v3;
	_ =	sdelay $0x1  }
0x483: {  	v4 =	vadd.f32 v4, v5  }
0x484: {  	v5 =	vld [tilespmem:s2+$0xC2E0]  }
0x485: {  	[tilespmem:s2+$0xC2D0] =	vst v4  }
0x486: {  	v4 =	vld [tilespmem:s7+$0xC60];
	_ =	sdelay $0x2  }
0x487: {  	v5 =	vmul.f32 v5, v3;
	_ =	sdelay $0x1  }
0x488: {  	v4 =	vadd.f32 v4, v5  }
0x489: {  	v5 =	vld [tilespmem:s2+$0xC2F0]  }
0x48a: {  	[tilespmem:s2+$0xC2E0] =	vst v4  }
0x48b: {  	v4 =	vld [tilespmem:s7+$0xC70];
	_ =	sdelay $0x2  }
0x48c: {  	v3 =	vmul.f32 v5, v3;
	_ =	sdelay $0x1  }
0x48d: {  	v3 =	vadd.f32 v4, v3  }
0x48e: {  	s10 =	sshll.u32 s23, $0x6  }
0x48f: {  	s20 =	simm.s32 $0xB680;
	s12 =	sadd.s32 s4, s10;
	[tilespmem:s2+$0xC2F0] =	vst v3;
	s2 =	simm.s32 @!p0 $0xA  }
0x490: {  	[hbm4b:s12+s5] =	stream.linear.scatter [tilespmem:s20], [sflag:$0x7], $0x4000, $0x38;
	[tilespmem:$0x1B700] =	vst v63  }
0x491: {  	s23 =	sadd.s32 $0x4, s19;
	_ =	swait.ge @!p0 [sflag:s2], $0x4000  }
0x492: {  	s19 =	sshll.u32 s23, $0x5;
	[sflag:s2] =	ssyncset.done @!p0 $0x0  }
0x493: {  	s24 =	sand.u32 $0x3FFFFFE0, s19;
	[sflag:s2] =	ssyncadd.s32 @!p0 $0xFFFFC000  }
0x494: {  	v3 =	vld [tilespmem:s24+$0x7000];
	_ =	sdelay $0x4  }
0x495: {  	v4 =	vshll.u32 v3, $0x2  }
0x496: {  	v3 =	vand.u32 $0x7, v3;
	v4 =	vand.u32 $0xFFFFFFE0, v4  }
0x497: {  	v3 =	vor.u32 v3, v4  }
0x498: {  	v4 =	vperm.xlane v3, v0;
	_ =	sdelay $0x1  }
0x499: {  	v4 =	vadd.s32 v1, v4;
	_ =	sdelay $0x1  }
0x49a: {  	v3 =	vperm.xlane v3, v2;
	_ =	sdelay $0x1  }
0x49b: {  	s7 =	simm.s32 $0x0;
	v3 =	vadd.s32 v1, v3  }
0x49c: {  	[tilespmem:s26], [sflag:$0x5] =	stream.indirect_vreg.gather [hbm4b:s1+s7], $0x80, v4, vm0, $0xb8;
	[tilespmem:$0x1B700] =	vst v63  }
0x49d: {  	s28 =	simm.s32 $0x17E80  }
0x49e: {  	[tilespmem:s28], [sflag:$0x5] =	stream.indirect_vreg.gather [hbm4b:s8+s7], $0x80, v4, vm0, $0xb8;
	[tilespmem:$0x1B700] =	vst v63  }
0x49f: {  	s29 =	simm.s32 $0x18680  }
0x4a0: {  	[tilespmem:s29], [sflag:$0x5] =	stream.indirect_vreg.gather [hbm4b:s1+s7], $0x80, v3, vm0, $0xb8;
	[tilespmem:$0x1B700] =	vst v63  }
0x4a1: {  	s31 =	simm.s32 $0x18E80  }
0x4a2: {  	[tilespmem:s31], [sflag:$0x5] =	stream.indirect_vreg.gather [hbm4b:s8+s7], $0x80, v3, vm0, $0xb8;
	[tilespmem:$0x1B700] =	vst v63  }
0x4a3: {  	v3 =	vld [tilespmem:s24+$0x7010];
	_ =	sdelay $0x4  }
0x4a4: {  	v4 =	vshll.u32 v3, $0x2  }
0x4a5: {  	v3 =	vand.u32 $0x7, v3;
	v4 =	vand.u32 $0xFFFFFFE0, v4  }
0x4a6: {  	v3 =	vor.u32 v3, v4  }
0x4a7: {  	v4 =	vperm.xlane v3, v0;
	_ =	sdelay $0x1  }
0x4a8: {  	v4 =	vadd.s32 v1, v4;
	_ =	sdelay $0x1  }
0x4a9: {  	v3 =	vperm.xlane v3, v2;
	_ =	sdelay $0x1  }
0x4aa: {  	s9 =	simm.s32 $0x19680;
	v3 =	vadd.s32 v1, v3  }
0x4ab: {  	[tilespmem:s9], [sflag:$0x5] =	stream.indirect_vreg.gather [hbm4b:s1+s7], $0x80, v4, vm0, $0xb8;
	[tilespmem:$0x1B700] =	vst v63  }
0x4ac: {  	s10 =	simm.s32 $0x19E80  }
0x4ad: {  	[tilespmem:s10], [sflag:$0x5] =	stream.indirect_vreg.gather [hbm4b:s8+s7], $0x80, v4, vm0, $0xb8;
	[tilespmem:$0x1B700] =	vst v63  }
0x4ae: {  	s12 =	simm.s32 $0x1A680  }
0x4af: {  	[tilespmem:s12], [sflag:$0x5] =	stream.indirect_vreg.gather [hbm4b:s1+s7], $0x80, v3, vm0, $0xb8;
	[tilespmem:$0x1B700] =	vst v63  }
0x4b0: {  	s20 =	simm.s32 $0x1AE80  }
0x4b1: {  	[tilespmem:s20], [sflag:$0x5] =	stream.indirect_vreg.gather [hbm4b:s8+s7], $0x80, v3, vm0, $0xb8;
	[tilespmem:$0x1B700] =	vst v63  }
0x4b2: {  	_ =	swait.ge [sflag:s0], $0x4000  }
0x4b3: {  	[sflag:s0] =	ssyncset.done $0x0  }
0x4b4: {  	[sflag:s0] =	ssyncadd.s32 $0xFFFFC000  }
0x4b5: {  	v3 =	vld [tilespmem:s22+$0x7000];
	_ =	sdelay $0x4  }
0x4b6: {  	vm1 =	vlt.s32 v3, $0x1  }
0x4b7: {  	v3 =	vnsel vm1, $0x1, v3  }
0x4b8: {  	v3 =	vcvt.s32.f32 v3;
	_ =	sdelay $0x1  }
0x4b9: {  	[tilespmem:$0x1B680] =	vst v3  }
0x4ba: {  	v3 =	vld [tilespmem:s22+$0x7010];
	_ =	sdelay $0x2  }
0x4bb: {  	s22 =	sadd.s32 s6, s22  }
0x4bc: {  	s23 =	smulhi.u32 $0x51EB851F, s22  }
0x4bd: {  	v4 =	vmov s7;
	vm1 =	vlt.s32 v3, $0x1  }
0x4be: {  	s2 =	sshrl.u32 s23, $0x4;
	v3 =	vnsel vm1, $0x1, v3  }
0x4bf: {  	s2 =	smul.u32 $0x32, s2;
	v3 =	vcvt.s32.f32 v3;
	_ =	sdelay $0x1  }
0x4c0: {  	s24 =	sand.u32 $0x380, s7;
	s7 =	sand.u32 $0x3000, s7;
	s2 =	ssub.s32 s22, s2;
	[tilespmem:$0x1B690] =	vst v3  }
0x4c1: {  	s9 =	sor.u32 s24, s7;
	s28 =	sshll.u32 s2, $0x9;
	s10 =	sshll.u32 s2, $0x7;
	v3 =	vld.idx.msk [tilespmem:v4+s15+$0x0], $0xffff  }
0x4c2: {  	s7 =	sand.u32 $0xFFFFF000, s28;
	s10 =	sand.u32 $0x380, s10;
	v4 =	vld [tilespmem:s9+$0xF680]  }
0x4c3: {  	s7 =	sor.u32 s10, s7  }
0x4c4: {  	v5 =	vld [tilespmem:s7+$0x0];
	_ =	sdelay $0x2  }
0x4c5: {  	v4 =	vmul.f32 v4, v3;
	_ =	sdelay $0x1  }
0x4c6: {  	v4 =	vadd.f32 v5, v4  }
0x4c7: {  	v5 =	vld [tilespmem:s9+$0xF690]  }
0x4c8: {  	[tilespmem:s9+$0xF680] =	vst v4  }
0x4c9: {  	v4 =	vld [tilespmem:s7+$0x10];
	_ =	sdelay $0x2  }
0x4ca: {  	v5 =	vmul.f32 v5, v3;
	_ =	sdelay $0x1  }
0x4cb: {  	v4 =	vadd.f32 v4, v5  }
0x4cc: {  	v5 =	vld [tilespmem:s9+$0xF6A0]  }
0x4cd: {  	[tilespmem:s9+$0xF690] =	vst v4  }
0x4ce: {  	v4 =	vld [tilespmem:s7+$0x20];
	_ =	sdelay $0x2  }
0x4cf: {  	v5 =	vmul.f32 v5, v3;
	_ =	sdelay $0x1  }
0x4d0: {  	v4 =	vadd.f32 v4, v5  }
0x4d1: {  	v5 =	vld [tilespmem:s9+$0xF6B0]  }
0x4d2: {  	[tilespmem:s9+$0xF6A0] =	vst v4  }
0x4d3: {  	v4 =	vld [tilespmem:s7+$0x30];
	_ =	sdelay $0x2  }
0x4d4: {  	v5 =	vmul.f32 v5, v3;
	_ =	sdelay $0x1  }
0x4d5: {  	v4 =	vadd.f32 v4, v5  }
0x4d6: {  	v5 =	vld [tilespmem:s9+$0xF6C0]  }
0x4d7: {  	[tilespmem:s9+$0xF6B0] =	vst v4  }
0x4d8: {  	v4 =	vld [tilespmem:s7+$0x40];
	_ =	sdelay $0x2  }
0x4d9: {  	v5 =	vmul.f32 v5, v3;
	_ =	sdelay $0x1  }
0x4da: {  	v4 =	vadd.f32 v4, v5  }
0x4db: {  	v5 =	vld [tilespmem:s9+$0xF6D0]  }
0x4dc: {  	[tilespmem:s9+$0xF6C0] =	vst v4  }
0x4dd: {  	v4 =	vld [tilespmem:s7+$0x50];
	_ =	sdelay $0x2  }
0x4de: {  	v5 =	vmul.f32 v5, v3;
	_ =	sdelay $0x1  }
0x4df: {  	v4 =	vadd.f32 v4, v5  }
0x4e0: {  	v5 =	vld [tilespmem:s9+$0xF6E0]  }
0x4e1: {  	[tilespmem:s9+$0xF6D0] =	vst v4  }
0x4e2: {  	v4 =	vld [tilespmem:s7+$0x60];
	_ =	sdelay $0x2  }
0x4e3: {  	v5 =	vmul.f32 v5, v3;
	_ =	sdelay $0x1  }
0x4e4: {  	v4 =	vadd.f32 v4, v5  }
0x4e5: {  	v5 =	vld [tilespmem:s9+$0xF6F0]  }
0x4e6: {  	[tilespmem:s9+$0xF6E0] =	vst v4  }
0x4e7: {  	v4 =	vld [tilespmem:s7+$0x70];
	_ =	sdelay $0x2  }
0x4e8: {  	v5 =	vmul.f32 v5, v3;
	_ =	sdelay $0x1  }
0x4e9: {  	v4 =	vadd.f32 v4, v5  }
0x4ea: {  	v5 =	vld [tilespmem:s9+$0xFA80]  }
0x4eb: {  	[tilespmem:s9+$0xF6F0] =	vst v4  }
0x4ec: {  	v4 =	vld [tilespmem:s7+$0x400];
	_ =	sdelay $0x2  }
0x4ed: {  	v5 =	vmul.f32 v5, v3;
	_ =	sdelay $0x1  }
0x4ee: {  	v4 =	vadd.f32 v4, v5  }
0x4ef: {  	v5 =	vld [tilespmem:s9+$0xFA90]  }
0x4f0: {  	[tilespmem:s9+$0xFA80] =	vst v4  }
0x4f1: {  	v4 =	vld [tilespmem:s7+$0x410];
	_ =	sdelay $0x2  }
0x4f2: {  	v5 =	vmul.f32 v5, v3;
	_ =	sdelay $0x1  }
0x4f3: {  	v4 =	vadd.f32 v4, v5  }
0x4f4: {  	v5 =	vld [tilespmem:s9+$0xFAA0]  }
0x4f5: {  	[tilespmem:s9+$0xFA90] =	vst v4  }
0x4f6: {  	v4 =	vld [tilespmem:s7+$0x420];
	_ =	sdelay $0x2  }
0x4f7: {  	v5 =	vmul.f32 v5, v3;
	_ =	sdelay $0x1  }
0x4f8: {  	v4 =	vadd.f32 v4, v5  }
0x4f9: {  	v5 =	vld [tilespmem:s9+$0xFAB0]  }
0x4fa: {  	[tilespmem:s9+$0xFAA0] =	vst v4  }
0x4fb: {  	v4 =	vld [tilespmem:s7+$0x430];
	_ =	sdelay $0x2  }
0x4fc: {  	v5 =	vmul.f32 v5, v3;
	_ =	sdelay $0x1  }
0x4fd: {  	v4 =	vadd.f32 v4, v5  }
0x4fe: {  	v5 =	vld [tilespmem:s9+$0xFAC0]  }
0x4ff: {  	[tilespmem:s9+$0xFAB0] =	vst v4  }
0x500: {  	v4 =	vld [tilespmem:s7+$0x440];
	_ =	sdelay $0x2  }
0x501: {  	v5 =	vmul.f32 v5, v3;
	_ =	sdelay $0x1  }
0x502: {  	v4 =	vadd.f32 v4, v5  }
0x503: {  	v5 =	vld [tilespmem:s9+$0xFAD0]  }
0x504: {  	[tilespmem:s9+$0xFAC0] =	vst v4  }
0x505: {  	v4 =	vld [tilespmem:s7+$0x450];
	_ =	sdelay $0x2  }
0x506: {  	v5 =	vmul.f32 v5, v3;
	_ =	sdelay $0x1  }
0x507: {  	v4 =	vadd.f32 v4, v5  }
0x508: {  	v5 =	vld [tilespmem:s9+$0xFAE0]  }
0x509: {  	[tilespmem:s9+$0xFAD0] =	vst v4  }
0x50a: {  	v4 =	vld [tilespmem:s7+$0x460];
	_ =	sdelay $0x2  }
0x50b: {  	v5 =	vmul.f32 v5, v3;
	_ =	sdelay $0x1  }
0x50c: {  	v4 =	vadd.f32 v4, v5  }
0x50d: {  	v5 =	vld [tilespmem:s9+$0xFAF0]  }
0x50e: {  	[tilespmem:s9+$0xFAE0] =	vst v4  }
0x50f: {  	v4 =	vld [tilespmem:s7+$0x470];
	_ =	sdelay $0x2  }
0x510: {  	v5 =	vmul.f32 v5, v3;
	_ =	sdelay $0x1  }
0x511: {  	v4 =	vadd.f32 v4, v5  }
0x512: {  	v5 =	vld [tilespmem:s9+$0xFE80]  }
0x513: {  	[tilespmem:s9+$0xFAF0] =	vst v4  }
0x514: {  	v4 =	vld [tilespmem:s7+$0x800];
	_ =	sdelay $0x2  }
0x515: {  	v5 =	vmul.f32 v5, v3;
	_ =	sdelay $0x1  }
0x516: {  	v4 =	vadd.f32 v4, v5  }
0x517: {  	v5 =	vld [tilespmem:s9+$0xFE90]  }
0x518: {  	[tilespmem:s9+$0xFE80] =	vst v4  }
0x519: {  	v4 =	vld [tilespmem:s7+$0x810];
	_ =	sdelay $0x2  }
0x51a: {  	v5 =	vmul.f32 v5, v3;
	_ =	sdelay $0x1  }
0x51b: {  	v4 =	vadd.f32 v4, v5  }
0x51c: {  	v5 =	vld [tilespmem:s9+$0xFEA0]  }
0x51d: {  	[tilespmem:s9+$0xFE90] =	vst v4  }
0x51e: {  	v4 =	vld [tilespmem:s7+$0x820];
	_ =	sdelay $0x2  }
0x51f: {  	v5 =	vmul.f32 v5, v3;
	_ =	sdelay $0x1  }
0x520: {  	v4 =	vadd.f32 v4, v5  }
0x521: {  	v5 =	vld [tilespmem:s9+$0xFEB0]  }
0x522: {  	[tilespmem:s9+$0xFEA0] =	vst v4  }
0x523: {  	v4 =	vld [tilespmem:s7+$0x830];
	_ =	sdelay $0x2  }
0x524: {  	v5 =	vmul.f32 v5, v3;
	_ =	sdelay $0x1  }
0x525: {  	v4 =	vadd.f32 v4, v5  }
0x526: {  	v5 =	vld [tilespmem:s9+$0xFEC0]  }
0x527: {  	[tilespmem:s9+$0xFEB0] =	vst v4  }
0x528: {  	v4 =	vld [tilespmem:s7+$0x840];
	_ =	sdelay $0x2  }
0x529: {  	v5 =	vmul.f32 v5, v3;
	_ =	sdelay $0x1  }
0x52a: {  	v4 =	vadd.f32 v4, v5  }
0x52b: {  	v5 =	vld [tilespmem:s9+$0xFED0]  }
0x52c: {  	[tilespmem:s9+$0xFEC0] =	vst v4  }
0x52d: {  	v4 =	vld [tilespmem:s7+$0x850];
	_ =	sdelay $0x2  }
0x52e: {  	v5 =	vmul.f32 v5, v3;
	_ =	sdelay $0x1  }
0x52f: {  	v4 =	vadd.f32 v4, v5  }
0x530: {  	v5 =	vld [tilespmem:s9+$0xFEE0]  }
0x531: {  	[tilespmem:s9+$0xFED0] =	vst v4  }
0x532: {  	v4 =	vld [tilespmem:s7+$0x860];
	_ =	sdelay $0x2  }
0x533: {  	v5 =	vmul.f32 v5, v3;
	_ =	sdelay $0x1  }
0x534: {  	v4 =	vadd.f32 v4, v5  }
0x535: {  	v5 =	vld [tilespmem:s9+$0xFEF0]  }
0x536: {  	[tilespmem:s9+$0xFEE0] =	vst v4  }
0x537: {  	v4 =	vld [tilespmem:s7+$0x870];
	_ =	sdelay $0x2  }
0x538: {  	v5 =	vmul.f32 v5, v3;
	_ =	sdelay $0x1  }
0x539: {  	s30 =	sadd.s32 $0xF680, s9;
	v4 =	vadd.f32 v4, v5  }
0x53a: {  	v5 =	vld [tilespmem:s30+$0xC00]  }
0x53b: {  	[tilespmem:s9+$0xFEF0] =	vst v4  }
0x53c: {  	v4 =	vld [tilespmem:s7+$0xC00];
	_ =	sdelay $0x2  }
0x53d: {  	v5 =	vmul.f32 v5, v3;
	_ =	sdelay $0x1  }
0x53e: {  	v4 =	vadd.f32 v4, v5  }
0x53f: {  	v5 =	vld [tilespmem:s30+$0xC10]  }
0x540: {  	[tilespmem:s30+$0xC00] =	vst v4  }
0x541: {  	v4 =	vld [tilespmem:s7+$0xC10];
	_ =	sdelay $0x2  }
0x542: {  	v5 =	vmul.f32 v5, v3;
	_ =	sdelay $0x1  }
0x543: {  	v4 =	vadd.f32 v4, v5  }
0x544: {  	v5 =	vld [tilespmem:s30+$0xC20]  }
0x545: {  	[tilespmem:s30+$0xC10] =	vst v4  }
0x546: {  	v4 =	vld [tilespmem:s7+$0xC20];
	_ =	sdelay $0x2  }
0x547: {  	v5 =	vmul.f32 v5, v3;
	_ =	sdelay $0x1  }
0x548: {  	v4 =	vadd.f32 v4, v5  }
0x549: {  	v5 =	vld [tilespmem:s30+$0xC30]  }
0x54a: {  	[tilespmem:s30+$0xC20] =	vst v4  }
0x54b: {  	v4 =	vld [tilespmem:s7+$0xC30];
	_ =	sdelay $0x2  }
0x54c: {  	v5 =	vmul.f32 v5, v3;
	_ =	sdelay $0x1  }
0x54d: {  	v4 =	vadd.f32 v4, v5  }
0x54e: {  	v5 =	vld [tilespmem:s30+$0xC40]  }
0x54f: {  	[tilespmem:s30+$0xC30] =	vst v4  }
0x550: {  	v4 =	vld [tilespmem:s7+$0xC40];
	_ =	sdelay $0x2  }
0x551: {  	v5 =	vmul.f32 v5, v3;
	_ =	sdelay $0x1  }
0x552: {  	v4 =	vadd.f32 v4, v5  }
0x553: {  	v5 =	vld [tilespmem:s30+$0xC50]  }
0x554: {  	[tilespmem:s30+$0xC40] =	vst v4  }
0x555: {  	v4 =	vld [tilespmem:s7+$0xC50];
	_ =	sdelay $0x2  }
0x556: {  	v5 =	vmul.f32 v5, v3;
	_ =	sdelay $0x1  }
0x557: {  	v4 =	vadd.f32 v4, v5  }
0x558: {  	v5 =	vld [tilespmem:s30+$0xC60]  }
0x559: {  	[tilespmem:s30+$0xC50] =	vst v4  }
0x55a: {  	v4 =	vld [tilespmem:s7+$0xC60];
	_ =	sdelay $0x2  }
0x55b: {  	v5 =	vmul.f32 v5, v3;
	_ =	sdelay $0x1  }
0x55c: {  	v4 =	vadd.f32 v4, v5  }
0x55d: {  	v5 =	vld [tilespmem:s30+$0xC70]  }
0x55e: {  	[tilespmem:s30+$0xC60] =	vst v4  }
0x55f: {  	v6 =	vld [tilespmem:s7+$0xC70];
	_ =	sdelay $0x1  }
0x560: {  	s29 =	simm.s32 $0x1  }
0x561: {  	s31 =	simm.s32 $0x80;
	v4 =	vmov s29;
	v3 =	vmul.f32 v5, v3  }
0x562: {  	s12 =	simm.s32 $0x2;
	s24 =	sand.u32 $0x380, s31;
	s23 =	sadd.s32 $0x1, s2  }
0x563: {  	p1 =	seq.s32 s23, $0x32;
	s9 =	simm.s32 $0x200;
	s7 =	simm.s32 $0x100;
	v3 =	vadd.f32 v6, v3  }
.LBB2_7:
0x564: {  	s20 =	sand.u32 $0x3000, s9  }
0x565: {  	[tilespmem:s30+$0xC70] =	vst v3;
	s23 =	simm.s32 @p1 $0x0;
	s2 =	smov.u32 s12;
	s10 =	sadd.s32 $0x1, s12  }
0x566: {  	v3 =	vld.idx.msk [tilespmem:v4+s15+$0x0], $0xffff;
	s28 =	sor.u32 s24, s20;
	s20 =	sshll.u32 s23, $0x9;
	s29 =	sshll.u32 s23, $0x7  }
0x567: {  	s24 =	sand.u32 $0x380, s7;
	v4 =	vld [tilespmem:s28+$0xF680];
	s20 =	sand.u32 $0xFFFFF000, s20;
	s29 =	sand.u32 $0x380, s29  }
0x568: {  	p0 =	sne.s32 s12, $0x1F;
	s12 =	sor.u32 s29, s20  }
0x569: {  	v5 =	vld [tilespmem:s12+$0x0];
	_ =	sdelay $0x2  }
0x56a: {  	v4 =	vmul.f32 v4, v3;
	_ =	sdelay $0x1  }
0x56b: {  	v4 =	vadd.f32 v5, v4  }
0x56c: {  	v5 =	vld [tilespmem:s28+$0xF690]  }
0x56d: {  	[tilespmem:s28+$0xF680] =	vst v4  }
0x56e: {  	v4 =	vld [tilespmem:s12+$0x10];
	_ =	sdelay $0x2  }
0x56f: {  	v5 =	vmul.f32 v5, v3;
	_ =	sdelay $0x1  }
0x570: {  	v4 =	vadd.f32 v4, v5  }
0x571: {  	v5 =	vld [tilespmem:s28+$0xF6A0]  }
0x572: {  	[tilespmem:s28+$0xF690] =	vst v4  }
0x573: {  	v4 =	vld [tilespmem:s12+$0x20];
	_ =	sdelay $0x2  }
0x574: {  	v5 =	vmul.f32 v5, v3;
	_ =	sdelay $0x1  }
0x575: {  	v4 =	vadd.f32 v4, v5  }
0x576: {  	v5 =	vld [tilespmem:s28+$0xF6B0]  }
0x577: {  	[tilespmem:s28+$0xF6A0] =	vst v4  }
0x578: {  	v4 =	vld [tilespmem:s12+$0x30];
	_ =	sdelay $0x2  }
0x579: {  	v5 =	vmul.f32 v5, v3;
	_ =	sdelay $0x1  }
0x57a: {  	v4 =	vadd.f32 v4, v5  }
0x57b: {  	v5 =	vld [tilespmem:s28+$0xF6C0]  }
0x57c: {  	[tilespmem:s28+$0xF6B0] =	vst v4  }
0x57d: {  	v4 =	vld [tilespmem:s12+$0x40];
	_ =	sdelay $0x2  }
0x57e: {  	v5 =	vmul.f32 v5, v3;
	_ =	sdelay $0x1  }
0x57f: {  	v4 =	vadd.f32 v4, v5  }
0x580: {  	v5 =	vld [tilespmem:s28+$0xF6D0]  }
0x581: {  	[tilespmem:s28+$0xF6C0] =	vst v4  }
0x582: {  	v4 =	vld [tilespmem:s12+$0x50];
	_ =	sdelay $0x2  }
0x583: {  	v5 =	vmul.f32 v5, v3;
	_ =	sdelay $0x1  }
0x584: {  	v4 =	vadd.f32 v4, v5  }
0x585: {  	v5 =	vld [tilespmem:s28+$0xF6E0]  }
0x586: {  	[tilespmem:s28+$0xF6D0] =	vst v4  }
0x587: {  	v4 =	vld [tilespmem:s12+$0x60];
	_ =	sdelay $0x2  }
0x588: {  	v5 =	vmul.f32 v5, v3;
	_ =	sdelay $0x1  }
0x589: {  	v4 =	vadd.f32 v4, v5  }
0x58a: {  	v5 =	vld [tilespmem:s28+$0xF6F0]  }
0x58b: {  	[tilespmem:s28+$0xF6E0] =	vst v4  }
0x58c: {  	v4 =	vld [tilespmem:s12+$0x70];
	_ =	sdelay $0x2  }
0x58d: {  	v5 =	vmul.f32 v5, v3;
	_ =	sdelay $0x1  }
0x58e: {  	v4 =	vadd.f32 v4, v5  }
0x58f: {  	v5 =	vld [tilespmem:s28+$0xFA80]  }
0x590: {  	[tilespmem:s28+$0xF6F0] =	vst v4  }
0x591: {  	v4 =	vld [tilespmem:s12+$0x400];
	_ =	sdelay $0x2  }
0x592: {  	v5 =	vmul.f32 v5, v3;
	_ =	sdelay $0x1  }
0x593: {  	v4 =	vadd.f32 v4, v5  }
0x594: {  	v5 =	vld [tilespmem:s28+$0xFA90]  }
0x595: {  	[tilespmem:s28+$0xFA80] =	vst v4  }
0x596: {  	v4 =	vld [tilespmem:s12+$0x410];
	_ =	sdelay $0x2  }
0x597: {  	v5 =	vmul.f32 v5, v3;
	_ =	sdelay $0x1  }
0x598: {  	v4 =	vadd.f32 v4, v5  }
0x599: {  	v5 =	vld [tilespmem:s28+$0xFAA0]  }
0x59a: {  	[tilespmem:s28+$0xFA90] =	vst v4  }
0x59b: {  	v4 =	vld [tilespmem:s12+$0x420];
	_ =	sdelay $0x2  }
0x59c: {  	v5 =	vmul.f32 v5, v3;
	_ =	sdelay $0x1  }
0x59d: {  	v4 =	vadd.f32 v4, v5  }
0x59e: {  	v5 =	vld [tilespmem:s28+$0xFAB0]  }
0x59f: {  	[tilespmem:s28+$0xFAA0] =	vst v4  }
0x5a0: {  	v4 =	vld [tilespmem:s12+$0x430];
	_ =	sdelay $0x2  }
0x5a1: {  	v5 =	vmul.f32 v5, v3;
	_ =	sdelay $0x1  }
0x5a2: {  	v4 =	vadd.f32 v4, v5  }
0x5a3: {  	v5 =	vld [tilespmem:s28+$0xFAC0]  }
0x5a4: {  	[tilespmem:s28+$0xFAB0] =	vst v4  }
0x5a5: {  	v4 =	vld [tilespmem:s12+$0x440];
	_ =	sdelay $0x2  }
0x5a6: {  	v5 =	vmul.f32 v5, v3;
	_ =	sdelay $0x1  }
0x5a7: {  	v4 =	vadd.f32 v4, v5  }
0x5a8: {  	v5 =	vld [tilespmem:s28+$0xFAD0]  }
0x5a9: {  	[tilespmem:s28+$0xFAC0] =	vst v4  }
0x5aa: {  	v4 =	vld [tilespmem:s12+$0x450];
	_ =	sdelay $0x2  }
0x5ab: {  	v5 =	vmul.f32 v5, v3;
	_ =	sdelay $0x1  }
0x5ac: {  	v4 =	vadd.f32 v4, v5  }
0x5ad: {  	v5 =	vld [tilespmem:s28+$0xFAE0]  }
0x5ae: {  	[tilespmem:s28+$0xFAD0] =	vst v4  }
0x5af: {  	v4 =	vld [tilespmem:s12+$0x460];
	_ =	sdelay $0x2  }
0x5b0: {  	v5 =	vmul.f32 v5, v3;
	_ =	sdelay $0x1  }
0x5b1: {  	v4 =	vadd.f32 v4, v5  }
0x5b2: {  	v5 =	vld [tilespmem:s28+$0xFAF0]  }
0x5b3: {  	[tilespmem:s28+$0xFAE0] =	vst v4  }
0x5b4: {  	v4 =	vld [tilespmem:s12+$0x470];
	_ =	sdelay $0x2  }
0x5b5: {  	v5 =	vmul.f32 v5, v3;
	_ =	sdelay $0x1  }
0x5b6: {  	v4 =	vadd.f32 v4, v5  }
0x5b7: {  	v5 =	vld [tilespmem:s28+$0xFE80]  }
0x5b8: {  	[tilespmem:s28+$0xFAF0] =	vst v4  }
0x5b9: {  	v4 =	vld [tilespmem:s12+$0x800];
	_ =	sdelay $0x2  }
0x5ba: {  	v5 =	vmul.f32 v5, v3;
	_ =	sdelay $0x1  }
0x5bb: {  	v4 =	vadd.f32 v4, v5  }
0x5bc: {  	v5 =	vld [tilespmem:s28+$0xFE90]  }
0x5bd: {  	[tilespmem:s28+$0xFE80] =	vst v4  }
0x5be: {  	v4 =	vld [tilespmem:s12+$0x810];
	_ =	sdelay $0x2  }
0x5bf: {  	v5 =	vmul.f32 v5, v3;
	_ =	sdelay $0x1  }
0x5c0: {  	v4 =	vadd.f32 v4, v5  }
0x5c1: {  	v5 =	vld [tilespmem:s28+$0xFEA0]  }
0x5c2: {  	[tilespmem:s28+$0xFE90] =	vst v4  }
0x5c3: {  	v4 =	vld [tilespmem:s12+$0x820];
	_ =	sdelay $0x2  }
0x5c4: {  	v5 =	vmul.f32 v5, v3;
	_ =	sdelay $0x1  }
0x5c5: {  	v4 =	vadd.f32 v4, v5  }
0x5c6: {  	v5 =	vld [tilespmem:s28+$0xFEB0]  }
0x5c7: {  	[tilespmem:s28+$0xFEA0] =	vst v4  }
0x5c8: {  	v4 =	vld [tilespmem:s12+$0x830];
	_ =	sdelay $0x2  }
0x5c9: {  	v5 =	vmul.f32 v5, v3;
	_ =	sdelay $0x1  }
0x5ca: {  	v4 =	vadd.f32 v4, v5  }
0x5cb: {  	v5 =	vld [tilespmem:s28+$0xFEC0]  }
0x5cc: {  	[tilespmem:s28+$0xFEB0] =	vst v4  }
0x5cd: {  	v4 =	vld [tilespmem:s12+$0x840];
	_ =	sdelay $0x2  }
0x5ce: {  	v5 =	vmul.f32 v5, v3;
	_ =	sdelay $0x1  }
0x5cf: {  	v4 =	vadd.f32 v4, v5  }
0x5d0: {  	v5 =	vld [tilespmem:s28+$0xFED0]  }
0x5d1: {  	[tilespmem:s28+$0xFEC0] =	vst v4  }
0x5d2: {  	v4 =	vld [tilespmem:s12+$0x850];
	_ =	sdelay $0x2  }
0x5d3: {  	v5 =	vmul.f32 v5, v3;
	_ =	sdelay $0x1  }
0x5d4: {  	v4 =	vadd.f32 v4, v5  }
0x5d5: {  	v5 =	vld [tilespmem:s28+$0xFEE0]  }
0x5d6: {  	[tilespmem:s28+$0xFED0] =	vst v4  }
0x5d7: {  	v4 =	vld [tilespmem:s12+$0x860];
	_ =	sdelay $0x2  }
0x5d8: {  	v5 =	vmul.f32 v5, v3;
	_ =	sdelay $0x1  }
0x5d9: {  	v4 =	vadd.f32 v4, v5  }
0x5da: {  	v5 =	vld [tilespmem:s28+$0xFEF0]  }
0x5db: {  	[tilespmem:s28+$0xFEE0] =	vst v4  }
0x5dc: {  	v4 =	vld [tilespmem:s12+$0x870];
	_ =	sdelay $0x2  }
0x5dd: {  	v5 =	vmul.f32 v5, v3;
	_ =	sdelay $0x1  }
0x5de: {  	s30 =	sadd.s32 $0xF680, s28;
	v4 =	vadd.f32 v4, v5  }
0x5df: {  	v5 =	vld [tilespmem:s30+$0xC00]  }
0x5e0: {  	[tilespmem:s28+$0xFEF0] =	vst v4  }
0x5e1: {  	v4 =	vld [tilespmem:s12+$0xC00];
	_ =	sdelay $0x2  }
0x5e2: {  	v5 =	vmul.f32 v5, v3;
	_ =	sdelay $0x1  }
0x5e3: {  	v4 =	vadd.f32 v4, v5  }
0x5e4: {  	v5 =	vld [tilespmem:s30+$0xC10]  }
0x5e5: {  	[tilespmem:s30+$0xC00] =	vst v4  }
0x5e6: {  	v4 =	vld [tilespmem:s12+$0xC10];
	_ =	sdelay $0x2  }
0x5e7: {  	v5 =	vmul.f32 v5, v3;
	_ =	sdelay $0x1  }
0x5e8: {  	v4 =	vadd.f32 v4, v5  }
0x5e9: {  	v5 =	vld [tilespmem:s30+$0xC20]  }
0x5ea: {  	[tilespmem:s30+$0xC10] =	vst v4  }
0x5eb: {  	v4 =	vld [tilespmem:s12+$0xC20];
	_ =	sdelay $0x2  }
0x5ec: {  	v5 =	vmul.f32 v5, v3;
	_ =	sdelay $0x1  }
0x5ed: {  	v4 =	vadd.f32 v4, v5  }
0x5ee: {  	v5 =	vld [tilespmem:s30+$0xC30]  }
0x5ef: {  	[tilespmem:s30+$0xC20] =	vst v4  }
0x5f0: {  	v4 =	vld [tilespmem:s12+$0xC30];
	_ =	sdelay $0x2  }
0x5f1: {  	v5 =	vmul.f32 v5, v3;
	_ =	sdelay $0x1  }
0x5f2: {  	v4 =	vadd.f32 v4, v5  }
0x5f3: {  	v5 =	vld [tilespmem:s30+$0xC40]  }
0x5f4: {  	[tilespmem:s30+$0xC30] =	vst v4  }
0x5f5: {  	v4 =	vld [tilespmem:s12+$0xC40];
	_ =	sdelay $0x2  }
0x5f6: {  	v5 =	vmul.f32 v5, v3;
	_ =	sdelay $0x1  }
0x5f7: {  	v4 =	vadd.f32 v4, v5  }
0x5f8: {  	v5 =	vld [tilespmem:s30+$0xC50]  }
0x5f9: {  	[tilespmem:s30+$0xC40] =	vst v4  }
0x5fa: {  	v4 =	vld [tilespmem:s12+$0xC50];
	_ =	sdelay $0x2  }
0x5fb: {  	v5 =	vmul.f32 v5, v3;
	_ =	sdelay $0x1  }
0x5fc: {  	v4 =	vadd.f32 v4, v5  }
0x5fd: {  	v5 =	vld [tilespmem:s30+$0xC60]  }
0x5fe: {  	[tilespmem:s30+$0xC50] =	vst v4  }
0x5ff: {  	v4 =	vld [tilespmem:s12+$0xC60];
	_ =	sdelay $0x2  }
0x600: {  	v5 =	vmul.f32 v5, v3;
	_ =	sdelay $0x1  }
0x601: {  	v4 =	vadd.f32 v4, v5  }
0x602: {  	v5 =	vld [tilespmem:s30+$0xC70]  }
0x603: {  	[tilespmem:s30+$0xC60] =	vst v4  }
0x604: {  	v6 =	vld [tilespmem:s12+$0xC70];
	_ =	sdelay $0x1  }
.Ltmp2:
0x605: {  	(pc) =	sbr.rel @p0 .LBB2_7-.Ltmp2, $3  }
0x606: {  	v4 =	vmov s2;
	v3 =	vmul.f32 v5, v3;
	_ =	sdelay $0x1  }
0x607: {  	s9 =	sadd.s32 $0x200, s9;
	s23 =	sadd.s32 $0x1, s23;
	v3 =	vadd.f32 v6, v3  }
0x608: {  	s7 =	sadd.s32 $0x80, s7;
	p1 =	seq.s32 s23, $0x32;
	s12 =	smov.u32 s10  }
0x609: {  	_ =	sdelay $0x2  }
0x60a: {  	s2 =	sand.u32 $0x3000, s9;
	[tilespmem:s30+$0xC70] =	vst v3;
	s23 =	simm.s32 @p1 $0x0  }
0x60b: {  	v3 =	vld.idx.msk [tilespmem:v4+s15+$0x0], $0xffff;
	s7 =	sor.u32 s24, s2;
	s24 =	sshll.u32 s23, $0x9;
	s30 =	sshll.u32 s23, $0x7  }
0x60c: {  	v4 =	vld [tilespmem:s7+$0xF680];
	s2 =	sand.u32 $0xFFFFF000, s24;
	s9 =	sand.u32 $0x380, s30  }
0x60d: {  	s2 =	sor.u32 s9, s2  }
0x60e: {  	v5 =	vld [tilespmem:s2+$0x0];
	_ =	sdelay $0x2  }
0x60f: {  	v4 =	vmul.f32 v4, v3;
	_ =	sdelay $0x1  }
0x610: {  	v4 =	vadd.f32 v5, v4  }
0x611: {  	v5 =	vld [tilespmem:s7+$0xF690]  }
0x612: {  	[tilespmem:s7+$0xF680] =	vst v4  }
0x613: {  	v4 =	vld [tilespmem:s2+$0x10];
	_ =	sdelay $0x2  }
0x614: {  	v5 =	vmul.f32 v5, v3;
	_ =	sdelay $0x1  }
0x615: {  	v4 =	vadd.f32 v4, v5  }
0x616: {  	v5 =	vld [tilespmem:s7+$0xF6A0]  }
0x617: {  	[tilespmem:s7+$0xF690] =	vst v4  }
0x618: {  	v4 =	vld [tilespmem:s2+$0x20];
	_ =	sdelay $0x2  }
0x619: {  	v5 =	vmul.f32 v5, v3;
	_ =	sdelay $0x1  }
0x61a: {  	v4 =	vadd.f32 v4, v5  }
0x61b: {  	v5 =	vld [tilespmem:s7+$0xF6B0]  }
0x61c: {  	[tilespmem:s7+$0xF6A0] =	vst v4  }
0x61d: {  	v4 =	vld [tilespmem:s2+$0x30];
	_ =	sdelay $0x2  }
0x61e: {  	v5 =	vmul.f32 v5, v3;
	_ =	sdelay $0x1  }
0x61f: {  	v4 =	vadd.f32 v4, v5  }
0x620: {  	v5 =	vld [tilespmem:s7+$0xF6C0]  }
0x621: {  	[tilespmem:s7+$0xF6B0] =	vst v4  }
0x622: {  	v4 =	vld [tilespmem:s2+$0x40];
	_ =	sdelay $0x2  }
0x623: {  	v5 =	vmul.f32 v5, v3;
	_ =	sdelay $0x1  }
0x624: {  	v4 =	vadd.f32 v4, v5  }
0x625: {  	v5 =	vld [tilespmem:s7+$0xF6D0]  }
0x626: {  	[tilespmem:s7+$0xF6C0] =	vst v4  }
0x627: {  	v4 =	vld [tilespmem:s2+$0x50];
	_ =	sdelay $0x2  }
0x628: {  	v5 =	vmul.f32 v5, v3;
	_ =	sdelay $0x1  }
0x629: {  	v4 =	vadd.f32 v4, v5  }
0x62a: {  	v5 =	vld [tilespmem:s7+$0xF6E0]  }
0x62b: {  	[tilespmem:s7+$0xF6D0] =	vst v4  }
0x62c: {  	v4 =	vld [tilespmem:s2+$0x60];
	_ =	sdelay $0x2  }
0x62d: {  	v5 =	vmul.f32 v5, v3;
	_ =	sdelay $0x1  }
0x62e: {  	v4 =	vadd.f32 v4, v5  }
0x62f: {  	v5 =	vld [tilespmem:s7+$0xF6F0]  }
0x630: {  	[tilespmem:s7+$0xF6E0] =	vst v4  }
0x631: {  	v4 =	vld [tilespmem:s2+$0x70];
	_ =	sdelay $0x2  }
0x632: {  	v5 =	vmul.f32 v5, v3;
	_ =	sdelay $0x1  }
0x633: {  	v4 =	vadd.f32 v4, v5  }
0x634: {  	v5 =	vld [tilespmem:s7+$0xFA80]  }
0x635: {  	[tilespmem:s7+$0xF6F0] =	vst v4  }
0x636: {  	v4 =	vld [tilespmem:s2+$0x400];
	_ =	sdelay $0x2  }
0x637: {  	v5 =	vmul.f32 v5, v3;
	_ =	sdelay $0x1  }
0x638: {  	v4 =	vadd.f32 v4, v5  }
0x639: {  	v5 =	vld [tilespmem:s7+$0xFA90]  }
0x63a: {  	[tilespmem:s7+$0xFA80] =	vst v4  }
0x63b: {  	v4 =	vld [tilespmem:s2+$0x410];
	_ =	sdelay $0x2  }
0x63c: {  	v5 =	vmul.f32 v5, v3;
	_ =	sdelay $0x1  }
0x63d: {  	v4 =	vadd.f32 v4, v5  }
0x63e: {  	v5 =	vld [tilespmem:s7+$0xFAA0]  }
0x63f: {  	[tilespmem:s7+$0xFA90] =	vst v4  }
0x640: {  	v4 =	vld [tilespmem:s2+$0x420];
	_ =	sdelay $0x2  }
0x641: {  	v5 =	vmul.f32 v5, v3;
	_ =	sdelay $0x1  }
0x642: {  	v4 =	vadd.f32 v4, v5  }
0x643: {  	v5 =	vld [tilespmem:s7+$0xFAB0]  }
0x644: {  	[tilespmem:s7+$0xFAA0] =	vst v4  }
0x645: {  	v4 =	vld [tilespmem:s2+$0x430];
	_ =	sdelay $0x2  }
0x646: {  	v5 =	vmul.f32 v5, v3;
	_ =	sdelay $0x1  }
0x647: {  	v4 =	vadd.f32 v4, v5  }
0x648: {  	v5 =	vld [tilespmem:s7+$0xFAC0]  }
0x649: {  	[tilespmem:s7+$0xFAB0] =	vst v4  }
0x64a: {  	v4 =	vld [tilespmem:s2+$0x440];
	_ =	sdelay $0x2  }
0x64b: {  	v5 =	vmul.f32 v5, v3;
	_ =	sdelay $0x1  }
0x64c: {  	v4 =	vadd.f32 v4, v5  }
0x64d: {  	v5 =	vld [tilespmem:s7+$0xFAD0]  }
0x64e: {  	[tilespmem:s7+$0xFAC0] =	vst v4  }
0x64f: {  	v4 =	vld [tilespmem:s2+$0x450];
	_ =	sdelay $0x2  }
0x650: {  	v5 =	vmul.f32 v5, v3;
	_ =	sdelay $0x1  }
0x651: {  	v4 =	vadd.f32 v4, v5  }
0x652: {  	v5 =	vld [tilespmem:s7+$0xFAE0]  }
0x653: {  	[tilespmem:s7+$0xFAD0] =	vst v4  }
0x654: {  	v4 =	vld [tilespmem:s2+$0x460];
	_ =	sdelay $0x2  }
0x655: {  	v5 =	vmul.f32 v5, v3;
	_ =	sdelay $0x1  }
0x656: {  	v4 =	vadd.f32 v4, v5  }
0x657: {  	v5 =	vld [tilespmem:s7+$0xFAF0]  }
0x658: {  	[tilespmem:s7+$0xFAE0] =	vst v4  }
0x659: {  	v4 =	vld [tilespmem:s2+$0x470];
	_ =	sdelay $0x2  }
0x65a: {  	v5 =	vmul.f32 v5, v3;
	_ =	sdelay $0x1  }
0x65b: {  	v4 =	vadd.f32 v4, v5  }
0x65c: {  	v5 =	vld [tilespmem:s7+$0xFE80]  }
0x65d: {  	[tilespmem:s7+$0xFAF0] =	vst v4  }
0x65e: {  	v4 =	vld [tilespmem:s2+$0x800];
	_ =	sdelay $0x2  }
0x65f: {  	v5 =	vmul.f32 v5, v3;
	_ =	sdelay $0x1  }
0x660: {  	v4 =	vadd.f32 v4, v5  }
0x661: {  	v5 =	vld [tilespmem:s7+$0xFE90]  }
0x662: {  	[tilespmem:s7+$0xFE80] =	vst v4  }
0x663: {  	v4 =	vld [tilespmem:s2+$0x810];
	_ =	sdelay $0x2  }
0x664: {  	v5 =	vmul.f32 v5, v3;
	_ =	sdelay $0x1  }
0x665: {  	v4 =	vadd.f32 v4, v5  }
0x666: {  	v5 =	vld [tilespmem:s7+$0xFEA0]  }
0x667: {  	[tilespmem:s7+$0xFE90] =	vst v4  }
0x668: {  	v4 =	vld [tilespmem:s2+$0x820];
	_ =	sdelay $0x2  }
0x669: {  	v5 =	vmul.f32 v5, v3;
	_ =	sdelay $0x1  }
0x66a: {  	v4 =	vadd.f32 v4, v5  }
0x66b: {  	v5 =	vld [tilespmem:s7+$0xFEB0]  }
0x66c: {  	[tilespmem:s7+$0xFEA0] =	vst v4  }
0x66d: {  	v4 =	vld [tilespmem:s2+$0x830];
	_ =	sdelay $0x2  }
0x66e: {  	v5 =	vmul.f32 v5, v3;
	_ =	sdelay $0x1  }
0x66f: {  	v4 =	vadd.f32 v4, v5  }
0x670: {  	v5 =	vld [tilespmem:s7+$0xFEC0]  }
0x671: {  	[tilespmem:s7+$0xFEB0] =	vst v4  }
0x672: {  	v4 =	vld [tilespmem:s2+$0x840];
	_ =	sdelay $0x2  }
0x673: {  	v5 =	vmul.f32 v5, v3;
	_ =	sdelay $0x1  }
0x674: {  	v4 =	vadd.f32 v4, v5  }
0x675: {  	v5 =	vld [tilespmem:s7+$0xFED0]  }
0x676: {  	[tilespmem:s7+$0xFEC0] =	vst v4  }
0x677: {  	v4 =	vld [tilespmem:s2+$0x850];
	_ =	sdelay $0x2  }
0x678: {  	v5 =	vmul.f32 v5, v3;
	_ =	sdelay $0x1  }
0x679: {  	v4 =	vadd.f32 v4, v5  }
0x67a: {  	v5 =	vld [tilespmem:s7+$0xFEE0]  }
0x67b: {  	[tilespmem:s7+$0xFED0] =	vst v4  }
0x67c: {  	v4 =	vld [tilespmem:s2+$0x860];
	_ =	sdelay $0x2  }
0x67d: {  	v5 =	vmul.f32 v5, v3;
	_ =	sdelay $0x1  }
0x67e: {  	v4 =	vadd.f32 v4, v5  }
0x67f: {  	v5 =	vld [tilespmem:s7+$0xFEF0]  }
0x680: {  	[tilespmem:s7+$0xFEE0] =	vst v4  }
0x681: {  	v4 =	vld [tilespmem:s2+$0x870];
	_ =	sdelay $0x2  }
0x682: {  	v5 =	vmul.f32 v5, v3;
	_ =	sdelay $0x1  }
0x683: {  	s31 =	sadd.s32 $0xF680, s7;
	v4 =	vadd.f32 v4, v5  }
0x684: {  	v5 =	vld [tilespmem:s31+$0xC00]  }
0x685: {  	[tilespmem:s7+$0xFEF0] =	vst v4  }
0x686: {  	v4 =	vld [tilespmem:s2+$0xC00];
	_ =	sdelay $0x2  }
0x687: {  	v5 =	vmul.f32 v5, v3;
	_ =	sdelay $0x1  }
0x688: {  	v4 =	vadd.f32 v4, v5  }
0x689: {  	v5 =	vld [tilespmem:s31+$0xC10]  }
0x68a: {  	[tilespmem:s31+$0xC00] =	vst v4  }
0x68b: {  	v4 =	vld [tilespmem:s2+$0xC10];
	_ =	sdelay $0x2  }
0x68c: {  	v5 =	vmul.f32 v5, v3;
	_ =	sdelay $0x1  }
0x68d: {  	v4 =	vadd.f32 v4, v5  }
0x68e: {  	v5 =	vld [tilespmem:s31+$0xC20]  }
0x68f: {  	[tilespmem:s31+$0xC10] =	vst v4  }
0x690: {  	v4 =	vld [tilespmem:s2+$0xC20];
	_ =	sdelay $0x2  }
0x691: {  	v5 =	vmul.f32 v5, v3;
	_ =	sdelay $0x1  }
0x692: {  	v4 =	vadd.f32 v4, v5  }
0x693: {  	v5 =	vld [tilespmem:s31+$0xC30]  }
0x694: {  	[tilespmem:s31+$0xC20] =	vst v4  }
0x695: {  	v4 =	vld [tilespmem:s2+$0xC30];
	_ =	sdelay $0x2  }
0x696: {  	v5 =	vmul.f32 v5, v3;
	_ =	sdelay $0x1  }
0x697: {  	v4 =	vadd.f32 v4, v5  }
0x698: {  	v5 =	vld [tilespmem:s31+$0xC40]  }
0x699: {  	[tilespmem:s31+$0xC30] =	vst v4  }
0x69a: {  	v4 =	vld [tilespmem:s2+$0xC40];
	_ =	sdelay $0x2  }
0x69b: {  	v5 =	vmul.f32 v5, v3;
	_ =	sdelay $0x1  }
0x69c: {  	v4 =	vadd.f32 v4, v5  }
0x69d: {  	v5 =	vld [tilespmem:s31+$0xC50]  }
0x69e: {  	[tilespmem:s31+$0xC40] =	vst v4  }
0x69f: {  	v4 =	vld [tilespmem:s2+$0xC50];
	_ =	sdelay $0x2  }
0x6a0: {  	v5 =	vmul.f32 v5, v3;
	_ =	sdelay $0x1  }
0x6a1: {  	v4 =	vadd.f32 v4, v5  }
0x6a2: {  	v5 =	vld [tilespmem:s31+$0xC60]  }
0x6a3: {  	[tilespmem:s31+$0xC50] =	vst v4  }
0x6a4: {  	v4 =	vld [tilespmem:s2+$0xC60];
	_ =	sdelay $0x2  }
0x6a5: {  	v5 =	vmul.f32 v5, v3;
	_ =	sdelay $0x1  }
0x6a6: {  	v4 =	vadd.f32 v4, v5  }
0x6a7: {  	v5 =	vld [tilespmem:s31+$0xC70]  }
0x6a8: {  	[tilespmem:s31+$0xC60] =	vst v4  }
0x6a9: {  	v4 =	vld [tilespmem:s2+$0xC70];
	_ =	sdelay $0x2  }
0x6aa: {  	v3 =	vmul.f32 v5, v3;
	_ =	sdelay $0x1  }
0x6ab: {  	v3 =	vadd.f32 v4, v3  }
0x6ac: {  	s10 =	sshll.u32 s22, $0x6  }
0x6ad: {  	s29 =	simm.s32 $0xF680;
	p0 =	seq.s32 s18, $0x9;
	s2 =	sadd.s32 s4, s10;
	[tilespmem:s31+$0xC70] =	vst v3  }
0x6ae: {  	[hbm4b:s2+s5] =	stream.linear.scatter [tilespmem:s29], [sflag:$0x8], $0x4000, $0x38;
	[tilespmem:$0x1B700] =	vst v63  }
0x6af: {  	s2 =	smul.u32 @!p0 $0x280, s18;
	_ =	swait.ge [sflag:s3], $0x4000  }
0x6b0: {  	[sflag:s3] =	ssyncset.done $0x0  }
0x6b1: {  	s22 =	sshra.s32 @!p0 s2, $0x2;
	[sflag:s3] =	ssyncadd.s32 $0xFFFFC000  }
0x6b2: {  	v3 =	vld @!p0 [tilespmem:s22+$0x70A0];
	_ =	sdelay $0x4  }
0x6b3: {  	v4 =	vshll.u32 @!p0 v3, $0x2  }
0x6b4: {  	v5 =	vlaneseq.u32 @!p0;
	v3 =	vand.u32 @!p0 $0x7, v3;
	v4 =	vand.u32 @!p0 $0xFFFFFFE0, v4  }
0x6b5: {  	v6 =	vshrl.u32 @!p0 v5, $0x3;
	v3 =	vor.u32 @!p0 v3, v4;
	v4 =	vand.u32 @!p0 $0x7, v5  }
0x6b6: {  	v6 =	vmul.u32 @!p0 $0x8, v6;
	v7 =	vperm.xlane @!p0 v3, v4;
	_ =	sdelay $0x1  }
0x6b7: {  	v7 =	vadd.s32 @!p0 v6, v7  }
0x6b8: {  	v5 =	vor.u32 @!p0 $0x8, v5  }
0x6b9: {  	v3 =	vperm.xlane @!p0 v3, v5;
	_ =	sdelay $0x1  }
0x6ba: {  	vm1 =	vmmov @!p0 $0xffff;
	s7 =	simm.s32 @!p0 $0x7680;
	s2 =	simm.s32 @!p0 $0x0;
	v3 =	vadd.s32 @!p0 v6, v3  }
0x6bb: {  	[tilespmem:s7], [sflag:$0x1] =	stream.indirect_vreg.gather @!p0 [hbm4b:s1+s2], $0x80, v7, vm1, $0xb8;
	[tilespmem:$0x1B700] =	vst v63  }
0x6bc: {  	s7 =	simm.s32 @!p0 $0x7E80  }
0x6bd: {  	[tilespmem:s7], [sflag:$0x1] =	stream.indirect_vreg.gather @!p0 [hbm4b:s8+s2], $0x80, v7, vm1, $0xb8;
	[tilespmem:$0x1B700] =	vst v63  }
0x6be: {  	s7 =	simm.s32 @!p0 $0x8680  }
0x6bf: {  	[tilespmem:s7], [sflag:$0x1] =	stream.indirect_vreg.gather @!p0 [hbm4b:s1+s2], $0x80, v3, vm1, $0xb8;
	[tilespmem:$0x1B700] =	vst v63  }
0x6c0: {  	s7 =	simm.s32 @!p0 $0x8E80  }
0x6c1: {  	[tilespmem:s7], [sflag:$0x1] =	stream.indirect_vreg.gather @!p0 [hbm4b:s8+s2], $0x80, v3, vm1, $0xb8;
	[tilespmem:$0x1B700] =	vst v63  }
0x6c2: {  	v3 =	vld @!p0 [tilespmem:s22+$0x70B0];
	_ =	sdelay $0x4  }
0x6c3: {  	v7 =	vshll.u32 @!p0 v3, $0x2  }
0x6c4: {  	v3 =	vand.u32 @!p0 $0x7, v3;
	v7 =	vand.u32 @!p0 $0xFFFFFFE0, v7  }
0x6c5: {  	v3 =	vor.u32 @!p0 v3, v7  }
0x6c6: {  	v4 =	vperm.xlane @!p0 v3, v4;
	_ =	sdelay $0x1  }
0x6c7: {  	v4 =	vadd.s32 @!p0 v6, v4;
	_ =	sdelay $0x1  }
0x6c8: {  	v3 =	vperm.xlane @!p0 v3, v5;
	_ =	sdelay $0x1  }
0x6c9: {  	s7 =	simm.s32 @!p0 $0x9680;
	v3 =	vadd.s32 @!p0 v6, v3  }
0x6ca: {  	[tilespmem:s7], [sflag:$0x1] =	stream.indirect_vreg.gather @!p0 [hbm4b:s1+s2], $0x80, v4, vm1, $0xb8;
	[tilespmem:$0x1B700] =	vst v63  }
0x6cb: {  	s7 =	simm.s32 @!p0 $0x9E80  }
0x6cc: {  	[tilespmem:s7], [sflag:$0x1] =	stream.indirect_vreg.gather @!p0 [hbm4b:s8+s2], $0x80, v4, vm1, $0xb8;
	[tilespmem:$0x1B700] =	vst v63  }
0x6cd: {  	s7 =	simm.s32 @!p0 $0xA680  }
0x6ce: {  	[tilespmem:s7], [sflag:$0x1] =	stream.indirect_vreg.gather @!p0 [hbm4b:s1+s2], $0x80, v3, vm1, $0xb8;
	[tilespmem:$0x1B700] =	vst v63  }
0x6cf: {  	s7 =	simm.s32 @!p0 $0xAE80  }
0x6d0: {  	[tilespmem:s7], [sflag:$0x1] =	stream.indirect_vreg.gather @!p0 [hbm4b:s8+s2], $0x80, v3, vm1, $0xb8;
	[tilespmem:$0x1B700] =	vst v63  }
0x6d1: {  	_ =	swait.ge [sflag:s11], $0x4000  }
0x6d2: {  	[sflag:s11] =	ssyncset.done $0x0  }
0x6d3: {  	[sflag:s11] =	ssyncadd.s32 $0xFFFFC000  }
0x6d4: {  	v3 =	vld [tilespmem:s21+$0x7000];
	_ =	sdelay $0x4  }
0x6d5: {  	vm2 =	vlt.s32 v3, $0x1  }
0x6d6: {  	v3 =	vnsel vm2, $0x1, v3  }
0x6d7: {  	v3 =	vcvt.s32.f32 v3;
	_ =	sdelay $0x1  }
0x6d8: {  	[tilespmem:$0x1B680] =	vst v3  }
0x6d9: {  	v3 =	vld [tilespmem:s21+$0x7010];
	_ =	sdelay $0x2  }
0x6da: {  	s21 =	sadd.s32 s6, s21  }
0x6db: {  	s20 =	simm.s32 $0x0;
	s12 =	smulhi.u32 $0x51EB851F, s21  }
0x6dc: {  	v4 =	vmov s20;
	vm2 =	vlt.s32 v3, $0x1  }
0x6dd: {  	s2 =	sshrl.u32 s12, $0x4;
	v3 =	vnsel vm2, $0x1, v3  }
0x6de: {  	s2 =	smul.u32 $0x32, s2;
	v3 =	vcvt.s32.f32 v3;
	_ =	sdelay $0x1  }
0x6df: {  	s23 =	sand.u32 $0x380, s20;
	s7 =	sand.u32 $0x3000, s20;
	s2 =	ssub.s32 s21, s2;
	[tilespmem:$0x1B690] =	vst v3  }
0x6e0: {  	s9 =	sor.u32 s23, s7;
	s24 =	sshll.u32 s2, $0x9;
	s10 =	sshll.u32 s2, $0x7;
	v3 =	vld.idx.msk [tilespmem:v4+s15+$0x0], $0xffff  }
0x6e1: {  	s7 =	sand.u32 $0xFFFFF000, s24;
	s10 =	sand.u32 $0x380, s10;
	v4 =	vld [tilespmem:s9+$0x13680]  }
0x6e2: {  	s7 =	sor.u32 s10, s7  }
0x6e3: {  	v5 =	vld [tilespmem:s7+$0x0];
	_ =	sdelay $0x2  }
0x6e4: {  	v4 =	vmul.f32 v4, v3;
	_ =	sdelay $0x1  }
0x6e5: {  	v4 =	vadd.f32 v5, v4;
	_ =	sdelay $0x1  }
0x6e6: {  	s23 =	sadd.s32 $0x13680, s9;
	[tilespmem:s9+$0x13680] =	vst v4  }
0x6e7: {  	v4 =	vld [tilespmem:s23+$0x10];
	_ =	sdelay $0x1  }
0x6e8: {  	v5 =	vld [tilespmem:s7+$0x10];
	_ =	sdelay $0x2  }
0x6e9: {  	v4 =	vmul.f32 v4, v3;
	_ =	sdelay $0x1  }
0x6ea: {  	v4 =	vadd.f32 v5, v4  }
0x6eb: {  	v5 =	vld [tilespmem:s23+$0x20]  }
0x6ec: {  	[tilespmem:s23+$0x10] =	vst v4  }
0x6ed: {  	v4 =	vld [tilespmem:s7+$0x20];
	_ =	sdelay $0x2  }
0x6ee: {  	v5 =	vmul.f32 v5, v3;
	_ =	sdelay $0x1  }
0x6ef: {  	v4 =	vadd.f32 v4, v5  }
0x6f0: {  	v5 =	vld [tilespmem:s23+$0x30]  }
0x6f1: {  	[tilespmem:s23+$0x20] =	vst v4  }
0x6f2: {  	v4 =	vld [tilespmem:s7+$0x30];
	_ =	sdelay $0x2  }
0x6f3: {  	v5 =	vmul.f32 v5, v3;
	_ =	sdelay $0x1  }
0x6f4: {  	v4 =	vadd.f32 v4, v5  }
0x6f5: {  	v5 =	vld [tilespmem:s23+$0x40]  }
0x6f6: {  	[tilespmem:s23+$0x30] =	vst v4  }
0x6f7: {  	v4 =	vld [tilespmem:s7+$0x40];
	_ =	sdelay $0x2  }
0x6f8: {  	v5 =	vmul.f32 v5, v3;
	_ =	sdelay $0x1  }
0x6f9: {  	v4 =	vadd.f32 v4, v5  }
0x6fa: {  	v5 =	vld [tilespmem:s23+$0x50]  }
0x6fb: {  	[tilespmem:s23+$0x40] =	vst v4  }
0x6fc: {  	v4 =	vld [tilespmem:s7+$0x50];
	_ =	sdelay $0x2  }
0x6fd: {  	v5 =	vmul.f32 v5, v3;
	_ =	sdelay $0x1  }
0x6fe: {  	v4 =	vadd.f32 v4, v5  }
0x6ff: {  	v5 =	vld [tilespmem:s23+$0x60]  }
0x700: {  	[tilespmem:s23+$0x50] =	vst v4  }
0x701: {  	v4 =	vld [tilespmem:s7+$0x60];
	_ =	sdelay $0x2  }
0x702: {  	v5 =	vmul.f32 v5, v3;
	_ =	sdelay $0x1  }
0x703: {  	v4 =	vadd.f32 v4, v5  }
0x704: {  	v5 =	vld [tilespmem:s23+$0x70]  }
0x705: {  	[tilespmem:s23+$0x60] =	vst v4  }
0x706: {  	v4 =	vld [tilespmem:s7+$0x70];
	_ =	sdelay $0x2  }
0x707: {  	v5 =	vmul.f32 v5, v3;
	_ =	sdelay $0x1  }
0x708: {  	v4 =	vadd.f32 v4, v5  }
0x709: {  	v5 =	vld [tilespmem:s23+$0x400]  }
0x70a: {  	[tilespmem:s23+$0x70] =	vst v4  }
0x70b: {  	v4 =	vld [tilespmem:s7+$0x400];
	_ =	sdelay $0x2  }
0x70c: {  	v5 =	vmul.f32 v5, v3;
	_ =	sdelay $0x1  }
0x70d: {  	v4 =	vadd.f32 v4, v5  }
0x70e: {  	v5 =	vld [tilespmem:s23+$0x410]  }
0x70f: {  	[tilespmem:s23+$0x400] =	vst v4  }
0x710: {  	v4 =	vld [tilespmem:s7+$0x410];
	_ =	sdelay $0x2  }
0x711: {  	v5 =	vmul.f32 v5, v3;
	_ =	sdelay $0x1  }
0x712: {  	v4 =	vadd.f32 v4, v5  }
0x713: {  	v5 =	vld [tilespmem:s23+$0x420]  }
0x714: {  	[tilespmem:s23+$0x410] =	vst v4  }
0x715: {  	v4 =	vld [tilespmem:s7+$0x420];
	_ =	sdelay $0x2  }
0x716: {  	v5 =	vmul.f32 v5, v3;
	_ =	sdelay $0x1  }
0x717: {  	v4 =	vadd.f32 v4, v5  }
0x718: {  	v5 =	vld [tilespmem:s23+$0x430]  }
0x719: {  	[tilespmem:s23+$0x420] =	vst v4  }
0x71a: {  	v4 =	vld [tilespmem:s7+$0x430];
	_ =	sdelay $0x2  }
0x71b: {  	v5 =	vmul.f32 v5, v3;
	_ =	sdelay $0x1  }
0x71c: {  	v4 =	vadd.f32 v4, v5  }
0x71d: {  	v5 =	vld [tilespmem:s23+$0x440]  }
0x71e: {  	[tilespmem:s23+$0x430] =	vst v4  }
0x71f: {  	v4 =	vld [tilespmem:s7+$0x440];
	_ =	sdelay $0x2  }
0x720: {  	v5 =	vmul.f32 v5, v3;
	_ =	sdelay $0x1  }
0x721: {  	v4 =	vadd.f32 v4, v5  }
0x722: {  	v5 =	vld [tilespmem:s23+$0x450]  }
0x723: {  	[tilespmem:s23+$0x440] =	vst v4  }
0x724: {  	v4 =	vld [tilespmem:s7+$0x450];
	_ =	sdelay $0x2  }
0x725: {  	v5 =	vmul.f32 v5, v3;
	_ =	sdelay $0x1  }
0x726: {  	v4 =	vadd.f32 v4, v5  }
0x727: {  	v5 =	vld [tilespmem:s23+$0x460]  }
0x728: {  	[tilespmem:s23+$0x450] =	vst v4  }
0x729: {  	v4 =	vld [tilespmem:s7+$0x460];
	_ =	sdelay $0x2  }
0x72a: {  	v5 =	vmul.f32 v5, v3;
	_ =	sdelay $0x1  }
0x72b: {  	v4 =	vadd.f32 v4, v5  }
0x72c: {  	v5 =	vld [tilespmem:s23+$0x470]  }
0x72d: {  	[tilespmem:s23+$0x460] =	vst v4  }
0x72e: {  	v4 =	vld [tilespmem:s7+$0x470];
	_ =	sdelay $0x2  }
0x72f: {  	v5 =	vmul.f32 v5, v3;
	_ =	sdelay $0x1  }
0x730: {  	v4 =	vadd.f32 v4, v5  }
0x731: {  	v5 =	vld [tilespmem:s23+$0x800]  }
0x732: {  	[tilespmem:s23+$0x470] =	vst v4  }
0x733: {  	v4 =	vld [tilespmem:s7+$0x800];
	_ =	sdelay $0x2  }
0x734: {  	v5 =	vmul.f32 v5, v3;
	_ =	sdelay $0x1  }
0x735: {  	v4 =	vadd.f32 v4, v5  }
0x736: {  	v5 =	vld [tilespmem:s23+$0x810]  }
0x737: {  	[tilespmem:s23+$0x800] =	vst v4  }
0x738: {  	v4 =	vld [tilespmem:s7+$0x810];
	_ =	sdelay $0x2  }
0x739: {  	v5 =	vmul.f32 v5, v3;
	_ =	sdelay $0x1  }
0x73a: {  	v4 =	vadd.f32 v4, v5  }
0x73b: {  	v5 =	vld [tilespmem:s23+$0x820]  }
0x73c: {  	[tilespmem:s23+$0x810] =	vst v4  }
0x73d: {  	v4 =	vld [tilespmem:s7+$0x820];
	_ =	sdelay $0x2  }
0x73e: {  	v5 =	vmul.f32 v5, v3;
	_ =	sdelay $0x1  }
0x73f: {  	v4 =	vadd.f32 v4, v5  }
0x740: {  	v5 =	vld [tilespmem:s23+$0x830]  }
0x741: {  	[tilespmem:s23+$0x820] =	vst v4  }
0x742: {  	v4 =	vld [tilespmem:s7+$0x830];
	_ =	sdelay $0x2  }
0x743: {  	v5 =	vmul.f32 v5, v3;
	_ =	sdelay $0x1  }
0x744: {  	v4 =	vadd.f32 v4, v5  }
0x745: {  	v5 =	vld [tilespmem:s23+$0x840]  }
0x746: {  	[tilespmem:s23+$0x830] =	vst v4  }
0x747: {  	v4 =	vld [tilespmem:s7+$0x840];
	_ =	sdelay $0x2  }
0x748: {  	v5 =	vmul.f32 v5, v3;
	_ =	sdelay $0x1  }
0x749: {  	v4 =	vadd.f32 v4, v5  }
0x74a: {  	v5 =	vld [tilespmem:s23+$0x850]  }
0x74b: {  	[tilespmem:s23+$0x840] =	vst v4  }
0x74c: {  	v4 =	vld [tilespmem:s7+$0x850];
	_ =	sdelay $0x2  }
0x74d: {  	v5 =	vmul.f32 v5, v3;
	_ =	sdelay $0x1  }
0x74e: {  	v4 =	vadd.f32 v4, v5  }
0x74f: {  	v5 =	vld [tilespmem:s23+$0x860]  }
0x750: {  	[tilespmem:s23+$0x850] =	vst v4  }
0x751: {  	v4 =	vld [tilespmem:s7+$0x860];
	_ =	sdelay $0x2  }
0x752: {  	v5 =	vmul.f32 v5, v3;
	_ =	sdelay $0x1  }
0x753: {  	v4 =	vadd.f32 v4, v5  }
0x754: {  	v5 =	vld [tilespmem:s23+$0x870]  }
0x755: {  	[tilespmem:s23+$0x860] =	vst v4  }
0x756: {  	v4 =	vld [tilespmem:s7+$0x870];
	_ =	sdelay $0x2  }
0x757: {  	v5 =	vmul.f32 v5, v3;
	_ =	sdelay $0x1  }
0x758: {  	v4 =	vadd.f32 v4, v5  }
0x759: {  	v5 =	vld [tilespmem:s23+$0xC00]  }
0x75a: {  	[tilespmem:s23+$0x870] =	vst v4  }
0x75b: {  	v4 =	vld [tilespmem:s7+$0xC00];
	_ =	sdelay $0x2  }
0x75c: {  	v5 =	vmul.f32 v5, v3;
	_ =	sdelay $0x1  }
0x75d: {  	v4 =	vadd.f32 v4, v5  }
0x75e: {  	v5 =	vld [tilespmem:s23+$0xC10]  }
0x75f: {  	[tilespmem:s23+$0xC00] =	vst v4  }
0x760: {  	v4 =	vld [tilespmem:s7+$0xC10];
	_ =	sdelay $0x2  }
0x761: {  	v5 =	vmul.f32 v5, v3;
	_ =	sdelay $0x1  }
0x762: {  	v4 =	vadd.f32 v4, v5  }
0x763: {  	v5 =	vld [tilespmem:s23+$0xC20]  }
0x764: {  	[tilespmem:s23+$0xC10] =	vst v4  }
0x765: {  	v4 =	vld [tilespmem:s7+$0xC20];
	_ =	sdelay $0x2  }
0x766: {  	v5 =	vmul.f32 v5, v3;
	_ =	sdelay $0x1  }
0x767: {  	v4 =	vadd.f32 v4, v5  }
0x768: {  	v5 =	vld [tilespmem:s23+$0xC30]  }
0x769: {  	[tilespmem:s23+$0xC20] =	vst v4  }
0x76a: {  	v4 =	vld [tilespmem:s7+$0xC30];
	_ =	sdelay $0x2  }
0x76b: {  	v5 =	vmul.f32 v5, v3;
	_ =	sdelay $0x1  }
0x76c: {  	v4 =	vadd.f32 v4, v5  }
0x76d: {  	v5 =	vld [tilespmem:s23+$0xC40]  }
0x76e: {  	[tilespmem:s23+$0xC30] =	vst v4  }
0x76f: {  	v4 =	vld [tilespmem:s7+$0xC40];
	_ =	sdelay $0x2  }
0x770: {  	v5 =	vmul.f32 v5, v3;
	_ =	sdelay $0x1  }
0x771: {  	v4 =	vadd.f32 v4, v5  }
0x772: {  	v5 =	vld [tilespmem:s23+$0xC50]  }
0x773: {  	[tilespmem:s23+$0xC40] =	vst v4  }
0x774: {  	v4 =	vld [tilespmem:s7+$0xC50];
	_ =	sdelay $0x2  }
0x775: {  	v5 =	vmul.f32 v5, v3;
	_ =	sdelay $0x1  }
0x776: {  	v4 =	vadd.f32 v4, v5  }
0x777: {  	v5 =	vld [tilespmem:s23+$0xC60]  }
0x778: {  	[tilespmem:s23+$0xC50] =	vst v4  }
0x779: {  	v4 =	vld [tilespmem:s7+$0xC60];
	_ =	sdelay $0x2  }
0x77a: {  	v5 =	vmul.f32 v5, v3;
	_ =	sdelay $0x1  }
0x77b: {  	v4 =	vadd.f32 v4, v5  }
0x77c: {  	v5 =	vld [tilespmem:s23+$0xC70]  }
0x77d: {  	[tilespmem:s23+$0xC60] =	vst v4  }
0x77e: {  	v6 =	vld [tilespmem:s7+$0xC70];
	_ =	sdelay $0x1  }
0x77f: {  	s30 =	simm.s32 $0x1  }
0x780: {  	s31 =	simm.s32 $0x80;
	v4 =	vmov s30;
	v3 =	vmul.f32 v5, v3  }
0x781: {  	s28 =	sand.u32 $0x380, s31;
	s12 =	simm.s32 $0x2;
	s24 =	sadd.s32 $0x1, s2  }
0x782: {  	p2 =	seq.s32 s24, $0x32;
	s9 =	simm.s32 $0x200;
	s7 =	simm.s32 $0x100;
	v3 =	vadd.f32 v6, v3  }
.LBB2_9:
0x783: {  	s2 =	sand.u32 $0x3000, s9  }
0x784: {  	[tilespmem:s23+$0xC70] =	vst v3;
	s24 =	simm.s32 @p2 $0x0;
	s30 =	smov.u32 s12;
	s10 =	sadd.s32 $0x1, s12  }
0x785: {  	v3 =	vld.idx.msk [tilespmem:v4+s15+$0x0], $0xffff;
	s20 =	sor.u32 s28, s2;
	s2 =	sshll.u32 s24, $0x9;
	s23 =	sshll.u32 s24, $0x7  }
0x786: {  	s28 =	sand.u32 $0x380, s7;
	v4 =	vld [tilespmem:s20+$0x13680];
	s2 =	sand.u32 $0xFFFFF000, s2;
	s23 =	sand.u32 $0x380, s23  }
0x787: {  	p1 =	sne.s32 s12, $0x1F;
	s2 =	sor.u32 s23, s2  }
0x788: {  	v5 =	vld [tilespmem:s2+$0x0];
	_ =	sdelay $0x2  }
0x789: {  	v4 =	vmul.f32 v4, v3;
	_ =	sdelay $0x1  }
0x78a: {  	v4 =	vadd.f32 v5, v4;
	_ =	sdelay $0x1  }
0x78b: {  	s23 =	sadd.s32 $0x13680, s20;
	[tilespmem:s20+$0x13680] =	vst v4  }
0x78c: {  	v4 =	vld [tilespmem:s23+$0x10];
	_ =	sdelay $0x1  }
0x78d: {  	v5 =	vld [tilespmem:s2+$0x10];
	_ =	sdelay $0x2  }
0x78e: {  	v4 =	vmul.f32 v4, v3;
	_ =	sdelay $0x1  }
0x78f: {  	v4 =	vadd.f32 v5, v4  }
0x790: {  	v5 =	vld [tilespmem:s23+$0x20]  }
0x791: {  	[tilespmem:s23+$0x10] =	vst v4  }
0x792: {  	v4 =	vld [tilespmem:s2+$0x20];
	_ =	sdelay $0x2  }
0x793: {  	v5 =	vmul.f32 v5, v3;
	_ =	sdelay $0x1  }
0x794: {  	v4 =	vadd.f32 v4, v5  }
0x795: {  	v5 =	vld [tilespmem:s23+$0x30]  }
0x796: {  	[tilespmem:s23+$0x20] =	vst v4  }
0x797: {  	v4 =	vld [tilespmem:s2+$0x30];
	_ =	sdelay $0x2  }
0x798: {  	v5 =	vmul.f32 v5, v3;
	_ =	sdelay $0x1  }
0x799: {  	v4 =	vadd.f32 v4, v5  }
0x79a: {  	v5 =	vld [tilespmem:s23+$0x40]  }
0x79b: {  	[tilespmem:s23+$0x30] =	vst v4  }
0x79c: {  	v4 =	vld [tilespmem:s2+$0x40];
	_ =	sdelay $0x2  }
0x79d: {  	v5 =	vmul.f32 v5, v3;
	_ =	sdelay $0x1  }
0x79e: {  	v4 =	vadd.f32 v4, v5  }
0x79f: {  	v5 =	vld [tilespmem:s23+$0x50]  }
0x7a0: {  	[tilespmem:s23+$0x40] =	vst v4  }
0x7a1: {  	v4 =	vld [tilespmem:s2+$0x50];
	_ =	sdelay $0x2  }
0x7a2: {  	v5 =	vmul.f32 v5, v3;
	_ =	sdelay $0x1  }
0x7a3: {  	v4 =	vadd.f32 v4, v5  }
0x7a4: {  	v5 =	vld [tilespmem:s23+$0x60]  }
0x7a5: {  	[tilespmem:s23+$0x50] =	vst v4  }
0x7a6: {  	v4 =	vld [tilespmem:s2+$0x60];
	_ =	sdelay $0x2  }
0x7a7: {  	v5 =	vmul.f32 v5, v3;
	_ =	sdelay $0x1  }
0x7a8: {  	v4 =	vadd.f32 v4, v5  }
0x7a9: {  	v5 =	vld [tilespmem:s23+$0x70]  }
0x7aa: {  	[tilespmem:s23+$0x60] =	vst v4  }
0x7ab: {  	v4 =	vld [tilespmem:s2+$0x70];
	_ =	sdelay $0x2  }
0x7ac: {  	v5 =	vmul.f32 v5, v3;
	_ =	sdelay $0x1  }
0x7ad: {  	v4 =	vadd.f32 v4, v5  }
0x7ae: {  	v5 =	vld [tilespmem:s23+$0x400]  }
0x7af: {  	[tilespmem:s23+$0x70] =	vst v4  }
0x7b0: {  	v4 =	vld [tilespmem:s2+$0x400];
	_ =	sdelay $0x2  }
0x7b1: {  	v5 =	vmul.f32 v5, v3;
	_ =	sdelay $0x1  }
0x7b2: {  	v4 =	vadd.f32 v4, v5  }
0x7b3: {  	v5 =	vld [tilespmem:s23+$0x410]  }
0x7b4: {  	[tilespmem:s23+$0x400] =	vst v4  }
0x7b5: {  	v4 =	vld [tilespmem:s2+$0x410];
	_ =	sdelay $0x2  }
0x7b6: {  	v5 =	vmul.f32 v5, v3;
	_ =	sdelay $0x1  }
0x7b7: {  	v4 =	vadd.f32 v4, v5  }
0x7b8: {  	v5 =	vld [tilespmem:s23+$0x420]  }
0x7b9: {  	[tilespmem:s23+$0x410] =	vst v4  }
0x7ba: {  	v4 =	vld [tilespmem:s2+$0x420];
	_ =	sdelay $0x2  }
0x7bb: {  	v5 =	vmul.f32 v5, v3;
	_ =	sdelay $0x1  }
0x7bc: {  	v4 =	vadd.f32 v4, v5  }
0x7bd: {  	v5 =	vld [tilespmem:s23+$0x430]  }
0x7be: {  	[tilespmem:s23+$0x420] =	vst v4  }
0x7bf: {  	v4 =	vld [tilespmem:s2+$0x430];
	_ =	sdelay $0x2  }
0x7c0: {  	v5 =	vmul.f32 v5, v3;
	_ =	sdelay $0x1  }
0x7c1: {  	v4 =	vadd.f32 v4, v5  }
0x7c2: {  	v5 =	vld [tilespmem:s23+$0x440]  }
0x7c3: {  	[tilespmem:s23+$0x430] =	vst v4  }
0x7c4: {  	v4 =	vld [tilespmem:s2+$0x440];
	_ =	sdelay $0x2  }
0x7c5: {  	v5 =	vmul.f32 v5, v3;
	_ =	sdelay $0x1  }
0x7c6: {  	v4 =	vadd.f32 v4, v5  }
0x7c7: {  	v5 =	vld [tilespmem:s23+$0x450]  }
0x7c8: {  	[tilespmem:s23+$0x440] =	vst v4  }
0x7c9: {  	v4 =	vld [tilespmem:s2+$0x450];
	_ =	sdelay $0x2  }
0x7ca: {  	v5 =	vmul.f32 v5, v3;
	_ =	sdelay $0x1  }
0x7cb: {  	v4 =	vadd.f32 v4, v5  }
0x7cc: {  	v5 =	vld [tilespmem:s23+$0x460]  }
0x7cd: {  	[tilespmem:s23+$0x450] =	vst v4  }
0x7ce: {  	v4 =	vld [tilespmem:s2+$0x460];
	_ =	sdelay $0x2  }
0x7cf: {  	v5 =	vmul.f32 v5, v3;
	_ =	sdelay $0x1  }
0x7d0: {  	v4 =	vadd.f32 v4, v5  }
0x7d1: {  	v5 =	vld [tilespmem:s23+$0x470]  }
0x7d2: {  	[tilespmem:s23+$0x460] =	vst v4  }
0x7d3: {  	v4 =	vld [tilespmem:s2+$0x470];
	_ =	sdelay $0x2  }
0x7d4: {  	v5 =	vmul.f32 v5, v3;
	_ =	sdelay $0x1  }
0x7d5: {  	v4 =	vadd.f32 v4, v5  }
0x7d6: {  	v5 =	vld [tilespmem:s23+$0x800]  }
0x7d7: {  	[tilespmem:s23+$0x470] =	vst v4  }
0x7d8: {  	v4 =	vld [tilespmem:s2+$0x800];
	_ =	sdelay $0x2  }
0x7d9: {  	v5 =	vmul.f32 v5, v3;
	_ =	sdelay $0x1  }
0x7da: {  	v4 =	vadd.f32 v4, v5  }
0x7db: {  	v5 =	vld [tilespmem:s23+$0x810]  }
0x7dc: {  	[tilespmem:s23+$0x800] =	vst v4  }
0x7dd: {  	v4 =	vld [tilespmem:s2+$0x810];
	_ =	sdelay $0x2  }
0x7de: {  	v5 =	vmul.f32 v5, v3;
	_ =	sdelay $0x1  }
0x7df: {  	v4 =	vadd.f32 v4, v5  }
0x7e0: {  	v5 =	vld [tilespmem:s23+$0x820]  }
0x7e1: {  	[tilespmem:s23+$0x810] =	vst v4  }
0x7e2: {  	v4 =	vld [tilespmem:s2+$0x820];
	_ =	sdelay $0x2  }
0x7e3: {  	v5 =	vmul.f32 v5, v3;
	_ =	sdelay $0x1  }
0x7e4: {  	v4 =	vadd.f32 v4, v5  }
0x7e5: {  	v5 =	vld [tilespmem:s23+$0x830]  }
0x7e6: {  	[tilespmem:s23+$0x820] =	vst v4  }
0x7e7: {  	v4 =	vld [tilespmem:s2+$0x830];
	_ =	sdelay $0x2  }
0x7e8: {  	v5 =	vmul.f32 v5, v3;
	_ =	sdelay $0x1  }
0x7e9: {  	v4 =	vadd.f32 v4, v5  }
0x7ea: {  	v5 =	vld [tilespmem:s23+$0x840]  }
0x7eb: {  	[tilespmem:s23+$0x830] =	vst v4  }
0x7ec: {  	v4 =	vld [tilespmem:s2+$0x840];
	_ =	sdelay $0x2  }
0x7ed: {  	v5 =	vmul.f32 v5, v3;
	_ =	sdelay $0x1  }
0x7ee: {  	v4 =	vadd.f32 v4, v5  }
0x7ef: {  	v5 =	vld [tilespmem:s23+$0x850]  }
0x7f0: {  	[tilespmem:s23+$0x840] =	vst v4  }
0x7f1: {  	v4 =	vld [tilespmem:s2+$0x850];
	_ =	sdelay $0x2  }
0x7f2: {  	v5 =	vmul.f32 v5, v3;
	_ =	sdelay $0x1  }
0x7f3: {  	v4 =	vadd.f32 v4, v5  }
0x7f4: {  	v5 =	vld [tilespmem:s23+$0x860]  }
0x7f5: {  	[tilespmem:s23+$0x850] =	vst v4  }
0x7f6: {  	v4 =	vld [tilespmem:s2+$0x860];
	_ =	sdelay $0x2  }
0x7f7: {  	v5 =	vmul.f32 v5, v3;
	_ =	sdelay $0x1  }
0x7f8: {  	v4 =	vadd.f32 v4, v5  }
0x7f9: {  	v5 =	vld [tilespmem:s23+$0x870]  }
0x7fa: {  	[tilespmem:s23+$0x860] =	vst v4  }
0x7fb: {  	v4 =	vld [tilespmem:s2+$0x870];
	_ =	sdelay $0x2  }
0x7fc: {  	v5 =	vmul.f32 v5, v3;
	_ =	sdelay $0x1  }
0x7fd: {  	v4 =	vadd.f32 v4, v5  }
0x7fe: {  	v5 =	vld [tilespmem:s23+$0xC00]  }
0x7ff: {  	[tilespmem:s23+$0x870] =	vst v4  }
0x800: {  	v4 =	vld [tilespmem:s2+$0xC00];
	_ =	sdelay $0x2  }
0x801: {  	v5 =	vmul.f32 v5, v3;
	_ =	sdelay $0x1  }
0x802: {  	v4 =	vadd.f32 v4, v5  }
0x803: {  	v5 =	vld [tilespmem:s23+$0xC10]  }
0x804: {  	[tilespmem:s23+$0xC00] =	vst v4  }
0x805: {  	v4 =	vld [tilespmem:s2+$0xC10];
	_ =	sdelay $0x2  }
0x806: {  	v5 =	vmul.f32 v5, v3;
	_ =	sdelay $0x1  }
0x807: {  	v4 =	vadd.f32 v4, v5  }
0x808: {  	v5 =	vld [tilespmem:s23+$0xC20]  }
0x809: {  	[tilespmem:s23+$0xC10] =	vst v4  }
0x80a: {  	v4 =	vld [tilespmem:s2+$0xC20];
	_ =	sdelay $0x2  }
0x80b: {  	v5 =	vmul.f32 v5, v3;
	_ =	sdelay $0x1  }
0x80c: {  	v4 =	vadd.f32 v4, v5  }
0x80d: {  	v5 =	vld [tilespmem:s23+$0xC30]  }
0x80e: {  	[tilespmem:s23+$0xC20] =	vst v4  }
0x80f: {  	v4 =	vld [tilespmem:s2+$0xC30];
	_ =	sdelay $0x2  }
0x810: {  	v5 =	vmul.f32 v5, v3;
	_ =	sdelay $0x1  }
0x811: {  	v4 =	vadd.f32 v4, v5  }
0x812: {  	v5 =	vld [tilespmem:s23+$0xC40]  }
0x813: {  	[tilespmem:s23+$0xC30] =	vst v4  }
0x814: {  	v4 =	vld [tilespmem:s2+$0xC40];
	_ =	sdelay $0x2  }
0x815: {  	v5 =	vmul.f32 v5, v3;
	_ =	sdelay $0x1  }
0x816: {  	v4 =	vadd.f32 v4, v5  }
0x817: {  	v5 =	vld [tilespmem:s23+$0xC50]  }
0x818: {  	[tilespmem:s23+$0xC40] =	vst v4  }
0x819: {  	v4 =	vld [tilespmem:s2+$0xC50];
	_ =	sdelay $0x2  }
0x81a: {  	v5 =	vmul.f32 v5, v3;
	_ =	sdelay $0x1  }
0x81b: {  	v4 =	vadd.f32 v4, v5  }
0x81c: {  	v5 =	vld [tilespmem:s23+$0xC60]  }
0x81d: {  	[tilespmem:s23+$0xC50] =	vst v4  }
0x81e: {  	v4 =	vld [tilespmem:s2+$0xC60];
	_ =	sdelay $0x2  }
0x81f: {  	v5 =	vmul.f32 v5, v3;
	_ =	sdelay $0x1  }
0x820: {  	v4 =	vadd.f32 v4, v5  }
0x821: {  	v5 =	vld [tilespmem:s23+$0xC70]  }
0x822: {  	[tilespmem:s23+$0xC60] =	vst v4  }
0x823: {  	v6 =	vld [tilespmem:s2+$0xC70];
	_ =	sdelay $0x1  }
.Ltmp3:
0x824: {  	(pc) =	sbr.rel @p1 .LBB2_9-.Ltmp3, $3  }
0x825: {  	v4 =	vmov s30;
	v3 =	vmul.f32 v5, v3;
	_ =	sdelay $0x1  }
0x826: {  	s9 =	sadd.s32 $0x200, s9;
	s24 =	sadd.s32 $0x1, s24;
	v3 =	vadd.f32 v6, v3  }
0x827: {  	s7 =	sadd.s32 $0x80, s7;
	s12 =	smov.u32 s10;
	p2 =	seq.s32 s24, $0x32  }
0x828: {  	_ =	sdelay $0x2  }
0x829: {  	s2 =	sand.u32 $0x3000, s9;
	[tilespmem:s23+$0xC70] =	vst v3;
	s24 =	simm.s32 @p2 $0x0  }
0x82a: {  	v3 =	vld.idx.msk [tilespmem:v4+s15+$0x0], $0xffff;
	s9 =	sor.u32 s28, s2;
	s12 =	sshll.u32 s24, $0x9;
	s7 =	sshll.u32 s24, $0x7  }
0x82b: {  	v4 =	vld [tilespmem:s9+$0x13680];
	s2 =	sand.u32 $0xFFFFF000, s12;
	s7 =	sand.u32 $0x380, s7  }
0x82c: {  	s2 =	sor.u32 s7, s2  }
0x82d: {  	v5 =	vld [tilespmem:s2+$0x0];
	_ =	sdelay $0x2  }
0x82e: {  	v4 =	vmul.f32 v4, v3;
	_ =	sdelay $0x1  }
0x82f: {  	v4 =	vadd.f32 v5, v4;
	_ =	sdelay $0x1  }
0x830: {  	s20 =	sadd.s32 $0x13680, s9;
	[tilespmem:s9+$0x13680] =	vst v4  }
0x831: {  	v4 =	vld [tilespmem:s20+$0x10];
	_ =	sdelay $0x1  }
0x832: {  	v5 =	vld [tilespmem:s2+$0x10];
	_ =	sdelay $0x2  }
0x833: {  	v4 =	vmul.f32 v4, v3;
	_ =	sdelay $0x1  }
0x834: {  	v4 =	vadd.f32 v5, v4  }
0x835: {  	v5 =	vld [tilespmem:s20+$0x20]  }
0x836: {  	[tilespmem:s20+$0x10] =	vst v4  }
0x837: {  	v4 =	vld [tilespmem:s2+$0x20];
	_ =	sdelay $0x2  }
0x838: {  	v5 =	vmul.f32 v5, v3;
	_ =	sdelay $0x1  }
0x839: {  	v4 =	vadd.f32 v4, v5  }
0x83a: {  	v5 =	vld [tilespmem:s20+$0x30]  }
0x83b: {  	[tilespmem:s20+$0x20] =	vst v4  }
0x83c: {  	v4 =	vld [tilespmem:s2+$0x30];
	_ =	sdelay $0x2  }
0x83d: {  	v5 =	vmul.f32 v5, v3;
	_ =	sdelay $0x1  }
0x83e: {  	v4 =	vadd.f32 v4, v5  }
0x83f: {  	v5 =	vld [tilespmem:s20+$0x40]  }
0x840: {  	[tilespmem:s20+$0x30] =	vst v4  }
0x841: {  	v4 =	vld [tilespmem:s2+$0x40];
	_ =	sdelay $0x2  }
0x842: {  	v5 =	vmul.f32 v5, v3;
	_ =	sdelay $0x1  }
0x843: {  	v4 =	vadd.f32 v4, v5  }
0x844: {  	v5 =	vld [tilespmem:s20+$0x50]  }
0x845: {  	[tilespmem:s20+$0x40] =	vst v4  }
0x846: {  	v4 =	vld [tilespmem:s2+$0x50];
	_ =	sdelay $0x2  }
0x847: {  	v5 =	vmul.f32 v5, v3;
	_ =	sdelay $0x1  }
0x848: {  	v4 =	vadd.f32 v4, v5  }
0x849: {  	v5 =	vld [tilespmem:s20+$0x60]  }
0x84a: {  	[tilespmem:s20+$0x50] =	vst v4  }
0x84b: {  	v4 =	vld [tilespmem:s2+$0x60];
	_ =	sdelay $0x2  }
0x84c: {  	v5 =	vmul.f32 v5, v3;
	_ =	sdelay $0x1  }
0x84d: {  	v4 =	vadd.f32 v4, v5  }
0x84e: {  	v5 =	vld [tilespmem:s20+$0x70]  }
0x84f: {  	[tilespmem:s20+$0x60] =	vst v4  }
0x850: {  	v4 =	vld [tilespmem:s2+$0x70];
	_ =	sdelay $0x2  }
0x851: {  	v5 =	vmul.f32 v5, v3;
	_ =	sdelay $0x1  }
0x852: {  	v4 =	vadd.f32 v4, v5  }
0x853: {  	v5 =	vld [tilespmem:s20+$0x400]  }
0x854: {  	[tilespmem:s20+$0x70] =	vst v4  }
0x855: {  	v4 =	vld [tilespmem:s2+$0x400];
	_ =	sdelay $0x2  }
0x856: {  	v5 =	vmul.f32 v5, v3;
	_ =	sdelay $0x1  }
0x857: {  	v4 =	vadd.f32 v4, v5  }
0x858: {  	v5 =	vld [tilespmem:s20+$0x410]  }
0x859: {  	[tilespmem:s20+$0x400] =	vst v4  }
0x85a: {  	v4 =	vld [tilespmem:s2+$0x410];
	_ =	sdelay $0x2  }
0x85b: {  	v5 =	vmul.f32 v5, v3;
	_ =	sdelay $0x1  }
0x85c: {  	v4 =	vadd.f32 v4, v5  }
0x85d: {  	v5 =	vld [tilespmem:s20+$0x420]  }
0x85e: {  	[tilespmem:s20+$0x410] =	vst v4  }
0x85f: {  	v4 =	vld [tilespmem:s2+$0x420];
	_ =	sdelay $0x2  }
0x860: {  	v5 =	vmul.f32 v5, v3;
	_ =	sdelay $0x1  }
0x861: {  	v4 =	vadd.f32 v4, v5  }
0x862: {  	v5 =	vld [tilespmem:s20+$0x430]  }
0x863: {  	[tilespmem:s20+$0x420] =	vst v4  }
0x864: {  	v4 =	vld [tilespmem:s2+$0x430];
	_ =	sdelay $0x2  }
0x865: {  	v5 =	vmul.f32 v5, v3;
	_ =	sdelay $0x1  }
0x866: {  	v4 =	vadd.f32 v4, v5  }
0x867: {  	v5 =	vld [tilespmem:s20+$0x440]  }
0x868: {  	[tilespmem:s20+$0x430] =	vst v4  }
0x869: {  	v4 =	vld [tilespmem:s2+$0x440];
	_ =	sdelay $0x2  }
0x86a: {  	v5 =	vmul.f32 v5, v3;
	_ =	sdelay $0x1  }
0x86b: {  	v4 =	vadd.f32 v4, v5  }
0x86c: {  	v5 =	vld [tilespmem:s20+$0x450]  }
0x86d: {  	[tilespmem:s20+$0x440] =	vst v4  }
0x86e: {  	v4 =	vld [tilespmem:s2+$0x450];
	_ =	sdelay $0x2  }
0x86f: {  	v5 =	vmul.f32 v5, v3;
	_ =	sdelay $0x1  }
0x870: {  	v4 =	vadd.f32 v4, v5  }
0x871: {  	v5 =	vld [tilespmem:s20+$0x460]  }
0x872: {  	[tilespmem:s20+$0x450] =	vst v4  }
0x873: {  	v4 =	vld [tilespmem:s2+$0x460];
	_ =	sdelay $0x2  }
0x874: {  	v5 =	vmul.f32 v5, v3;
	_ =	sdelay $0x1  }
0x875: {  	v4 =	vadd.f32 v4, v5  }
0x876: {  	v5 =	vld [tilespmem:s20+$0x470]  }
0x877: {  	[tilespmem:s20+$0x460] =	vst v4  }
0x878: {  	v4 =	vld [tilespmem:s2+$0x470];
	_ =	sdelay $0x2  }
0x879: {  	v5 =	vmul.f32 v5, v3;
	_ =	sdelay $0x1  }
0x87a: {  	v4 =	vadd.f32 v4, v5  }
0x87b: {  	v5 =	vld [tilespmem:s20+$0x800]  }
0x87c: {  	[tilespmem:s20+$0x470] =	vst v4  }
0x87d: {  	v4 =	vld [tilespmem:s2+$0x800];
	_ =	sdelay $0x2  }
0x87e: {  	v5 =	vmul.f32 v5, v3;
	_ =	sdelay $0x1  }
0x87f: {  	v4 =	vadd.f32 v4, v5  }
0x880: {  	v5 =	vld [tilespmem:s20+$0x810]  }
0x881: {  	[tilespmem:s20+$0x800] =	vst v4  }
0x882: {  	v4 =	vld [tilespmem:s2+$0x810];
	_ =	sdelay $0x2  }
0x883: {  	v5 =	vmul.f32 v5, v3;
	_ =	sdelay $0x1  }
0x884: {  	v4 =	vadd.f32 v4, v5  }
0x885: {  	v5 =	vld [tilespmem:s20+$0x820]  }
0x886: {  	[tilespmem:s20+$0x810] =	vst v4  }
0x887: {  	v4 =	vld [tilespmem:s2+$0x820];
	_ =	sdelay $0x2  }
0x888: {  	v5 =	vmul.f32 v5, v3;
	_ =	sdelay $0x1  }
0x889: {  	v4 =	vadd.f32 v4, v5  }
0x88a: {  	v5 =	vld [tilespmem:s20+$0x830]  }
0x88b: {  	[tilespmem:s20+$0x820] =	vst v4  }
0x88c: {  	v4 =	vld [tilespmem:s2+$0x830];
	_ =	sdelay $0x2  }
0x88d: {  	v5 =	vmul.f32 v5, v3;
	_ =	sdelay $0x1  }
0x88e: {  	v4 =	vadd.f32 v4, v5  }
0x88f: {  	v5 =	vld [tilespmem:s20+$0x840]  }
0x890: {  	[tilespmem:s20+$0x830] =	vst v4  }
0x891: {  	v4 =	vld [tilespmem:s2+$0x840];
	_ =	sdelay $0x2  }
0x892: {  	v5 =	vmul.f32 v5, v3;
	_ =	sdelay $0x1  }
0x893: {  	v4 =	vadd.f32 v4, v5  }
0x894: {  	v5 =	vld [tilespmem:s20+$0x850]  }
0x895: {  	[tilespmem:s20+$0x840] =	vst v4  }
0x896: {  	v4 =	vld [tilespmem:s2+$0x850];
	_ =	sdelay $0x2  }
0x897: {  	v5 =	vmul.f32 v5, v3;
	_ =	sdelay $0x1  }
0x898: {  	v4 =	vadd.f32 v4, v5  }
0x899: {  	v5 =	vld [tilespmem:s20+$0x860]  }
0x89a: {  	[tilespmem:s20+$0x850] =	vst v4  }
0x89b: {  	v4 =	vld [tilespmem:s2+$0x860];
	_ =	sdelay $0x2  }
0x89c: {  	v5 =	vmul.f32 v5, v3;
	_ =	sdelay $0x1  }
0x89d: {  	v4 =	vadd.f32 v4, v5  }
0x89e: {  	v5 =	vld [tilespmem:s20+$0x870]  }
0x89f: {  	[tilespmem:s20+$0x860] =	vst v4  }
0x8a0: {  	v4 =	vld [tilespmem:s2+$0x870];
	_ =	sdelay $0x2  }
0x8a1: {  	v5 =	vmul.f32 v5, v3;
	_ =	sdelay $0x1  }
0x8a2: {  	v4 =	vadd.f32 v4, v5  }
0x8a3: {  	v5 =	vld [tilespmem:s20+$0xC00]  }
0x8a4: {  	[tilespmem:s20+$0x870] =	vst v4  }
0x8a5: {  	v4 =	vld [tilespmem:s2+$0xC00];
	_ =	sdelay $0x2  }
0x8a6: {  	v5 =	vmul.f32 v5, v3;
	_ =	sdelay $0x1  }
0x8a7: {  	v4 =	vadd.f32 v4, v5  }
0x8a8: {  	v5 =	vld [tilespmem:s20+$0xC10]  }
0x8a9: {  	[tilespmem:s20+$0xC00] =	vst v4  }
0x8aa: {  	v4 =	vld [tilespmem:s2+$0xC10];
	_ =	sdelay $0x2  }
0x8ab: {  	v5 =	vmul.f32 v5, v3;
	_ =	sdelay $0x1  }
0x8ac: {  	v4 =	vadd.f32 v4, v5  }
0x8ad: {  	v5 =	vld [tilespmem:s20+$0xC20]  }
0x8ae: {  	[tilespmem:s20+$0xC10] =	vst v4  }
0x8af: {  	v4 =	vld [tilespmem:s2+$0xC20];
	_ =	sdelay $0x2  }
0x8b0: {  	v5 =	vmul.f32 v5, v3;
	_ =	sdelay $0x1  }
0x8b1: {  	v4 =	vadd.f32 v4, v5  }
0x8b2: {  	v5 =	vld [tilespmem:s20+$0xC30]  }
0x8b3: {  	[tilespmem:s20+$0xC20] =	vst v4  }
0x8b4: {  	v4 =	vld [tilespmem:s2+$0xC30];
	_ =	sdelay $0x2  }
0x8b5: {  	v5 =	vmul.f32 v5, v3;
	_ =	sdelay $0x1  }
0x8b6: {  	v4 =	vadd.f32 v4, v5  }
0x8b7: {  	v5 =	vld [tilespmem:s20+$0xC40]  }
0x8b8: {  	[tilespmem:s20+$0xC30] =	vst v4  }
0x8b9: {  	v4 =	vld [tilespmem:s2+$0xC40];
	_ =	sdelay $0x2  }
0x8ba: {  	v5 =	vmul.f32 v5, v3;
	_ =	sdelay $0x1  }
0x8bb: {  	v4 =	vadd.f32 v4, v5  }
0x8bc: {  	v5 =	vld [tilespmem:s20+$0xC50]  }
0x8bd: {  	[tilespmem:s20+$0xC40] =	vst v4  }
0x8be: {  	v4 =	vld [tilespmem:s2+$0xC50];
	_ =	sdelay $0x2  }
0x8bf: {  	v5 =	vmul.f32 v5, v3;
	_ =	sdelay $0x1  }
0x8c0: {  	v4 =	vadd.f32 v4, v5  }
0x8c1: {  	v5 =	vld [tilespmem:s20+$0xC60]  }
0x8c2: {  	[tilespmem:s20+$0xC50] =	vst v4  }
0x8c3: {  	v4 =	vld [tilespmem:s2+$0xC60];
	_ =	sdelay $0x2  }
0x8c4: {  	v5 =	vmul.f32 v5, v3;
	_ =	sdelay $0x1  }
0x8c5: {  	v4 =	vadd.f32 v4, v5  }
0x8c6: {  	v5 =	vld [tilespmem:s20+$0xC70]  }
0x8c7: {  	[tilespmem:s20+$0xC60] =	vst v4  }
0x8c8: {  	v4 =	vld [tilespmem:s2+$0xC70];
	_ =	sdelay $0x2  }
0x8c9: {  	v3 =	vmul.f32 v5, v3;
	_ =	sdelay $0x1  }
0x8ca: {  	v3 =	vadd.f32 v4, v3  }
0x8cb: {  	s21 =	sshll.u32 s21, $0x6  }
0x8cc: {  	s2 =	sadd.s32 s4, s21;
	[tilespmem:s20+$0xC70] =	vst v3  }
0x8cd: {  	[hbm4b:s2+s5] =	stream.linear.scatter [tilespmem:s16], [sflag:$0x9], $0x4000, $0x38;
	[tilespmem:$0x1B700] =	vst v63  }
0x8ce: {  	_ =	swait.ge [sflag:s13], $0x4000  }
0x8cf: {  	[sflag:s13] =	ssyncset.done $0x0  }
0x8d0: {  	[sflag:s13] =	ssyncadd.s32 $0xFFFFC000  }
0x8d1: {  	v3 =	vld @!p0 [tilespmem:s22+$0x70C0];
	_ =	sdelay $0x4  }
0x8d2: {  	v4 =	vshll.u32 @!p0 v3, $0x2  }
0x8d3: {  	v5 =	vlaneseq.u32 @!p0;
	v3 =	vand.u32 @!p0 $0x7, v3;
	v4 =	vand.u32 @!p0 $0xFFFFFFE0, v4  }
0x8d4: {  	v6 =	vshrl.u32 @!p0 v5, $0x3;
	v3 =	vor.u32 @!p0 v3, v4;
	v4 =	vand.u32 @!p0 $0x7, v5  }
0x8d5: {  	v6 =	vmul.u32 @!p0 $0x8, v6;
	v7 =	vperm.xlane @!p0 v3, v4;
	_ =	sdelay $0x1  }
0x8d6: {  	v7 =	vadd.s32 @!p0 v6, v7  }
0x8d7: {  	v5 =	vor.u32 @!p0 $0x8, v5  }
0x8d8: {  	v3 =	vperm.xlane @!p0 v3, v5;
	_ =	sdelay $0x1  }
0x8d9: {  	s7 =	simm.s32 @!p0 $0xB680;
	s2 =	simm.s32 @!p0 $0x0;
	v3 =	vadd.s32 @!p0 v6, v3  }
0x8da: {  	[tilespmem:s7], [sflag:$0x2] =	stream.indirect_vreg.gather @!p0 [hbm4b:s1+s2], $0x80, v7, vm1, $0xb8;
	[tilespmem:$0x1B700] =	vst v63  }
0x8db: {  	s7 =	simm.s32 @!p0 $0xBE80  }
0x8dc: {  	[tilespmem:s7], [sflag:$0x2] =	stream.indirect_vreg.gather @!p0 [hbm4b:s8+s2], $0x80, v7, vm1, $0xb8;
	[tilespmem:$0x1B700] =	vst v63  }
0x8dd: {  	s7 =	simm.s32 @!p0 $0xC680  }
0x8de: {  	[tilespmem:s7], [sflag:$0x2] =	stream.indirect_vreg.gather @!p0 [hbm4b:s1+s2], $0x80, v3, vm1, $0xb8;
	[tilespmem:$0x1B700] =	vst v63  }
0x8df: {  	s7 =	simm.s32 @!p0 $0xCE80  }
0x8e0: {  	[tilespmem:s7], [sflag:$0x2] =	stream.indirect_vreg.gather @!p0 [hbm4b:s8+s2], $0x80, v3, vm1, $0xb8;
	[tilespmem:$0x1B700] =	vst v63  }
0x8e1: {  	v3 =	vld @!p0 [tilespmem:s22+$0x70D0];
	_ =	sdelay $0x4  }
0x8e2: {  	v7 =	vshll.u32 @!p0 v3, $0x2  }
0x8e3: {  	v3 =	vand.u32 @!p0 $0x7, v3;
	v7 =	vand.u32 @!p0 $0xFFFFFFE0, v7  }
0x8e4: {  	v3 =	vor.u32 @!p0 v3, v7  }
0x8e5: {  	v4 =	vperm.xlane @!p0 v3, v4;
	_ =	sdelay $0x1  }
0x8e6: {  	v4 =	vadd.s32 @!p0 v6, v4;
	_ =	sdelay $0x1  }
0x8e7: {  	v3 =	vperm.xlane @!p0 v3, v5;
	_ =	sdelay $0x1  }
0x8e8: {  	s7 =	simm.s32 @!p0 $0xD680;
	v3 =	vadd.s32 @!p0 v6, v3  }
0x8e9: {  	[tilespmem:s7], [sflag:$0x2] =	stream.indirect_vreg.gather @!p0 [hbm4b:s1+s2], $0x80, v4, vm1, $0xb8;
	[tilespmem:$0x1B700] =	vst v63  }
0x8ea: {  	s7 =	simm.s32 @!p0 $0xDE80  }
0x8eb: {  	[tilespmem:s7], [sflag:$0x2] =	stream.indirect_vreg.gather @!p0 [hbm4b:s8+s2], $0x80, v4, vm1, $0xb8;
	[tilespmem:$0x1B700] =	vst v63  }
0x8ec: {  	s7 =	simm.s32 @!p0 $0xE680  }
0x8ed: {  	[tilespmem:s7], [sflag:$0x2] =	stream.indirect_vreg.gather @!p0 [hbm4b:s1+s2], $0x80, v3, vm1, $0xb8;
	[tilespmem:$0x1B700] =	vst v63  }
0x8ee: {  	s7 =	simm.s32 @!p0 $0xEE80  }
0x8ef: {  	[tilespmem:s7], [sflag:$0x2] =	stream.indirect_vreg.gather @!p0 [hbm4b:s8+s2], $0x80, v3, vm1, $0xb8;
	[tilespmem:$0x1B700] =	vst v63  }
0x8f0: {  	_ =	swait.ge [sflag:s17], $0x4000  }
0x8f1: {  	[sflag:s17] =	ssyncset.done $0x0  }
0x8f2: {  	[sflag:s17] =	ssyncadd.s32 $0xFFFFC000  }
0x8f3: {  	v3 =	vld [tilespmem:s19+$0x7000];
	_ =	sdelay $0x4  }
0x8f4: {  	vm1 =	vlt.s32 v3, $0x1  }
0x8f5: {  	v3 =	vnsel vm1, $0x1, v3  }
0x8f6: {  	v3 =	vcvt.s32.f32 v3;
	_ =	sdelay $0x1  }
0x8f7: {  	[tilespmem:$0x1B680] =	vst v3  }
0x8f8: {  	v3 =	vld [tilespmem:s19+$0x7010];
	_ =	sdelay $0x2  }
0x8f9: {  	s19 =	sadd.s32 s6, s19  }
0x8fa: {  	s23 =	simm.s32 $0x0;
	s22 =	smulhi.u32 $0x51EB851F, s19  }
0x8fb: {  	v4 =	vmov s23;
	vm1 =	vlt.s32 v3, $0x1  }
0x8fc: {  	s2 =	sshrl.u32 s22, $0x4;
	v3 =	vnsel vm1, $0x1, v3  }
0x8fd: {  	s2 =	smul.u32 $0x32, s2;
	v3 =	vcvt.s32.f32 v3;
	_ =	sdelay $0x1  }
0x8fe: {  	s24 =	sand.u32 $0x380, s23;
	s7 =	sand.u32 $0x3000, s23;
	s2 =	ssub.s32 s19, s2;
	[tilespmem:$0x1B690] =	vst v3  }
0x8ff: {  	s9 =	sor.u32 s24, s7;
	s28 =	sshll.u32 s2, $0x9;
	s10 =	sshll.u32 s2, $0x7;
	v3 =	vld.idx.msk [tilespmem:v4+s15+$0x0], $0xffff  }
0x900: {  	s7 =	sand.u32 $0xFFFFF000, s28;
	s10 =	sand.u32 $0x380, s10;
	v4 =	vld [tilespmem:s9+$0x17680]  }
0x901: {  	s7 =	sor.u32 s10, s7  }
0x902: {  	v5 =	vld [tilespmem:s7+$0x0];
	_ =	sdelay $0x2  }
0x903: {  	v4 =	vmul.f32 v4, v3;
	_ =	sdelay $0x1  }
0x904: {  	v4 =	vadd.f32 v5, v4;
	_ =	sdelay $0x1  }
0x905: {  	s21 =	sadd.s32 $0x17680, s9;
	[tilespmem:s9+$0x17680] =	vst v4  }
0x906: {  	v4 =	vld [tilespmem:s21+$0x10];
	_ =	sdelay $0x1  }
0x907: {  	v5 =	vld [tilespmem:s7+$0x10];
	_ =	sdelay $0x2  }
0x908: {  	v4 =	vmul.f32 v4, v3;
	_ =	sdelay $0x1  }
0x909: {  	v4 =	vadd.f32 v5, v4  }
0x90a: {  	v5 =	vld [tilespmem:s21+$0x20]  }
0x90b: {  	[tilespmem:s21+$0x10] =	vst v4  }
0x90c: {  	v4 =	vld [tilespmem:s7+$0x20];
	_ =	sdelay $0x2  }
0x90d: {  	v5 =	vmul.f32 v5, v3;
	_ =	sdelay $0x1  }
0x90e: {  	v4 =	vadd.f32 v4, v5  }
0x90f: {  	v5 =	vld [tilespmem:s21+$0x30]  }
0x910: {  	[tilespmem:s21+$0x20] =	vst v4  }
0x911: {  	v4 =	vld [tilespmem:s7+$0x30];
	_ =	sdelay $0x2  }
0x912: {  	v5 =	vmul.f32 v5, v3;
	_ =	sdelay $0x1  }
0x913: {  	v4 =	vadd.f32 v4, v5  }
0x914: {  	v5 =	vld [tilespmem:s21+$0x40]  }
0x915: {  	[tilespmem:s21+$0x30] =	vst v4  }
0x916: {  	v4 =	vld [tilespmem:s7+$0x40];
	_ =	sdelay $0x2  }
0x917: {  	v5 =	vmul.f32 v5, v3;
	_ =	sdelay $0x1  }
0x918: {  	v4 =	vadd.f32 v4, v5  }
0x919: {  	v5 =	vld [tilespmem:s21+$0x50]  }
0x91a: {  	[tilespmem:s21+$0x40] =	vst v4  }
0x91b: {  	v4 =	vld [tilespmem:s7+$0x50];
	_ =	sdelay $0x2  }
0x91c: {  	v5 =	vmul.f32 v5, v3;
	_ =	sdelay $0x1  }
0x91d: {  	v4 =	vadd.f32 v4, v5  }
0x91e: {  	v5 =	vld [tilespmem:s21+$0x60]  }
0x91f: {  	[tilespmem:s21+$0x50] =	vst v4  }
0x920: {  	v4 =	vld [tilespmem:s7+$0x60];
	_ =	sdelay $0x2  }
0x921: {  	v5 =	vmul.f32 v5, v3;
	_ =	sdelay $0x1  }
0x922: {  	v4 =	vadd.f32 v4, v5  }
0x923: {  	v5 =	vld [tilespmem:s21+$0x70]  }
0x924: {  	[tilespmem:s21+$0x60] =	vst v4  }
0x925: {  	v4 =	vld [tilespmem:s7+$0x70];
	_ =	sdelay $0x2  }
0x926: {  	v5 =	vmul.f32 v5, v3;
	_ =	sdelay $0x1  }
0x927: {  	v4 =	vadd.f32 v4, v5  }
0x928: {  	v5 =	vld [tilespmem:s21+$0x400]  }
0x929: {  	[tilespmem:s21+$0x70] =	vst v4  }
0x92a: {  	v4 =	vld [tilespmem:s7+$0x400];
	_ =	sdelay $0x2  }
0x92b: {  	v5 =	vmul.f32 v5, v3;
	_ =	sdelay $0x1  }
0x92c: {  	v4 =	vadd.f32 v4, v5  }
0x92d: {  	v5 =	vld [tilespmem:s21+$0x410]  }
0x92e: {  	[tilespmem:s21+$0x400] =	vst v4  }
0x92f: {  	v4 =	vld [tilespmem:s7+$0x410];
	_ =	sdelay $0x2  }
0x930: {  	v5 =	vmul.f32 v5, v3;
	_ =	sdelay $0x1  }
0x931: {  	v4 =	vadd.f32 v4, v5  }
0x932: {  	v5 =	vld [tilespmem:s21+$0x420]  }
0x933: {  	[tilespmem:s21+$0x410] =	vst v4  }
0x934: {  	v4 =	vld [tilespmem:s7+$0x420];
	_ =	sdelay $0x2  }
0x935: {  	v5 =	vmul.f32 v5, v3;
	_ =	sdelay $0x1  }
0x936: {  	v4 =	vadd.f32 v4, v5  }
0x937: {  	v5 =	vld [tilespmem:s21+$0x430]  }
0x938: {  	[tilespmem:s21+$0x420] =	vst v4  }
0x939: {  	v4 =	vld [tilespmem:s7+$0x430];
	_ =	sdelay $0x2  }
0x93a: {  	v5 =	vmul.f32 v5, v3;
	_ =	sdelay $0x1  }
0x93b: {  	v4 =	vadd.f32 v4, v5  }
0x93c: {  	v5 =	vld [tilespmem:s21+$0x440]  }
0x93d: {  	[tilespmem:s21+$0x430] =	vst v4  }
0x93e: {  	v4 =	vld [tilespmem:s7+$0x440];
	_ =	sdelay $0x2  }
0x93f: {  	v5 =	vmul.f32 v5, v3;
	_ =	sdelay $0x1  }
0x940: {  	v4 =	vadd.f32 v4, v5  }
0x941: {  	v5 =	vld [tilespmem:s21+$0x450]  }
0x942: {  	[tilespmem:s21+$0x440] =	vst v4  }
0x943: {  	v4 =	vld [tilespmem:s7+$0x450];
	_ =	sdelay $0x2  }
0x944: {  	v5 =	vmul.f32 v5, v3;
	_ =	sdelay $0x1  }
0x945: {  	v4 =	vadd.f32 v4, v5  }
0x946: {  	v5 =	vld [tilespmem:s21+$0x460]  }
0x947: {  	[tilespmem:s21+$0x450] =	vst v4  }
0x948: {  	v4 =	vld [tilespmem:s7+$0x460];
	_ =	sdelay $0x2  }
0x949: {  	v5 =	vmul.f32 v5, v3;
	_ =	sdelay $0x1  }
0x94a: {  	v4 =	vadd.f32 v4, v5  }
0x94b: {  	v5 =	vld [tilespmem:s21+$0x470]  }
0x94c: {  	[tilespmem:s21+$0x460] =	vst v4  }
0x94d: {  	v4 =	vld [tilespmem:s7+$0x470];
	_ =	sdelay $0x2  }
0x94e: {  	v5 =	vmul.f32 v5, v3;
	_ =	sdelay $0x1  }
0x94f: {  	v4 =	vadd.f32 v4, v5  }
0x950: {  	v5 =	vld [tilespmem:s21+$0x800]  }
0x951: {  	[tilespmem:s21+$0x470] =	vst v4  }
0x952: {  	v4 =	vld [tilespmem:s7+$0x800];
	_ =	sdelay $0x2  }
0x953: {  	v5 =	vmul.f32 v5, v3;
	_ =	sdelay $0x1  }
0x954: {  	v4 =	vadd.f32 v4, v5  }
0x955: {  	v5 =	vld [tilespmem:s21+$0x810]  }
0x956: {  	[tilespmem:s21+$0x800] =	vst v4  }
0x957: {  	v4 =	vld [tilespmem:s7+$0x810];
	_ =	sdelay $0x2  }
0x958: {  	v5 =	vmul.f32 v5, v3;
	_ =	sdelay $0x1  }
0x959: {  	v4 =	vadd.f32 v4, v5  }
0x95a: {  	v5 =	vld [tilespmem:s21+$0x820]  }
0x95b: {  	[tilespmem:s21+$0x810] =	vst v4  }
0x95c: {  	v4 =	vld [tilespmem:s7+$0x820];
	_ =	sdelay $0x2  }
0x95d: {  	v5 =	vmul.f32 v5, v3;
	_ =	sdelay $0x1  }
0x95e: {  	v4 =	vadd.f32 v4, v5  }
0x95f: {  	v5 =	vld [tilespmem:s21+$0x830]  }
0x960: {  	[tilespmem:s21+$0x820] =	vst v4  }
0x961: {  	v4 =	vld [tilespmem:s7+$0x830];
	_ =	sdelay $0x2  }
0x962: {  	v5 =	vmul.f32 v5, v3;
	_ =	sdelay $0x1  }
0x963: {  	v4 =	vadd.f32 v4, v5  }
0x964: {  	v5 =	vld [tilespmem:s21+$0x840]  }
0x965: {  	[tilespmem:s21+$0x830] =	vst v4  }
0x966: {  	v4 =	vld [tilespmem:s7+$0x840];
	_ =	sdelay $0x2  }
0x967: {  	v5 =	vmul.f32 v5, v3;
	_ =	sdelay $0x1  }
0x968: {  	v4 =	vadd.f32 v4, v5  }
0x969: {  	v5 =	vld [tilespmem:s21+$0x850]  }
0x96a: {  	[tilespmem:s21+$0x840] =	vst v4  }
0x96b: {  	v4 =	vld [tilespmem:s7+$0x850];
	_ =	sdelay $0x2  }
0x96c: {  	v5 =	vmul.f32 v5, v3;
	_ =	sdelay $0x1  }
0x96d: {  	v4 =	vadd.f32 v4, v5  }
0x96e: {  	v5 =	vld [tilespmem:s21+$0x860]  }
0x96f: {  	[tilespmem:s21+$0x850] =	vst v4  }
0x970: {  	v4 =	vld [tilespmem:s7+$0x860];
	_ =	sdelay $0x2  }
0x971: {  	v5 =	vmul.f32 v5, v3;
	_ =	sdelay $0x1  }
0x972: {  	v4 =	vadd.f32 v4, v5  }
0x973: {  	v5 =	vld [tilespmem:s21+$0x870]  }
0x974: {  	[tilespmem:s21+$0x860] =	vst v4  }
0x975: {  	v4 =	vld [tilespmem:s7+$0x870];
	_ =	sdelay $0x2  }
0x976: {  	v5 =	vmul.f32 v5, v3;
	_ =	sdelay $0x1  }
0x977: {  	v4 =	vadd.f32 v4, v5  }
0x978: {  	v5 =	vld [tilespmem:s21+$0xC00]  }
0x979: {  	[tilespmem:s21+$0x870] =	vst v4  }
0x97a: {  	v4 =	vld [tilespmem:s7+$0xC00];
	_ =	sdelay $0x2  }
0x97b: {  	v5 =	vmul.f32 v5, v3;
	_ =	sdelay $0x1  }
0x97c: {  	v4 =	vadd.f32 v4, v5  }
0x97d: {  	v5 =	vld [tilespmem:s21+$0xC10]  }
0x97e: {  	[tilespmem:s21+$0xC00] =	vst v4  }
0x97f: {  	v4 =	vld [tilespmem:s7+$0xC10];
	_ =	sdelay $0x2  }
0x980: {  	v5 =	vmul.f32 v5, v3;
	_ =	sdelay $0x1  }
0x981: {  	v4 =	vadd.f32 v4, v5  }
0x982: {  	v5 =	vld [tilespmem:s21+$0xC20]  }
0x983: {  	[tilespmem:s21+$0xC10] =	vst v4  }
0x984: {  	v4 =	vld [tilespmem:s7+$0xC20];
	_ =	sdelay $0x2  }
0x985: {  	v5 =	vmul.f32 v5, v3;
	_ =	sdelay $0x1  }
0x986: {  	v4 =	vadd.f32 v4, v5  }
0x987: {  	v5 =	vld [tilespmem:s21+$0xC30]  }
0x988: {  	[tilespmem:s21+$0xC20] =	vst v4  }
0x989: {  	v4 =	vld [tilespmem:s7+$0xC30];
	_ =	sdelay $0x2  }
0x98a: {  	v5 =	vmul.f32 v5, v3;
	_ =	sdelay $0x1  }
0x98b: {  	v4 =	vadd.f32 v4, v5  }
0x98c: {  	v5 =	vld [tilespmem:s21+$0xC40]  }
0x98d: {  	[tilespmem:s21+$0xC30] =	vst v4  }
0x98e: {  	v4 =	vld [tilespmem:s7+$0xC40];
	_ =	sdelay $0x2  }
0x98f: {  	v5 =	vmul.f32 v5, v3;
	_ =	sdelay $0x1  }
0x990: {  	v4 =	vadd.f32 v4, v5  }
0x991: {  	v5 =	vld [tilespmem:s21+$0xC50]  }
0x992: {  	[tilespmem:s21+$0xC40] =	vst v4  }
0x993: {  	v4 =	vld [tilespmem:s7+$0xC50];
	_ =	sdelay $0x2  }
0x994: {  	v5 =	vmul.f32 v5, v3;
	_ =	sdelay $0x1  }
0x995: {  	v4 =	vadd.f32 v4, v5  }
0x996: {  	v5 =	vld [tilespmem:s21+$0xC60]  }
0x997: {  	[tilespmem:s21+$0xC50] =	vst v4  }
0x998: {  	v4 =	vld [tilespmem:s7+$0xC60];
	_ =	sdelay $0x2  }
0x999: {  	v5 =	vmul.f32 v5, v3;
	_ =	sdelay $0x1  }
0x99a: {  	v4 =	vadd.f32 v4, v5  }
0x99b: {  	v5 =	vld [tilespmem:s21+$0xC70]  }
0x99c: {  	[tilespmem:s21+$0xC60] =	vst v4  }
0x99d: {  	v6 =	vld [tilespmem:s7+$0xC70];
	_ =	sdelay $0x1  }
0x99e: {  	s30 =	simm.s32 $0x1  }
0x99f: {  	s31 =	simm.s32 $0x80;
	v4 =	vmov s30;
	v3 =	vmul.f32 v5, v3  }
0x9a0: {  	s12 =	simm.s32 $0x2;
	s23 =	sand.u32 $0x380, s31;
	s22 =	sadd.s32 $0x1, s2  }
0x9a1: {  	p1 =	seq.s32 s22, $0x32;
	s9 =	simm.s32 $0x200;
	s7 =	simm.s32 $0x100;
	v3 =	vadd.f32 v6, v3  }
.LBB2_11:
0x9a2: {  	s2 =	sand.u32 $0x3000, s9  }
0x9a3: {  	[tilespmem:s21+$0xC70] =	vst v3;
	s22 =	simm.s32 @p1 $0x0;
	s24 =	smov.u32 s12;
	s10 =	sadd.s32 $0x1, s12  }
0x9a4: {  	v3 =	vld.idx.msk [tilespmem:v4+s15+$0x0], $0xffff;
	s20 =	sor.u32 s23, s2;
	s2 =	sshll.u32 s22, $0x9;
	s21 =	sshll.u32 s22, $0x7  }
0x9a5: {  	s23 =	sand.u32 $0x380, s7;
	v4 =	vld [tilespmem:s20+$0x17680];
	s2 =	sand.u32 $0xFFFFF000, s2;
	s21 =	sand.u32 $0x380, s21  }
0x9a6: {  	p0 =	sne.s32 s12, $0x1F;
	s2 =	sor.u32 s21, s2  }
0x9a7: {  	v5 =	vld [tilespmem:s2+$0x0];
	_ =	sdelay $0x2  }
0x9a8: {  	v4 =	vmul.f32 v4, v3;
	_ =	sdelay $0x1  }
0x9a9: {  	v4 =	vadd.f32 v5, v4;
	_ =	sdelay $0x1  }
0x9aa: {  	s21 =	sadd.s32 $0x17680, s20;
	[tilespmem:s20+$0x17680] =	vst v4  }
0x9ab: {  	v4 =	vld [tilespmem:s21+$0x10];
	_ =	sdelay $0x1  }
0x9ac: {  	v5 =	vld [tilespmem:s2+$0x10];
	_ =	sdelay $0x2  }
0x9ad: {  	v4 =	vmul.f32 v4, v3;
	_ =	sdelay $0x1  }
0x9ae: {  	v4 =	vadd.f32 v5, v4  }
0x9af: {  	v5 =	vld [tilespmem:s21+$0x20]  }
0x9b0: {  	[tilespmem:s21+$0x10] =	vst v4  }
0x9b1: {  	v4 =	vld [tilespmem:s2+$0x20];
	_ =	sdelay $0x2  }
0x9b2: {  	v5 =	vmul.f32 v5, v3;
	_ =	sdelay $0x1  }
0x9b3: {  	v4 =	vadd.f32 v4, v5  }
0x9b4: {  	v5 =	vld [tilespmem:s21+$0x30]  }
0x9b5: {  	[tilespmem:s21+$0x20] =	vst v4  }
0x9b6: {  	v4 =	vld [tilespmem:s2+$0x30];
	_ =	sdelay $0x2  }
0x9b7: {  	v5 =	vmul.f32 v5, v3;
	_ =	sdelay $0x1  }
0x9b8: {  	v4 =	vadd.f32 v4, v5  }
0x9b9: {  	v5 =	vld [tilespmem:s21+$0x40]  }
0x9ba: {  	[tilespmem:s21+$0x30] =	vst v4  }
0x9bb: {  	v4 =	vld [tilespmem:s2+$0x40];
	_ =	sdelay $0x2  }
0x9bc: {  	v5 =	vmul.f32 v5, v3;
	_ =	sdelay $0x1  }
0x9bd: {  	v4 =	vadd.f32 v4, v5  }
0x9be: {  	v5 =	vld [tilespmem:s21+$0x50]  }
0x9bf: {  	[tilespmem:s21+$0x40] =	vst v4  }
0x9c0: {  	v4 =	vld [tilespmem:s2+$0x50];
	_ =	sdelay $0x2  }
0x9c1: {  	v5 =	vmul.f32 v5, v3;
	_ =	sdelay $0x1  }
0x9c2: {  	v4 =	vadd.f32 v4, v5  }
0x9c3: {  	v5 =	vld [tilespmem:s21+$0x60]  }
0x9c4: {  	[tilespmem:s21+$0x50] =	vst v4  }
0x9c5: {  	v4 =	vld [tilespmem:s2+$0x60];
	_ =	sdelay $0x2  }
0x9c6: {  	v5 =	vmul.f32 v5, v3;
	_ =	sdelay $0x1  }
0x9c7: {  	v4 =	vadd.f32 v4, v5  }
0x9c8: {  	v5 =	vld [tilespmem:s21+$0x70]  }
0x9c9: {  	[tilespmem:s21+$0x60] =	vst v4  }
0x9ca: {  	v4 =	vld [tilespmem:s2+$0x70];
	_ =	sdelay $0x2  }
0x9cb: {  	v5 =	vmul.f32 v5, v3;
	_ =	sdelay $0x1  }
0x9cc: {  	v4 =	vadd.f32 v4, v5  }
0x9cd: {  	v5 =	vld [tilespmem:s21+$0x400]  }
0x9ce: {  	[tilespmem:s21+$0x70] =	vst v4  }
0x9cf: {  	v4 =	vld [tilespmem:s2+$0x400];
	_ =	sdelay $0x2  }
0x9d0: {  	v5 =	vmul.f32 v5, v3;
	_ =	sdelay $0x1  }
0x9d1: {  	v4 =	vadd.f32 v4, v5  }
0x9d2: {  	v5 =	vld [tilespmem:s21+$0x410]  }
0x9d3: {  	[tilespmem:s21+$0x400] =	vst v4  }
0x9d4: {  	v4 =	vld [tilespmem:s2+$0x410];
	_ =	sdelay $0x2  }
0x9d5: {  	v5 =	vmul.f32 v5, v3;
	_ =	sdelay $0x1  }
0x9d6: {  	v4 =	vadd.f32 v4, v5  }
0x9d7: {  	v5 =	vld [tilespmem:s21+$0x420]  }
0x9d8: {  	[tilespmem:s21+$0x410] =	vst v4  }
0x9d9: {  	v4 =	vld [tilespmem:s2+$0x420];
	_ =	sdelay $0x2  }
0x9da: {  	v5 =	vmul.f32 v5, v3;
	_ =	sdelay $0x1  }
0x9db: {  	v4 =	vadd.f32 v4, v5  }
0x9dc: {  	v5 =	vld [tilespmem:s21+$0x430]  }
0x9dd: {  	[tilespmem:s21+$0x420] =	vst v4  }
0x9de: {  	v4 =	vld [tilespmem:s2+$0x430];
	_ =	sdelay $0x2  }
0x9df: {  	v5 =	vmul.f32 v5, v3;
	_ =	sdelay $0x1  }
0x9e0: {  	v4 =	vadd.f32 v4, v5  }
0x9e1: {  	v5 =	vld [tilespmem:s21+$0x440]  }
0x9e2: {  	[tilespmem:s21+$0x430] =	vst v4  }
0x9e3: {  	v4 =	vld [tilespmem:s2+$0x440];
	_ =	sdelay $0x2  }
0x9e4: {  	v5 =	vmul.f32 v5, v3;
	_ =	sdelay $0x1  }
0x9e5: {  	v4 =	vadd.f32 v4, v5  }
0x9e6: {  	v5 =	vld [tilespmem:s21+$0x450]  }
0x9e7: {  	[tilespmem:s21+$0x440] =	vst v4  }
0x9e8: {  	v4 =	vld [tilespmem:s2+$0x450];
	_ =	sdelay $0x2  }
0x9e9: {  	v5 =	vmul.f32 v5, v3;
	_ =	sdelay $0x1  }
0x9ea: {  	v4 =	vadd.f32 v4, v5  }
0x9eb: {  	v5 =	vld [tilespmem:s21+$0x460]  }
0x9ec: {  	[tilespmem:s21+$0x450] =	vst v4  }
0x9ed: {  	v4 =	vld [tilespmem:s2+$0x460];
	_ =	sdelay $0x2  }
0x9ee: {  	v5 =	vmul.f32 v5, v3;
	_ =	sdelay $0x1  }
0x9ef: {  	v4 =	vadd.f32 v4, v5  }
0x9f0: {  	v5 =	vld [tilespmem:s21+$0x470]  }
0x9f1: {  	[tilespmem:s21+$0x460] =	vst v4  }
0x9f2: {  	v4 =	vld [tilespmem:s2+$0x470];
	_ =	sdelay $0x2  }
0x9f3: {  	v5 =	vmul.f32 v5, v3;
	_ =	sdelay $0x1  }
0x9f4: {  	v4 =	vadd.f32 v4, v5  }
0x9f5: {  	v5 =	vld [tilespmem:s21+$0x800]  }
0x9f6: {  	[tilespmem:s21+$0x470] =	vst v4  }
0x9f7: {  	v4 =	vld [tilespmem:s2+$0x800];
	_ =	sdelay $0x2  }
0x9f8: {  	v5 =	vmul.f32 v5, v3;
	_ =	sdelay $0x1  }
0x9f9: {  	v4 =	vadd.f32 v4, v5  }
0x9fa: {  	v5 =	vld [tilespmem:s21+$0x810]  }
0x9fb: {  	[tilespmem:s21+$0x800] =	vst v4  }
0x9fc: {  	v4 =	vld [tilespmem:s2+$0x810];
	_ =	sdelay $0x2  }
0x9fd: {  	v5 =	vmul.f32 v5, v3;
	_ =	sdelay $0x1  }
0x9fe: {  	v4 =	vadd.f32 v4, v5  }
0x9ff: {  	v5 =	vld [tilespmem:s21+$0x820]  }
0xa00: {  	[tilespmem:s21+$0x810] =	vst v4  }
0xa01: {  	v4 =	vld [tilespmem:s2+$0x820];
	_ =	sdelay $0x2  }
0xa02: {  	v5 =	vmul.f32 v5, v3;
	_ =	sdelay $0x1  }
0xa03: {  	v4 =	vadd.f32 v4, v5  }
0xa04: {  	v5 =	vld [tilespmem:s21+$0x830]  }
0xa05: {  	[tilespmem:s21+$0x820] =	vst v4  }
0xa06: {  	v4 =	vld [tilespmem:s2+$0x830];
	_ =	sdelay $0x2  }
0xa07: {  	v5 =	vmul.f32 v5, v3;
	_ =	sdelay $0x1  }
0xa08: {  	v4 =	vadd.f32 v4, v5  }
0xa09: {  	v5 =	vld [tilespmem:s21+$0x840]  }
0xa0a: {  	[tilespmem:s21+$0x830] =	vst v4  }
0xa0b: {  	v4 =	vld [tilespmem:s2+$0x840];
	_ =	sdelay $0x2  }
0xa0c: {  	v5 =	vmul.f32 v5, v3;
	_ =	sdelay $0x1  }
0xa0d: {  	v4 =	vadd.f32 v4, v5  }
0xa0e: {  	v5 =	vld [tilespmem:s21+$0x850]  }
0xa0f: {  	[tilespmem:s21+$0x840] =	vst v4  }
0xa10: {  	v4 =	vld [tilespmem:s2+$0x850];
	_ =	sdelay $0x2  }
0xa11: {  	v5 =	vmul.f32 v5, v3;
	_ =	sdelay $0x1  }
0xa12: {  	v4 =	vadd.f32 v4, v5  }
0xa13: {  	v5 =	vld [tilespmem:s21+$0x860]  }
0xa14: {  	[tilespmem:s21+$0x850] =	vst v4  }
0xa15: {  	v4 =	vld [tilespmem:s2+$0x860];
	_ =	sdelay $0x2  }
0xa16: {  	v5 =	vmul.f32 v5, v3;
	_ =	sdelay $0x1  }
0xa17: {  	v4 =	vadd.f32 v4, v5  }
0xa18: {  	v5 =	vld [tilespmem:s21+$0x870]  }
0xa19: {  	[tilespmem:s21+$0x860] =	vst v4  }
0xa1a: {  	v4 =	vld [tilespmem:s2+$0x870];
	_ =	sdelay $0x2  }
0xa1b: {  	v5 =	vmul.f32 v5, v3;
	_ =	sdelay $0x1  }
0xa1c: {  	v4 =	vadd.f32 v4, v5  }
0xa1d: {  	v5 =	vld [tilespmem:s21+$0xC00]  }
0xa1e: {  	[tilespmem:s21+$0x870] =	vst v4  }
0xa1f: {  	v4 =	vld [tilespmem:s2+$0xC00];
	_ =	sdelay $0x2  }
0xa20: {  	v5 =	vmul.f32 v5, v3;
	_ =	sdelay $0x1  }
0xa21: {  	v4 =	vadd.f32 v4, v5  }
0xa22: {  	v5 =	vld [tilespmem:s21+$0xC10]  }
0xa23: {  	[tilespmem:s21+$0xC00] =	vst v4  }
0xa24: {  	v4 =	vld [tilespmem:s2+$0xC10];
	_ =	sdelay $0x2  }
0xa25: {  	v5 =	vmul.f32 v5, v3;
	_ =	sdelay $0x1  }
0xa26: {  	v4 =	vadd.f32 v4, v5  }
0xa27: {  	v5 =	vld [tilespmem:s21+$0xC20]  }
0xa28: {  	[tilespmem:s21+$0xC10] =	vst v4  }
0xa29: {  	v4 =	vld [tilespmem:s2+$0xC20];
	_ =	sdelay $0x2  }
0xa2a: {  	v5 =	vmul.f32 v5, v3;
	_ =	sdelay $0x1  }
0xa2b: {  	v4 =	vadd.f32 v4, v5  }
0xa2c: {  	v5 =	vld [tilespmem:s21+$0xC30]  }
0xa2d: {  	[tilespmem:s21+$0xC20] =	vst v4  }
0xa2e: {  	v4 =	vld [tilespmem:s2+$0xC30];
	_ =	sdelay $0x2  }
0xa2f: {  	v5 =	vmul.f32 v5, v3;
	_ =	sdelay $0x1  }
0xa30: {  	v4 =	vadd.f32 v4, v5  }
0xa31: {  	v5 =	vld [tilespmem:s21+$0xC40]  }
0xa32: {  	[tilespmem:s21+$0xC30] =	vst v4  }
0xa33: {  	v4 =	vld [tilespmem:s2+$0xC40];
	_ =	sdelay $0x2  }
0xa34: {  	v5 =	vmul.f32 v5, v3;
	_ =	sdelay $0x1  }
0xa35: {  	v4 =	vadd.f32 v4, v5  }
0xa36: {  	v5 =	vld [tilespmem:s21+$0xC50]  }
0xa37: {  	[tilespmem:s21+$0xC40] =	vst v4  }
0xa38: {  	v4 =	vld [tilespmem:s2+$0xC50];
	_ =	sdelay $0x2  }
0xa39: {  	v5 =	vmul.f32 v5, v3;
	_ =	sdelay $0x1  }
0xa3a: {  	v4 =	vadd.f32 v4, v5  }
0xa3b: {  	v5 =	vld [tilespmem:s21+$0xC60]  }
0xa3c: {  	[tilespmem:s21+$0xC50] =	vst v4  }
0xa3d: {  	v4 =	vld [tilespmem:s2+$0xC60];
	_ =	sdelay $0x2  }
0xa3e: {  	v5 =	vmul.f32 v5, v3;
	_ =	sdelay $0x1  }
0xa3f: {  	v4 =	vadd.f32 v4, v5  }
0xa40: {  	v5 =	vld [tilespmem:s21+$0xC70]  }
0xa41: {  	[tilespmem:s21+$0xC60] =	vst v4  }
0xa42: {  	v6 =	vld [tilespmem:s2+$0xC70];
	_ =	sdelay $0x1  }
.Ltmp4:
0xa43: {  	(pc) =	sbr.rel @p0 .LBB2_11-.Ltmp4, $3  }
0xa44: {  	v4 =	vmov s24;
	v3 =	vmul.f32 v5, v3;
	_ =	sdelay $0x1  }
0xa45: {  	s9 =	sadd.s32 $0x200, s9;
	s22 =	sadd.s32 $0x1, s22;
	v3 =	vadd.f32 v6, v3  }
0xa46: {  	s7 =	sadd.s32 $0x80, s7;
	s12 =	smov.u32 s10;
	p1 =	seq.s32 s22, $0x32  }
0xa47: {  	_ =	sdelay $0x2  }
0xa48: {  	s2 =	sand.u32 $0x3000, s9;
	[tilespmem:s21+$0xC70] =	vst v3;
	s22 =	simm.s32 @p1 $0x0  }
0xa49: {  	v3 =	vld.idx.msk [tilespmem:v4+s15+$0x0], $0xffff;
	s9 =	sor.u32 s23, s2;
	s28 =	sshll.u32 s22, $0x9;
	s7 =	sshll.u32 s22, $0x7  }
0xa4a: {  	v32 =	vld [tilespmem:s9+$0x17680];
	s2 =	sand.u32 $0xFFFFF000, s28;
	s7 =	sand.u32 $0x380, s7  }
0xa4b: {  	s2 =	sor.u32 s7, s2  }
0xa4c: {  	v5 =	vld [tilespmem:s2+$0x0];
	_ =	sdelay $0x2  }
0xa4d: {  	v4 =	vmul.f32 v32, v3;
	_ =	sdelay $0x1  }
0xa4e: {  	v4 =	vadd.f32 v5, v4;
	_ =	sdelay $0x1  }
0xa4f: {  	s30 =	sadd.s32 $0x17680, s9;
	[tilespmem:s9+$0x17680] =	vst v4  }
0xa50: {  	v4 =	vld [tilespmem:s30+$0x10];
	_ =	sdelay $0x1  }
0xa51: {  	v33 =	vld [tilespmem:s2+$0x10];
	_ =	sdelay $0x2  }
0xa52: {  	v4 =	vmul.f32 v4, v3;
	_ =	sdelay $0x1  }
0xa53: {  	v4 =	vadd.f32 v33, v4  }
0xa54: {  	v34 =	vld [tilespmem:s30+$0x20]  }
0xa55: {  	[tilespmem:s30+$0x10] =	vst v4  }
0xa56: {  	v4 =	vld [tilespmem:s2+$0x20];
	_ =	sdelay $0x2  }
0xa57: {  	v5 =	vmul.f32 v34, v3;
	_ =	sdelay $0x1  }
0xa58: {  	v4 =	vadd.f32 v4, v5  }
0xa59: {  	v35 =	vld [tilespmem:s30+$0x30]  }
0xa5a: {  	[tilespmem:s30+$0x20] =	vst v4  }
0xa5b: {  	v4 =	vld [tilespmem:s2+$0x30];
	_ =	sdelay $0x2  }
0xa5c: {  	v5 =	vmul.f32 v35, v3;
	_ =	sdelay $0x1  }
0xa5d: {  	v4 =	vadd.f32 v4, v5  }
0xa5e: {  	v36 =	vld [tilespmem:s30+$0x40]  }
0xa5f: {  	[tilespmem:s30+$0x30] =	vst v4  }
0xa60: {  	v4 =	vld [tilespmem:s2+$0x40];
	_ =	sdelay $0x2  }
0xa61: {  	v5 =	vmul.f32 v36, v3;
	_ =	sdelay $0x1  }
0xa62: {  	v4 =	vadd.f32 v4, v5  }
0xa63: {  	v37 =	vld [tilespmem:s30+$0x50]  }
0xa64: {  	[tilespmem:s30+$0x40] =	vst v4  }
0xa65: {  	v4 =	vld [tilespmem:s2+$0x50];
	_ =	sdelay $0x2  }
0xa66: {  	v5 =	vmul.f32 v37, v3;
	_ =	sdelay $0x1  }
0xa67: {  	v4 =	vadd.f32 v4, v5  }
0xa68: {  	v38 =	vld [tilespmem:s30+$0x60]  }
0xa69: {  	[tilespmem:s30+$0x50] =	vst v4  }
0xa6a: {  	v4 =	vld [tilespmem:s2+$0x60];
	_ =	sdelay $0x2  }
0xa6b: {  	v5 =	vmul.f32 v38, v3;
	_ =	sdelay $0x1  }
0xa6c: {  	v4 =	vadd.f32 v4, v5  }
0xa6d: {  	v39 =	vld [tilespmem:s30+$0x70]  }
0xa6e: {  	[tilespmem:s30+$0x60] =	vst v4  }
0xa6f: {  	v4 =	vld [tilespmem:s2+$0x70];
	_ =	sdelay $0x2  }
0xa70: {  	v5 =	vmul.f32 v39, v3;
	_ =	sdelay $0x1  }
0xa71: {  	v4 =	vadd.f32 v4, v5  }
0xa72: {  	v40 =	vld [tilespmem:s30+$0x400]  }
0xa73: {  	[tilespmem:s30+$0x70] =	vst v4  }
0xa74: {  	v4 =	vld [tilespmem:s2+$0x400];
	_ =	sdelay $0x2  }
0xa75: {  	v5 =	vmul.f32 v40, v3;
	_ =	sdelay $0x1  }
0xa76: {  	v4 =	vadd.f32 v4, v5  }
0xa77: {  	v41 =	vld [tilespmem:s30+$0x410]  }
0xa78: {  	[tilespmem:s30+$0x400] =	vst v4  }
0xa79: {  	v4 =	vld [tilespmem:s2+$0x410];
	_ =	sdelay $0x2  }
0xa7a: {  	v5 =	vmul.f32 v41, v3;
	_ =	sdelay $0x1  }
0xa7b: {  	v4 =	vadd.f32 v4, v5  }
0xa7c: {  	v42 =	vld [tilespmem:s30+$0x420]  }
0xa7d: {  	[tilespmem:s30+$0x410] =	vst v4  }
0xa7e: {  	v4 =	vld [tilespmem:s2+$0x420];
	_ =	sdelay $0x2  }
0xa7f: {  	v5 =	vmul.f32 v42, v3;
	_ =	sdelay $0x1  }
0xa80: {  	v4 =	vadd.f32 v4, v5  }
0xa81: {  	v43 =	vld [tilespmem:s30+$0x430]  }
0xa82: {  	[tilespmem:s30+$0x420] =	vst v4  }
0xa83: {  	v4 =	vld [tilespmem:s2+$0x430];
	_ =	sdelay $0x2  }
0xa84: {  	v5 =	vmul.f32 v43, v3;
	_ =	sdelay $0x1  }
0xa85: {  	v4 =	vadd.f32 v4, v5  }
0xa86: {  	v44 =	vld [tilespmem:s30+$0x440]  }
0xa87: {  	[tilespmem:s30+$0x430] =	vst v4  }
0xa88: {  	v4 =	vld [tilespmem:s2+$0x440];
	_ =	sdelay $0x2  }
0xa89: {  	v5 =	vmul.f32 v44, v3;
	_ =	sdelay $0x1  }
0xa8a: {  	v4 =	vadd.f32 v4, v5  }
0xa8b: {  	v45 =	vld [tilespmem:s30+$0x450]  }
0xa8c: {  	[tilespmem:s30+$0x440] =	vst v4  }
0xa8d: {  	v4 =	vld [tilespmem:s2+$0x450];
	_ =	sdelay $0x2  }
0xa8e: {  	v5 =	vmul.f32 v45, v3;
	_ =	sdelay $0x1  }
0xa8f: {  	v4 =	vadd.f32 v4, v5  }
0xa90: {  	v46 =	vld [tilespmem:s30+$0x460]  }
0xa91: {  	[tilespmem:s30+$0x450] =	vst v4  }
0xa92: {  	v4 =	vld [tilespmem:s2+$0x460];
	_ =	sdelay $0x2  }
0xa93: {  	v5 =	vmul.f32 v46, v3;
	_ =	sdelay $0x1  }
0xa94: {  	v4 =	vadd.f32 v4, v5  }
0xa95: {  	v47 =	vld [tilespmem:s30+$0x470]  }
0xa96: {  	[tilespmem:s30+$0x460] =	vst v4  }
0xa97: {  	v4 =	vld [tilespmem:s2+$0x470];
	_ =	sdelay $0x2  }
0xa98: {  	v5 =	vmul.f32 v47, v3;
	_ =	sdelay $0x1  }
0xa99: {  	v4 =	vadd.f32 v4, v5  }
0xa9a: {  	v48 =	vld [tilespmem:s30+$0x800]  }
0xa9b: {  	[tilespmem:s30+$0x470] =	vst v4  }
0xa9c: {  	v4 =	vld [tilespmem:s2+$0x800];
	_ =	sdelay $0x2  }
0xa9d: {  	v5 =	vmul.f32 v48, v3;
	_ =	sdelay $0x1  }
0xa9e: {  	v4 =	vadd.f32 v4, v5  }
0xa9f: {  	v49 =	vld [tilespmem:s30+$0x810]  }
0xaa0: {  	[tilespmem:s30+$0x800] =	vst v4  }
0xaa1: {  	v4 =	vld [tilespmem:s2+$0x810];
	_ =	sdelay $0x2  }
0xaa2: {  	v5 =	vmul.f32 v49, v3;
	_ =	sdelay $0x1  }
0xaa3: {  	v4 =	vadd.f32 v4, v5  }
0xaa4: {  	v50 =	vld [tilespmem:s30+$0x820]  }
0xaa5: {  	[tilespmem:s30+$0x810] =	vst v4  }
0xaa6: {  	v4 =	vld [tilespmem:s2+$0x820];
	_ =	sdelay $0x2  }
0xaa7: {  	v5 =	vmul.f32 v50, v3;
	_ =	sdelay $0x1  }
0xaa8: {  	v4 =	vadd.f32 v4, v5  }
0xaa9: {  	v51 =	vld [tilespmem:s30+$0x830]  }
0xaaa: {  	[tilespmem:s30+$0x820] =	vst v4  }
0xaab: {  	v4 =	vld [tilespmem:s2+$0x830];
	_ =	sdelay $0x2  }
0xaac: {  	v5 =	vmul.f32 v51, v3;
	_ =	sdelay $0x1  }
0xaad: {  	v4 =	vadd.f32 v4, v5  }
0xaae: {  	v52 =	vld [tilespmem:s30+$0x840]  }
0xaaf: {  	[tilespmem:s30+$0x830] =	vst v4  }
0xab0: {  	v4 =	vld [tilespmem:s2+$0x840];
	_ =	sdelay $0x2  }
0xab1: {  	v5 =	vmul.f32 v52, v3;
	_ =	sdelay $0x1  }
0xab2: {  	v4 =	vadd.f32 v4, v5  }
0xab3: {  	v53 =	vld [tilespmem:s30+$0x850]  }
0xab4: {  	[tilespmem:s30+$0x840] =	vst v4  }
0xab5: {  	v4 =	vld [tilespmem:s2+$0x850];
	_ =	sdelay $0x2  }
0xab6: {  	v5 =	vmul.f32 v53, v3;
	_ =	sdelay $0x1  }
0xab7: {  	v4 =	vadd.f32 v4, v5  }
0xab8: {  	v54 =	vld [tilespmem:s30+$0x860]  }
0xab9: {  	[tilespmem:s30+$0x850] =	vst v4  }
0xaba: {  	v4 =	vld [tilespmem:s2+$0x860];
	_ =	sdelay $0x2  }
0xabb: {  	v5 =	vmul.f32 v54, v3;
	_ =	sdelay $0x1  }
0xabc: {  	v4 =	vadd.f32 v4, v5  }
0xabd: {  	v55 =	vld [tilespmem:s30+$0x870]  }
0xabe: {  	[tilespmem:s30+$0x860] =	vst v4  }
0xabf: {  	v4 =	vld [tilespmem:s2+$0x870];
	_ =	sdelay $0x2  }
0xac0: {  	v5 =	vmul.f32 v55, v3;
	_ =	sdelay $0x1  }
0xac1: {  	v4 =	vadd.f32 v4, v5  }
0xac2: {  	v56 =	vld [tilespmem:s30+$0xC00]  }
0xac3: {  	[tilespmem:s30+$0x870] =	vst v4  }
0xac4: {  	v4 =	vld [tilespmem:s2+$0xC00];
	_ =	sdelay $0x2  }
0xac5: {  	v5 =	vmul.f32 v56, v3;
	_ =	sdelay $0x1  }
0xac6: {  	v4 =	vadd.f32 v4, v5  }
0xac7: {  	v57 =	vld [tilespmem:s30+$0xC10]  }
0xac8: {  	[tilespmem:s30+$0xC00] =	vst v4  }
0xac9: {  	v4 =	vld [tilespmem:s2+$0xC10];
	_ =	sdelay $0x2  }
0xaca: {  	v5 =	vmul.f32 v57, v3;
	_ =	sdelay $0x1  }
0xacb: {  	v4 =	vadd.f32 v4, v5  }
0xacc: {  	v58 =	vld [tilespmem:s30+$0xC20]  }
0xacd: {  	[tilespmem:s30+$0xC10] =	vst v4  }
0xace: {  	v4 =	vld [tilespmem:s2+$0xC20];
	_ =	sdelay $0x2  }
0xacf: {  	v5 =	vmul.f32 v58, v3;
	_ =	sdelay $0x1  }
0xad0: {  	v4 =	vadd.f32 v4, v5  }
0xad1: {  	v59 =	vld [tilespmem:s30+$0xC30]  }
0xad2: {  	[tilespmem:s30+$0xC20] =	vst v4  }
0xad3: {  	v4 =	vld [tilespmem:s2+$0xC30];
	_ =	sdelay $0x2  }
0xad4: {  	v5 =	vmul.f32 v59, v3;
	_ =	sdelay $0x1  }
0xad5: {  	v4 =	vadd.f32 v4, v5  }
0xad6: {  	v60 =	vld [tilespmem:s30+$0xC40]  }
0xad7: {  	[tilespmem:s30+$0xC30] =	vst v4  }
0xad8: {  	v4 =	vld [tilespmem:s2+$0xC40];
	_ =	sdelay $0x2  }
0xad9: {  	v5 =	vmul.f32 v60, v3;
	_ =	sdelay $0x1  }
0xada: {  	v4 =	vadd.f32 v4, v5  }
0xadb: {  	v61 =	vld [tilespmem:s30+$0xC50]  }
0xadc: {  	[tilespmem:s30+$0xC40] =	vst v4  }
0xadd: {  	v4 =	vld [tilespmem:s2+$0xC50];
	_ =	sdelay $0x2  }
0xade: {  	v5 =	vmul.f32 v61, v3;
	_ =	sdelay $0x1  }
0xadf: {  	v4 =	vadd.f32 v4, v5  }
0xae0: {  	v62 =	vld [tilespmem:s30+$0xC60]  }
0xae1: {  	[tilespmem:s30+$0xC50] =	vst v4  }
0xae2: {  	v4 =	vld [tilespmem:s2+$0xC60];
	_ =	sdelay $0x2  }
0xae3: {  	v5 =	vmul.f32 v62, v3;
	_ =	sdelay $0x1  }
0xae4: {  	v4 =	vadd.f32 v4, v5  }
0xae5: {  	v63 =	vld [tilespmem:s30+$0xC70]  }
0xae6: {  	[tilespmem:s30+$0xC60] =	vst v4  }
0xae7: {  	v4 =	vld [tilespmem:s2+$0xC70];
	_ =	sdelay $0x1  }
0xae8: {  	s18 =	sadd.s32 $0x1, s18  }
0xae9: {  	p0 =	sne.s32 s18, $0xA;
	v3 =	vmul.f32 v63, v3  }
.Ltmp5:
0xaea: {  	_ = 	snop;
	(pc) =	sbr.rel @p0 .LBB2_2-.Ltmp5, $4  }
0xaeb: {  	v3 =	vadd.f32 v4, v3  }
0xaec: {  	s31 =	sshll.u32 s19, $0x6  }
0xaed: {  	s2 =	sadd.s32 s4, s31;
	[tilespmem:s30+$0xC70] =	vst v3  }
0xaee: {  	[hbm4b:s2+s5] =	stream.linear.scatter [tilespmem:s26], [sflag:$0xA], $0x4000, $0x38;
	[tilespmem:$0x1B700] =	vst v63  }
0xaef: {  	s2 =	simm.s32 $0x8  }
0xaf0: {  	_ =	swait.ge [sflag:s2], $0x4000  }
0xaf1: {  	[sflag:s2] =	ssyncset.done $0x0  }
0xaf2: {  	s30 =	simm.s32 $0x9;
	[sflag:s2] =	ssyncadd.s32 $0xFFFFC000  }
0xaf3: {  	_ =	swait.ge [sflag:s30], $0x4000  }
0xaf4: {  	[sflag:s30] =	ssyncset.done $0x0  }
0xaf5: {  	s7 =	simm.s32 $0xA;
	[sflag:s30] =	ssyncadd.s32 $0xFFFFC000  }
0xaf6: {  	_ =	swait.ge [sflag:s7], $0x4000  }
0xaf7: {  	s9 =	rddreg [dreg:$0x7]  }
0xaf8: {  	s31 =	rddreg [dreg:$0x6];
	s9 =	sadd.s32 $0x1, s9  }
0xaf9: {  	p0 =	sne.s32 s9, s31  }
.Ltmp6:
0xafa: {  	_ = 	snop;
	(pc) =	sbr.rel @p0 .LBB2_1-.Ltmp6, $3  }
0xafb: {  	_ =	sdelay $0x1  }
0xafc: {  	[sflag:s7] =	ssyncset.done $0x0  }
0xafd: {  	[sflag:s7] =	ssyncadd.s32 $0xFFFFC000  }
0xafe: {  	_ =	sfence.sel $0x180000  }
0xaff: {  	[bflag:$0x0] =	sbarrier.arrive $0xFFFF  }
0xb00: {  	_ =	strace $0x90000047  }
0xb01: {  	s0 =	stileid.u32;
	[bflag:$0x2] =	sbarrier.arrive $0xFFFF  }
0xb02: {  	p0 =	sne.s32 s0, $0x0;
	s0 =	rddreg [dreg:$0x4]  }
0xb03: {  	s0 =	sadd.s32 @!p0 $0x100000, s0  }
0xb04: {  	[sflag:s0] =	ssyncadd.tile.s32 @!p0 $0x1;
	_ =	shalt  }
.Lfunc_end2:
_tile_overlayer_lowered:
.L_overlay_start_2:
0xb05: {  	(tag) =	ssettag $0x2  }
0xb06: {  	s0 =	rddreg [dreg:$0x0];
	s2 =	stileid.u32  }
0xb07: {  	s1 =	rddreg [dreg:$0x1];
	p0 =	sne.s32 s2, $0x0  }
0xb08: {  	s3 =	rddreg [dreg:$0x2];
	[bflag:$0x3] =	sbarrier.arrive $0xFFFF;
	s2 =	simm.s32 @!p0 $0x1C0B  }
0xb09: {  	[timem:s3], [sflag:s2] =	dma.local @!p0 [hbm:s0], s1  }
0xb0a: {  	s0 =	simm.s32 @!p0 $0xB  }
0xb0b: {  	_ =	swait.ge @!p0 [sflag:s0], s1  }
0xb0c: {  	s1 =	ssub.s32 @!p0 $0x0, s1;
	[sflag:s0] =	ssyncset.done @!p0 $0x0  }
0xb0d: {  	[sflag:s0] =	ssyncadd.s32 @!p0 s1  }
0xb0e: {  	[bflag:$0x3] =	sbarrier.arrive $0xFFFF  }
0xb0f: {  	_ =	shalt  }

</sc_bundles>
